<compile_context>
chip_gen: v7x
topology: tpu7x:2x2x1
jax: 0.10.2.dev20260603
libtpu: 0.0.44.dev20260713+nightly
codegen_flags: <defaults>
</compile_context>

<pallas_src>
import functools

import jax
import jax.numpy as jnp
from jax import lax
from jax.experimental import pallas as pl
from jax.experimental.pallas import tpu as pltpu
from jax.experimental.pallas import tpu_sc as plsc

BATCH = 16384
D = 64
L = 16
LB = 128
NC = 2
NS = 16
NW = NC * NS
BPW = BATCH // NW
NSLOT = 4


def _sc_body(idx_hbm, uft_hbm, ift_hbm, out_hbm, idx_v, ubuf, vbuf, out_v,
             *sems):
    wid = lax.axis_index("s") * NC + lax.axis_index("c")
    base = wid * BPW

    pltpu.sync_copy(idx_hbm.at[wid], idx_v.at[pl.ds(0, 2 * BPW)])

    def fire(i, slot):
        vec = idx_v[pl.ds(i, L)]
        ru = vec[0]
        vec2 = idx_v[pl.ds(BPW + i, L)]
        rv = vec2[0]
        su = pl.multiple_of((ru >> 7) * LB, LB)
        sv = pl.multiple_of((rv >> 7) * LB, LB)
        pltpu.async_copy(uft_hbm.at[:, pl.ds(su, LB)], ubuf.at[slot],
                         sems[slot])
        pltpu.async_copy(ift_hbm.at[:, pl.ds(sv, LB)], vbuf.at[slot],
                         sems[slot])

    def wait_pair(slot):
        pltpu.make_async_copy(uft_hbm.at[:, pl.ds(0, LB)], ubuf.at[slot],
                              sems[slot]).wait()
        pltpu.make_async_copy(ift_hbm.at[:, pl.ds(0, LB)], vbuf.at[slot],
                              sems[slot]).wait()

    for s in range(NSLOT):
        fire(s, s)

    lane = lax.iota(jnp.int32, L)
    perms = {k: lane ^ k for k in (1, 2, 4, 8)}

    def permute(x, p):
        return x.at[p].get(mode="promise_in_bounds")

    def merge(a, b, k):
        ta = a + permute(a, perms[k])
        tb = b + permute(b, perms[k])
        return jnp.where((lane & k) == 0, ta, tb)

    iot = lax.iota(jnp.int32, L)

    def group_body(g, carry):
        uvec = idx_v[pl.ds(g * L, L)]
        ivec = idx_v[pl.ds(BPW + g * L, L)]
        rows = []
        for j in range(L):
            i = g * L + j
            slot = j % NSLOT
            wait_pair(slot)
            rlu = jnp.full((L,), uvec[j] & 127, jnp.int32)
            rlv = jnp.full((L,), ivec[j] & 127, jnp.int32)
            sl = jnp.full((L,), slot, jnp.int32)
            acc = None
            for k in range(D // L):
                cs = iot + (k * L)
                u = plsc.load_gather(ubuf, [sl, cs, rlu])
                v = plsc.load_gather(vbuf, [sl, cs, rlv])
                acc = u * v if acc is None else acc + u * v
            rows.append(acc)
            fire(jnp.minimum(i + NSLOT, BPW - 1), slot)
        for k in (1, 2, 4, 8):
            rows = [merge(rows[2 * m], rows[2 * m + 1], k)
                    for m in range(len(rows) // 2)]
        out_v[pl.ds(g * L, L)] = rows[0]
        return carry

    lax.fori_loop(0, BPW // L, group_body, 0)

    for s in range(NSLOT):
        wait_pair(s)

    pltpu.sync_copy(out_v, out_hbm.at[pl.ds(base, BPW)])


@jax.jit
def kernel(user, item, user_factors, item_factors):
    uft = user_factors.T
    ift = item_factors.T
    idx = jnp.concatenate(
        [user.reshape(NW, BPW), item.reshape(NW, BPW)], axis=1)

    mesh = plsc.VectorSubcoreMesh(core_axis_name="c", subcore_axis_name="s")
    run = functools.partial(
        pl.kernel,
        mesh=mesh,
        compiler_params=pltpu.CompilerParams(needs_layout_passes=False),
        out_type=jax.ShapeDtypeStruct((BATCH,), jnp.float32),
        scratch_types=[
            pltpu.VMEM((2 * BPW + L,), jnp.int32),
            pltpu.VMEM((NSLOT, D, LB), jnp.float32),
            pltpu.VMEM((NSLOT, D, LB), jnp.float32),
            pltpu.VMEM((BPW,), jnp.float32),
        ] + [pltpu.SemaphoreType.DMA] * NSLOT,
    )(_sc_body)
    return run(idx, uft, ift)

# --- scband reference (transcript-rebuilt; emitter-appended) ---
"""Pipeline reference for scband-matrix-factorization-59373627899974 (READ-ONLY COPY).

The authoritative reference and input builder live on the scoring server;
editing this copy changes nothing except your own understanding.
"""

import jax, jax.numpy as jnp
import numpy as np

NUM_USERS = 1000000
NUM_ITEMS = 1000000
N_FACTORS = 64
BATCH = 16384


def setup_inputs(seed: int = 0) -> dict:
    key = jax.random.key(seed)
    k_u, k_i, k_uw, k_iw = jax.random.split(key, 4)
    user = jax.random.randint(k_u, (BATCH,), 0, NUM_USERS, dtype=jnp.int64 if jax.config.jax_enable_x64 else jnp.int32).astype(jnp.int32)
    item = jax.random.randint(k_i, (BATCH,), 0, NUM_ITEMS, dtype=jnp.int64 if jax.config.jax_enable_x64 else jnp.int32).astype(jnp.int32)
    user_factors = jax.random.normal(k_uw, (NUM_USERS, N_FACTORS), dtype=jnp.float32) * 0.01
    item_factors = jax.random.normal(k_iw, (NUM_ITEMS, N_FACTORS), dtype=jnp.float32) * 0.01
    return {"user": user, "item": item, "user_factors": user_factors, "item_factors": item_factors}


def reference(user, item, user_factors, item_factors):
    # embedding gathers (SparseCore-friendly) followed by elementwise dot
    u = jnp.take(user_factors, user, axis=0)   # [B, n_factors]
    v = jnp.take(item_factors, item, axis=0)   # [B, n_factors]
    return (u * v).sum(axis=1)                 # [B]

if __name__ == "__main__":
    import jax
    _d = setup_inputs()
    print(jax.jit(kernel)(*tuple(_d.values())))

</pallas_src>

<mosaic_0001>
#map = affine_map<(d0, d1) -> (0, 0)>
#map1 = affine_map<(d0, d1) -> (0)>
module attributes {stable_mosaic.version = 14 : i64} {
  func.func @_sc_body(%arg0: i32, %arg1: i32, %arg2: memref<32x1024xi32, #tpu.memory_space<hbm>>, %arg3: memref<64x1000000xf32, #tpu.memory_space<hbm>>, %arg4: memref<64x1000000xf32, #tpu.memory_space<hbm>>, %arg5: memref<16384xf32, #tpu.memory_space<hbm>>, %arg6: memref<1040xi32, #tpu.memory_space<vmem>>, %arg7: memref<4x64x128xf32, #tpu.memory_space<vmem>>, %arg8: memref<4x64x128xf32, #tpu.memory_space<vmem>>, %arg9: memref<512xf32, #tpu.memory_space<vmem>>, %arg10: memref<!tpu.dma_semaphore, #tpu.memory_space<semaphore_mem>>, %arg11: memref<!tpu.dma_semaphore, #tpu.memory_space<semaphore_mem>>, %arg12: memref<!tpu.dma_semaphore, #tpu.memory_space<semaphore_mem>>, %arg13: memref<!tpu.dma_semaphore, #tpu.memory_space<semaphore_mem>>) attributes {dimension_semantics = [#tpu.dimension_semantics<core_parallel>, #tpu.dimension_semantics<subcore_parallel>], iteration_bounds = array<i64: 2, 16>, scalar_prefetch = 0 : i64, scratch_operands = 8 : i64, tpu.core_type = #tpu.core_type<sc_vector_subcore>, window_params = [{transform_indices = #map}, {transform_indices = #map}, {transform_indices = #map}, {transform_indices = #map1}]} {
    %mul3A = arith.constant 2 : i32
    %mul3A_0 = arith.muli %arg1, %mul3A : i32
    %add3A = arith.addi %mul3A_0, %arg0 : i32
    %mul3A_1 = arith.constant 512 : i32
    %mul3A_2 = arith.muli %add3A, %mul3A_1 : i32
    "tpu.region"() ({
      %run_scoped3A = tpu.sem_alloc : memref<!tpu.dma_semaphore, #tpu.memory_space<semaphore_mem>>
      %dma_start3A_309 = arith.constant 0 : i32
      %dma_start3A_310 = tpu.memref_slice %arg6[%dma_start3A_309] : memref<1040xi32, #tpu.memory_space<vmem>> -> memref<1024xi32, #tpu.memory_space<vmem>>
      %dma_start3A_311 = arith.constant 0 : i32
      %dma_start3A_312 = tpu.memref_slice %arg2[%add3A, %dma_start3A_311] : memref<32x1024xi32, #tpu.memory_space<hbm>> -> memref<1x1024xi32, #tpu.memory_space<hbm>>
      %dma_start3A_313 = tpu.memref_squeeze %dma_start3A_312 : memref<1x1024xi32, #tpu.memory_space<hbm>> -> memref<1024xi32, #tpu.memory_space<hbm>>
      %dma_start3A_314 = arith.constant 0 : i32
      %dma_start3A_315 = tpu.memref_slice %arg6[%dma_start3A_314] : memref<1040xi32, #tpu.memory_space<vmem>> -> memref<1024xi32, #tpu.memory_space<vmem>>
      %dma_start3A_316 = arith.constant 0 : i32
      %dma_start3A_317 = tpu.memref_slice %arg2[%add3A, %dma_start3A_316] : memref<32x1024xi32, #tpu.memory_space<hbm>> -> memref<1x1024xi32, #tpu.memory_space<hbm>>
      %dma_start3A_318 = tpu.memref_squeeze %dma_start3A_317 : memref<1x1024xi32, #tpu.memory_space<hbm>> -> memref<1024xi32, #tpu.memory_space<hbm>>
      tpu.enqueue_dma source(%dma_start3A_318 : memref<1024xi32, #tpu.memory_space<hbm>>) target(%dma_start3A_315 : memref<1024xi32, #tpu.memory_space<vmem>>) target_semaphore(%run_scoped3A : memref<!tpu.dma_semaphore, #tpu.memory_space<semaphore_mem>>)
      %dma_wait3A_319 = arith.constant 0 : i32
      %dma_wait3A_320 = tpu.memref_slice %arg6[%dma_wait3A_319] : memref<1040xi32, #tpu.memory_space<vmem>> -> memref<1024xi32, #tpu.memory_space<vmem>>
      %dma_wait3A_321 = arith.constant 0 : i32
      %dma_wait3A_322 = tpu.memref_slice %arg2[%add3A, %dma_wait3A_321] : memref<32x1024xi32, #tpu.memory_space<hbm>> -> memref<1x1024xi32, #tpu.memory_space<hbm>>
      %dma_wait3A_323 = tpu.memref_squeeze %dma_wait3A_322 : memref<1x1024xi32, #tpu.memory_space<hbm>> -> memref<1024xi32, #tpu.memory_space<hbm>>
      %dma_wait3A_324 = arith.constant 0 : i32
      %dma_wait3A_325 = tpu.memref_slice %arg6[%dma_wait3A_324] : memref<1040xi32, #tpu.memory_space<vmem>> -> memref<1024xi32, #tpu.memory_space<vmem>>
      %dma_wait3A_326 = arith.constant 0 : i32
      %dma_wait3A_327 = tpu.memref_slice %arg2[%add3A, %dma_wait3A_326] : memref<32x1024xi32, #tpu.memory_space<hbm>> -> memref<1x1024xi32, #tpu.memory_space<hbm>>
      %dma_wait3A_328 = tpu.memref_squeeze %dma_wait3A_327 : memref<1x1024xi32, #tpu.memory_space<hbm>> -> memref<1024xi32, #tpu.memory_space<hbm>>
      tpu.wait_dma2 semaphore(%run_scoped3A : memref<!tpu.dma_semaphore, #tpu.memory_space<semaphore_mem>>) src(%dma_wait3A_328 : memref<1024xi32, #tpu.memory_space<hbm>>) dst(%dma_wait3A_325 : memref<1024xi32, #tpu.memory_space<vmem>>)
      tpu.yield
    }) : () -> ()
    %get3A = arith.constant 0 : index
    %get3A_3 = tpu.vector_load %arg6[%get3A] {strides = array<i32>} : memref<1040xi32, #tpu.memory_space<vmem>>, vector<16xi32>,
    %slice3A = vector.extract_strided_slice %get3A_3 {offsets = [0], sizes = [1], strides = [1]} : vector<16xi32> to vector<1xi32>
    %squeeze3A = vector.extract %slice3A[0] : i32 from vector<1xi32>
    %get3A_4 = arith.constant 512 : index
    %get3A_5 = tpu.vector_load %arg6[%get3A_4] {strides = array<i32>} : memref<1040xi32, #tpu.memory_space<vmem>>, vector<16xi32>,
    %slice3A_6 = vector.extract_strided_slice %get3A_5 {offsets = [0], sizes = [1], strides = [1]} : vector<16xi32> to vector<1xi32>
    %squeeze3A_7 = vector.extract %slice3A_6[0] : i32 from vector<1xi32>
    %shift_right_arithmetic3A = arith.constant 7 : i32
    %shift_right_arithmetic3A_8 = arith.shrsi %squeeze3A, %shift_right_arithmetic3A : i32
    %mul3A_9 = arith.constant 128 : i32
    %mul3A_10 = arith.muli %shift_right_arithmetic3A_8, %mul3A_9 : i32
    %multiple_of3A = tpu.assume_multiple %mul3A_10, 128 : i32
    %shift_right_arithmetic3A_11 = arith.constant 7 : i32
    %shift_right_arithmetic3A_12 = arith.shrsi %squeeze3A_7, %shift_right_arithmetic3A_11 : i32
    %mul3A_13 = arith.constant 128 : i32
    %mul3A_14 = arith.muli %shift_right_arithmetic3A_12, %mul3A_13 : i32
    %multiple_of3A_15 = tpu.assume_multiple %mul3A_14, 128 : i32
    %dma_start3A = arith.constant 0 : i32
    %dma_start3A_16 = arith.constant 0 : i32
    %dma_start3A_17 = arith.constant 0 : i32
    %dma_start3A_18 = tpu.memref_slice %arg7[%dma_start3A, %dma_start3A_16, %dma_start3A_17] : memref<4x64x128xf32, #tpu.memory_space<vmem>> -> memref<1x64x128xf32, #tpu.memory_space<vmem>>
    %dma_start3A_19 = tpu.memref_squeeze %dma_start3A_18 : memref<1x64x128xf32, #tpu.memory_space<vmem>> -> memref<64x128xf32, #tpu.memory_space<vmem>>
    %dma_start3A_20 = arith.constant 0 : i32
    %dma_start3A_21 = tpu.memref_slice %arg3[%dma_start3A_20, %multiple_of3A] : memref<64x1000000xf32, #tpu.memory_space<hbm>> -> memref<64x128xf32, #tpu.memory_space<hbm>>
    %dma_start3A_22 = arith.constant 0 : i32
    %dma_start3A_23 = arith.constant 0 : i32
    %dma_start3A_24 = tpu.memref_slice %arg7[%dma_start3A, %dma_start3A_22, %dma_start3A_23] : memref<4x64x128xf32, #tpu.memory_space<vmem>> -> memref<1x64x128xf32, #tpu.memory_space<vmem>>
    %dma_start3A_25 = tpu.memref_squeeze %dma_start3A_24 : memref<1x64x128xf32, #tpu.memory_space<vmem>> -> memref<64x128xf32, #tpu.memory_space<vmem>>
    %dma_start3A_26 = arith.constant 0 : i32
    %dma_start3A_27 = tpu.memref_slice %arg3[%dma_start3A_26, %multiple_of3A] : memref<64x1000000xf32, #tpu.memory_space<hbm>> -> memref<64x128xf32, #tpu.memory_space<hbm>>
    tpu.enqueue_dma source(%dma_start3A_27 : memref<64x128xf32, #tpu.memory_space<hbm>>) target(%dma_start3A_25 : memref<64x128xf32, #tpu.memory_space<vmem>>) target_semaphore(%arg10 : memref<!tpu.dma_semaphore, #tpu.memory_space<semaphore_mem>>)
    %dma_start3A_28 = arith.constant 0 : i32
    %dma_start3A_29 = arith.constant 0 : i32
    %dma_start3A_30 = arith.constant 0 : i32
    %dma_start3A_31 = tpu.memref_slice %arg8[%dma_start3A_28, %dma_start3A_29, %dma_start3A_30] : memref<4x64x128xf32, #tpu.memory_space<vmem>> -> memref<1x64x128xf32, #tpu.memory_space<vmem>>
    %dma_start3A_32 = tpu.memref_squeeze %dma_start3A_31 : memref<1x64x128xf32, #tpu.memory_space<vmem>> -> memref<64x128xf32, #tpu.memory_space<vmem>>
    %dma_start3A_33 = arith.constant 0 : i32
    %dma_start3A_34 = tpu.memref_slice %arg4[%dma_start3A_33, %multiple_of3A_15] : memref<64x1000000xf32, #tpu.memory_space<hbm>> -> memref<64x128xf32, #tpu.memory_space<hbm>>
    %dma_start3A_35 = arith.constant 0 : i32
    %dma_start3A_36 = arith.constant 0 : i32
    %dma_start3A_37 = tpu.memref_slice %arg8[%dma_start3A_28, %dma_start3A_35, %dma_start3A_36] : memref<4x64x128xf32, #tpu.memory_space<vmem>> -> memref<1x64x128xf32, #tpu.memory_space<vmem>>
    %dma_start3A_38 = tpu.memref_squeeze %dma_start3A_37 : memref<1x64x128xf32, #tpu.memory_space<vmem>> -> memref<64x128xf32, #tpu.memory_space<vmem>>
    %dma_start3A_39 = arith.constant 0 : i32
    %dma_start3A_40 = tpu.memref_slice %arg4[%dma_start3A_39, %multiple_of3A_15] : memref<64x1000000xf32, #tpu.memory_space<hbm>> -> memref<64x128xf32, #tpu.memory_space<hbm>>
    tpu.enqueue_dma source(%dma_start3A_40 : memref<64x128xf32, #tpu.memory_space<hbm>>) target(%dma_start3A_38 : memref<64x128xf32, #tpu.memory_space<vmem>>) target_semaphore(%arg10 : memref<!tpu.dma_semaphore, #tpu.memory_space<semaphore_mem>>)
    %get3A_41 = arith.constant 1 : index
    %get3A_42 = tpu.vector_load %arg6[%get3A_41] {strides = array<i32>} : memref<1040xi32, #tpu.memory_space<vmem>>, vector<16xi32>,
    %slice3A_43 = vector.extract_strided_slice %get3A_42 {offsets = [0], sizes = [1], strides = [1]} : vector<16xi32> to vector<1xi32>
    %squeeze3A_44 = vector.extract %slice3A_43[0] : i32 from vector<1xi32>
    %get3A_45 = arith.constant 513 : index
    %get3A_46 = tpu.vector_load %arg6[%get3A_45] {strides = array<i32>} : memref<1040xi32, #tpu.memory_space<vmem>>, vector<16xi32>,
    %slice3A_47 = vector.extract_strided_slice %get3A_46 {offsets = [0], sizes = [1], strides = [1]} : vector<16xi32> to vector<1xi32>
    %squeeze3A_48 = vector.extract %slice3A_47[0] : i32 from vector<1xi32>
    %shift_right_arithmetic3A_49 = arith.constant 7 : i32
    %shift_right_arithmetic3A_50 = arith.shrsi %squeeze3A_44, %shift_right_arithmetic3A_49 : i32
    %mul3A_51 = arith.constant 128 : i32
    %mul3A_52 = arith.muli %shift_right_arithmetic3A_50, %mul3A_51 : i32
    %multiple_of3A_53 = tpu.assume_multiple %mul3A_52, 128 : i32
    %shift_right_arithmetic3A_54 = arith.constant 7 : i32
    %shift_right_arithmetic3A_55 = arith.shrsi %squeeze3A_48, %shift_right_arithmetic3A_54 : i32
    %mul3A_56 = arith.constant 128 : i32
    %mul3A_57 = arith.muli %shift_right_arithmetic3A_55, %mul3A_56 : i32
    %multiple_of3A_58 = tpu.assume_multiple %mul3A_57, 128 : i32
    %dma_start3A_59 = arith.constant 1 : i32
    %dma_start3A_60 = arith.constant 0 : i32
    %dma_start3A_61 = arith.constant 0 : i32
    %dma_start3A_62 = tpu.memref_slice %arg7[%dma_start3A_59, %dma_start3A_60, %dma_start3A_61] : memref<4x64x128xf32, #tpu.memory_space<vmem>> -> memref<1x64x128xf32, #tpu.memory_space<vmem>>
    %dma_start3A_63 = tpu.memref_squeeze %dma_start3A_62 : memref<1x64x128xf32, #tpu.memory_space<vmem>> -> memref<64x128xf32, #tpu.memory_space<vmem>>
    %dma_start3A_64 = arith.constant 0 : i32
    %dma_start3A_65 = tpu.memref_slice %arg3[%dma_start3A_64, %multiple_of3A_53] : memref<64x1000000xf32, #tpu.memory_space<hbm>> -> memref<64x128xf32, #tpu.memory_space<hbm>>
    %dma_start3A_66 = arith.constant 0 : i32
    %dma_start3A_67 = arith.constant 0 : i32
    %dma_start3A_68 = tpu.memref_slice %arg7[%dma_start3A_59, %dma_start3A_66, %dma_start3A_67] : memref<4x64x128xf32, #tpu.memory_space<vmem>> -> memref<1x64x128xf32, #tpu.memory_space<vmem>>
    %dma_start3A_69 = tpu.memref_squeeze %dma_start3A_68 : memref<1x64x128xf32, #tpu.memory_space<vmem>> -> memref<64x128xf32, #tpu.memory_space<vmem>>
    %dma_start3A_70 = arith.constant 0 : i32
    %dma_start3A_71 = tpu.memref_slice %arg3[%dma_start3A_70, %multiple_of3A_53] : memref<64x1000000xf32, #tpu.memory_space<hbm>> -> memref<64x128xf32, #tpu.memory_space<hbm>>
    tpu.enqueue_dma source(%dma_start3A_71 : memref<64x128xf32, #tpu.memory_space<hbm>>) target(%dma_start3A_69 : memref<64x128xf32, #tpu.memory_space<vmem>>) target_semaphore(%arg11 : memref<!tpu.dma_semaphore, #tpu.memory_space<semaphore_mem>>)
    %dma_start3A_72 = arith.constant 1 : i32
    %dma_start3A_73 = arith.constant 0 : i32
    %dma_start3A_74 = arith.constant 0 : i32
    %dma_start3A_75 = tpu.memref_slice %arg8[%dma_start3A_72, %dma_start3A_73, %dma_start3A_74] : memref<4x64x128xf32, #tpu.memory_space<vmem>> -> memref<1x64x128xf32, #tpu.memory_space<vmem>>
    %dma_start3A_76 = tpu.memref_squeeze %dma_start3A_75 : memref<1x64x128xf32, #tpu.memory_space<vmem>> -> memref<64x128xf32, #tpu.memory_space<vmem>>
    %dma_start3A_77 = arith.constant 0 : i32
    %dma_start3A_78 = tpu.memref_slice %arg4[%dma_start3A_77, %multiple_of3A_58] : memref<64x1000000xf32, #tpu.memory_space<hbm>> -> memref<64x128xf32, #tpu.memory_space<hbm>>
    %dma_start3A_79 = arith.constant 0 : i32
    %dma_start3A_80 = arith.constant 0 : i32
    %dma_start3A_81 = tpu.memref_slice %arg8[%dma_start3A_72, %dma_start3A_79, %dma_start3A_80] : memref<4x64x128xf32, #tpu.memory_space<vmem>> -> memref<1x64x128xf32, #tpu.memory_space<vmem>>
    %dma_start3A_82 = tpu.memref_squeeze %dma_start3A_81 : memref<1x64x128xf32, #tpu.memory_space<vmem>> -> memref<64x128xf32, #tpu.memory_space<vmem>>
    %dma_start3A_83 = arith.constant 0 : i32
    %dma_start3A_84 = tpu.memref_slice %arg4[%dma_start3A_83, %multiple_of3A_58] : memref<64x1000000xf32, #tpu.memory_space<hbm>> -> memref<64x128xf32, #tpu.memory_space<hbm>>
    tpu.enqueue_dma source(%dma_start3A_84 : memref<64x128xf32, #tpu.memory_space<hbm>>) target(%dma_start3A_82 : memref<64x128xf32, #tpu.memory_space<vmem>>) target_semaphore(%arg11 : memref<!tpu.dma_semaphore, #tpu.memory_space<semaphore_mem>>)
    %get3A_85 = arith.constant 2 : index
    %get3A_86 = tpu.vector_load %arg6[%get3A_85] {strides = array<i32>} : memref<1040xi32, #tpu.memory_space<vmem>>, vector<16xi32>,
    %slice3A_87 = vector.extract_strided_slice %get3A_86 {offsets = [0], sizes = [1], strides = [1]} : vector<16xi32> to vector<1xi32>
    %squeeze3A_88 = vector.extract %slice3A_87[0] : i32 from vector<1xi32>
    %get3A_89 = arith.constant 514 : index
    %get3A_90 = tpu.vector_load %arg6[%get3A_89] {strides = array<i32>} : memref<1040xi32, #tpu.memory_space<vmem>>, vector<16xi32>,
    %slice3A_91 = vector.extract_strided_slice %get3A_90 {offsets = [0], sizes = [1], strides = [1]} : vector<16xi32> to vector<1xi32>
    %squeeze3A_92 = vector.extract %slice3A_91[0] : i32 from vector<1xi32>
    %shift_right_arithmetic3A_93 = arith.constant 7 : i32
    %shift_right_arithmetic3A_94 = arith.shrsi %squeeze3A_88, %shift_right_arithmetic3A_93 : i32
    %mul3A_95 = arith.constant 128 : i32
    %mul3A_96 = arith.muli %shift_right_arithmetic3A_94, %mul3A_95 : i32
    %multiple_of3A_97 = tpu.assume_multiple %mul3A_96, 128 : i32
    %shift_right_arithmetic3A_98 = arith.constant 7 : i32
    %shift_right_arithmetic3A_99 = arith.shrsi %squeeze3A_92, %shift_right_arithmetic3A_98 : i32
    %mul3A_100 = arith.constant 128 : i32
    %mul3A_101 = arith.muli %shift_right_arithmetic3A_99, %mul3A_100 : i32
    %multiple_of3A_102 = tpu.assume_multiple %mul3A_101, 128 : i32
    %dma_start3A_103 = arith.constant 2 : i32
    %dma_start3A_104 = arith.constant 0 : i32
    %dma_start3A_105 = arith.constant 0 : i32
    %dma_start3A_106 = tpu.memref_slice %arg7[%dma_start3A_103, %dma_start3A_104, %dma_start3A_105] : memref<4x64x128xf32, #tpu.memory_space<vmem>> -> memref<1x64x128xf32, #tpu.memory_space<vmem>>
    %dma_start3A_107 = tpu.memref_squeeze %dma_start3A_106 : memref<1x64x128xf32, #tpu.memory_space<vmem>> -> memref<64x128xf32, #tpu.memory_space<vmem>>
    %dma_start3A_108 = arith.constant 0 : i32
    %dma_start3A_109 = tpu.memref_slice %arg3[%dma_start3A_108, %multiple_of3A_97] : memref<64x1000000xf32, #tpu.memory_space<hbm>> -> memref<64x128xf32, #tpu.memory_space<hbm>>
    %dma_start3A_110 = arith.constant 0 : i32
    %dma_start3A_111 = arith.constant 0 : i32
    %dma_start3A_112 = tpu.memref_slice %arg7[%dma_start3A_103, %dma_start3A_110, %dma_start3A_111] : memref<4x64x128xf32, #tpu.memory_space<vmem>> -> memref<1x64x128xf32, #tpu.memory_space<vmem>>
    %dma_start3A_113 = tpu.memref_squeeze %dma_start3A_112 : memref<1x64x128xf32, #tpu.memory_space<vmem>> -> memref<64x128xf32, #tpu.memory_space<vmem>>
    %dma_start3A_114 = arith.constant 0 : i32
    %dma_start3A_115 = tpu.memref_slice %arg3[%dma_start3A_114, %multiple_of3A_97] : memref<64x1000000xf32, #tpu.memory_space<hbm>> -> memref<64x128xf32, #tpu.memory_space<hbm>>
    tpu.enqueue_dma source(%dma_start3A_115 : memref<64x128xf32, #tpu.memory_space<hbm>>) target(%dma_start3A_113 : memref<64x128xf32, #tpu.memory_space<vmem>>) target_semaphore(%arg12 : memref<!tpu.dma_semaphore, #tpu.memory_space<semaphore_mem>>)
    %dma_start3A_116 = arith.constant 2 : i32
    %dma_start3A_117 = arith.constant 0 : i32
    %dma_start3A_118 = arith.constant 0 : i32
    %dma_start3A_119 = tpu.memref_slice %arg8[%dma_start3A_116, %dma_start3A_117, %dma_start3A_118] : memref<4x64x128xf32, #tpu.memory_space<vmem>> -> memref<1x64x128xf32, #tpu.memory_space<vmem>>
    %dma_start3A_120 = tpu.memref_squeeze %dma_start3A_119 : memref<1x64x128xf32, #tpu.memory_space<vmem>> -> memref<64x128xf32, #tpu.memory_space<vmem>>
    %dma_start3A_121 = arith.constant 0 : i32
    %dma_start3A_122 = tpu.memref_slice %arg4[%dma_start3A_121, %multiple_of3A_102] : memref<64x1000000xf32, #tpu.memory_space<hbm>> -> memref<64x128xf32, #tpu.memory_space<hbm>>
    %dma_start3A_123 = arith.constant 0 : i32
    %dma_start3A_124 = arith.constant 0 : i32
    %dma_start3A_125 = tpu.memref_slice %arg8[%dma_start3A_116, %dma_start3A_123, %dma_start3A_124] : memref<4x64x128xf32, #tpu.memory_space<vmem>> -> memref<1x64x128xf32, #tpu.memory_space<vmem>>
    %dma_start3A_126 = tpu.memref_squeeze %dma_start3A_125 : memref<1x64x128xf32, #tpu.memory_space<vmem>> -> memref<64x128xf32, #tpu.memory_space<vmem>>
    %dma_start3A_127 = arith.constant 0 : i32
    %dma_start3A_128 = tpu.memref_slice %arg4[%dma_start3A_127, %multiple_of3A_102] : memref<64x1000000xf32, #tpu.memory_space<hbm>> -> memref<64x128xf32, #tpu.memory_space<hbm>>
    tpu.enqueue_dma source(%dma_start3A_128 : memref<64x128xf32, #tpu.memory_space<hbm>>) target(%dma_start3A_126 : memref<64x128xf32, #tpu.memory_space<vmem>>) target_semaphore(%arg12 : memref<!tpu.dma_semaphore, #tpu.memory_space<semaphore_mem>>)
    %get3A_129 = arith.constant 3 : index
    %get3A_130 = tpu.vector_load %arg6[%get3A_129] {strides = array<i32>} : memref<1040xi32, #tpu.memory_space<vmem>>, vector<16xi32>,
    %slice3A_131 = vector.extract_strided_slice %get3A_130 {offsets = [0], sizes = [1], strides = [1]} : vector<16xi32> to vector<1xi32>
    %squeeze3A_132 = vector.extract %slice3A_131[0] : i32 from vector<1xi32>
    %get3A_133 = arith.constant 515 : index
    %get3A_134 = tpu.vector_load %arg6[%get3A_133] {strides = array<i32>} : memref<1040xi32, #tpu.memory_space<vmem>>, vector<16xi32>,
    %slice3A_135 = vector.extract_strided_slice %get3A_134 {offsets = [0], sizes = [1], strides = [1]} : vector<16xi32> to vector<1xi32>
    %squeeze3A_136 = vector.extract %slice3A_135[0] : i32 from vector<1xi32>
    %shift_right_arithmetic3A_137 = arith.constant 7 : i32
    %shift_right_arithmetic3A_138 = arith.shrsi %squeeze3A_132, %shift_right_arithmetic3A_137 : i32
    %mul3A_139 = arith.constant 128 : i32
    %mul3A_140 = arith.muli %shift_right_arithmetic3A_138, %mul3A_139 : i32
    %multiple_of3A_141 = tpu.assume_multiple %mul3A_140, 128 : i32
    %shift_right_arithmetic3A_142 = arith.constant 7 : i32
    %shift_right_arithmetic3A_143 = arith.shrsi %squeeze3A_136, %shift_right_arithmetic3A_142 : i32
    %mul3A_144 = arith.constant 128 : i32
    %mul3A_145 = arith.muli %shift_right_arithmetic3A_143, %mul3A_144 : i32
    %multiple_of3A_146 = tpu.assume_multiple %mul3A_145, 128 : i32
    %dma_start3A_147 = arith.constant 3 : i32
    %dma_start3A_148 = arith.constant 0 : i32
    %dma_start3A_149 = arith.constant 0 : i32
    %dma_start3A_150 = tpu.memref_slice %arg7[%dma_start3A_147, %dma_start3A_148, %dma_start3A_149] : memref<4x64x128xf32, #tpu.memory_space<vmem>> -> memref<1x64x128xf32, #tpu.memory_space<vmem>>
    %dma_start3A_151 = tpu.memref_squeeze %dma_start3A_150 : memref<1x64x128xf32, #tpu.memory_space<vmem>> -> memref<64x128xf32, #tpu.memory_space<vmem>>
    %dma_start3A_152 = arith.constant 0 : i32
    %dma_start3A_153 = tpu.memref_slice %arg3[%dma_start3A_152, %multiple_of3A_141] : memref<64x1000000xf32, #tpu.memory_space<hbm>> -> memref<64x128xf32, #tpu.memory_space<hbm>>
    %dma_start3A_154 = arith.constant 0 : i32
    %dma_start3A_155 = arith.constant 0 : i32
    %dma_start3A_156 = tpu.memref_slice %arg7[%dma_start3A_147, %dma_start3A_154, %dma_start3A_155] : memref<4x64x128xf32, #tpu.memory_space<vmem>> -> memref<1x64x128xf32, #tpu.memory_space<vmem>>
    %dma_start3A_157 = tpu.memref_squeeze %dma_start3A_156 : memref<1x64x128xf32, #tpu.memory_space<vmem>> -> memref<64x128xf32, #tpu.memory_space<vmem>>
    %dma_start3A_158 = arith.constant 0 : i32
    %dma_start3A_159 = tpu.memref_slice %arg3[%dma_start3A_158, %multiple_of3A_141] : memref<64x1000000xf32, #tpu.memory_space<hbm>> -> memref<64x128xf32, #tpu.memory_space<hbm>>
    tpu.enqueue_dma source(%dma_start3A_159 : memref<64x128xf32, #tpu.memory_space<hbm>>) target(%dma_start3A_157 : memref<64x128xf32, #tpu.memory_space<vmem>>) target_semaphore(%arg13 : memref<!tpu.dma_semaphore, #tpu.memory_space<semaphore_mem>>)
    %dma_start3A_160 = arith.constant 3 : i32
    %dma_start3A_161 = arith.constant 0 : i32
    %dma_start3A_162 = arith.constant 0 : i32
    %dma_start3A_163 = tpu.memref_slice %arg8[%dma_start3A_160, %dma_start3A_161, %dma_start3A_162] : memref<4x64x128xf32, #tpu.memory_space<vmem>> -> memref<1x64x128xf32, #tpu.memory_space<vmem>>
    %dma_start3A_164 = tpu.memref_squeeze %dma_start3A_163 : memref<1x64x128xf32, #tpu.memory_space<vmem>> -> memref<64x128xf32, #tpu.memory_space<vmem>>
    %dma_start3A_165 = arith.constant 0 : i32
    %dma_start3A_166 = tpu.memref_slice %arg4[%dma_start3A_165, %multiple_of3A_146] : memref<64x1000000xf32, #tpu.memory_space<hbm>> -> memref<64x128xf32, #tpu.memory_space<hbm>>
    %dma_start3A_167 = arith.constant 0 : i32
    %dma_start3A_168 = arith.constant 0 : i32
    %dma_start3A_169 = tpu.memref_slice %arg8[%dma_start3A_160, %dma_start3A_167, %dma_start3A_168] : memref<4x64x128xf32, #tpu.memory_space<vmem>> -> memref<1x64x128xf32, #tpu.memory_space<vmem>>
    %dma_start3A_170 = tpu.memref_squeeze %dma_start3A_169 : memref<1x64x128xf32, #tpu.memory_space<vmem>> -> memref<64x128xf32, #tpu.memory_space<vmem>>
    %dma_start3A_171 = arith.constant 0 : i32
    %dma_start3A_172 = tpu.memref_slice %arg4[%dma_start3A_171, %multiple_of3A_146] : memref<64x1000000xf32, #tpu.memory_space<hbm>> -> memref<64x128xf32, #tpu.memory_space<hbm>>
    tpu.enqueue_dma source(%dma_start3A_172 : memref<64x128xf32, #tpu.memory_space<hbm>>) target(%dma_start3A_170 : memref<64x128xf32, #tpu.memory_space<vmem>>) target_semaphore(%arg13 : memref<!tpu.dma_semaphore, #tpu.memory_space<semaphore_mem>>)
    %iota3A = tpu.iota {dimensions = array<i32: 0>} : vector<16xi32>
    %xor3A = arith.constant 1 : i32
    %xor3A_173 = vector.broadcast %xor3A : i32 to vector<16xi32>
    %xor3A_174 = arith.xori %iota3A, %xor3A_173 : vector<16xi32>
    %xor3A_175 = arith.constant 2 : i32
    %xor3A_176 = vector.broadcast %xor3A_175 : i32 to vector<16xi32>
    %xor3A_177 = arith.xori %iota3A, %xor3A_176 : vector<16xi32>
    %xor3A_178 = arith.constant 4 : i32
    %xor3A_179 = vector.broadcast %xor3A_178 : i32 to vector<16xi32>
    %xor3A_180 = arith.xori %iota3A, %xor3A_179 : vector<16xi32>
    %xor3A_181 = arith.constant 8 : i32
    %xor3A_182 = vector.broadcast %xor3A_181 : i32 to vector<16xi32>
    %xor3A_183 = arith.xori %iota3A, %xor3A_182 : vector<16xi32>
    %iota3A_184 = tpu.iota {dimensions = array<i32: 0>} : vector<16xi32>
    %scan3A = arith.constant 0 : i32
    %scan3A_185 = arith.constant 0 : i32
    %scan3A_186 = arith.constant 32 : i32
    %scan3A_187 = arith.addi %scan3A_185, %scan3A_186 : i32
    %scan3A_188 = arith.constant 1 : i32
    scf.for %scan3A_309 = %scan3A_185 to %scan3A_187 step %scan3A_188  : i32 {
      %mul3A_310 = arith.constant 16 : i32
      %mul3A_311 = arith.muli %scan3A_309, %mul3A_310 : i32
      %get3A_312 = arith.index_cast %mul3A_311 : i32 to index
      %get3A_313 = tpu.vector_load %arg6[%get3A_312] {strides = array<i32>} : memref<1040xi32, #tpu.memory_space<vmem>>, vector<16xi32>,
      %mul3A_314 = arith.constant 16 : i32
      %mul3A_315 = arith.muli %scan3A_309, %mul3A_314 : i32
      %add3A_316 = arith.constant 512 : i32
      %add3A_317 = arith.addi %add3A_316, %mul3A_315 : i32
      %get3A_318 = arith.index_cast %add3A_317 : i32 to index
      %get3A_319 = tpu.vector_load %arg6[%get3A_318] {strides = array<i32>} : memref<1040xi32, #tpu.memory_space<vmem>>, vector<16xi32>,
      %mul3A_320 = arith.constant 16 : i32
      %mul3A_321 = arith.muli %scan3A_309, %mul3A_320 : i32
      %add3A_322 = arith.constant 0 : i32
      %add3A_323 = arith.addi %mul3A_321, %add3A_322 : i32
      %dma_wait3A_324 = arith.constant 0 : i32
      %dma_wait3A_325 = arith.constant 0 : i32
      %dma_wait3A_326 = arith.constant 0 : i32
      %dma_wait3A_327 = tpu.memref_slice %arg7[%dma_wait3A_324, %dma_wait3A_325, %dma_wait3A_326] : memref<4x64x128xf32, #tpu.memory_space<vmem>> -> memref<1x64x128xf32, #tpu.memory_space<vmem>>
      %dma_wait3A_328 = tpu.memref_squeeze %dma_wait3A_327 : memref<1x64x128xf32, #tpu.memory_space<vmem>> -> memref<64x128xf32, #tpu.memory_space<vmem>>
      %dma_wait3A_329 = arith.constant 0 : i32
      %dma_wait3A_330 = arith.constant 0 : i32
      %dma_wait3A_331 = tpu.memref_slice %arg3[%dma_wait3A_329, %dma_wait3A_330] : memref<64x1000000xf32, #tpu.memory_space<hbm>> -> memref<64x128xf32, #tpu.memory_space<hbm>>
      %dma_wait3A_332 = arith.constant 0 : i32
      %dma_wait3A_333 = arith.constant 0 : i32
      %dma_wait3A_334 = tpu.memref_slice %arg7[%dma_wait3A_324, %dma_wait3A_332, %dma_wait3A_333] : memref<4x64x128xf32, #tpu.memory_space<vmem>> -> memref<1x64x128xf32, #tpu.memory_space<vmem>>
      %dma_wait3A_335 = tpu.memref_squeeze %dma_wait3A_334 : memref<1x64x128xf32, #tpu.memory_space<vmem>> -> memref<64x128xf32, #tpu.memory_space<vmem>>
      %dma_wait3A_336 = arith.constant 0 : i32
      %dma_wait3A_337 = arith.constant 0 : i32
      %dma_wait3A_338 = tpu.memref_slice %arg3[%dma_wait3A_336, %dma_wait3A_337] : memref<64x1000000xf32, #tpu.memory_space<hbm>> -> memref<64x128xf32, #tpu.memory_space<hbm>>
      tpu.wait_dma2 semaphore(%arg10 : memref<!tpu.dma_semaphore, #tpu.memory_space<semaphore_mem>>) src(%dma_wait3A_338 : memref<64x128xf32, #tpu.memory_space<hbm>>) dst(%dma_wait3A_335 : memref<64x128xf32, #tpu.memory_space<vmem>>)
      %dma_wait3A_339 = arith.constant 0 : i32
      %dma_wait3A_340 = arith.constant 0 : i32
      %dma_wait3A_341 = arith.constant 0 : i32
      %dma_wait3A_342 = tpu.memref_slice %arg8[%dma_wait3A_339, %dma_wait3A_340, %dma_wait3A_341] : memref<4x64x128xf32, #tpu.memory_space<vmem>> -> memref<1x64x128xf32, #tpu.memory_space<vmem>>
      %dma_wait3A_343 = tpu.memref_squeeze %dma_wait3A_342 : memref<1x64x128xf32, #tpu.memory_space<vmem>> -> memref<64x128xf32, #tpu.memory_space<vmem>>
      %dma_wait3A_344 = arith.constant 0 : i32
      %dma_wait3A_345 = arith.constant 0 : i32
      %dma_wait3A_346 = tpu.memref_slice %arg4[%dma_wait3A_344, %dma_wait3A_345] : memref<64x1000000xf32, #tpu.memory_space<hbm>> -> memref<64x128xf32, #tpu.memory_space<hbm>>
      %dma_wait3A_347 = arith.constant 0 : i32
      %dma_wait3A_348 = arith.constant 0 : i32
      %dma_wait3A_349 = tpu.memref_slice %arg8[%dma_wait3A_339, %dma_wait3A_347, %dma_wait3A_348] : memref<4x64x128xf32, #tpu.memory_space<vmem>> -> memref<1x64x128xf32, #tpu.memory_space<vmem>>
      %dma_wait3A_350 = tpu.memref_squeeze %dma_wait3A_349 : memref<1x64x128xf32, #tpu.memory_space<vmem>> -> memref<64x128xf32, #tpu.memory_space<vmem>>
      %dma_wait3A_351 = arith.constant 0 : i32
      %dma_wait3A_352 = arith.constant 0 : i32
      %dma_wait3A_353 = tpu.memref_slice %arg4[%dma_wait3A_351, %dma_wait3A_352] : memref<64x1000000xf32, #tpu.memory_space<hbm>> -> memref<64x128xf32, #tpu.memory_space<hbm>>
      tpu.wait_dma2 semaphore(%arg10 : memref<!tpu.dma_semaphore, #tpu.memory_space<semaphore_mem>>) src(%dma_wait3A_353 : memref<64x128xf32, #tpu.memory_space<hbm>>) dst(%dma_wait3A_350 : memref<64x128xf32, #tpu.memory_space<vmem>>)
      %slice3A_354 = vector.extract_strided_slice %get3A_313 {offsets = [0], sizes = [1], strides = [1]} : vector<16xi32> to vector<1xi32>
      %squeeze3A_355 = vector.extract %slice3A_354[0] : i32 from vector<1xi32>
      %and3A = arith.constant 127 : i32
      %and3A_356 = arith.andi %squeeze3A_355, %and3A : i32
      %broadcast_in_dim3A = vector.broadcast %and3A_356 : i32 to vector<16xi32>
      %slice3A_357 = vector.extract_strided_slice %get3A_319 {offsets = [0], sizes = [1], strides = [1]} : vector<16xi32> to vector<1xi32>
      %squeeze3A_358 = vector.extract %slice3A_357[0] : i32 from vector<1xi32>
      %and3A_359 = arith.constant 127 : i32
      %and3A_360 = arith.andi %squeeze3A_358, %and3A_359 : i32
      %broadcast_in_dim3A_361 = vector.broadcast %and3A_360 : i32 to vector<16xi32>
      %broadcast_in_dim3A_362 = arith.constant 0 : i32
      %broadcast_in_dim3A_363 = vector.broadcast %broadcast_in_dim3A_362 : i32 to vector<16xi32>
      %add3A_364 = arith.constant 0 : i32
      %add3A_365 = vector.broadcast %add3A_364 : i32 to vector<16xi32>
      %add3A_366 = arith.addi %iota3A_184, %add3A_365 : vector<16xi32>
      %gather3A = tpu.vector_load_idx %arg7[%broadcast_in_dim3A_363, %add3A_366, %broadcast_in_dim3A] : memref<4x64x128xf32, #tpu.memory_space<vmem>>[vector<16xi32>, vector<16xi32>, vector<16xi32>], vector<16xf32>,
      %gather3A_367 = tpu.vector_load_idx %arg8[%broadcast_in_dim3A_363, %add3A_366, %broadcast_in_dim3A_361] : memref<4x64x128xf32, #tpu.memory_space<vmem>>[vector<16xi32>, vector<16xi32>, vector<16xi32>], vector<16xf32>,
      %mul3A_368 = arith.mulf %gather3A, %gather3A_367 : vector<16xf32>
      %add3A_369 = arith.constant 16 : i32
      %add3A_370 = vector.broadcast %add3A_369 : i32 to vector<16xi32>
      %add3A_371 = arith.addi %iota3A_184, %add3A_370 : vector<16xi32>
      %gather3A_372 = tpu.vector_load_idx %arg7[%broadcast_in_dim3A_363, %add3A_371, %broadcast_in_dim3A] : memref<4x64x128xf32, #tpu.memory_space<vmem>>[vector<16xi32>, vector<16xi32>, vector<16xi32>], vector<16xf32>,
      %gather3A_373 = tpu.vector_load_idx %arg8[%broadcast_in_dim3A_363, %add3A_371, %broadcast_in_dim3A_361] : memref<4x64x128xf32, #tpu.memory_space<vmem>>[vector<16xi32>, vector<16xi32>, vector<16xi32>], vector<16xf32>,
      %mul3A_374 = arith.mulf %gather3A_372, %gather3A_373 : vector<16xf32>
      %add3A_375 = arith.addf %mul3A_368, %mul3A_374 : vector<16xf32>
      %add3A_376 = arith.constant 32 : i32
      %add3A_377 = vector.broadcast %add3A_376 : i32 to vector<16xi32>
      %add3A_378 = arith.addi %iota3A_184, %add3A_377 : vector<16xi32>
      %gather3A_379 = tpu.vector_load_idx %arg7[%broadcast_in_dim3A_363, %add3A_378, %broadcast_in_dim3A] : memref<4x64x128xf32, #tpu.memory_space<vmem>>[vector<16xi32>, vector<16xi32>, vector<16xi32>], vector<16xf32>,
      %gather3A_380 = tpu.vector_load_idx %arg8[%broadcast_in_dim3A_363, %add3A_378, %broadcast_in_dim3A_361] : memref<4x64x128xf32, #tpu.memory_space<vmem>>[vector<16xi32>, vector<16xi32>, vector<16xi32>], vector<16xf32>,
      %mul3A_381 = arith.mulf %gather3A_379, %gather3A_380 : vector<16xf32>
      %add3A_382 = arith.addf %add3A_375, %mul3A_381 : vector<16xf32>
      %add3A_383 = arith.constant 48 : i32
      %add3A_384 = vector.broadcast %add3A_383 : i32 to vector<16xi32>
      %add3A_385 = arith.addi %iota3A_184, %add3A_384 : vector<16xi32>
      %gather3A_386 = tpu.vector_load_idx %arg7[%broadcast_in_dim3A_363, %add3A_385, %broadcast_in_dim3A] : memref<4x64x128xf32, #tpu.memory_space<vmem>>[vector<16xi32>, vector<16xi32>, vector<16xi32>], vector<16xf32>,
      %gather3A_387 = tpu.vector_load_idx %arg8[%broadcast_in_dim3A_363, %add3A_385, %broadcast_in_dim3A_361] : memref<4x64x128xf32, #tpu.memory_space<vmem>>[vector<16xi32>, vector<16xi32>, vector<16xi32>], vector<16xf32>,
      %mul3A_388 = arith.mulf %gather3A_386, %gather3A_387 : vector<16xf32>
      %add3A_389 = arith.addf %add3A_382, %mul3A_388 : vector<16xf32>
      %add3A_390 = arith.constant 4 : i32
      %add3A_391 = arith.addi %add3A_323, %add3A_390 : i32
      %min3A = arith.constant 511 : i32
      %min3A_392 = arith.minsi %add3A_391, %min3A : i32
      %get3A_393 = arith.index_cast %min3A_392 : i32 to index
      %get3A_394 = tpu.vector_load %arg6[%get3A_393] {strides = array<i32>} : memref<1040xi32, #tpu.memory_space<vmem>>, vector<16xi32>,
      %slice3A_395 = vector.extract_strided_slice %get3A_394 {offsets = [0], sizes = [1], strides = [1]} : vector<16xi32> to vector<1xi32>
      %squeeze3A_396 = vector.extract %slice3A_395[0] : i32 from vector<1xi32>
      %add3A_397 = arith.constant 512 : i32
      %add3A_398 = arith.addi %add3A_397, %min3A_392 : i32
      %get3A_399 = arith.index_cast %add3A_398 : i32 to index
      %get3A_400 = tpu.vector_load %arg6[%get3A_399] {strides = array<i32>} : memref<1040xi32, #tpu.memory_space<vmem>>, vector<16xi32>,
      %slice3A_401 = vector.extract_strided_slice %get3A_400 {offsets = [0], sizes = [1], strides = [1]} : vector<16xi32> to vector<1xi32>
      %squeeze3A_402 = vector.extract %slice3A_401[0] : i32 from vector<1xi32>
      %shift_right_arithmetic3A_403 = arith.constant 7 : i32
      %shift_right_arithmetic3A_404 = arith.shrsi %squeeze3A_396, %shift_right_arithmetic3A_403 : i32
      %mul3A_405 = arith.constant 128 : i32
      %mul3A_406 = arith.muli %shift_right_arithmetic3A_404, %mul3A_405 : i32
      %multiple_of3A_407 = tpu.assume_multiple %mul3A_406, 128 : i32
      %shift_right_arithmetic3A_408 = arith.constant 7 : i32
      %shift_right_arithmetic3A_409 = arith.shrsi %squeeze3A_402, %shift_right_arithmetic3A_408 : i32
      %mul3A_410 = arith.constant 128 : i32
      %mul3A_411 = arith.muli %shift_right_arithmetic3A_409, %mul3A_410 : i32
      %multiple_of3A_412 = tpu.assume_multiple %mul3A_411, 128 : i32
      %dma_start3A_413 = arith.constant 0 : i32
      %dma_start3A_414 = arith.constant 0 : i32
      %dma_start3A_415 = arith.constant 0 : i32
      %dma_start3A_416 = tpu.memref_slice %arg7[%dma_start3A_413, %dma_start3A_414, %dma_start3A_415] : memref<4x64x128xf32, #tpu.memory_space<vmem>> -> memref<1x64x128xf32, #tpu.memory_space<vmem>>
      %dma_start3A_417 = tpu.memref_squeeze %dma_start3A_416 : memref<1x64x128xf32, #tpu.memory_space<vmem>> -> memref<64x128xf32, #tpu.memory_space<vmem>>
      %dma_start3A_418 = arith.constant 0 : i32
      %dma_start3A_419 = tpu.memref_slice %arg3[%dma_start3A_418, %multiple_of3A_407] : memref<64x1000000xf32, #tpu.memory_space<hbm>> -> memref<64x128xf32, #tpu.memory_space<hbm>>
      %dma_start3A_420 = arith.constant 0 : i32
      %dma_start3A_421 = arith.constant 0 : i32
      %dma_start3A_422 = tpu.memref_slice %arg7[%dma_start3A_413, %dma_start3A_420, %dma_start3A_421] : memref<4x64x128xf32, #tpu.memory_space<vmem>> -> memref<1x64x128xf32, #tpu.memory_space<vmem>>
      %dma_start3A_423 = tpu.memref_squeeze %dma_start3A_422 : memref<1x64x128xf32, #tpu.memory_space<vmem>> -> memref<64x128xf32, #tpu.memory_space<vmem>>
      %dma_start3A_424 = arith.constant 0 : i32
      %dma_start3A_425 = tpu.memref_slice %arg3[%dma_start3A_424, %multiple_of3A_407] : memref<64x1000000xf32, #tpu.memory_space<hbm>> -> memref<64x128xf32, #tpu.memory_space<hbm>>
      tpu.enqueue_dma source(%dma_start3A_425 : memref<64x128xf32, #tpu.memory_space<hbm>>) target(%dma_start3A_423 : memref<64x128xf32, #tpu.memory_space<vmem>>) target_semaphore(%arg10 : memref<!tpu.dma_semaphore, #tpu.memory_space<semaphore_mem>>)
      %dma_start3A_426 = arith.constant 0 : i32
      %dma_start3A_427 = arith.constant 0 : i32
      %dma_start3A_428 = arith.constant 0 : i32
      %dma_start3A_429 = tpu.memref_slice %arg8[%dma_start3A_426, %dma_start3A_427, %dma_start3A_428] : memref<4x64x128xf32, #tpu.memory_space<vmem>> -> memref<1x64x128xf32, #tpu.memory_space<vmem>>
      %dma_start3A_430 = tpu.memref_squeeze %dma_start3A_429 : memref<1x64x128xf32, #tpu.memory_space<vmem>> -> memref<64x128xf32, #tpu.memory_space<vmem>>
      %dma_start3A_431 = arith.constant 0 : i32
      %dma_start3A_432 = tpu.memref_slice %arg4[%dma_start3A_431, %multiple_of3A_412] : memref<64x1000000xf32, #tpu.memory_space<hbm>> -> memref<64x128xf32, #tpu.memory_space<hbm>>
      %dma_start3A_433 = arith.constant 0 : i32
      %dma_start3A_434 = arith.constant 0 : i32
      %dma_start3A_435 = tpu.memref_slice %arg8[%dma_start3A_426, %dma_start3A_433, %dma_start3A_434] : memref<4x64x128xf32, #tpu.memory_space<vmem>> -> memref<1x64x128xf32, #tpu.memory_space<vmem>>
      %dma_start3A_436 = tpu.memref_squeeze %dma_start3A_435 : memref<1x64x128xf32, #tpu.memory_space<vmem>> -> memref<64x128xf32, #tpu.memory_space<vmem>>
      %dma_start3A_437 = arith.constant 0 : i32
      %dma_start3A_438 = tpu.memref_slice %arg4[%dma_start3A_437, %multiple_of3A_412] : memref<64x1000000xf32, #tpu.memory_space<hbm>> -> memref<64x128xf32, #tpu.memory_space<hbm>>
      tpu.enqueue_dma source(%dma_start3A_438 : memref<64x128xf32, #tpu.memory_space<hbm>>) target(%dma_start3A_436 : memref<64x128xf32, #tpu.memory_space<vmem>>) target_semaphore(%arg10 : memref<!tpu.dma_semaphore, #tpu.memory_space<semaphore_mem>>)
      %mul3A_439 = arith.constant 16 : i32
      %mul3A_440 = arith.muli %scan3A_309, %mul3A_439 : i32
      %add3A_441 = arith.constant 1 : i32
      %add3A_442 = arith.addi %mul3A_440, %add3A_441 : i32
      %dma_wait3A_443 = arith.constant 1 : i32
      %dma_wait3A_444 = arith.constant 0 : i32
      %dma_wait3A_445 = arith.constant 0 : i32
      %dma_wait3A_446 = tpu.memref_slice %arg7[%dma_wait3A_443, %dma_wait3A_444, %dma_wait3A_445] : memref<4x64x128xf32, #tpu.memory_space<vmem>> -> memref<1x64x128xf32, #tpu.memory_space<vmem>>
      %dma_wait3A_447 = tpu.memref_squeeze %dma_wait3A_446 : memref<1x64x128xf32, #tpu.memory_space<vmem>> -> memref<64x128xf32, #tpu.memory_space<vmem>>
      %dma_wait3A_448 = arith.constant 0 : i32
      %dma_wait3A_449 = arith.constant 0 : i32
      %dma_wait3A_450 = tpu.memref_slice %arg3[%dma_wait3A_448, %dma_wait3A_449] : memref<64x1000000xf32, #tpu.memory_space<hbm>> -> memref<64x128xf32, #tpu.memory_space<hbm>>
      %dma_wait3A_451 = arith.constant 0 : i32
      %dma_wait3A_452 = arith.constant 0 : i32
      %dma_wait3A_453 = tpu.memref_slice %arg7[%dma_wait3A_443, %dma_wait3A_451, %dma_wait3A_452] : memref<4x64x128xf32, #tpu.memory_space<vmem>> -> memref<1x64x128xf32, #tpu.memory_space<vmem>>
      %dma_wait3A_454 = tpu.memref_squeeze %dma_wait3A_453 : memref<1x64x128xf32, #tpu.memory_space<vmem>> -> memref<64x128xf32, #tpu.memory_space<vmem>>
      %dma_wait3A_455 = arith.constant 0 : i32
      %dma_wait3A_456 = arith.constant 0 : i32
      %dma_wait3A_457 = tpu.memref_slice %arg3[%dma_wait3A_455, %dma_wait3A_456] : memref<64x1000000xf32, #tpu.memory_space<hbm>> -> memref<64x128xf32, #tpu.memory_space<hbm>>
      tpu.wait_dma2 semaphore(%arg11 : memref<!tpu.dma_semaphore, #tpu.memory_space<semaphore_mem>>) src(%dma_wait3A_457 : memref<64x128xf32, #tpu.memory_space<hbm>>) dst(%dma_wait3A_454 : memref<64x128xf32, #tpu.memory_space<vmem>>)
      %dma_wait3A_458 = arith.constant 1 : i32
      %dma_wait3A_459 = arith.constant 0 : i32
      %dma_wait3A_460 = arith.constant 0 : i32
      %dma_wait3A_461 = tpu.memref_slice %arg8[%dma_wait3A_458, %dma_wait3A_459, %dma_wait3A_460] : memref<4x64x128xf32, #tpu.memory_space<vmem>> -> memref<1x64x128xf32, #tpu.memory_space<vmem>>
      %dma_wait3A_462 = tpu.memref_squeeze %dma_wait3A_461 : memref<1x64x128xf32, #tpu.memory_space<vmem>> -> memref<64x128xf32, #tpu.memory_space<vmem>>
      %dma_wait3A_463 = arith.constant 0 : i32
      %dma_wait3A_464 = arith.constant 0 : i32
      %dma_wait3A_465 = tpu.memref_slice %arg4[%dma_wait3A_463, %dma_wait3A_464] : memref<64x1000000xf32, #tpu.memory_space<hbm>> -> memref<64x128xf32, #tpu.memory_space<hbm>>
      %dma_wait3A_466 = arith.constant 0 : i32
      %dma_wait3A_467 = arith.constant 0 : i32
      %dma_wait3A_468 = tpu.memref_slice %arg8[%dma_wait3A_458, %dma_wait3A_466, %dma_wait3A_467] : memref<4x64x128xf32, #tpu.memory_space<vmem>> -> memref<1x64x128xf32, #tpu.memory_space<vmem>>
      %dma_wait3A_469 = tpu.memref_squeeze %dma_wait3A_468 : memref<1x64x128xf32, #tpu.memory_space<vmem>> -> memref<64x128xf32, #tpu.memory_space<vmem>>
      %dma_wait3A_470 = arith.constant 0 : i32
      %dma_wait3A_471 = arith.constant 0 : i32
      %dma_wait3A_472 = tpu.memref_slice %arg4[%dma_wait3A_470, %dma_wait3A_471] : memref<64x1000000xf32, #tpu.memory_space<hbm>> -> memref<64x128xf32, #tpu.memory_space<hbm>>
      tpu.wait_dma2 semaphore(%arg11 : memref<!tpu.dma_semaphore, #tpu.memory_space<semaphore_mem>>) src(%dma_wait3A_472 : memref<64x128xf32, #tpu.memory_space<hbm>>) dst(%dma_wait3A_469 : memref<64x128xf32, #tpu.memory_space<vmem>>)
      %slice3A_473 = vector.extract_strided_slice %get3A_313 {offsets = [1], sizes = [1], strides = [1]} : vector<16xi32> to vector<1xi32>
      %squeeze3A_474 = vector.extract %slice3A_473[0] : i32 from vector<1xi32>
      %and3A_475 = arith.constant 127 : i32
      %and3A_476 = arith.andi %squeeze3A_474, %and3A_475 : i32
      %broadcast_in_dim3A_477 = vector.broadcast %and3A_476 : i32 to vector<16xi32>
      %slice3A_478 = vector.extract_strided_slice %get3A_319 {offsets = [1], sizes = [1], strides = [1]} : vector<16xi32> to vector<1xi32>
      %squeeze3A_479 = vector.extract %slice3A_478[0] : i32 from vector<1xi32>
      %and3A_480 = arith.constant 127 : i32
      %and3A_481 = arith.andi %squeeze3A_479, %and3A_480 : i32
      %broadcast_in_dim3A_482 = vector.broadcast %and3A_481 : i32 to vector<16xi32>
      %broadcast_in_dim3A_483 = arith.constant 1 : i32
      %broadcast_in_dim3A_484 = vector.broadcast %broadcast_in_dim3A_483 : i32 to vector<16xi32>
      %add3A_485 = arith.constant 0 : i32
      %add3A_486 = vector.broadcast %add3A_485 : i32 to vector<16xi32>
      %add3A_487 = arith.addi %iota3A_184, %add3A_486 : vector<16xi32>
      %gather3A_488 = tpu.vector_load_idx %arg7[%broadcast_in_dim3A_484, %add3A_487, %broadcast_in_dim3A_477] : memref<4x64x128xf32, #tpu.memory_space<vmem>>[vector<16xi32>, vector<16xi32>, vector<16xi32>], vector<16xf32>,
      %gather3A_489 = tpu.vector_load_idx %arg8[%broadcast_in_dim3A_484, %add3A_487, %broadcast_in_dim3A_482] : memref<4x64x128xf32, #tpu.memory_space<vmem>>[vector<16xi32>, vector<16xi32>, vector<16xi32>], vector<16xf32>,
      %mul3A_490 = arith.mulf %gather3A_488, %gather3A_489 : vector<16xf32>
      %add3A_491 = arith.constant 16 : i32
      %add3A_492 = vector.broadcast %add3A_491 : i32 to vector<16xi32>
      %add3A_493 = arith.addi %iota3A_184, %add3A_492 : vector<16xi32>
      %gather3A_494 = tpu.vector_load_idx %arg7[%broadcast_in_dim3A_484, %add3A_493, %broadcast_in_dim3A_477] : memref<4x64x128xf32, #tpu.memory_space<vmem>>[vector<16xi32>, vector<16xi32>, vector<16xi32>], vector<16xf32>,
      %gather3A_495 = tpu.vector_load_idx %arg8[%broadcast_in_dim3A_484, %add3A_493, %broadcast_in_dim3A_482] : memref<4x64x128xf32, #tpu.memory_space<vmem>>[vector<16xi32>, vector<16xi32>, vector<16xi32>], vector<16xf32>,
      %mul3A_496 = arith.mulf %gather3A_494, %gather3A_495 : vector<16xf32>
      %add3A_497 = arith.addf %mul3A_490, %mul3A_496 : vector<16xf32>
      %add3A_498 = arith.constant 32 : i32
      %add3A_499 = vector.broadcast %add3A_498 : i32 to vector<16xi32>
      %add3A_500 = arith.addi %iota3A_184, %add3A_499 : vector<16xi32>
      %gather3A_501 = tpu.vector_load_idx %arg7[%broadcast_in_dim3A_484, %add3A_500, %broadcast_in_dim3A_477] : memref<4x64x128xf32, #tpu.memory_space<vmem>>[vector<16xi32>, vector<16xi32>, vector<16xi32>], vector<16xf32>,
      %gather3A_502 = tpu.vector_load_idx %arg8[%broadcast_in_dim3A_484, %add3A_500, %broadcast_in_dim3A_482] : memref<4x64x128xf32, #tpu.memory_space<vmem>>[vector<16xi32>, vector<16xi32>, vector<16xi32>], vector<16xf32>,
      %mul3A_503 = arith.mulf %gather3A_501, %gather3A_502 : vector<16xf32>
      %add3A_504 = arith.addf %add3A_497, %mul3A_503 : vector<16xf32>
      %add3A_505 = arith.constant 48 : i32
      %add3A_506 = vector.broadcast %add3A_505 : i32 to vector<16xi32>
      %add3A_507 = arith.addi %iota3A_184, %add3A_506 : vector<16xi32>
      %gather3A_508 = tpu.vector_load_idx %arg7[%broadcast_in_dim3A_484, %add3A_507, %broadcast_in_dim3A_477] : memref<4x64x128xf32, #tpu.memory_space<vmem>>[vector<16xi32>, vector<16xi32>, vector<16xi32>], vector<16xf32>,
      %gather3A_509 = tpu.vector_load_idx %arg8[%broadcast_in_dim3A_484, %add3A_507, %broadcast_in_dim3A_482] : memref<4x64x128xf32, #tpu.memory_space<vmem>>[vector<16xi32>, vector<16xi32>, vector<16xi32>], vector<16xf32>,
      %mul3A_510 = arith.mulf %gather3A_508, %gather3A_509 : vector<16xf32>
      %add3A_511 = arith.addf %add3A_504, %mul3A_510 : vector<16xf32>
      %add3A_512 = arith.constant 4 : i32
      %add3A_513 = arith.addi %add3A_442, %add3A_512 : i32
      %min3A_514 = arith.constant 511 : i32
      %min3A_515 = arith.minsi %add3A_513, %min3A_514 : i32
      %get3A_516 = arith.index_cast %min3A_515 : i32 to index
      %get3A_517 = tpu.vector_load %arg6[%get3A_516] {strides = array<i32>} : memref<1040xi32, #tpu.memory_space<vmem>>, vector<16xi32>,
      %slice3A_518 = vector.extract_strided_slice %get3A_517 {offsets = [0], sizes = [1], strides = [1]} : vector<16xi32> to vector<1xi32>
      %squeeze3A_519 = vector.extract %slice3A_518[0] : i32 from vector<1xi32>
      %add3A_520 = arith.constant 512 : i32
      %add3A_521 = arith.addi %add3A_520, %min3A_515 : i32
      %get3A_522 = arith.index_cast %add3A_521 : i32 to index
      %get3A_523 = tpu.vector_load %arg6[%get3A_522] {strides = array<i32>} : memref<1040xi32, #tpu.memory_space<vmem>>, vector<16xi32>,
      %slice3A_524 = vector.extract_strided_slice %get3A_523 {offsets = [0], sizes = [1], strides = [1]} : vector<16xi32> to vector<1xi32>
      %squeeze3A_525 = vector.extract %slice3A_524[0] : i32 from vector<1xi32>
      %shift_right_arithmetic3A_526 = arith.constant 7 : i32
      %shift_right_arithmetic3A_527 = arith.shrsi %squeeze3A_519, %shift_right_arithmetic3A_526 : i32
      %mul3A_528 = arith.constant 128 : i32
      %mul3A_529 = arith.muli %shift_right_arithmetic3A_527, %mul3A_528 : i32
      %multiple_of3A_530 = tpu.assume_multiple %mul3A_529, 128 : i32
      %shift_right_arithmetic3A_531 = arith.constant 7 : i32
      %shift_right_arithmetic3A_532 = arith.shrsi %squeeze3A_525, %shift_right_arithmetic3A_531 : i32
      %mul3A_533 = arith.constant 128 : i32
      %mul3A_534 = arith.muli %shift_right_arithmetic3A_532, %mul3A_533 : i32
      %multiple_of3A_535 = tpu.assume_multiple %mul3A_534, 128 : i32
      %dma_start3A_536 = arith.constant 1 : i32
      %dma_start3A_537 = arith.constant 0 : i32
      %dma_start3A_538 = arith.constant 0 : i32
      %dma_start3A_539 = tpu.memref_slice %arg7[%dma_start3A_536, %dma_start3A_537, %dma_start3A_538] : memref<4x64x128xf32, #tpu.memory_space<vmem>> -> memref<1x64x128xf32, #tpu.memory_space<vmem>>
      %dma_start3A_540 = tpu.memref_squeeze %dma_start3A_539 : memref<1x64x128xf32, #tpu.memory_space<vmem>> -> memref<64x128xf32, #tpu.memory_space<vmem>>
      %dma_start3A_541 = arith.constant 0 : i32
      %dma_start3A_542 = tpu.memref_slice %arg3[%dma_start3A_541, %multiple_of3A_530] : memref<64x1000000xf32, #tpu.memory_space<hbm>> -> memref<64x128xf32, #tpu.memory_space<hbm>>
      %dma_start3A_543 = arith.constant 0 : i32
      %dma_start3A_544 = arith.constant 0 : i32
      %dma_start3A_545 = tpu.memref_slice %arg7[%dma_start3A_536, %dma_start3A_543, %dma_start3A_544] : memref<4x64x128xf32, #tpu.memory_space<vmem>> -> memref<1x64x128xf32, #tpu.memory_space<vmem>>
      %dma_start3A_546 = tpu.memref_squeeze %dma_start3A_545 : memref<1x64x128xf32, #tpu.memory_space<vmem>> -> memref<64x128xf32, #tpu.memory_space<vmem>>
      %dma_start3A_547 = arith.constant 0 : i32
      %dma_start3A_548 = tpu.memref_slice %arg3[%dma_start3A_547, %multiple_of3A_530] : memref<64x1000000xf32, #tpu.memory_space<hbm>> -> memref<64x128xf32, #tpu.memory_space<hbm>>
      tpu.enqueue_dma source(%dma_start3A_548 : memref<64x128xf32, #tpu.memory_space<hbm>>) target(%dma_start3A_546 : memref<64x128xf32, #tpu.memory_space<vmem>>) target_semaphore(%arg11 : memref<!tpu.dma_semaphore, #tpu.memory_space<semaphore_mem>>)
      %dma_start3A_549 = arith.constant 1 : i32
      %dma_start3A_550 = arith.constant 0 : i32
      %dma_start3A_551 = arith.constant 0 : i32
      %dma_start3A_552 = tpu.memref_slice %arg8[%dma_start3A_549, %dma_start3A_550, %dma_start3A_551] : memref<4x64x128xf32, #tpu.memory_space<vmem>> -> memref<1x64x128xf32, #tpu.memory_space<vmem>>
      %dma_start3A_553 = tpu.memref_squeeze %dma_start3A_552 : memref<1x64x128xf32, #tpu.memory_space<vmem>> -> memref<64x128xf32, #tpu.memory_space<vmem>>
      %dma_start3A_554 = arith.constant 0 : i32
      %dma_start3A_555 = tpu.memref_slice %arg4[%dma_start3A_554, %multiple_of3A_535] : memref<64x1000000xf32, #tpu.memory_space<hbm>> -> memref<64x128xf32, #tpu.memory_space<hbm>>
      %dma_start3A_556 = arith.constant 0 : i32
      %dma_start3A_557 = arith.constant 0 : i32
      %dma_start3A_558 = tpu.memref_slice %arg8[%dma_start3A_549, %dma_start3A_556, %dma_start3A_557] : memref<4x64x128xf32, #tpu.memory_space<vmem>> -> memref<1x64x128xf32, #tpu.memory_space<vmem>>
      %dma_start3A_559 = tpu.memref_squeeze %dma_start3A_558 : memref<1x64x128xf32, #tpu.memory_space<vmem>> -> memref<64x128xf32, #tpu.memory_space<vmem>>
      %dma_start3A_560 = arith.constant 0 : i32
      %dma_start3A_561 = tpu.memref_slice %arg4[%dma_start3A_560, %multiple_of3A_535] : memref<64x1000000xf32, #tpu.memory_space<hbm>> -> memref<64x128xf32, #tpu.memory_space<hbm>>
      tpu.enqueue_dma source(%dma_start3A_561 : memref<64x128xf32, #tpu.memory_space<hbm>>) target(%dma_start3A_559 : memref<64x128xf32, #tpu.memory_space<vmem>>) target_semaphore(%arg11 : memref<!tpu.dma_semaphore, #tpu.memory_space<semaphore_mem>>)
      %mul3A_562 = arith.constant 16 : i32
      %mul3A_563 = arith.muli %scan3A_309, %mul3A_562 : i32
      %add3A_564 = arith.constant 2 : i32
      %add3A_565 = arith.addi %mul3A_563, %add3A_564 : i32
      %dma_wait3A_566 = arith.constant 2 : i32
      %dma_wait3A_567 = arith.constant 0 : i32
      %dma_wait3A_568 = arith.constant 0 : i32
      %dma_wait3A_569 = tpu.memref_slice %arg7[%dma_wait3A_566, %dma_wait3A_567, %dma_wait3A_568] : memref<4x64x128xf32, #tpu.memory_space<vmem>> -> memref<1x64x128xf32, #tpu.memory_space<vmem>>
      %dma_wait3A_570 = tpu.memref_squeeze %dma_wait3A_569 : memref<1x64x128xf32, #tpu.memory_space<vmem>> -> memref<64x128xf32, #tpu.memory_space<vmem>>
      %dma_wait3A_571 = arith.constant 0 : i32
      %dma_wait3A_572 = arith.constant 0 : i32
      %dma_wait3A_573 = tpu.memref_slice %arg3[%dma_wait3A_571, %dma_wait3A_572] : memref<64x1000000xf32, #tpu.memory_space<hbm>> -> memref<64x128xf32, #tpu.memory_space<hbm>>
      %dma_wait3A_574 = arith.constant 0 : i32
      %dma_wait3A_575 = arith.constant 0 : i32
      %dma_wait3A_576 = tpu.memref_slice %arg7[%dma_wait3A_566, %dma_wait3A_574, %dma_wait3A_575] : memref<4x64x128xf32, #tpu.memory_space<vmem>> -> memref<1x64x128xf32, #tpu.memory_space<vmem>>
      %dma_wait3A_577 = tpu.memref_squeeze %dma_wait3A_576 : memref<1x64x128xf32, #tpu.memory_space<vmem>> -> memref<64x128xf32, #tpu.memory_space<vmem>>
      %dma_wait3A_578 = arith.constant 0 : i32
      %dma_wait3A_579 = arith.constant 0 : i32
      %dma_wait3A_580 = tpu.memref_slice %arg3[%dma_wait3A_578, %dma_wait3A_579] : memref<64x1000000xf32, #tpu.memory_space<hbm>> -> memref<64x128xf32, #tpu.memory_space<hbm>>
      tpu.wait_dma2 semaphore(%arg12 : memref<!tpu.dma_semaphore, #tpu.memory_space<semaphore_mem>>) src(%dma_wait3A_580 : memref<64x128xf32, #tpu.memory_space<hbm>>) dst(%dma_wait3A_577 : memref<64x128xf32, #tpu.memory_space<vmem>>)
      %dma_wait3A_581 = arith.constant 2 : i32
      %dma_wait3A_582 = arith.constant 0 : i32
      %dma_wait3A_583 = arith.constant 0 : i32
      %dma_wait3A_584 = tpu.memref_slice %arg8[%dma_wait3A_581, %dma_wait3A_582, %dma_wait3A_583] : memref<4x64x128xf32, #tpu.memory_space<vmem>> -> memref<1x64x128xf32, #tpu.memory_space<vmem>>
      %dma_wait3A_585 = tpu.memref_squeeze %dma_wait3A_584 : memref<1x64x128xf32, #tpu.memory_space<vmem>> -> memref<64x128xf32, #tpu.memory_space<vmem>>
      %dma_wait3A_586 = arith.constant 0 : i32
      %dma_wait3A_587 = arith.constant 0 : i32
      %dma_wait3A_588 = tpu.memref_slice %arg4[%dma_wait3A_586, %dma_wait3A_587] : memref<64x1000000xf32, #tpu.memory_space<hbm>> -> memref<64x128xf32, #tpu.memory_space<hbm>>
      %dma_wait3A_589 = arith.constant 0 : i32
      %dma_wait3A_590 = arith.constant 0 : i32
      %dma_wait3A_591 = tpu.memref_slice %arg8[%dma_wait3A_581, %dma_wait3A_589, %dma_wait3A_590] : memref<4x64x128xf32, #tpu.memory_space<vmem>> -> memref<1x64x128xf32, #tpu.memory_space<vmem>>
      %dma_wait3A_592 = tpu.memref_squeeze %dma_wait3A_591 : memref<1x64x128xf32, #tpu.memory_space<vmem>> -> memref<64x128xf32, #tpu.memory_space<vmem>>
      %dma_wait3A_593 = arith.constant 0 : i32
      %dma_wait3A_594 = arith.constant 0 : i32
      %dma_wait3A_595 = tpu.memref_slice %arg4[%dma_wait3A_593, %dma_wait3A_594] : memref<64x1000000xf32, #tpu.memory_space<hbm>> -> memref<64x128xf32, #tpu.memory_space<hbm>>
      tpu.wait_dma2 semaphore(%arg12 : memref<!tpu.dma_semaphore, #tpu.memory_space<semaphore_mem>>) src(%dma_wait3A_595 : memref<64x128xf32, #tpu.memory_space<hbm>>) dst(%dma_wait3A_592 : memref<64x128xf32, #tpu.memory_space<vmem>>)
      %slice3A_596 = vector.extract_strided_slice %get3A_313 {offsets = [2], sizes = [1], strides = [1]} : vector<16xi32> to vector<1xi32>
      %squeeze3A_597 = vector.extract %slice3A_596[0] : i32 from vector<1xi32>
      %and3A_598 = arith.constant 127 : i32
      %and3A_599 = arith.andi %squeeze3A_597, %and3A_598 : i32
      %broadcast_in_dim3A_600 = vector.broadcast %and3A_599 : i32 to vector<16xi32>
      %slice3A_601 = vector.extract_strided_slice %get3A_319 {offsets = [2], sizes = [1], strides = [1]} : vector<16xi32> to vector<1xi32>
      %squeeze3A_602 = vector.extract %slice3A_601[0] : i32 from vector<1xi32>
      %and3A_603 = arith.constant 127 : i32
      %and3A_604 = arith.andi %squeeze3A_602, %and3A_603 : i32
      %broadcast_in_dim3A_605 = vector.broadcast %and3A_604 : i32 to vector<16xi32>
      %broadcast_in_dim3A_606 = arith.constant 2 : i32
      %broadcast_in_dim3A_607 = vector.broadcast %broadcast_in_dim3A_606 : i32 to vector<16xi32>
      %add3A_608 = arith.constant 0 : i32
      %add3A_609 = vector.broadcast %add3A_608 : i32 to vector<16xi32>
      %add3A_610 = arith.addi %iota3A_184, %add3A_609 : vector<16xi32>
      %gather3A_611 = tpu.vector_load_idx %arg7[%broadcast_in_dim3A_607, %add3A_610, %broadcast_in_dim3A_600] : memref<4x64x128xf32, #tpu.memory_space<vmem>>[vector<16xi32>, vector<16xi32>, vector<16xi32>], vector<16xf32>,
      %gather3A_612 = tpu.vector_load_idx %arg8[%broadcast_in_dim3A_607, %add3A_610, %broadcast_in_dim3A_605] : memref<4x64x128xf32, #tpu.memory_space<vmem>>[vector<16xi32>, vector<16xi32>, vector<16xi32>], vector<16xf32>,
      %mul3A_613 = arith.mulf %gather3A_611, %gather3A_612 : vector<16xf32>
      %add3A_614 = arith.constant 16 : i32
      %add3A_615 = vector.broadcast %add3A_614 : i32 to vector<16xi32>
      %add3A_616 = arith.addi %iota3A_184, %add3A_615 : vector<16xi32>
      %gather3A_617 = tpu.vector_load_idx %arg7[%broadcast_in_dim3A_607, %add3A_616, %broadcast_in_dim3A_600] : memref<4x64x128xf32, #tpu.memory_space<vmem>>[vector<16xi32>, vector<16xi32>, vector<16xi32>], vector<16xf32>,
      %gather3A_618 = tpu.vector_load_idx %arg8[%broadcast_in_dim3A_607, %add3A_616, %broadcast_in_dim3A_605] : memref<4x64x128xf32, #tpu.memory_space<vmem>>[vector<16xi32>, vector<16xi32>, vector<16xi32>], vector<16xf32>,
      %mul3A_619 = arith.mulf %gather3A_617, %gather3A_618 : vector<16xf32>
      %add3A_620 = arith.addf %mul3A_613, %mul3A_619 : vector<16xf32>
      %add3A_621 = arith.constant 32 : i32
      %add3A_622 = vector.broadcast %add3A_621 : i32 to vector<16xi32>
      %add3A_623 = arith.addi %iota3A_184, %add3A_622 : vector<16xi32>
      %gather3A_624 = tpu.vector_load_idx %arg7[%broadcast_in_dim3A_607, %add3A_623, %broadcast_in_dim3A_600] : memref<4x64x128xf32, #tpu.memory_space<vmem>>[vector<16xi32>, vector<16xi32>, vector<16xi32>], vector<16xf32>,
      %gather3A_625 = tpu.vector_load_idx %arg8[%broadcast_in_dim3A_607, %add3A_623, %broadcast_in_dim3A_605] : memref<4x64x128xf32, #tpu.memory_space<vmem>>[vector<16xi32>, vector<16xi32>, vector<16xi32>], vector<16xf32>,
      %mul3A_626 = arith.mulf %gather3A_624, %gather3A_625 : vector<16xf32>
      %add3A_627 = arith.addf %add3A_620, %mul3A_626 : vector<16xf32>
      %add3A_628 = arith.constant 48 : i32
      %add3A_629 = vector.broadcast %add3A_628 : i32 to vector<16xi32>
      %add3A_630 = arith.addi %iota3A_184, %add3A_629 : vector<16xi32>
      %gather3A_631 = tpu.vector_load_idx %arg7[%broadcast_in_dim3A_607, %add3A_630, %broadcast_in_dim3A_600] : memref<4x64x128xf32, #tpu.memory_space<vmem>>[vector<16xi32>, vector<16xi32>, vector<16xi32>], vector<16xf32>,
      %gather3A_632 = tpu.vector_load_idx %arg8[%broadcast_in_dim3A_607, %add3A_630, %broadcast_in_dim3A_605] : memref<4x64x128xf32, #tpu.memory_space<vmem>>[vector<16xi32>, vector<16xi32>, vector<16xi32>], vector<16xf32>,
      %mul3A_633 = arith.mulf %gather3A_631, %gather3A_632 : vector<16xf32>
      %add3A_634 = arith.addf %add3A_627, %mul3A_633 : vector<16xf32>
      %add3A_635 = arith.constant 4 : i32
      %add3A_636 = arith.addi %add3A_565, %add3A_635 : i32
      %min3A_637 = arith.constant 511 : i32
      %min3A_638 = arith.minsi %add3A_636, %min3A_637 : i32
      %get3A_639 = arith.index_cast %min3A_638 : i32 to index
      %get3A_640 = tpu.vector_load %arg6[%get3A_639] {strides = array<i32>} : memref<1040xi32, #tpu.memory_space<vmem>>, vector<16xi32>,
      %slice3A_641 = vector.extract_strided_slice %get3A_640 {offsets = [0], sizes = [1], strides = [1]} : vector<16xi32> to vector<1xi32>
      %squeeze3A_642 = vector.extract %slice3A_641[0] : i32 from vector<1xi32>
      %add3A_643 = arith.constant 512 : i32
      %add3A_644 = arith.addi %add3A_643, %min3A_638 : i32
      %get3A_645 = arith.index_cast %add3A_644 : i32 to index
      %get3A_646 = tpu.vector_load %arg6[%get3A_645] {strides = array<i32>} : memref<1040xi32, #tpu.memory_space<vmem>>, vector<16xi32>,
      %slice3A_647 = vector.extract_strided_slice %get3A_646 {offsets = [0], sizes = [1], strides = [1]} : vector<16xi32> to vector<1xi32>
      %squeeze3A_648 = vector.extract %slice3A_647[0] : i32 from vector<1xi32>
      %shift_right_arithmetic3A_649 = arith.constant 7 : i32
      %shift_right_arithmetic3A_650 = arith.shrsi %squeeze3A_642, %shift_right_arithmetic3A_649 : i32
      %mul3A_651 = arith.constant 128 : i32
      %mul3A_652 = arith.muli %shift_right_arithmetic3A_650, %mul3A_651 : i32
      %multiple_of3A_653 = tpu.assume_multiple %mul3A_652, 128 : i32
      %shift_right_arithmetic3A_654 = arith.constant 7 : i32
      %shift_right_arithmetic3A_655 = arith.shrsi %squeeze3A_648, %shift_right_arithmetic3A_654 : i32
      %mul3A_656 = arith.constant 128 : i32
      %mul3A_657 = arith.muli %shift_right_arithmetic3A_655, %mul3A_656 : i32
      %multiple_of3A_658 = tpu.assume_multiple %mul3A_657, 128 : i32
      %dma_start3A_659 = arith.constant 2 : i32
      %dma_start3A_660 = arith.constant 0 : i32
      %dma_start3A_661 = arith.constant 0 : i32
      %dma_start3A_662 = tpu.memref_slice %arg7[%dma_start3A_659, %dma_start3A_660, %dma_start3A_661] : memref<4x64x128xf32, #tpu.memory_space<vmem>> -> memref<1x64x128xf32, #tpu.memory_space<vmem>>
      %dma_start3A_663 = tpu.memref_squeeze %dma_start3A_662 : memref<1x64x128xf32, #tpu.memory_space<vmem>> -> memref<64x128xf32, #tpu.memory_space<vmem>>
      %dma_start3A_664 = arith.constant 0 : i32
      %dma_start3A_665 = tpu.memref_slice %arg3[%dma_start3A_664, %multiple_of3A_653] : memref<64x1000000xf32, #tpu.memory_space<hbm>> -> memref<64x128xf32, #tpu.memory_space<hbm>>
      %dma_start3A_666 = arith.constant 0 : i32
      %dma_start3A_667 = arith.constant 0 : i32
      %dma_start3A_668 = tpu.memref_slice %arg7[%dma_start3A_659, %dma_start3A_666, %dma_start3A_667] : memref<4x64x128xf32, #tpu.memory_space<vmem>> -> memref<1x64x128xf32, #tpu.memory_space<vmem>>
      %dma_start3A_669 = tpu.memref_squeeze %dma_start3A_668 : memref<1x64x128xf32, #tpu.memory_space<vmem>> -> memref<64x128xf32, #tpu.memory_space<vmem>>
      %dma_start3A_670 = arith.constant 0 : i32
      %dma_start3A_671 = tpu.memref_slice %arg3[%dma_start3A_670, %multiple_of3A_653] : memref<64x1000000xf32, #tpu.memory_space<hbm>> -> memref<64x128xf32, #tpu.memory_space<hbm>>
      tpu.enqueue_dma source(%dma_start3A_671 : memref<64x128xf32, #tpu.memory_space<hbm>>) target(%dma_start3A_669 : memref<64x128xf32, #tpu.memory_space<vmem>>) target_semaphore(%arg12 : memref<!tpu.dma_semaphore, #tpu.memory_space<semaphore_mem>>)
      %dma_start3A_672 = arith.constant 2 : i32
      %dma_start3A_673 = arith.constant 0 : i32
      %dma_start3A_674 = arith.constant 0 : i32
      %dma_start3A_675 = tpu.memref_slice %arg8[%dma_start3A_672, %dma_start3A_673, %dma_start3A_674] : memref<4x64x128xf32, #tpu.memory_space<vmem>> -> memref<1x64x128xf32, #tpu.memory_space<vmem>>
      %dma_start3A_676 = tpu.memref_squeeze %dma_start3A_675 : memref<1x64x128xf32, #tpu.memory_space<vmem>> -> memref<64x128xf32, #tpu.memory_space<vmem>>
      %dma_start3A_677 = arith.constant 0 : i32
      %dma_start3A_678 = tpu.memref_slice %arg4[%dma_start3A_677, %multiple_of3A_658] : memref<64x1000000xf32, #tpu.memory_space<hbm>> -> memref<64x128xf32, #tpu.memory_space<hbm>>
      %dma_start3A_679 = arith.constant 0 : i32
      %dma_start3A_680 = arith.constant 0 : i32
      %dma_start3A_681 = tpu.memref_slice %arg8[%dma_start3A_672, %dma_start3A_679, %dma_start3A_680] : memref<4x64x128xf32, #tpu.memory_space<vmem>> -> memref<1x64x128xf32, #tpu.memory_space<vmem>>
      %dma_start3A_682 = tpu.memref_squeeze %dma_start3A_681 : memref<1x64x128xf32, #tpu.memory_space<vmem>> -> memref<64x128xf32, #tpu.memory_space<vmem>>
      %dma_start3A_683 = arith.constant 0 : i32
      %dma_start3A_684 = tpu.memref_slice %arg4[%dma_start3A_683, %multiple_of3A_658] : memref<64x1000000xf32, #tpu.memory_space<hbm>> -> memref<64x128xf32, #tpu.memory_space<hbm>>
      tpu.enqueue_dma source(%dma_start3A_684 : memref<64x128xf32, #tpu.memory_space<hbm>>) target(%dma_start3A_682 : memref<64x128xf32, #tpu.memory_space<vmem>>) target_semaphore(%arg12 : memref<!tpu.dma_semaphore, #tpu.memory_space<semaphore_mem>>)
      %mul3A_685 = arith.constant 16 : i32
      %mul3A_686 = arith.muli %scan3A_309, %mul3A_685 : i32
      %add3A_687 = arith.constant 3 : i32
      %add3A_688 = arith.addi %mul3A_686, %add3A_687 : i32
      %dma_wait3A_689 = arith.constant 3 : i32
      %dma_wait3A_690 = arith.constant 0 : i32
      %dma_wait3A_691 = arith.constant 0 : i32
      %dma_wait3A_692 = tpu.memref_slice %arg7[%dma_wait3A_689, %dma_wait3A_690, %dma_wait3A_691] : memref<4x64x128xf32, #tpu.memory_space<vmem>> -> memref<1x64x128xf32, #tpu.memory_space<vmem>>
      %dma_wait3A_693 = tpu.memref_squeeze %dma_wait3A_692 : memref<1x64x128xf32, #tpu.memory_space<vmem>> -> memref<64x128xf32, #tpu.memory_space<vmem>>
      %dma_wait3A_694 = arith.constant 0 : i32
      %dma_wait3A_695 = arith.constant 0 : i32
      %dma_wait3A_696 = tpu.memref_slice %arg3[%dma_wait3A_694, %dma_wait3A_695] : memref<64x1000000xf32, #tpu.memory_space<hbm>> -> memref<64x128xf32, #tpu.memory_space<hbm>>
      %dma_wait3A_697 = arith.constant 0 : i32
      %dma_wait3A_698 = arith.constant 0 : i32
      %dma_wait3A_699 = tpu.memref_slice %arg7[%dma_wait3A_689, %dma_wait3A_697, %dma_wait3A_698] : memref<4x64x128xf32, #tpu.memory_space<vmem>> -> memref<1x64x128xf32, #tpu.memory_space<vmem>>
      %dma_wait3A_700 = tpu.memref_squeeze %dma_wait3A_699 : memref<1x64x128xf32, #tpu.memory_space<vmem>> -> memref<64x128xf32, #tpu.memory_space<vmem>>
      %dma_wait3A_701 = arith.constant 0 : i32
      %dma_wait3A_702 = arith.constant 0 : i32
      %dma_wait3A_703 = tpu.memref_slice %arg3[%dma_wait3A_701, %dma_wait3A_702] : memref<64x1000000xf32, #tpu.memory_space<hbm>> -> memref<64x128xf32, #tpu.memory_space<hbm>>
      tpu.wait_dma2 semaphore(%arg13 : memref<!tpu.dma_semaphore, #tpu.memory_space<semaphore_mem>>) src(%dma_wait3A_703 : memref<64x128xf32, #tpu.memory_space<hbm>>) dst(%dma_wait3A_700 : memref<64x128xf32, #tpu.memory_space<vmem>>)
      %dma_wait3A_704 = arith.constant 3 : i32
      %dma_wait3A_705 = arith.constant 0 : i32
      %dma_wait3A_706 = arith.constant 0 : i32
      %dma_wait3A_707 = tpu.memref_slice %arg8[%dma_wait3A_704, %dma_wait3A_705, %dma_wait3A_706] : memref<4x64x128xf32, #tpu.memory_space<vmem>> -> memref<1x64x128xf32, #tpu.memory_space<vmem>>
      %dma_wait3A_708 = tpu.memref_squeeze %dma_wait3A_707 : memref<1x64x128xf32, #tpu.memory_space<vmem>> -> memref<64x128xf32, #tpu.memory_space<vmem>>
      %dma_wait3A_709 = arith.constant 0 : i32
      %dma_wait3A_710 = arith.constant 0 : i32
      %dma_wait3A_711 = tpu.memref_slice %arg4[%dma_wait3A_709, %dma_wait3A_710] : memref<64x1000000xf32, #tpu.memory_space<hbm>> -> memref<64x128xf32, #tpu.memory_space<hbm>>
      %dma_wait3A_712 = arith.constant 0 : i32
      %dma_wait3A_713 = arith.constant 0 : i32
      %dma_wait3A_714 = tpu.memref_slice %arg8[%dma_wait3A_704, %dma_wait3A_712, %dma_wait3A_713] : memref<4x64x128xf32, #tpu.memory_space<vmem>> -> memref<1x64x128xf32, #tpu.memory_space<vmem>>
      %dma_wait3A_715 = tpu.memref_squeeze %dma_wait3A_714 : memref<1x64x128xf32, #tpu.memory_space<vmem>> -> memref<64x128xf32, #tpu.memory_space<vmem>>
      %dma_wait3A_716 = arith.constant 0 : i32
      %dma_wait3A_717 = arith.constant 0 : i32
      %dma_wait3A_718 = tpu.memref_slice %arg4[%dma_wait3A_716, %dma_wait3A_717] : memref<64x1000000xf32, #tpu.memory_space<hbm>> -> memref<64x128xf32, #tpu.memory_space<hbm>>
      tpu.wait_dma2 semaphore(%arg13 : memref<!tpu.dma_semaphore, #tpu.memory_space<semaphore_mem>>) src(%dma_wait3A_718 : memref<64x128xf32, #tpu.memory_space<hbm>>) dst(%dma_wait3A_715 : memref<64x128xf32, #tpu.memory_space<vmem>>)
      %slice3A_719 = vector.extract_strided_slice %get3A_313 {offsets = [3], sizes = [1], strides = [1]} : vector<16xi32> to vector<1xi32>
      %squeeze3A_720 = vector.extract %slice3A_719[0] : i32 from vector<1xi32>
      %and3A_721 = arith.constant 127 : i32
      %and3A_722 = arith.andi %squeeze3A_720, %and3A_721 : i32
      %broadcast_in_dim3A_723 = vector.broadcast %and3A_722 : i32 to vector<16xi32>
      %slice3A_724 = vector.extract_strided_slice %get3A_319 {offsets = [3], sizes = [1], strides = [1]} : vector<16xi32> to vector<1xi32>
      %squeeze3A_725 = vector.extract %slice3A_724[0] : i32 from vector<1xi32>
      %and3A_726 = arith.constant 127 : i32
      %and3A_727 = arith.andi %squeeze3A_725, %and3A_726 : i32
      %broadcast_in_dim3A_728 = vector.broadcast %and3A_727 : i32 to vector<16xi32>
      %broadcast_in_dim3A_729 = arith.constant 3 : i32
      %broadcast_in_dim3A_730 = vector.broadcast %broadcast_in_dim3A_729 : i32 to vector<16xi32>
      %add3A_731 = arith.constant 0 : i32
      %add3A_732 = vector.broadcast %add3A_731 : i32 to vector<16xi32>
      %add3A_733 = arith.addi %iota3A_184, %add3A_732 : vector<16xi32>
      %gather3A_734 = tpu.vector_load_idx %arg7[%broadcast_in_dim3A_730, %add3A_733, %broadcast_in_dim3A_723] : memref<4x64x128xf32, #tpu.memory_space<vmem>>[vector<16xi32>, vector<16xi32>, vector<16xi32>], vector<16xf32>,
      %gather3A_735 = tpu.vector_load_idx %arg8[%broadcast_in_dim3A_730, %add3A_733, %broadcast_in_dim3A_728] : memref<4x64x128xf32, #tpu.memory_space<vmem>>[vector<16xi32>, vector<16xi32>, vector<16xi32>], vector<16xf32>,
      %mul3A_736 = arith.mulf %gather3A_734, %gather3A_735 : vector<16xf32>
      %add3A_737 = arith.constant 16 : i32
      %add3A_738 = vector.broadcast %add3A_737 : i32 to vector<16xi32>
      %add3A_739 = arith.addi %iota3A_184, %add3A_738 : vector<16xi32>
      %gather3A_740 = tpu.vector_load_idx %arg7[%broadcast_in_dim3A_730, %add3A_739, %broadcast_in_dim3A_723] : memref<4x64x128xf32, #tpu.memory_space<vmem>>[vector<16xi32>, vector<16xi32>, vector<16xi32>], vector<16xf32>,
      %gather3A_741 = tpu.vector_load_idx %arg8[%broadcast_in_dim3A_730, %add3A_739, %broadcast_in_dim3A_728] : memref<4x64x128xf32, #tpu.memory_space<vmem>>[vector<16xi32>, vector<16xi32>, vector<16xi32>], vector<16xf32>,
      %mul3A_742 = arith.mulf %gather3A_740, %gather3A_741 : vector<16xf32>
      %add3A_743 = arith.addf %mul3A_736, %mul3A_742 : vector<16xf32>
      %add3A_744 = arith.constant 32 : i32
      %add3A_745 = vector.broadcast %add3A_744 : i32 to vector<16xi32>
      %add3A_746 = arith.addi %iota3A_184, %add3A_745 : vector<16xi32>
      %gather3A_747 = tpu.vector_load_idx %arg7[%broadcast_in_dim3A_730, %add3A_746, %broadcast_in_dim3A_723] : memref<4x64x128xf32, #tpu.memory_space<vmem>>[vector<16xi32>, vector<16xi32>, vector<16xi32>], vector<16xf32>,
      %gather3A_748 = tpu.vector_load_idx %arg8[%broadcast_in_dim3A_730, %add3A_746, %broadcast_in_dim3A_728] : memref<4x64x128xf32, #tpu.memory_space<vmem>>[vector<16xi32>, vector<16xi32>, vector<16xi32>], vector<16xf32>,
      %mul3A_749 = arith.mulf %gather3A_747, %gather3A_748 : vector<16xf32>
      %add3A_750 = arith.addf %add3A_743, %mul3A_749 : vector<16xf32>
      %add3A_751 = arith.constant 48 : i32
      %add3A_752 = vector.broadcast %add3A_751 : i32 to vector<16xi32>
      %add3A_753 = arith.addi %iota3A_184, %add3A_752 : vector<16xi32>
      %gather3A_754 = tpu.vector_load_idx %arg7[%broadcast_in_dim3A_730, %add3A_753, %broadcast_in_dim3A_723] : memref<4x64x128xf32, #tpu.memory_space<vmem>>[vector<16xi32>, vector<16xi32>, vector<16xi32>], vector<16xf32>,
      %gather3A_755 = tpu.vector_load_idx %arg8[%broadcast_in_dim3A_730, %add3A_753, %broadcast_in_dim3A_728] : memref<4x64x128xf32, #tpu.memory_space<vmem>>[vector<16xi32>, vector<16xi32>, vector<16xi32>], vector<16xf32>,
      %mul3A_756 = arith.mulf %gather3A_754, %gather3A_755 : vector<16xf32>
      %add3A_757 = arith.addf %add3A_750, %mul3A_756 : vector<16xf32>
      %add3A_758 = arith.constant 4 : i32
      %add3A_759 = arith.addi %add3A_688, %add3A_758 : i32
      %min3A_760 = arith.constant 511 : i32
      %min3A_761 = arith.minsi %add3A_759, %min3A_760 : i32
      %get3A_762 = arith.index_cast %min3A_761 : i32 to index
      %get3A_763 = tpu.vector_load %arg6[%get3A_762] {strides = array<i32>} : memref<1040xi32, #tpu.memory_space<vmem>>, vector<16xi32>,
      %slice3A_764 = vector.extract_strided_slice %get3A_763 {offsets = [0], sizes = [1], strides = [1]} : vector<16xi32> to vector<1xi32>
      %squeeze3A_765 = vector.extract %slice3A_764[0] : i32 from vector<1xi32>
      %add3A_766 = arith.constant 512 : i32
      %add3A_767 = arith.addi %add3A_766, %min3A_761 : i32
      %get3A_768 = arith.index_cast %add3A_767 : i32 to index
      %get3A_769 = tpu.vector_load %arg6[%get3A_768] {strides = array<i32>} : memref<1040xi32, #tpu.memory_space<vmem>>, vector<16xi32>,
      %slice3A_770 = vector.extract_strided_slice %get3A_769 {offsets = [0], sizes = [1], strides = [1]} : vector<16xi32> to vector<1xi32>
      %squeeze3A_771 = vector.extract %slice3A_770[0] : i32 from vector<1xi32>
      %shift_right_arithmetic3A_772 = arith.constant 7 : i32
      %shift_right_arithmetic3A_773 = arith.shrsi %squeeze3A_765, %shift_right_arithmetic3A_772 : i32
      %mul3A_774 = arith.constant 128 : i32
      %mul3A_775 = arith.muli %shift_right_arithmetic3A_773, %mul3A_774 : i32
      %multiple_of3A_776 = tpu.assume_multiple %mul3A_775, 128 : i32
      %shift_right_arithmetic3A_777 = arith.constant 7 : i32
      %shift_right_arithmetic3A_778 = arith.shrsi %squeeze3A_771, %shift_right_arithmetic3A_777 : i32
      %mul3A_779 = arith.constant 128 : i32
      %mul3A_780 = arith.muli %shift_right_arithmetic3A_778, %mul3A_779 : i32
      %multiple_of3A_781 = tpu.assume_multiple %mul3A_780, 128 : i32
      %dma_start3A_782 = arith.constant 3 : i32
      %dma_start3A_783 = arith.constant 0 : i32
      %dma_start3A_784 = arith.constant 0 : i32
      %dma_start3A_785 = tpu.memref_slice %arg7[%dma_start3A_782, %dma_start3A_783, %dma_start3A_784] : memref<4x64x128xf32, #tpu.memory_space<vmem>> -> memref<1x64x128xf32, #tpu.memory_space<vmem>>
      %dma_start3A_786 = tpu.memref_squeeze %dma_start3A_785 : memref<1x64x128xf32, #tpu.memory_space<vmem>> -> memref<64x128xf32, #tpu.memory_space<vmem>>
      %dma_start3A_787 = arith.constant 0 : i32
      %dma_start3A_788 = tpu.memref_slice %arg3[%dma_start3A_787, %multiple_of3A_776] : memref<64x1000000xf32, #tpu.memory_space<hbm>> -> memref<64x128xf32, #tpu.memory_space<hbm>>
      %dma_start3A_789 = arith.constant 0 : i32
      %dma_start3A_790 = arith.constant 0 : i32
      %dma_start3A_791 = tpu.memref_slice %arg7[%dma_start3A_782, %dma_start3A_789, %dma_start3A_790] : memref<4x64x128xf32, #tpu.memory_space<vmem>> -> memref<1x64x128xf32, #tpu.memory_space<vmem>>
      %dma_start3A_792 = tpu.memref_squeeze %dma_start3A_791 : memref<1x64x128xf32, #tpu.memory_space<vmem>> -> memref<64x128xf32, #tpu.memory_space<vmem>>
      %dma_start3A_793 = arith.constant 0 : i32
      %dma_start3A_794 = tpu.memref_slice %arg3[%dma_start3A_793, %multiple_of3A_776] : memref<64x1000000xf32, #tpu.memory_space<hbm>> -> memref<64x128xf32, #tpu.memory_space<hbm>>
      tpu.enqueue_dma source(%dma_start3A_794 : memref<64x128xf32, #tpu.memory_space<hbm>>) target(%dma_start3A_792 : memref<64x128xf32, #tpu.memory_space<vmem>>) target_semaphore(%arg13 : memref<!tpu.dma_semaphore, #tpu.memory_space<semaphore_mem>>)
      %dma_start3A_795 = arith.constant 3 : i32
      %dma_start3A_796 = arith.constant 0 : i32
      %dma_start3A_797 = arith.constant 0 : i32
      %dma_start3A_798 = tpu.memref_slice %arg8[%dma_start3A_795, %dma_start3A_796, %dma_start3A_797] : memref<4x64x128xf32, #tpu.memory_space<vmem>> -> memref<1x64x128xf32, #tpu.memory_space<vmem>>
      %dma_start3A_799 = tpu.memref_squeeze %dma_start3A_798 : memref<1x64x128xf32, #tpu.memory_space<vmem>> -> memref<64x128xf32, #tpu.memory_space<vmem>>
      %dma_start3A_800 = arith.constant 0 : i32
      %dma_start3A_801 = tpu.memref_slice %arg4[%dma_start3A_800, %multiple_of3A_781] : memref<64x1000000xf32, #tpu.memory_space<hbm>> -> memref<64x128xf32, #tpu.memory_space<hbm>>
      %dma_start3A_802 = arith.constant 0 : i32
      %dma_start3A_803 = arith.constant 0 : i32
      %dma_start3A_804 = tpu.memref_slice %arg8[%dma_start3A_795, %dma_start3A_802, %dma_start3A_803] : memref<4x64x128xf32, #tpu.memory_space<vmem>> -> memref<1x64x128xf32, #tpu.memory_space<vmem>>
      %dma_start3A_805 = tpu.memref_squeeze %dma_start3A_804 : memref<1x64x128xf32, #tpu.memory_space<vmem>> -> memref<64x128xf32, #tpu.memory_space<vmem>>
      %dma_start3A_806 = arith.constant 0 : i32
      %dma_start3A_807 = tpu.memref_slice %arg4[%dma_start3A_806, %multiple_of3A_781] : memref<64x1000000xf32, #tpu.memory_space<hbm>> -> memref<64x128xf32, #tpu.memory_space<hbm>>
      tpu.enqueue_dma source(%dma_start3A_807 : memref<64x128xf32, #tpu.memory_space<hbm>>) target(%dma_start3A_805 : memref<64x128xf32, #tpu.memory_space<vmem>>) target_semaphore(%arg13 : memref<!tpu.dma_semaphore, #tpu.memory_space<semaphore_mem>>)
      %mul3A_808 = arith.constant 16 : i32
      %mul3A_809 = arith.muli %scan3A_309, %mul3A_808 : i32
      %add3A_810 = arith.constant 4 : i32
      %add3A_811 = arith.addi %mul3A_809, %add3A_810 : i32
      %dma_wait3A_812 = arith.constant 0 : i32
      %dma_wait3A_813 = arith.constant 0 : i32
      %dma_wait3A_814 = arith.constant 0 : i32
      %dma_wait3A_815 = tpu.memref_slice %arg7[%dma_wait3A_812, %dma_wait3A_813, %dma_wait3A_814] : memref<4x64x128xf32, #tpu.memory_space<vmem>> -> memref<1x64x128xf32, #tpu.memory_space<vmem>>
      %dma_wait3A_816 = tpu.memref_squeeze %dma_wait3A_815 : memref<1x64x128xf32, #tpu.memory_space<vmem>> -> memref<64x128xf32, #tpu.memory_space<vmem>>
      %dma_wait3A_817 = arith.constant 0 : i32
      %dma_wait3A_818 = arith.constant 0 : i32
      %dma_wait3A_819 = tpu.memref_slice %arg3[%dma_wait3A_817, %dma_wait3A_818] : memref<64x1000000xf32, #tpu.memory_space<hbm>> -> memref<64x128xf32, #tpu.memory_space<hbm>>
      %dma_wait3A_820 = arith.constant 0 : i32
      %dma_wait3A_821 = arith.constant 0 : i32
      %dma_wait3A_822 = tpu.memref_slice %arg7[%dma_wait3A_812, %dma_wait3A_820, %dma_wait3A_821] : memref<4x64x128xf32, #tpu.memory_space<vmem>> -> memref<1x64x128xf32, #tpu.memory_space<vmem>>
      %dma_wait3A_823 = tpu.memref_squeeze %dma_wait3A_822 : memref<1x64x128xf32, #tpu.memory_space<vmem>> -> memref<64x128xf32, #tpu.memory_space<vmem>>
      %dma_wait3A_824 = arith.constant 0 : i32
      %dma_wait3A_825 = arith.constant 0 : i32
      %dma_wait3A_826 = tpu.memref_slice %arg3[%dma_wait3A_824, %dma_wait3A_825] : memref<64x1000000xf32, #tpu.memory_space<hbm>> -> memref<64x128xf32, #tpu.memory_space<hbm>>
      tpu.wait_dma2 semaphore(%arg10 : memref<!tpu.dma_semaphore, #tpu.memory_space<semaphore_mem>>) src(%dma_wait3A_826 : memref<64x128xf32, #tpu.memory_space<hbm>>) dst(%dma_wait3A_823 : memref<64x128xf32, #tpu.memory_space<vmem>>)
      %dma_wait3A_827 = arith.constant 0 : i32
      %dma_wait3A_828 = arith.constant 0 : i32
      %dma_wait3A_829 = arith.constant 0 : i32
      %dma_wait3A_830 = tpu.memref_slice %arg8[%dma_wait3A_827, %dma_wait3A_828, %dma_wait3A_829] : memref<4x64x128xf32, #tpu.memory_space<vmem>> -> memref<1x64x128xf32, #tpu.memory_space<vmem>>
      %dma_wait3A_831 = tpu.memref_squeeze %dma_wait3A_830 : memref<1x64x128xf32, #tpu.memory_space<vmem>> -> memref<64x128xf32, #tpu.memory_space<vmem>>
      %dma_wait3A_832 = arith.constant 0 : i32
      %dma_wait3A_833 = arith.constant 0 : i32
      %dma_wait3A_834 = tpu.memref_slice %arg4[%dma_wait3A_832, %dma_wait3A_833] : memref<64x1000000xf32, #tpu.memory_space<hbm>> -> memref<64x128xf32, #tpu.memory_space<hbm>>
      %dma_wait3A_835 = arith.constant 0 : i32
      %dma_wait3A_836 = arith.constant 0 : i32
      %dma_wait3A_837 = tpu.memref_slice %arg8[%dma_wait3A_827, %dma_wait3A_835, %dma_wait3A_836] : memref<4x64x128xf32, #tpu.memory_space<vmem>> -> memref<1x64x128xf32, #tpu.memory_space<vmem>>
      %dma_wait3A_838 = tpu.memref_squeeze %dma_wait3A_837 : memref<1x64x128xf32, #tpu.memory_space<vmem>> -> memref<64x128xf32, #tpu.memory_space<vmem>>
      %dma_wait3A_839 = arith.constant 0 : i32
      %dma_wait3A_840 = arith.constant 0 : i32
      %dma_wait3A_841 = tpu.memref_slice %arg4[%dma_wait3A_839, %dma_wait3A_840] : memref<64x1000000xf32, #tpu.memory_space<hbm>> -> memref<64x128xf32, #tpu.memory_space<hbm>>
      tpu.wait_dma2 semaphore(%arg10 : memref<!tpu.dma_semaphore, #tpu.memory_space<semaphore_mem>>) src(%dma_wait3A_841 : memref<64x128xf32, #tpu.memory_space<hbm>>) dst(%dma_wait3A_838 : memref<64x128xf32, #tpu.memory_space<vmem>>)
      %slice3A_842 = vector.extract_strided_slice %get3A_313 {offsets = [4], sizes = [1], strides = [1]} : vector<16xi32> to vector<1xi32>
      %squeeze3A_843 = vector.extract %slice3A_842[0] : i32 from vector<1xi32>
      %and3A_844 = arith.constant 127 : i32
      %and3A_845 = arith.andi %squeeze3A_843, %and3A_844 : i32
      %broadcast_in_dim3A_846 = vector.broadcast %and3A_845 : i32 to vector<16xi32>
      %slice3A_847 = vector.extract_strided_slice %get3A_319 {offsets = [4], sizes = [1], strides = [1]} : vector<16xi32> to vector<1xi32>
      %squeeze3A_848 = vector.extract %slice3A_847[0] : i32 from vector<1xi32>
      %and3A_849 = arith.constant 127 : i32
      %and3A_850 = arith.andi %squeeze3A_848, %and3A_849 : i32
      %broadcast_in_dim3A_851 = vector.broadcast %and3A_850 : i32 to vector<16xi32>
      %broadcast_in_dim3A_852 = arith.constant 0 : i32
      %broadcast_in_dim3A_853 = vector.broadcast %broadcast_in_dim3A_852 : i32 to vector<16xi32>
      %add3A_854 = arith.constant 0 : i32
      %add3A_855 = vector.broadcast %add3A_854 : i32 to vector<16xi32>
      %add3A_856 = arith.addi %iota3A_184, %add3A_855 : vector<16xi32>
      %gather3A_857 = tpu.vector_load_idx %arg7[%broadcast_in_dim3A_853, %add3A_856, %broadcast_in_dim3A_846] : memref<4x64x128xf32, #tpu.memory_space<vmem>>[vector<16xi32>, vector<16xi32>, vector<16xi32>], vector<16xf32>,
      %gather3A_858 = tpu.vector_load_idx %arg8[%broadcast_in_dim3A_853, %add3A_856, %broadcast_in_dim3A_851] : memref<4x64x128xf32, #tpu.memory_space<vmem>>[vector<16xi32>, vector<16xi32>, vector<16xi32>], vector<16xf32>,
      %mul3A_859 = arith.mulf %gather3A_857, %gather3A_858 : vector<16xf32>
      %add3A_860 = arith.constant 16 : i32
      %add3A_861 = vector.broadcast %add3A_860 : i32 to vector<16xi32>
      %add3A_862 = arith.addi %iota3A_184, %add3A_861 : vector<16xi32>
      %gather3A_863 = tpu.vector_load_idx %arg7[%broadcast_in_dim3A_853, %add3A_862, %broadcast_in_dim3A_846] : memref<4x64x128xf32, #tpu.memory_space<vmem>>[vector<16xi32>, vector<16xi32>, vector<16xi32>], vector<16xf32>,
      %gather3A_864 = tpu.vector_load_idx %arg8[%broadcast_in_dim3A_853, %add3A_862, %broadcast_in_dim3A_851] : memref<4x64x128xf32, #tpu.memory_space<vmem>>[vector<16xi32>, vector<16xi32>, vector<16xi32>], vector<16xf32>,
      %mul3A_865 = arith.mulf %gather3A_863, %gather3A_864 : vector<16xf32>
      %add3A_866 = arith.addf %mul3A_859, %mul3A_865 : vector<16xf32>
      %add3A_867 = arith.constant 32 : i32
      %add3A_868 = vector.broadcast %add3A_867 : i32 to vector<16xi32>
      %add3A_869 = arith.addi %iota3A_184, %add3A_868 : vector<16xi32>
      %gather3A_870 = tpu.vector_load_idx %arg7[%broadcast_in_dim3A_853, %add3A_869, %broadcast_in_dim3A_846] : memref<4x64x128xf32, #tpu.memory_space<vmem>>[vector<16xi32>, vector<16xi32>, vector<16xi32>], vector<16xf32>,
      %gather3A_871 = tpu.vector_load_idx %arg8[%broadcast_in_dim3A_853, %add3A_869, %broadcast_in_dim3A_851] : memref<4x64x128xf32, #tpu.memory_space<vmem>>[vector<16xi32>, vector<16xi32>, vector<16xi32>], vector<16xf32>,
      %mul3A_872 = arith.mulf %gather3A_870, %gather3A_871 : vector<16xf32>
      %add3A_873 = arith.addf %add3A_866, %mul3A_872 : vector<16xf32>
      %add3A_874 = arith.constant 48 : i32
      %add3A_875 = vector.broadcast %add3A_874 : i32 to vector<16xi32>
      %add3A_876 = arith.addi %iota3A_184, %add3A_875 : vector<16xi32>
      %gather3A_877 = tpu.vector_load_idx %arg7[%broadcast_in_dim3A_853, %add3A_876, %broadcast_in_dim3A_846] : memref<4x64x128xf32, #tpu.memory_space<vmem>>[vector<16xi32>, vector<16xi32>, vector<16xi32>], vector<16xf32>,
      %gather3A_878 = tpu.vector_load_idx %arg8[%broadcast_in_dim3A_853, %add3A_876, %broadcast_in_dim3A_851] : memref<4x64x128xf32, #tpu.memory_space<vmem>>[vector<16xi32>, vector<16xi32>, vector<16xi32>], vector<16xf32>,
      %mul3A_879 = arith.mulf %gather3A_877, %gather3A_878 : vector<16xf32>
      %add3A_880 = arith.addf %add3A_873, %mul3A_879 : vector<16xf32>
      %add3A_881 = arith.constant 4 : i32
      %add3A_882 = arith.addi %add3A_811, %add3A_881 : i32
      %min3A_883 = arith.constant 511 : i32
      %min3A_884 = arith.minsi %add3A_882, %min3A_883 : i32
      %get3A_885 = arith.index_cast %min3A_884 : i32 to index
      %get3A_886 = tpu.vector_load %arg6[%get3A_885] {strides = array<i32>} : memref<1040xi32, #tpu.memory_space<vmem>>, vector<16xi32>,
      %slice3A_887 = vector.extract_strided_slice %get3A_886 {offsets = [0], sizes = [1], strides = [1]} : vector<16xi32> to vector<1xi32>
      %squeeze3A_888 = vector.extract %slice3A_887[0] : i32 from vector<1xi32>
      %add3A_889 = arith.constant 512 : i32
      %add3A_890 = arith.addi %add3A_889, %min3A_884 : i32
      %get3A_891 = arith.index_cast %add3A_890 : i32 to index
      %get3A_892 = tpu.vector_load %arg6[%get3A_891] {strides = array<i32>} : memref<1040xi32, #tpu.memory_space<vmem>>, vector<16xi32>,
      %slice3A_893 = vector.extract_strided_slice %get3A_892 {offsets = [0], sizes = [1], strides = [1]} : vector<16xi32> to vector<1xi32>
      %squeeze3A_894 = vector.extract %slice3A_893[0] : i32 from vector<1xi32>
      %shift_right_arithmetic3A_895 = arith.constant 7 : i32
      %shift_right_arithmetic3A_896 = arith.shrsi %squeeze3A_888, %shift_right_arithmetic3A_895 : i32
      %mul3A_897 = arith.constant 128 : i32
      %mul3A_898 = arith.muli %shift_right_arithmetic3A_896, %mul3A_897 : i32
      %multiple_of3A_899 = tpu.assume_multiple %mul3A_898, 128 : i32
      %shift_right_arithmetic3A_900 = arith.constant 7 : i32
      %shift_right_arithmetic3A_901 = arith.shrsi %squeeze3A_894, %shift_right_arithmetic3A_900 : i32
      %mul3A_902 = arith.constant 128 : i32
      %mul3A_903 = arith.muli %shift_right_arithmetic3A_901, %mul3A_902 : i32
      %multiple_of3A_904 = tpu.assume_multiple %mul3A_903, 128 : i32
      %dma_start3A_905 = arith.constant 0 : i32
      %dma_start3A_906 = arith.constant 0 : i32
      %dma_start3A_907 = arith.constant 0 : i32
      %dma_start3A_908 = tpu.memref_slice %arg7[%dma_start3A_905, %dma_start3A_906, %dma_start3A_907] : memref<4x64x128xf32, #tpu.memory_space<vmem>> -> memref<1x64x128xf32, #tpu.memory_space<vmem>>
      %dma_start3A_909 = tpu.memref_squeeze %dma_start3A_908 : memref<1x64x128xf32, #tpu.memory_space<vmem>> -> memref<64x128xf32, #tpu.memory_space<vmem>>
      %dma_start3A_910 = arith.constant 0 : i32
      %dma_start3A_911 = tpu.memref_slice %arg3[%dma_start3A_910, %multiple_of3A_899] : memref<64x1000000xf32, #tpu.memory_space<hbm>> -> memref<64x128xf32, #tpu.memory_space<hbm>>
      %dma_start3A_912 = arith.constant 0 : i32
      %dma_start3A_913 = arith.constant 0 : i32
      %dma_start3A_914 = tpu.memref_slice %arg7[%dma_start3A_905, %dma_start3A_912, %dma_start3A_913] : memref<4x64x128xf32, #tpu.memory_space<vmem>> -> memref<1x64x128xf32, #tpu.memory_space<vmem>>
      %dma_start3A_915 = tpu.memref_squeeze %dma_start3A_914 : memref<1x64x128xf32, #tpu.memory_space<vmem>> -> memref<64x128xf32, #tpu.memory_space<vmem>>
      %dma_start3A_916 = arith.constant 0 : i32
      %dma_start3A_917 = tpu.memref_slice %arg3[%dma_start3A_916, %multiple_of3A_899] : memref<64x1000000xf32, #tpu.memory_space<hbm>> -> memref<64x128xf32, #tpu.memory_space<hbm>>
      tpu.enqueue_dma source(%dma_start3A_917 : memref<64x128xf32, #tpu.memory_space<hbm>>) target(%dma_start3A_915 : memref<64x128xf32, #tpu.memory_space<vmem>>) target_semaphore(%arg10 : memref<!tpu.dma_semaphore, #tpu.memory_space<semaphore_mem>>)
      %dma_start3A_918 = arith.constant 0 : i32
      %dma_start3A_919 = arith.constant 0 : i32
      %dma_start3A_920 = arith.constant 0 : i32
      %dma_start3A_921 = tpu.memref_slice %arg8[%dma_start3A_918, %dma_start3A_919, %dma_start3A_920] : memref<4x64x128xf32, #tpu.memory_space<vmem>> -> memref<1x64x128xf32, #tpu.memory_space<vmem>>
      %dma_start3A_922 = tpu.memref_squeeze %dma_start3A_921 : memref<1x64x128xf32, #tpu.memory_space<vmem>> -> memref<64x128xf32, #tpu.memory_space<vmem>>
      %dma_start3A_923 = arith.constant 0 : i32
      %dma_start3A_924 = tpu.memref_slice %arg4[%dma_start3A_923, %multiple_of3A_904] : memref<64x1000000xf32, #tpu.memory_space<hbm>> -> memref<64x128xf32, #tpu.memory_space<hbm>>
      %dma_start3A_925 = arith.constant 0 : i32
      %dma_start3A_926 = arith.constant 0 : i32
      %dma_start3A_927 = tpu.memref_slice %arg8[%dma_start3A_918, %dma_start3A_925, %dma_start3A_926] : memref<4x64x128xf32, #tpu.memory_space<vmem>> -> memref<1x64x128xf32, #tpu.memory_space<vmem>>
      %dma_start3A_928 = tpu.memref_squeeze %dma_start3A_927 : memref<1x64x128xf32, #tpu.memory_space<vmem>> -> memref<64x128xf32, #tpu.memory_space<vmem>>
      %dma_start3A_929 = arith.constant 0 : i32
      %dma_start3A_930 = tpu.memref_slice %arg4[%dma_start3A_929, %multiple_of3A_904] : memref<64x1000000xf32, #tpu.memory_space<hbm>> -> memref<64x128xf32, #tpu.memory_space<hbm>>
      tpu.enqueue_dma source(%dma_start3A_930 : memref<64x128xf32, #tpu.memory_space<hbm>>) target(%dma_start3A_928 : memref<64x128xf32, #tpu.memory_space<vmem>>) target_semaphore(%arg10 : memref<!tpu.dma_semaphore, #tpu.memory_space<semaphore_mem>>)
      %mul3A_931 = arith.constant 16 : i32
      %mul3A_932 = arith.muli %scan3A_309, %mul3A_931 : i32
      %add3A_933 = arith.constant 5 : i32
      %add3A_934 = arith.addi %mul3A_932, %add3A_933 : i32
      %dma_wait3A_935 = arith.constant 1 : i32
      %dma_wait3A_936 = arith.constant 0 : i32
      %dma_wait3A_937 = arith.constant 0 : i32
      %dma_wait3A_938 = tpu.memref_slice %arg7[%dma_wait3A_935, %dma_wait3A_936, %dma_wait3A_937] : memref<4x64x128xf32, #tpu.memory_space<vmem>> -> memref<1x64x128xf32, #tpu.memory_space<vmem>>
      %dma_wait3A_939 = tpu.memref_squeeze %dma_wait3A_938 : memref<1x64x128xf32, #tpu.memory_space<vmem>> -> memref<64x128xf32, #tpu.memory_space<vmem>>
      %dma_wait3A_940 = arith.constant 0 : i32
      %dma_wait3A_941 = arith.constant 0 : i32
      %dma_wait3A_942 = tpu.memref_slice %arg3[%dma_wait3A_940, %dma_wait3A_941] : memref<64x1000000xf32, #tpu.memory_space<hbm>> -> memref<64x128xf32, #tpu.memory_space<hbm>>
      %dma_wait3A_943 = arith.constant 0 : i32
      %dma_wait3A_944 = arith.constant 0 : i32
      %dma_wait3A_945 = tpu.memref_slice %arg7[%dma_wait3A_935, %dma_wait3A_943, %dma_wait3A_944] : memref<4x64x128xf32, #tpu.memory_space<vmem>> -> memref<1x64x128xf32, #tpu.memory_space<vmem>>
      %dma_wait3A_946 = tpu.memref_squeeze %dma_wait3A_945 : memref<1x64x128xf32, #tpu.memory_space<vmem>> -> memref<64x128xf32, #tpu.memory_space<vmem>>
      %dma_wait3A_947 = arith.constant 0 : i32
      %dma_wait3A_948 = arith.constant 0 : i32
      %dma_wait3A_949 = tpu.memref_slice %arg3[%dma_wait3A_947, %dma_wait3A_948] : memref<64x1000000xf32, #tpu.memory_space<hbm>> -> memref<64x128xf32, #tpu.memory_space<hbm>>
      tpu.wait_dma2 semaphore(%arg11 : memref<!tpu.dma_semaphore, #tpu.memory_space<semaphore_mem>>) src(%dma_wait3A_949 : memref<64x128xf32, #tpu.memory_space<hbm>>) dst(%dma_wait3A_946 : memref<64x128xf32, #tpu.memory_space<vmem>>)
      %dma_wait3A_950 = arith.constant 1 : i32
      %dma_wait3A_951 = arith.constant 0 : i32
      %dma_wait3A_952 = arith.constant 0 : i32
      %dma_wait3A_953 = tpu.memref_slice %arg8[%dma_wait3A_950, %dma_wait3A_951, %dma_wait3A_952] : memref<4x64x128xf32, #tpu.memory_space<vmem>> -> memref<1x64x128xf32, #tpu.memory_space<vmem>>
      %dma_wait3A_954 = tpu.memref_squeeze %dma_wait3A_953 : memref<1x64x128xf32, #tpu.memory_space<vmem>> -> memref<64x128xf32, #tpu.memory_space<vmem>>
      %dma_wait3A_955 = arith.constant 0 : i32
      %dma_wait3A_956 = arith.constant 0 : i32
      %dma_wait3A_957 = tpu.memref_slice %arg4[%dma_wait3A_955, %dma_wait3A_956] : memref<64x1000000xf32, #tpu.memory_space<hbm>> -> memref<64x128xf32, #tpu.memory_space<hbm>>
      %dma_wait3A_958 = arith.constant 0 : i32
      %dma_wait3A_959 = arith.constant 0 : i32
      %dma_wait3A_960 = tpu.memref_slice %arg8[%dma_wait3A_950, %dma_wait3A_958, %dma_wait3A_959] : memref<4x64x128xf32, #tpu.memory_space<vmem>> -> memref<1x64x128xf32, #tpu.memory_space<vmem>>
      %dma_wait3A_961 = tpu.memref_squeeze %dma_wait3A_960 : memref<1x64x128xf32, #tpu.memory_space<vmem>> -> memref<64x128xf32, #tpu.memory_space<vmem>>
      %dma_wait3A_962 = arith.constant 0 : i32
      %dma_wait3A_963 = arith.constant 0 : i32
      %dma_wait3A_964 = tpu.memref_slice %arg4[%dma_wait3A_962, %dma_wait3A_963] : memref<64x1000000xf32, #tpu.memory_space<hbm>> -> memref<64x128xf32, #tpu.memory_space<hbm>>
      tpu.wait_dma2 semaphore(%arg11 : memref<!tpu.dma_semaphore, #tpu.memory_space<semaphore_mem>>) src(%dma_wait3A_964 : memref<64x128xf32, #tpu.memory_space<hbm>>) dst(%dma_wait3A_961 : memref<64x128xf32, #tpu.memory_space<vmem>>)
      %slice3A_965 = vector.extract_strided_slice %get3A_313 {offsets = [5], sizes = [1], strides = [1]} : vector<16xi32> to vector<1xi32>
      %squeeze3A_966 = vector.extract %slice3A_965[0] : i32 from vector<1xi32>
      %and3A_967 = arith.constant 127 : i32
      %and3A_968 = arith.andi %squeeze3A_966, %and3A_967 : i32
      %broadcast_in_dim3A_969 = vector.broadcast %and3A_968 : i32 to vector<16xi32>
      %slice3A_970 = vector.extract_strided_slice %get3A_319 {offsets = [5], sizes = [1], strides = [1]} : vector<16xi32> to vector<1xi32>
      %squeeze3A_971 = vector.extract %slice3A_970[0] : i32 from vector<1xi32>
      %and3A_972 = arith.constant 127 : i32
      %and3A_973 = arith.andi %squeeze3A_971, %and3A_972 : i32
      %broadcast_in_dim3A_974 = vector.broadcast %and3A_973 : i32 to vector<16xi32>
      %broadcast_in_dim3A_975 = arith.constant 1 : i32
      %broadcast_in_dim3A_976 = vector.broadcast %broadcast_in_dim3A_975 : i32 to vector<16xi32>
      %add3A_977 = arith.constant 0 : i32
      %add3A_978 = vector.broadcast %add3A_977 : i32 to vector<16xi32>
      %add3A_979 = arith.addi %iota3A_184, %add3A_978 : vector<16xi32>
      %gather3A_980 = tpu.vector_load_idx %arg7[%broadcast_in_dim3A_976, %add3A_979, %broadcast_in_dim3A_969] : memref<4x64x128xf32, #tpu.memory_space<vmem>>[vector<16xi32>, vector<16xi32>, vector<16xi32>], vector<16xf32>,
      %gather3A_981 = tpu.vector_load_idx %arg8[%broadcast_in_dim3A_976, %add3A_979, %broadcast_in_dim3A_974] : memref<4x64x128xf32, #tpu.memory_space<vmem>>[vector<16xi32>, vector<16xi32>, vector<16xi32>], vector<16xf32>,
      %mul3A_982 = arith.mulf %gather3A_980, %gather3A_981 : vector<16xf32>
      %add3A_983 = arith.constant 16 : i32
      %add3A_984 = vector.broadcast %add3A_983 : i32 to vector<16xi32>
      %add3A_985 = arith.addi %iota3A_184, %add3A_984 : vector<16xi32>
      %gather3A_986 = tpu.vector_load_idx %arg7[%broadcast_in_dim3A_976, %add3A_985, %broadcast_in_dim3A_969] : memref<4x64x128xf32, #tpu.memory_space<vmem>>[vector<16xi32>, vector<16xi32>, vector<16xi32>], vector<16xf32>,
      %gather3A_987 = tpu.vector_load_idx %arg8[%broadcast_in_dim3A_976, %add3A_985, %broadcast_in_dim3A_974] : memref<4x64x128xf32, #tpu.memory_space<vmem>>[vector<16xi32>, vector<16xi32>, vector<16xi32>], vector<16xf32>,
      %mul3A_988 = arith.mulf %gather3A_986, %gather3A_987 : vector<16xf32>
      %add3A_989 = arith.addf %mul3A_982, %mul3A_988 : vector<16xf32>
      %add3A_990 = arith.constant 32 : i32
      %add3A_991 = vector.broadcast %add3A_990 : i32 to vector<16xi32>
      %add3A_992 = arith.addi %iota3A_184, %add3A_991 : vector<16xi32>
      %gather3A_993 = tpu.vector_load_idx %arg7[%broadcast_in_dim3A_976, %add3A_992, %broadcast_in_dim3A_969] : memref<4x64x128xf32, #tpu.memory_space<vmem>>[vector<16xi32>, vector<16xi32>, vector<16xi32>], vector<16xf32>,
      %gather3A_994 = tpu.vector_load_idx %arg8[%broadcast_in_dim3A_976, %add3A_992, %broadcast_in_dim3A_974] : memref<4x64x128xf32, #tpu.memory_space<vmem>>[vector<16xi32>, vector<16xi32>, vector<16xi32>], vector<16xf32>,
      %mul3A_995 = arith.mulf %gather3A_993, %gather3A_994 : vector<16xf32>
      %add3A_996 = arith.addf %add3A_989, %mul3A_995 : vector<16xf32>
      %add3A_997 = arith.constant 48 : i32
      %add3A_998 = vector.broadcast %add3A_997 : i32 to vector<16xi32>
      %add3A_999 = arith.addi %iota3A_184, %add3A_998 : vector<16xi32>
      %gather3A_1000 = tpu.vector_load_idx %arg7[%broadcast_in_dim3A_976, %add3A_999, %broadcast_in_dim3A_969] : memref<4x64x128xf32, #tpu.memory_space<vmem>>[vector<16xi32>, vector<16xi32>, vector<16xi32>], vector<16xf32>,
      %gather3A_1001 = tpu.vector_load_idx %arg8[%broadcast_in_dim3A_976, %add3A_999, %broadcast_in_dim3A_974] : memref<4x64x128xf32, #tpu.memory_space<vmem>>[vector<16xi32>, vector<16xi32>, vector<16xi32>], vector<16xf32>,
      %mul3A_1002 = arith.mulf %gather3A_1000, %gather3A_1001 : vector<16xf32>
      %add3A_1003 = arith.addf %add3A_996, %mul3A_1002 : vector<16xf32>
      %add3A_1004 = arith.constant 4 : i32
      %add3A_1005 = arith.addi %add3A_934, %add3A_1004 : i32
      %min3A_1006 = arith.constant 511 : i32
      %min3A_1007 = arith.minsi %add3A_1005, %min3A_1006 : i32
      %get3A_1008 = arith.index_cast %min3A_1007 : i32 to index
      %get3A_1009 = tpu.vector_load %arg6[%get3A_1008] {strides = array<i32>} : memref<1040xi32, #tpu.memory_space<vmem>>, vector<16xi32>,
      %slice3A_1010 = vector.extract_strided_slice %get3A_1009 {offsets = [0], sizes = [1], strides = [1]} : vector<16xi32> to vector<1xi32>
      %squeeze3A_1011 = vector.extract %slice3A_1010[0] : i32 from vector<1xi32>
      %add3A_1012 = arith.constant 512 : i32
      %add3A_1013 = arith.addi %add3A_1012, %min3A_1007 : i32
      %get3A_1014 = arith.index_cast %add3A_1013 : i32 to index
      %get3A_1015 = tpu.vector_load %arg6[%get3A_1014] {strides = array<i32>} : memref<1040xi32, #tpu.memory_space<vmem>>, vector<16xi32>,
      %slice3A_1016 = vector.extract_strided_slice %get3A_1015 {offsets = [0], sizes = [1], strides = [1]} : vector<16xi32> to vector<1xi32>
      %squeeze3A_1017 = vector.extract %slice3A_1016[0] : i32 from vector<1xi32>
      %shift_right_arithmetic3A_1018 = arith.constant 7 : i32
      %shift_right_arithmetic3A_1019 = arith.shrsi %squeeze3A_1011, %shift_right_arithmetic3A_1018 : i32
      %mul3A_1020 = arith.constant 128 : i32
      %mul3A_1021 = arith.muli %shift_right_arithmetic3A_1019, %mul3A_1020 : i32
      %multiple_of3A_1022 = tpu.assume_multiple %mul3A_1021, 128 : i32
      %shift_right_arithmetic3A_1023 = arith.constant 7 : i32
      %shift_right_arithmetic3A_1024 = arith.shrsi %squeeze3A_1017, %shift_right_arithmetic3A_1023 : i32
      %mul3A_1025 = arith.constant 128 : i32
      %mul3A_1026 = arith.muli %shift_right_arithmetic3A_1024, %mul3A_1025 : i32
      %multiple_of3A_1027 = tpu.assume_multiple %mul3A_1026, 128 : i32
      %dma_start3A_1028 = arith.constant 1 : i32
      %dma_start3A_1029 = arith.constant 0 : i32
      %dma_start3A_1030 = arith.constant 0 : i32
      %dma_start3A_1031 = tpu.memref_slice %arg7[%dma_start3A_1028, %dma_start3A_1029, %dma_start3A_1030] : memref<4x64x128xf32, #tpu.memory_space<vmem>> -> memref<1x64x128xf32, #tpu.memory_space<vmem>>
      %dma_start3A_1032 = tpu.memref_squeeze %dma_start3A_1031 : memref<1x64x128xf32, #tpu.memory_space<vmem>> -> memref<64x128xf32, #tpu.memory_space<vmem>>
      %dma_start3A_1033 = arith.constant 0 : i32
      %dma_start3A_1034 = tpu.memref_slice %arg3[%dma_start3A_1033, %multiple_of3A_1022] : memref<64x1000000xf32, #tpu.memory_space<hbm>> -> memref<64x128xf32, #tpu.memory_space<hbm>>
      %dma_start3A_1035 = arith.constant 0 : i32
      %dma_start3A_1036 = arith.constant 0 : i32
      %dma_start3A_1037 = tpu.memref_slice %arg7[%dma_start3A_1028, %dma_start3A_1035, %dma_start3A_1036] : memref<4x64x128xf32, #tpu.memory_space<vmem>> -> memref<1x64x128xf32, #tpu.memory_space<vmem>>
      %dma_start3A_1038 = tpu.memref_squeeze %dma_start3A_1037 : memref<1x64x128xf32, #tpu.memory_space<vmem>> -> memref<64x128xf32, #tpu.memory_space<vmem>>
      %dma_start3A_1039 = arith.constant 0 : i32
      %dma_start3A_1040 = tpu.memref_slice %arg3[%dma_start3A_1039, %multiple_of3A_1022] : memref<64x1000000xf32, #tpu.memory_space<hbm>> -> memref<64x128xf32, #tpu.memory_space<hbm>>
      tpu.enqueue_dma source(%dma_start3A_1040 : memref<64x128xf32, #tpu.memory_space<hbm>>) target(%dma_start3A_1038 : memref<64x128xf32, #tpu.memory_space<vmem>>) target_semaphore(%arg11 : memref<!tpu.dma_semaphore, #tpu.memory_space<semaphore_mem>>)
      %dma_start3A_1041 = arith.constant 1 : i32
      %dma_start3A_1042 = arith.constant 0 : i32
      %dma_start3A_1043 = arith.constant 0 : i32
      %dma_start3A_1044 = tpu.memref_slice %arg8[%dma_start3A_1041, %dma_start3A_1042, %dma_start3A_1043] : memref<4x64x128xf32, #tpu.memory_space<vmem>> -> memref<1x64x128xf32, #tpu.memory_space<vmem>>
      %dma_start3A_1045 = tpu.memref_squeeze %dma_start3A_1044 : memref<1x64x128xf32, #tpu.memory_space<vmem>> -> memref<64x128xf32, #tpu.memory_space<vmem>>
      %dma_start3A_1046 = arith.constant 0 : i32
      %dma_start3A_1047 = tpu.memref_slice %arg4[%dma_start3A_1046, %multiple_of3A_1027] : memref<64x1000000xf32, #tpu.memory_space<hbm>> -> memref<64x128xf32, #tpu.memory_space<hbm>>
      %dma_start3A_1048 = arith.constant 0 : i32
      %dma_start3A_1049 = arith.constant 0 : i32
      %dma_start3A_1050 = tpu.memref_slice %arg8[%dma_start3A_1041, %dma_start3A_1048, %dma_start3A_1049] : memref<4x64x128xf32, #tpu.memory_space<vmem>> -> memref<1x64x128xf32, #tpu.memory_space<vmem>>
      %dma_start3A_1051 = tpu.memref_squeeze %dma_start3A_1050 : memref<1x64x128xf32, #tpu.memory_space<vmem>> -> memref<64x128xf32, #tpu.memory_space<vmem>>
      %dma_start3A_1052 = arith.constant 0 : i32
      %dma_start3A_1053 = tpu.memref_slice %arg4[%dma_start3A_1052, %multiple_of3A_1027] : memref<64x1000000xf32, #tpu.memory_space<hbm>> -> memref<64x128xf32, #tpu.memory_space<hbm>>
      tpu.enqueue_dma source(%dma_start3A_1053 : memref<64x128xf32, #tpu.memory_space<hbm>>) target(%dma_start3A_1051 : memref<64x128xf32, #tpu.memory_space<vmem>>) target_semaphore(%arg11 : memref<!tpu.dma_semaphore, #tpu.memory_space<semaphore_mem>>)
      %mul3A_1054 = arith.constant 16 : i32
      %mul3A_1055 = arith.muli %scan3A_309, %mul3A_1054 : i32
      %add3A_1056 = arith.constant 6 : i32
      %add3A_1057 = arith.addi %mul3A_1055, %add3A_1056 : i32
      %dma_wait3A_1058 = arith.constant 2 : i32
      %dma_wait3A_1059 = arith.constant 0 : i32
      %dma_wait3A_1060 = arith.constant 0 : i32
      %dma_wait3A_1061 = tpu.memref_slice %arg7[%dma_wait3A_1058, %dma_wait3A_1059, %dma_wait3A_1060] : memref<4x64x128xf32, #tpu.memory_space<vmem>> -> memref<1x64x128xf32, #tpu.memory_space<vmem>>
      %dma_wait3A_1062 = tpu.memref_squeeze %dma_wait3A_1061 : memref<1x64x128xf32, #tpu.memory_space<vmem>> -> memref<64x128xf32, #tpu.memory_space<vmem>>
      %dma_wait3A_1063 = arith.constant 0 : i32
      %dma_wait3A_1064 = arith.constant 0 : i32
      %dma_wait3A_1065 = tpu.memref_slice %arg3[%dma_wait3A_1063, %dma_wait3A_1064] : memref<64x1000000xf32, #tpu.memory_space<hbm>> -> memref<64x128xf32, #tpu.memory_space<hbm>>
      %dma_wait3A_1066 = arith.constant 0 : i32
      %dma_wait3A_1067 = arith.constant 0 : i32
      %dma_wait3A_1068 = tpu.memref_slice %arg7[%dma_wait3A_1058, %dma_wait3A_1066, %dma_wait3A_1067] : memref<4x64x128xf32, #tpu.memory_space<vmem>> -> memref<1x64x128xf32, #tpu.memory_space<vmem>>
      %dma_wait3A_1069 = tpu.memref_squeeze %dma_wait3A_1068 : memref<1x64x128xf32, #tpu.memory_space<vmem>> -> memref<64x128xf32, #tpu.memory_space<vmem>>
      %dma_wait3A_1070 = arith.constant 0 : i32
      %dma_wait3A_1071 = arith.constant 0 : i32
      %dma_wait3A_1072 = tpu.memref_slice %arg3[%dma_wait3A_1070, %dma_wait3A_1071] : memref<64x1000000xf32, #tpu.memory_space<hbm>> -> memref<64x128xf32, #tpu.memory_space<hbm>>
      tpu.wait_dma2 semaphore(%arg12 : memref<!tpu.dma_semaphore, #tpu.memory_space<semaphore_mem>>) src(%dma_wait3A_1072 : memref<64x128xf32, #tpu.memory_space<hbm>>) dst(%dma_wait3A_1069 : memref<64x128xf32, #tpu.memory_space<vmem>>)
      %dma_wait3A_1073 = arith.constant 2 : i32
      %dma_wait3A_1074 = arith.constant 0 : i32
      %dma_wait3A_1075 = arith.constant 0 : i32
      %dma_wait3A_1076 = tpu.memref_slice %arg8[%dma_wait3A_1073, %dma_wait3A_1074, %dma_wait3A_1075] : memref<4x64x128xf32, #tpu.memory_space<vmem>> -> memref<1x64x128xf32, #tpu.memory_space<vmem>>
      %dma_wait3A_1077 = tpu.memref_squeeze %dma_wait3A_1076 : memref<1x64x128xf32, #tpu.memory_space<vmem>> -> memref<64x128xf32, #tpu.memory_space<vmem>>
      %dma_wait3A_1078 = arith.constant 0 : i32
      %dma_wait3A_1079 = arith.constant 0 : i32
      %dma_wait3A_1080 = tpu.memref_slice %arg4[%dma_wait3A_1078, %dma_wait3A_1079] : memref<64x1000000xf32, #tpu.memory_space<hbm>> -> memref<64x128xf32, #tpu.memory_space<hbm>>
      %dma_wait3A_1081 = arith.constant 0 : i32
      %dma_wait3A_1082 = arith.constant 0 : i32
      %dma_wait3A_1083 = tpu.memref_slice %arg8[%dma_wait3A_1073, %dma_wait3A_1081, %dma_wait3A_1082] : memref<4x64x128xf32, #tpu.memory_space<vmem>> -> memref<1x64x128xf32, #tpu.memory_space<vmem>>
      %dma_wait3A_1084 = tpu.memref_squeeze %dma_wait3A_1083 : memref<1x64x128xf32, #tpu.memory_space<vmem>> -> memref<64x128xf32, #tpu.memory_space<vmem>>
      %dma_wait3A_1085 = arith.constant 0 : i32
      %dma_wait3A_1086 = arith.constant 0 : i32
      %dma_wait3A_1087 = tpu.memref_slice %arg4[%dma_wait3A_1085, %dma_wait3A_1086] : memref<64x1000000xf32, #tpu.memory_space<hbm>> -> memref<64x128xf32, #tpu.memory_space<hbm>>
      tpu.wait_dma2 semaphore(%arg12 : memref<!tpu.dma_semaphore, #tpu.memory_space<semaphore_mem>>) src(%dma_wait3A_1087 : memref<64x128xf32, #tpu.memory_space<hbm>>) dst(%dma_wait3A_1084 : memref<64x128xf32, #tpu.memory_space<vmem>>)
      %slice3A_1088 = vector.extract_strided_slice %get3A_313 {offsets = [6], sizes = [1], strides = [1]} : vector<16xi32> to vector<1xi32>
      %squeeze3A_1089 = vector.extract %slice3A_1088[0] : i32 from vector<1xi32>
      %and3A_1090 = arith.constant 127 : i32
      %and3A_1091 = arith.andi %squeeze3A_1089, %and3A_1090 : i32
      %broadcast_in_dim3A_1092 = vector.broadcast %and3A_1091 : i32 to vector<16xi32>
      %slice3A_1093 = vector.extract_strided_slice %get3A_319 {offsets = [6], sizes = [1], strides = [1]} : vector<16xi32> to vector<1xi32>
      %squeeze3A_1094 = vector.extract %slice3A_1093[0] : i32 from vector<1xi32>
      %and3A_1095 = arith.constant 127 : i32
      %and3A_1096 = arith.andi %squeeze3A_1094, %and3A_1095 : i32
      %broadcast_in_dim3A_1097 = vector.broadcast %and3A_1096 : i32 to vector<16xi32>
      %broadcast_in_dim3A_1098 = arith.constant 2 : i32
      %broadcast_in_dim3A_1099 = vector.broadcast %broadcast_in_dim3A_1098 : i32 to vector<16xi32>
      %add3A_1100 = arith.constant 0 : i32
      %add3A_1101 = vector.broadcast %add3A_1100 : i32 to vector<16xi32>
      %add3A_1102 = arith.addi %iota3A_184, %add3A_1101 : vector<16xi32>
      %gather3A_1103 = tpu.vector_load_idx %arg7[%broadcast_in_dim3A_1099, %add3A_1102, %broadcast_in_dim3A_1092] : memref<4x64x128xf32, #tpu.memory_space<vmem>>[vector<16xi32>, vector<16xi32>, vector<16xi32>], vector<16xf32>,
      %gather3A_1104 = tpu.vector_load_idx %arg8[%broadcast_in_dim3A_1099, %add3A_1102, %broadcast_in_dim3A_1097] : memref<4x64x128xf32, #tpu.memory_space<vmem>>[vector<16xi32>, vector<16xi32>, vector<16xi32>], vector<16xf32>,
      %mul3A_1105 = arith.mulf %gather3A_1103, %gather3A_1104 : vector<16xf32>
      %add3A_1106 = arith.constant 16 : i32
      %add3A_1107 = vector.broadcast %add3A_1106 : i32 to vector<16xi32>
      %add3A_1108 = arith.addi %iota3A_184, %add3A_1107 : vector<16xi32>
      %gather3A_1109 = tpu.vector_load_idx %arg7[%broadcast_in_dim3A_1099, %add3A_1108, %broadcast_in_dim3A_1092] : memref<4x64x128xf32, #tpu.memory_space<vmem>>[vector<16xi32>, vector<16xi32>, vector<16xi32>], vector<16xf32>,
      %gather3A_1110 = tpu.vector_load_idx %arg8[%broadcast_in_dim3A_1099, %add3A_1108, %broadcast_in_dim3A_1097] : memref<4x64x128xf32, #tpu.memory_space<vmem>>[vector<16xi32>, vector<16xi32>, vector<16xi32>], vector<16xf32>,
      %mul3A_1111 = arith.mulf %gather3A_1109, %gather3A_1110 : vector<16xf32>
      %add3A_1112 = arith.addf %mul3A_1105, %mul3A_1111 : vector<16xf32>
      %add3A_1113 = arith.constant 32 : i32
      %add3A_1114 = vector.broadcast %add3A_1113 : i32 to vector<16xi32>
      %add3A_1115 = arith.addi %iota3A_184, %add3A_1114 : vector<16xi32>
      %gather3A_1116 = tpu.vector_load_idx %arg7[%broadcast_in_dim3A_1099, %add3A_1115, %broadcast_in_dim3A_1092] : memref<4x64x128xf32, #tpu.memory_space<vmem>>[vector<16xi32>, vector<16xi32>, vector<16xi32>], vector<16xf32>,
      %gather3A_1117 = tpu.vector_load_idx %arg8[%broadcast_in_dim3A_1099, %add3A_1115, %broadcast_in_dim3A_1097] : memref<4x64x128xf32, #tpu.memory_space<vmem>>[vector<16xi32>, vector<16xi32>, vector<16xi32>], vector<16xf32>,
      %mul3A_1118 = arith.mulf %gather3A_1116, %gather3A_1117 : vector<16xf32>
      %add3A_1119 = arith.addf %add3A_1112, %mul3A_1118 : vector<16xf32>
      %add3A_1120 = arith.constant 48 : i32
      %add3A_1121 = vector.broadcast %add3A_1120 : i32 to vector<16xi32>
      %add3A_1122 = arith.addi %iota3A_184, %add3A_1121 : vector<16xi32>
      %gather3A_1123 = tpu.vector_load_idx %arg7[%broadcast_in_dim3A_1099, %add3A_1122, %broadcast_in_dim3A_1092] : memref<4x64x128xf32, #tpu.memory_space<vmem>>[vector<16xi32>, vector<16xi32>, vector<16xi32>], vector<16xf32>,
      %gather3A_1124 = tpu.vector_load_idx %arg8[%broadcast_in_dim3A_1099, %add3A_1122, %broadcast_in_dim3A_1097] : memref<4x64x128xf32, #tpu.memory_space<vmem>>[vector<16xi32>, vector<16xi32>, vector<16xi32>], vector<16xf32>,
      %mul3A_1125 = arith.mulf %gather3A_1123, %gather3A_1124 : vector<16xf32>
      %add3A_1126 = arith.addf %add3A_1119, %mul3A_1125 : vector<16xf32>
      %add3A_1127 = arith.constant 4 : i32
      %add3A_1128 = arith.addi %add3A_1057, %add3A_1127 : i32
      %min3A_1129 = arith.constant 511 : i32
      %min3A_1130 = arith.minsi %add3A_1128, %min3A_1129 : i32
      %get3A_1131 = arith.index_cast %min3A_1130 : i32 to index
      %get3A_1132 = tpu.vector_load %arg6[%get3A_1131] {strides = array<i32>} : memref<1040xi32, #tpu.memory_space<vmem>>, vector<16xi32>,
      %slice3A_1133 = vector.extract_strided_slice %get3A_1132 {offsets = [0], sizes = [1], strides = [1]} : vector<16xi32> to vector<1xi32>
      %squeeze3A_1134 = vector.extract %slice3A_1133[0] : i32 from vector<1xi32>
      %add3A_1135 = arith.constant 512 : i32
      %add3A_1136 = arith.addi %add3A_1135, %min3A_1130 : i32
      %get3A_1137 = arith.index_cast %add3A_1136 : i32 to index
      %get3A_1138 = tpu.vector_load %arg6[%get3A_1137] {strides = array<i32>} : memref<1040xi32, #tpu.memory_space<vmem>>, vector<16xi32>,
      %slice3A_1139 = vector.extract_strided_slice %get3A_1138 {offsets = [0], sizes = [1], strides = [1]} : vector<16xi32> to vector<1xi32>
      %squeeze3A_1140 = vector.extract %slice3A_1139[0] : i32 from vector<1xi32>
      %shift_right_arithmetic3A_1141 = arith.constant 7 : i32
      %shift_right_arithmetic3A_1142 = arith.shrsi %squeeze3A_1134, %shift_right_arithmetic3A_1141 : i32
      %mul3A_1143 = arith.constant 128 : i32
      %mul3A_1144 = arith.muli %shift_right_arithmetic3A_1142, %mul3A_1143 : i32
      %multiple_of3A_1145 = tpu.assume_multiple %mul3A_1144, 128 : i32
      %shift_right_arithmetic3A_1146 = arith.constant 7 : i32
      %shift_right_arithmetic3A_1147 = arith.shrsi %squeeze3A_1140, %shift_right_arithmetic3A_1146 : i32
      %mul3A_1148 = arith.constant 128 : i32
      %mul3A_1149 = arith.muli %shift_right_arithmetic3A_1147, %mul3A_1148 : i32
      %multiple_of3A_1150 = tpu.assume_multiple %mul3A_1149, 128 : i32
      %dma_start3A_1151 = arith.constant 2 : i32
      %dma_start3A_1152 = arith.constant 0 : i32
      %dma_start3A_1153 = arith.constant 0 : i32
      %dma_start3A_1154 = tpu.memref_slice %arg7[%dma_start3A_1151, %dma_start3A_1152, %dma_start3A_1153] : memref<4x64x128xf32, #tpu.memory_space<vmem>> -> memref<1x64x128xf32, #tpu.memory_space<vmem>>
      %dma_start3A_1155 = tpu.memref_squeeze %dma_start3A_1154 : memref<1x64x128xf32, #tpu.memory_space<vmem>> -> memref<64x128xf32, #tpu.memory_space<vmem>>
      %dma_start3A_1156 = arith.constant 0 : i32
      %dma_start3A_1157 = tpu.memref_slice %arg3[%dma_start3A_1156, %multiple_of3A_1145] : memref<64x1000000xf32, #tpu.memory_space<hbm>> -> memref<64x128xf32, #tpu.memory_space<hbm>>
      %dma_start3A_1158 = arith.constant 0 : i32
      %dma_start3A_1159 = arith.constant 0 : i32
      %dma_start3A_1160 = tpu.memref_slice %arg7[%dma_start3A_1151, %dma_start3A_1158, %dma_start3A_1159] : memref<4x64x128xf32, #tpu.memory_space<vmem>> -> memref<1x64x128xf32, #tpu.memory_space<vmem>>
      %dma_start3A_1161 = tpu.memref_squeeze %dma_start3A_1160 : memref<1x64x128xf32, #tpu.memory_space<vmem>> -> memref<64x128xf32, #tpu.memory_space<vmem>>
      %dma_start3A_1162 = arith.constant 0 : i32
      %dma_start3A_1163 = tpu.memref_slice %arg3[%dma_start3A_1162, %multiple_of3A_1145] : memref<64x1000000xf32, #tpu.memory_space<hbm>> -> memref<64x128xf32, #tpu.memory_space<hbm>>
      tpu.enqueue_dma source(%dma_start3A_1163 : memref<64x128xf32, #tpu.memory_space<hbm>>) target(%dma_start3A_1161 : memref<64x128xf32, #tpu.memory_space<vmem>>) target_semaphore(%arg12 : memref<!tpu.dma_semaphore, #tpu.memory_space<semaphore_mem>>)
      %dma_start3A_1164 = arith.constant 2 : i32
      %dma_start3A_1165 = arith.constant 0 : i32
      %dma_start3A_1166 = arith.constant 0 : i32
      %dma_start3A_1167 = tpu.memref_slice %arg8[%dma_start3A_1164, %dma_start3A_1165, %dma_start3A_1166] : memref<4x64x128xf32, #tpu.memory_space<vmem>> -> memref<1x64x128xf32, #tpu.memory_space<vmem>>
      %dma_start3A_1168 = tpu.memref_squeeze %dma_start3A_1167 : memref<1x64x128xf32, #tpu.memory_space<vmem>> -> memref<64x128xf32, #tpu.memory_space<vmem>>
      %dma_start3A_1169 = arith.constant 0 : i32
      %dma_start3A_1170 = tpu.memref_slice %arg4[%dma_start3A_1169, %multiple_of3A_1150] : memref<64x1000000xf32, #tpu.memory_space<hbm>> -> memref<64x128xf32, #tpu.memory_space<hbm>>
      %dma_start3A_1171 = arith.constant 0 : i32
      %dma_start3A_1172 = arith.constant 0 : i32
      %dma_start3A_1173 = tpu.memref_slice %arg8[%dma_start3A_1164, %dma_start3A_1171, %dma_start3A_1172] : memref<4x64x128xf32, #tpu.memory_space<vmem>> -> memref<1x64x128xf32, #tpu.memory_space<vmem>>
      %dma_start3A_1174 = tpu.memref_squeeze %dma_start3A_1173 : memref<1x64x128xf32, #tpu.memory_space<vmem>> -> memref<64x128xf32, #tpu.memory_space<vmem>>
      %dma_start3A_1175 = arith.constant 0 : i32
      %dma_start3A_1176 = tpu.memref_slice %arg4[%dma_start3A_1175, %multiple_of3A_1150] : memref<64x1000000xf32, #tpu.memory_space<hbm>> -> memref<64x128xf32, #tpu.memory_space<hbm>>
      tpu.enqueue_dma source(%dma_start3A_1176 : memref<64x128xf32, #tpu.memory_space<hbm>>) target(%dma_start3A_1174 : memref<64x128xf32, #tpu.memory_space<vmem>>) target_semaphore(%arg12 : memref<!tpu.dma_semaphore, #tpu.memory_space<semaphore_mem>>)
      %mul3A_1177 = arith.constant 16 : i32
      %mul3A_1178 = arith.muli %scan3A_309, %mul3A_1177 : i32
      %add3A_1179 = arith.constant 7 : i32
      %add3A_1180 = arith.addi %mul3A_1178, %add3A_1179 : i32
      %dma_wait3A_1181 = arith.constant 3 : i32
      %dma_wait3A_1182 = arith.constant 0 : i32
      %dma_wait3A_1183 = arith.constant 0 : i32
      %dma_wait3A_1184 = tpu.memref_slice %arg7[%dma_wait3A_1181, %dma_wait3A_1182, %dma_wait3A_1183] : memref<4x64x128xf32, #tpu.memory_space<vmem>> -> memref<1x64x128xf32, #tpu.memory_space<vmem>>
      %dma_wait3A_1185 = tpu.memref_squeeze %dma_wait3A_1184 : memref<1x64x128xf32, #tpu.memory_space<vmem>> -> memref<64x128xf32, #tpu.memory_space<vmem>>
      %dma_wait3A_1186 = arith.constant 0 : i32
      %dma_wait3A_1187 = arith.constant 0 : i32
      %dma_wait3A_1188 = tpu.memref_slice %arg3[%dma_wait3A_1186, %dma_wait3A_1187] : memref<64x1000000xf32, #tpu.memory_space<hbm>> -> memref<64x128xf32, #tpu.memory_space<hbm>>
      %dma_wait3A_1189 = arith.constant 0 : i32
      %dma_wait3A_1190 = arith.constant 0 : i32
      %dma_wait3A_1191 = tpu.memref_slice %arg7[%dma_wait3A_1181, %dma_wait3A_1189, %dma_wait3A_1190] : memref<4x64x128xf32, #tpu.memory_space<vmem>> -> memref<1x64x128xf32, #tpu.memory_space<vmem>>
      %dma_wait3A_1192 = tpu.memref_squeeze %dma_wait3A_1191 : memref<1x64x128xf32, #tpu.memory_space<vmem>> -> memref<64x128xf32, #tpu.memory_space<vmem>>
      %dma_wait3A_1193 = arith.constant 0 : i32
      %dma_wait3A_1194 = arith.constant 0 : i32
      %dma_wait3A_1195 = tpu.memref_slice %arg3[%dma_wait3A_1193, %dma_wait3A_1194] : memref<64x1000000xf32, #tpu.memory_space<hbm>> -> memref<64x128xf32, #tpu.memory_space<hbm>>
      tpu.wait_dma2 semaphore(%arg13 : memref<!tpu.dma_semaphore, #tpu.memory_space<semaphore_mem>>) src(%dma_wait3A_1195 : memref<64x128xf32, #tpu.memory_space<hbm>>) dst(%dma_wait3A_1192 : memref<64x128xf32, #tpu.memory_space<vmem>>)
      %dma_wait3A_1196 = arith.constant 3 : i32
      %dma_wait3A_1197 = arith.constant 0 : i32
      %dma_wait3A_1198 = arith.constant 0 : i32
      %dma_wait3A_1199 = tpu.memref_slice %arg8[%dma_wait3A_1196, %dma_wait3A_1197, %dma_wait3A_1198] : memref<4x64x128xf32, #tpu.memory_space<vmem>> -> memref<1x64x128xf32, #tpu.memory_space<vmem>>
      %dma_wait3A_1200 = tpu.memref_squeeze %dma_wait3A_1199 : memref<1x64x128xf32, #tpu.memory_space<vmem>> -> memref<64x128xf32, #tpu.memory_space<vmem>>
      %dma_wait3A_1201 = arith.constant 0 : i32
      %dma_wait3A_1202 = arith.constant 0 : i32
      %dma_wait3A_1203 = tpu.memref_slice %arg4[%dma_wait3A_1201, %dma_wait3A_1202] : memref<64x1000000xf32, #tpu.memory_space<hbm>> -> memref<64x128xf32, #tpu.memory_space<hbm>>
      %dma_wait3A_1204 = arith.constant 0 : i32
      %dma_wait3A_1205 = arith.constant 0 : i32
      %dma_wait3A_1206 = tpu.memref_slice %arg8[%dma_wait3A_1196, %dma_wait3A_1204, %dma_wait3A_1205] : memref<4x64x128xf32, #tpu.memory_space<vmem>> -> memref<1x64x128xf32, #tpu.memory_space<vmem>>
      %dma_wait3A_1207 = tpu.memref_squeeze %dma_wait3A_1206 : memref<1x64x128xf32, #tpu.memory_space<vmem>> -> memref<64x128xf32, #tpu.memory_space<vmem>>
      %dma_wait3A_1208 = arith.constant 0 : i32
      %dma_wait3A_1209 = arith.constant 0 : i32
      %dma_wait3A_1210 = tpu.memref_slice %arg4[%dma_wait3A_1208, %dma_wait3A_1209] : memref<64x1000000xf32, #tpu.memory_space<hbm>> -> memref<64x128xf32, #tpu.memory_space<hbm>>
      tpu.wait_dma2 semaphore(%arg13 : memref<!tpu.dma_semaphore, #tpu.memory_space<semaphore_mem>>) src(%dma_wait3A_1210 : memref<64x128xf32, #tpu.memory_space<hbm>>) dst(%dma_wait3A_1207 : memref<64x128xf32, #tpu.memory_space<vmem>>)
      %slice3A_1211 = vector.extract_strided_slice %get3A_313 {offsets = [7], sizes = [1], strides = [1]} : vector<16xi32> to vector<1xi32>
      %squeeze3A_1212 = vector.extract %slice3A_1211[0] : i32 from vector<1xi32>
      %and3A_1213 = arith.constant 127 : i32
      %and3A_1214 = arith.andi %squeeze3A_1212, %and3A_1213 : i32
      %broadcast_in_dim3A_1215 = vector.broadcast %and3A_1214 : i32 to vector<16xi32>
      %slice3A_1216 = vector.extract_strided_slice %get3A_319 {offsets = [7], sizes = [1], strides = [1]} : vector<16xi32> to vector<1xi32>
      %squeeze3A_1217 = vector.extract %slice3A_1216[0] : i32 from vector<1xi32>
      %and3A_1218 = arith.constant 127 : i32
      %and3A_1219 = arith.andi %squeeze3A_1217, %and3A_1218 : i32
      %broadcast_in_dim3A_1220 = vector.broadcast %and3A_1219 : i32 to vector<16xi32>
      %broadcast_in_dim3A_1221 = arith.constant 3 : i32
      %broadcast_in_dim3A_1222 = vector.broadcast %broadcast_in_dim3A_1221 : i32 to vector<16xi32>
      %add3A_1223 = arith.constant 0 : i32
      %add3A_1224 = vector.broadcast %add3A_1223 : i32 to vector<16xi32>
      %add3A_1225 = arith.addi %iota3A_184, %add3A_1224 : vector<16xi32>
      %gather3A_1226 = tpu.vector_load_idx %arg7[%broadcast_in_dim3A_1222, %add3A_1225, %broadcast_in_dim3A_1215] : memref<4x64x128xf32, #tpu.memory_space<vmem>>[vector<16xi32>, vector<16xi32>, vector<16xi32>], vector<16xf32>,
      %gather3A_1227 = tpu.vector_load_idx %arg8[%broadcast_in_dim3A_1222, %add3A_1225, %broadcast_in_dim3A_1220] : memref<4x64x128xf32, #tpu.memory_space<vmem>>[vector<16xi32>, vector<16xi32>, vector<16xi32>], vector<16xf32>,
      %mul3A_1228 = arith.mulf %gather3A_1226, %gather3A_1227 : vector<16xf32>
      %add3A_1229 = arith.constant 16 : i32
      %add3A_1230 = vector.broadcast %add3A_1229 : i32 to vector<16xi32>
      %add3A_1231 = arith.addi %iota3A_184, %add3A_1230 : vector<16xi32>
      %gather3A_1232 = tpu.vector_load_idx %arg7[%broadcast_in_dim3A_1222, %add3A_1231, %broadcast_in_dim3A_1215] : memref<4x64x128xf32, #tpu.memory_space<vmem>>[vector<16xi32>, vector<16xi32>, vector<16xi32>], vector<16xf32>,
      %gather3A_1233 = tpu.vector_load_idx %arg8[%broadcast_in_dim3A_1222, %add3A_1231, %broadcast_in_dim3A_1220] : memref<4x64x128xf32, #tpu.memory_space<vmem>>[vector<16xi32>, vector<16xi32>, vector<16xi32>], vector<16xf32>,
      %mul3A_1234 = arith.mulf %gather3A_1232, %gather3A_1233 : vector<16xf32>
      %add3A_1235 = arith.addf %mul3A_1228, %mul3A_1234 : vector<16xf32>
      %add3A_1236 = arith.constant 32 : i32
      %add3A_1237 = vector.broadcast %add3A_1236 : i32 to vector<16xi32>
      %add3A_1238 = arith.addi %iota3A_184, %add3A_1237 : vector<16xi32>
      %gather3A_1239 = tpu.vector_load_idx %arg7[%broadcast_in_dim3A_1222, %add3A_1238, %broadcast_in_dim3A_1215] : memref<4x64x128xf32, #tpu.memory_space<vmem>>[vector<16xi32>, vector<16xi32>, vector<16xi32>], vector<16xf32>,
      %gather3A_1240 = tpu.vector_load_idx %arg8[%broadcast_in_dim3A_1222, %add3A_1238, %broadcast_in_dim3A_1220] : memref<4x64x128xf32, #tpu.memory_space<vmem>>[vector<16xi32>, vector<16xi32>, vector<16xi32>], vector<16xf32>,
      %mul3A_1241 = arith.mulf %gather3A_1239, %gather3A_1240 : vector<16xf32>
      %add3A_1242 = arith.addf %add3A_1235, %mul3A_1241 : vector<16xf32>
      %add3A_1243 = arith.constant 48 : i32
      %add3A_1244 = vector.broadcast %add3A_1243 : i32 to vector<16xi32>
      %add3A_1245 = arith.addi %iota3A_184, %add3A_1244 : vector<16xi32>
      %gather3A_1246 = tpu.vector_load_idx %arg7[%broadcast_in_dim3A_1222, %add3A_1245, %broadcast_in_dim3A_1215] : memref<4x64x128xf32, #tpu.memory_space<vmem>>[vector<16xi32>, vector<16xi32>, vector<16xi32>], vector<16xf32>,
      %gather3A_1247 = tpu.vector_load_idx %arg8[%broadcast_in_dim3A_1222, %add3A_1245, %broadcast_in_dim3A_1220] : memref<4x64x128xf32, #tpu.memory_space<vmem>>[vector<16xi32>, vector<16xi32>, vector<16xi32>], vector<16xf32>,
      %mul3A_1248 = arith.mulf %gather3A_1246, %gather3A_1247 : vector<16xf32>
      %add3A_1249 = arith.addf %add3A_1242, %mul3A_1248 : vector<16xf32>
      %add3A_1250 = arith.constant 4 : i32
      %add3A_1251 = arith.addi %add3A_1180, %add3A_1250 : i32
      %min3A_1252 = arith.constant 511 : i32
      %min3A_1253 = arith.minsi %add3A_1251, %min3A_1252 : i32
      %get3A_1254 = arith.index_cast %min3A_1253 : i32 to index
      %get3A_1255 = tpu.vector_load %arg6[%get3A_1254] {strides = array<i32>} : memref<1040xi32, #tpu.memory_space<vmem>>, vector<16xi32>,
      %slice3A_1256 = vector.extract_strided_slice %get3A_1255 {offsets = [0], sizes = [1], strides = [1]} : vector<16xi32> to vector<1xi32>
      %squeeze3A_1257 = vector.extract %slice3A_1256[0] : i32 from vector<1xi32>
      %add3A_1258 = arith.constant 512 : i32
      %add3A_1259 = arith.addi %add3A_1258, %min3A_1253 : i32
      %get3A_1260 = arith.index_cast %add3A_1259 : i32 to index
      %get3A_1261 = tpu.vector_load %arg6[%get3A_1260] {strides = array<i32>} : memref<1040xi32, #tpu.memory_space<vmem>>, vector<16xi32>,
      %slice3A_1262 = vector.extract_strided_slice %get3A_1261 {offsets = [0], sizes = [1], strides = [1]} : vector<16xi32> to vector<1xi32>
      %squeeze3A_1263 = vector.extract %slice3A_1262[0] : i32 from vector<1xi32>
      %shift_right_arithmetic3A_1264 = arith.constant 7 : i32
      %shift_right_arithmetic3A_1265 = arith.shrsi %squeeze3A_1257, %shift_right_arithmetic3A_1264 : i32
      %mul3A_1266 = arith.constant 128 : i32
      %mul3A_1267 = arith.muli %shift_right_arithmetic3A_1265, %mul3A_1266 : i32
      %multiple_of3A_1268 = tpu.assume_multiple %mul3A_1267, 128 : i32
      %shift_right_arithmetic3A_1269 = arith.constant 7 : i32
      %shift_right_arithmetic3A_1270 = arith.shrsi %squeeze3A_1263, %shift_right_arithmetic3A_1269 : i32
      %mul3A_1271 = arith.constant 128 : i32
      %mul3A_1272 = arith.muli %shift_right_arithmetic3A_1270, %mul3A_1271 : i32
      %multiple_of3A_1273 = tpu.assume_multiple %mul3A_1272, 128 : i32
      %dma_start3A_1274 = arith.constant 3 : i32
      %dma_start3A_1275 = arith.constant 0 : i32
      %dma_start3A_1276 = arith.constant 0 : i32
      %dma_start3A_1277 = tpu.memref_slice %arg7[%dma_start3A_1274, %dma_start3A_1275, %dma_start3A_1276] : memref<4x64x128xf32, #tpu.memory_space<vmem>> -> memref<1x64x128xf32, #tpu.memory_space<vmem>>
      %dma_start3A_1278 = tpu.memref_squeeze %dma_start3A_1277 : memref<1x64x128xf32, #tpu.memory_space<vmem>> -> memref<64x128xf32, #tpu.memory_space<vmem>>
      %dma_start3A_1279 = arith.constant 0 : i32
      %dma_start3A_1280 = tpu.memref_slice %arg3[%dma_start3A_1279, %multiple_of3A_1268] : memref<64x1000000xf32, #tpu.memory_space<hbm>> -> memref<64x128xf32, #tpu.memory_space<hbm>>
      %dma_start3A_1281 = arith.constant 0 : i32
      %dma_start3A_1282 = arith.constant 0 : i32
      %dma_start3A_1283 = tpu.memref_slice %arg7[%dma_start3A_1274, %dma_start3A_1281, %dma_start3A_1282] : memref<4x64x128xf32, #tpu.memory_space<vmem>> -> memref<1x64x128xf32, #tpu.memory_space<vmem>>
      %dma_start3A_1284 = tpu.memref_squeeze %dma_start3A_1283 : memref<1x64x128xf32, #tpu.memory_space<vmem>> -> memref<64x128xf32, #tpu.memory_space<vmem>>
      %dma_start3A_1285 = arith.constant 0 : i32
      %dma_start3A_1286 = tpu.memref_slice %arg3[%dma_start3A_1285, %multiple_of3A_1268] : memref<64x1000000xf32, #tpu.memory_space<hbm>> -> memref<64x128xf32, #tpu.memory_space<hbm>>
      tpu.enqueue_dma source(%dma_start3A_1286 : memref<64x128xf32, #tpu.memory_space<hbm>>) target(%dma_start3A_1284 : memref<64x128xf32, #tpu.memory_space<vmem>>) target_semaphore(%arg13 : memref<!tpu.dma_semaphore, #tpu.memory_space<semaphore_mem>>)
      %dma_start3A_1287 = arith.constant 3 : i32
      %dma_start3A_1288 = arith.constant 0 : i32
      %dma_start3A_1289 = arith.constant 0 : i32
      %dma_start3A_1290 = tpu.memref_slice %arg8[%dma_start3A_1287, %dma_start3A_1288, %dma_start3A_1289] : memref<4x64x128xf32, #tpu.memory_space<vmem>> -> memref<1x64x128xf32, #tpu.memory_space<vmem>>
      %dma_start3A_1291 = tpu.memref_squeeze %dma_start3A_1290 : memref<1x64x128xf32, #tpu.memory_space<vmem>> -> memref<64x128xf32, #tpu.memory_space<vmem>>
      %dma_start3A_1292 = arith.constant 0 : i32
      %dma_start3A_1293 = tpu.memref_slice %arg4[%dma_start3A_1292, %multiple_of3A_1273] : memref<64x1000000xf32, #tpu.memory_space<hbm>> -> memref<64x128xf32, #tpu.memory_space<hbm>>
      %dma_start3A_1294 = arith.constant 0 : i32
      %dma_start3A_1295 = arith.constant 0 : i32
      %dma_start3A_1296 = tpu.memref_slice %arg8[%dma_start3A_1287, %dma_start3A_1294, %dma_start3A_1295] : memref<4x64x128xf32, #tpu.memory_space<vmem>> -> memref<1x64x128xf32, #tpu.memory_space<vmem>>
      %dma_start3A_1297 = tpu.memref_squeeze %dma_start3A_1296 : memref<1x64x128xf32, #tpu.memory_space<vmem>> -> memref<64x128xf32, #tpu.memory_space<vmem>>
      %dma_start3A_1298 = arith.constant 0 : i32
      %dma_start3A_1299 = tpu.memref_slice %arg4[%dma_start3A_1298, %multiple_of3A_1273] : memref<64x1000000xf32, #tpu.memory_space<hbm>> -> memref<64x128xf32, #tpu.memory_space<hbm>>
      tpu.enqueue_dma source(%dma_start3A_1299 : memref<64x128xf32, #tpu.memory_space<hbm>>) target(%dma_start3A_1297 : memref<64x128xf32, #tpu.memory_space<vmem>>) target_semaphore(%arg13 : memref<!tpu.dma_semaphore, #tpu.memory_space<semaphore_mem>>)
      %mul3A_1300 = arith.constant 16 : i32
      %mul3A_1301 = arith.muli %scan3A_309, %mul3A_1300 : i32
      %add3A_1302 = arith.constant 8 : i32
      %add3A_1303 = arith.addi %mul3A_1301, %add3A_1302 : i32
      %dma_wait3A_1304 = arith.constant 0 : i32
      %dma_wait3A_1305 = arith.constant 0 : i32
      %dma_wait3A_1306 = arith.constant 0 : i32
      %dma_wait3A_1307 = tpu.memref_slice %arg7[%dma_wait3A_1304, %dma_wait3A_1305, %dma_wait3A_1306] : memref<4x64x128xf32, #tpu.memory_space<vmem>> -> memref<1x64x128xf32, #tpu.memory_space<vmem>>
      %dma_wait3A_1308 = tpu.memref_squeeze %dma_wait3A_1307 : memref<1x64x128xf32, #tpu.memory_space<vmem>> -> memref<64x128xf32, #tpu.memory_space<vmem>>
      %dma_wait3A_1309 = arith.constant 0 : i32
      %dma_wait3A_1310 = arith.constant 0 : i32
      %dma_wait3A_1311 = tpu.memref_slice %arg3[%dma_wait3A_1309, %dma_wait3A_1310] : memref<64x1000000xf32, #tpu.memory_space<hbm>> -> memref<64x128xf32, #tpu.memory_space<hbm>>
      %dma_wait3A_1312 = arith.constant 0 : i32
      %dma_wait3A_1313 = arith.constant 0 : i32
      %dma_wait3A_1314 = tpu.memref_slice %arg7[%dma_wait3A_1304, %dma_wait3A_1312, %dma_wait3A_1313] : memref<4x64x128xf32, #tpu.memory_space<vmem>> -> memref<1x64x128xf32, #tpu.memory_space<vmem>>
      %dma_wait3A_1315 = tpu.memref_squeeze %dma_wait3A_1314 : memref<1x64x128xf32, #tpu.memory_space<vmem>> -> memref<64x128xf32, #tpu.memory_space<vmem>>
      %dma_wait3A_1316 = arith.constant 0 : i32
      %dma_wait3A_1317 = arith.constant 0 : i32
      %dma_wait3A_1318 = tpu.memref_slice %arg3[%dma_wait3A_1316, %dma_wait3A_1317] : memref<64x1000000xf32, #tpu.memory_space<hbm>> -> memref<64x128xf32, #tpu.memory_space<hbm>>
      tpu.wait_dma2 semaphore(%arg10 : memref<!tpu.dma_semaphore, #tpu.memory_space<semaphore_mem>>) src(%dma_wait3A_1318 : memref<64x128xf32, #tpu.memory_space<hbm>>) dst(%dma_wait3A_1315 : memref<64x128xf32, #tpu.memory_space<vmem>>)
      %dma_wait3A_1319 = arith.constant 0 : i32
      %dma_wait3A_1320 = arith.constant 0 : i32
      %dma_wait3A_1321 = arith.constant 0 : i32
      %dma_wait3A_1322 = tpu.memref_slice %arg8[%dma_wait3A_1319, %dma_wait3A_1320, %dma_wait3A_1321] : memref<4x64x128xf32, #tpu.memory_space<vmem>> -> memref<1x64x128xf32, #tpu.memory_space<vmem>>
      %dma_wait3A_1323 = tpu.memref_squeeze %dma_wait3A_1322 : memref<1x64x128xf32, #tpu.memory_space<vmem>> -> memref<64x128xf32, #tpu.memory_space<vmem>>
      %dma_wait3A_1324 = arith.constant 0 : i32
      %dma_wait3A_1325 = arith.constant 0 : i32
      %dma_wait3A_1326 = tpu.memref_slice %arg4[%dma_wait3A_1324, %dma_wait3A_1325] : memref<64x1000000xf32, #tpu.memory_space<hbm>> -> memref<64x128xf32, #tpu.memory_space<hbm>>
      %dma_wait3A_1327 = arith.constant 0 : i32
      %dma_wait3A_1328 = arith.constant 0 : i32
      %dma_wait3A_1329 = tpu.memref_slice %arg8[%dma_wait3A_1319, %dma_wait3A_1327, %dma_wait3A_1328] : memref<4x64x128xf32, #tpu.memory_space<vmem>> -> memref<1x64x128xf32, #tpu.memory_space<vmem>>
      %dma_wait3A_1330 = tpu.memref_squeeze %dma_wait3A_1329 : memref<1x64x128xf32, #tpu.memory_space<vmem>> -> memref<64x128xf32, #tpu.memory_space<vmem>>
      %dma_wait3A_1331 = arith.constant 0 : i32
      %dma_wait3A_1332 = arith.constant 0 : i32
      %dma_wait3A_1333 = tpu.memref_slice %arg4[%dma_wait3A_1331, %dma_wait3A_1332] : memref<64x1000000xf32, #tpu.memory_space<hbm>> -> memref<64x128xf32, #tpu.memory_space<hbm>>
      tpu.wait_dma2 semaphore(%arg10 : memref<!tpu.dma_semaphore, #tpu.memory_space<semaphore_mem>>) src(%dma_wait3A_1333 : memref<64x128xf32, #tpu.memory_space<hbm>>) dst(%dma_wait3A_1330 : memref<64x128xf32, #tpu.memory_space<vmem>>)
      %slice3A_1334 = vector.extract_strided_slice %get3A_313 {offsets = [8], sizes = [1], strides = [1]} : vector<16xi32> to vector<1xi32>
      %squeeze3A_1335 = vector.extract %slice3A_1334[0] : i32 from vector<1xi32>
      %and3A_1336 = arith.constant 127 : i32
      %and3A_1337 = arith.andi %squeeze3A_1335, %and3A_1336 : i32
      %broadcast_in_dim3A_1338 = vector.broadcast %and3A_1337 : i32 to vector<16xi32>
      %slice3A_1339 = vector.extract_strided_slice %get3A_319 {offsets = [8], sizes = [1], strides = [1]} : vector<16xi32> to vector<1xi32>
      %squeeze3A_1340 = vector.extract %slice3A_1339[0] : i32 from vector<1xi32>
      %and3A_1341 = arith.constant 127 : i32
      %and3A_1342 = arith.andi %squeeze3A_1340, %and3A_1341 : i32
      %broadcast_in_dim3A_1343 = vector.broadcast %and3A_1342 : i32 to vector<16xi32>
      %broadcast_in_dim3A_1344 = arith.constant 0 : i32
      %broadcast_in_dim3A_1345 = vector.broadcast %broadcast_in_dim3A_1344 : i32 to vector<16xi32>
      %add3A_1346 = arith.constant 0 : i32
      %add3A_1347 = vector.broadcast %add3A_1346 : i32 to vector<16xi32>
      %add3A_1348 = arith.addi %iota3A_184, %add3A_1347 : vector<16xi32>
      %gather3A_1349 = tpu.vector_load_idx %arg7[%broadcast_in_dim3A_1345, %add3A_1348, %broadcast_in_dim3A_1338] : memref<4x64x128xf32, #tpu.memory_space<vmem>>[vector<16xi32>, vector<16xi32>, vector<16xi32>], vector<16xf32>,
      %gather3A_1350 = tpu.vector_load_idx %arg8[%broadcast_in_dim3A_1345, %add3A_1348, %broadcast_in_dim3A_1343] : memref<4x64x128xf32, #tpu.memory_space<vmem>>[vector<16xi32>, vector<16xi32>, vector<16xi32>], vector<16xf32>,
      %mul3A_1351 = arith.mulf %gather3A_1349, %gather3A_1350 : vector<16xf32>
      %add3A_1352 = arith.constant 16 : i32
      %add3A_1353 = vector.broadcast %add3A_1352 : i32 to vector<16xi32>
      %add3A_1354 = arith.addi %iota3A_184, %add3A_1353 : vector<16xi32>
      %gather3A_1355 = tpu.vector_load_idx %arg7[%broadcast_in_dim3A_1345, %add3A_1354, %broadcast_in_dim3A_1338] : memref<4x64x128xf32, #tpu.memory_space<vmem>>[vector<16xi32>, vector<16xi32>, vector<16xi32>], vector<16xf32>,
      %gather3A_1356 = tpu.vector_load_idx %arg8[%broadcast_in_dim3A_1345, %add3A_1354, %broadcast_in_dim3A_1343] : memref<4x64x128xf32, #tpu.memory_space<vmem>>[vector<16xi32>, vector<16xi32>, vector<16xi32>], vector<16xf32>,
      %mul3A_1357 = arith.mulf %gather3A_1355, %gather3A_1356 : vector<16xf32>
      %add3A_1358 = arith.addf %mul3A_1351, %mul3A_1357 : vector<16xf32>
      %add3A_1359 = arith.constant 32 : i32
      %add3A_1360 = vector.broadcast %add3A_1359 : i32 to vector<16xi32>
      %add3A_1361 = arith.addi %iota3A_184, %add3A_1360 : vector<16xi32>
      %gather3A_1362 = tpu.vector_load_idx %arg7[%broadcast_in_dim3A_1345, %add3A_1361, %broadcast_in_dim3A_1338] : memref<4x64x128xf32, #tpu.memory_space<vmem>>[vector<16xi32>, vector<16xi32>, vector<16xi32>], vector<16xf32>,
      %gather3A_1363 = tpu.vector_load_idx %arg8[%broadcast_in_dim3A_1345, %add3A_1361, %broadcast_in_dim3A_1343] : memref<4x64x128xf32, #tpu.memory_space<vmem>>[vector<16xi32>, vector<16xi32>, vector<16xi32>], vector<16xf32>,
      %mul3A_1364 = arith.mulf %gather3A_1362, %gather3A_1363 : vector<16xf32>
      %add3A_1365 = arith.addf %add3A_1358, %mul3A_1364 : vector<16xf32>
      %add3A_1366 = arith.constant 48 : i32
      %add3A_1367 = vector.broadcast %add3A_1366 : i32 to vector<16xi32>
      %add3A_1368 = arith.addi %iota3A_184, %add3A_1367 : vector<16xi32>
      %gather3A_1369 = tpu.vector_load_idx %arg7[%broadcast_in_dim3A_1345, %add3A_1368, %broadcast_in_dim3A_1338] : memref<4x64x128xf32, #tpu.memory_space<vmem>>[vector<16xi32>, vector<16xi32>, vector<16xi32>], vector<16xf32>,
      %gather3A_1370 = tpu.vector_load_idx %arg8[%broadcast_in_dim3A_1345, %add3A_1368, %broadcast_in_dim3A_1343] : memref<4x64x128xf32, #tpu.memory_space<vmem>>[vector<16xi32>, vector<16xi32>, vector<16xi32>], vector<16xf32>,
      %mul3A_1371 = arith.mulf %gather3A_1369, %gather3A_1370 : vector<16xf32>
      %add3A_1372 = arith.addf %add3A_1365, %mul3A_1371 : vector<16xf32>
      %add3A_1373 = arith.constant 4 : i32
      %add3A_1374 = arith.addi %add3A_1303, %add3A_1373 : i32
      %min3A_1375 = arith.constant 511 : i32
      %min3A_1376 = arith.minsi %add3A_1374, %min3A_1375 : i32
      %get3A_1377 = arith.index_cast %min3A_1376 : i32 to index
      %get3A_1378 = tpu.vector_load %arg6[%get3A_1377] {strides = array<i32>} : memref<1040xi32, #tpu.memory_space<vmem>>, vector<16xi32>,
      %slice3A_1379 = vector.extract_strided_slice %get3A_1378 {offsets = [0], sizes = [1], strides = [1]} : vector<16xi32> to vector<1xi32>
      %squeeze3A_1380 = vector.extract %slice3A_1379[0] : i32 from vector<1xi32>
      %add3A_1381 = arith.constant 512 : i32
      %add3A_1382 = arith.addi %add3A_1381, %min3A_1376 : i32
      %get3A_1383 = arith.index_cast %add3A_1382 : i32 to index
      %get3A_1384 = tpu.vector_load %arg6[%get3A_1383] {strides = array<i32>} : memref<1040xi32, #tpu.memory_space<vmem>>, vector<16xi32>,
      %slice3A_1385 = vector.extract_strided_slice %get3A_1384 {offsets = [0], sizes = [1], strides = [1]} : vector<16xi32> to vector<1xi32>
      %squeeze3A_1386 = vector.extract %slice3A_1385[0] : i32 from vector<1xi32>
      %shift_right_arithmetic3A_1387 = arith.constant 7 : i32
      %shift_right_arithmetic3A_1388 = arith.shrsi %squeeze3A_1380, %shift_right_arithmetic3A_1387 : i32
      %mul3A_1389 = arith.constant 128 : i32
      %mul3A_1390 = arith.muli %shift_right_arithmetic3A_1388, %mul3A_1389 : i32
      %multiple_of3A_1391 = tpu.assume_multiple %mul3A_1390, 128 : i32
      %shift_right_arithmetic3A_1392 = arith.constant 7 : i32
      %shift_right_arithmetic3A_1393 = arith.shrsi %squeeze3A_1386, %shift_right_arithmetic3A_1392 : i32
      %mul3A_1394 = arith.constant 128 : i32
      %mul3A_1395 = arith.muli %shift_right_arithmetic3A_1393, %mul3A_1394 : i32
      %multiple_of3A_1396 = tpu.assume_multiple %mul3A_1395, 128 : i32
      %dma_start3A_1397 = arith.constant 0 : i32
      %dma_start3A_1398 = arith.constant 0 : i32
      %dma_start3A_1399 = arith.constant 0 : i32
      %dma_start3A_1400 = tpu.memref_slice %arg7[%dma_start3A_1397, %dma_start3A_1398, %dma_start3A_1399] : memref<4x64x128xf32, #tpu.memory_space<vmem>> -> memref<1x64x128xf32, #tpu.memory_space<vmem>>
      %dma_start3A_1401 = tpu.memref_squeeze %dma_start3A_1400 : memref<1x64x128xf32, #tpu.memory_space<vmem>> -> memref<64x128xf32, #tpu.memory_space<vmem>>
      %dma_start3A_1402 = arith.constant 0 : i32
      %dma_start3A_1403 = tpu.memref_slice %arg3[%dma_start3A_1402, %multiple_of3A_1391] : memref<64x1000000xf32, #tpu.memory_space<hbm>> -> memref<64x128xf32, #tpu.memory_space<hbm>>
      %dma_start3A_1404 = arith.constant 0 : i32
      %dma_start3A_1405 = arith.constant 0 : i32
      %dma_start3A_1406 = tpu.memref_slice %arg7[%dma_start3A_1397, %dma_start3A_1404, %dma_start3A_1405] : memref<4x64x128xf32, #tpu.memory_space<vmem>> -> memref<1x64x128xf32, #tpu.memory_space<vmem>>
      %dma_start3A_1407 = tpu.memref_squeeze %dma_start3A_1406 : memref<1x64x128xf32, #tpu.memory_space<vmem>> -> memref<64x128xf32, #tpu.memory_space<vmem>>
      %dma_start3A_1408 = arith.constant 0 : i32
      %dma_start3A_1409 = tpu.memref_slice %arg3[%dma_start3A_1408, %multiple_of3A_1391] : memref<64x1000000xf32, #tpu.memory_space<hbm>> -> memref<64x128xf32, #tpu.memory_space<hbm>>
      tpu.enqueue_dma source(%dma_start3A_1409 : memref<64x128xf32, #tpu.memory_space<hbm>>) target(%dma_start3A_1407 : memref<64x128xf32, #tpu.memory_space<vmem>>) target_semaphore(%arg10 : memref<!tpu.dma_semaphore, #tpu.memory_space<semaphore_mem>>)
      %dma_start3A_1410 = arith.constant 0 : i32
      %dma_start3A_1411 = arith.constant 0 : i32
      %dma_start3A_1412 = arith.constant 0 : i32
      %dma_start3A_1413 = tpu.memref_slice %arg8[%dma_start3A_1410, %dma_start3A_1411, %dma_start3A_1412] : memref<4x64x128xf32, #tpu.memory_space<vmem>> -> memref<1x64x128xf32, #tpu.memory_space<vmem>>
      %dma_start3A_1414 = tpu.memref_squeeze %dma_start3A_1413 : memref<1x64x128xf32, #tpu.memory_space<vmem>> -> memref<64x128xf32, #tpu.memory_space<vmem>>
      %dma_start3A_1415 = arith.constant 0 : i32
      %dma_start3A_1416 = tpu.memref_slice %arg4[%dma_start3A_1415, %multiple_of3A_1396] : memref<64x1000000xf32, #tpu.memory_space<hbm>> -> memref<64x128xf32, #tpu.memory_space<hbm>>
      %dma_start3A_1417 = arith.constant 0 : i32
      %dma_start3A_1418 = arith.constant 0 : i32
      %dma_start3A_1419 = tpu.memref_slice %arg8[%dma_start3A_1410, %dma_start3A_1417, %dma_start3A_1418] : memref<4x64x128xf32, #tpu.memory_space<vmem>> -> memref<1x64x128xf32, #tpu.memory_space<vmem>>
      %dma_start3A_1420 = tpu.memref_squeeze %dma_start3A_1419 : memref<1x64x128xf32, #tpu.memory_space<vmem>> -> memref<64x128xf32, #tpu.memory_space<vmem>>
      %dma_start3A_1421 = arith.constant 0 : i32
      %dma_start3A_1422 = tpu.memref_slice %arg4[%dma_start3A_1421, %multiple_of3A_1396] : memref<64x1000000xf32, #tpu.memory_space<hbm>> -> memref<64x128xf32, #tpu.memory_space<hbm>>
      tpu.enqueue_dma source(%dma_start3A_1422 : memref<64x128xf32, #tpu.memory_space<hbm>>) target(%dma_start3A_1420 : memref<64x128xf32, #tpu.memory_space<vmem>>) target_semaphore(%arg10 : memref<!tpu.dma_semaphore, #tpu.memory_space<semaphore_mem>>)
      %mul3A_1423 = arith.constant 16 : i32
      %mul3A_1424 = arith.muli %scan3A_309, %mul3A_1423 : i32
      %add3A_1425 = arith.constant 9 : i32
      %add3A_1426 = arith.addi %mul3A_1424, %add3A_1425 : i32
      %dma_wait3A_1427 = arith.constant 1 : i32
      %dma_wait3A_1428 = arith.constant 0 : i32
      %dma_wait3A_1429 = arith.constant 0 : i32
      %dma_wait3A_1430 = tpu.memref_slice %arg7[%dma_wait3A_1427, %dma_wait3A_1428, %dma_wait3A_1429] : memref<4x64x128xf32, #tpu.memory_space<vmem>> -> memref<1x64x128xf32, #tpu.memory_space<vmem>>
      %dma_wait3A_1431 = tpu.memref_squeeze %dma_wait3A_1430 : memref<1x64x128xf32, #tpu.memory_space<vmem>> -> memref<64x128xf32, #tpu.memory_space<vmem>>
      %dma_wait3A_1432 = arith.constant 0 : i32
      %dma_wait3A_1433 = arith.constant 0 : i32
      %dma_wait3A_1434 = tpu.memref_slice %arg3[%dma_wait3A_1432, %dma_wait3A_1433] : memref<64x1000000xf32, #tpu.memory_space<hbm>> -> memref<64x128xf32, #tpu.memory_space<hbm>>
      %dma_wait3A_1435 = arith.constant 0 : i32
      %dma_wait3A_1436 = arith.constant 0 : i32
      %dma_wait3A_1437 = tpu.memref_slice %arg7[%dma_wait3A_1427, %dma_wait3A_1435, %dma_wait3A_1436] : memref<4x64x128xf32, #tpu.memory_space<vmem>> -> memref<1x64x128xf32, #tpu.memory_space<vmem>>
      %dma_wait3A_1438 = tpu.memref_squeeze %dma_wait3A_1437 : memref<1x64x128xf32, #tpu.memory_space<vmem>> -> memref<64x128xf32, #tpu.memory_space<vmem>>
      %dma_wait3A_1439 = arith.constant 0 : i32
      %dma_wait3A_1440 = arith.constant 0 : i32
      %dma_wait3A_1441 = tpu.memref_slice %arg3[%dma_wait3A_1439, %dma_wait3A_1440] : memref<64x1000000xf32, #tpu.memory_space<hbm>> -> memref<64x128xf32, #tpu.memory_space<hbm>>
      tpu.wait_dma2 semaphore(%arg11 : memref<!tpu.dma_semaphore, #tpu.memory_space<semaphore_mem>>) src(%dma_wait3A_1441 : memref<64x128xf32, #tpu.memory_space<hbm>>) dst(%dma_wait3A_1438 : memref<64x128xf32, #tpu.memory_space<vmem>>)
      %dma_wait3A_1442 = arith.constant 1 : i32
      %dma_wait3A_1443 = arith.constant 0 : i32
      %dma_wait3A_1444 = arith.constant 0 : i32
      %dma_wait3A_1445 = tpu.memref_slice %arg8[%dma_wait3A_1442, %dma_wait3A_1443, %dma_wait3A_1444] : memref<4x64x128xf32, #tpu.memory_space<vmem>> -> memref<1x64x128xf32, #tpu.memory_space<vmem>>
      %dma_wait3A_1446 = tpu.memref_squeeze %dma_wait3A_1445 : memref<1x64x128xf32, #tpu.memory_space<vmem>> -> memref<64x128xf32, #tpu.memory_space<vmem>>
      %dma_wait3A_1447 = arith.constant 0 : i32
      %dma_wait3A_1448 = arith.constant 0 : i32
      %dma_wait3A_1449 = tpu.memref_slice %arg4[%dma_wait3A_1447, %dma_wait3A_1448] : memref<64x1000000xf32, #tpu.memory_space<hbm>> -> memref<64x128xf32, #tpu.memory_space<hbm>>
      %dma_wait3A_1450 = arith.constant 0 : i32
      %dma_wait3A_1451 = arith.constant 0 : i32
      %dma_wait3A_1452 = tpu.memref_slice %arg8[%dma_wait3A_1442, %dma_wait3A_1450, %dma_wait3A_1451] : memref<4x64x128xf32, #tpu.memory_space<vmem>> -> memref<1x64x128xf32, #tpu.memory_space<vmem>>
      %dma_wait3A_1453 = tpu.memref_squeeze %dma_wait3A_1452 : memref<1x64x128xf32, #tpu.memory_space<vmem>> -> memref<64x128xf32, #tpu.memory_space<vmem>>
      %dma_wait3A_1454 = arith.constant 0 : i32
      %dma_wait3A_1455 = arith.constant 0 : i32
      %dma_wait3A_1456 = tpu.memref_slice %arg4[%dma_wait3A_1454, %dma_wait3A_1455] : memref<64x1000000xf32, #tpu.memory_space<hbm>> -> memref<64x128xf32, #tpu.memory_space<hbm>>
      tpu.wait_dma2 semaphore(%arg11 : memref<!tpu.dma_semaphore, #tpu.memory_space<semaphore_mem>>) src(%dma_wait3A_1456 : memref<64x128xf32, #tpu.memory_space<hbm>>) dst(%dma_wait3A_1453 : memref<64x128xf32, #tpu.memory_space<vmem>>)
      %slice3A_1457 = vector.extract_strided_slice %get3A_313 {offsets = [9], sizes = [1], strides = [1]} : vector<16xi32> to vector<1xi32>
      %squeeze3A_1458 = vector.extract %slice3A_1457[0] : i32 from vector<1xi32>
      %and3A_1459 = arith.constant 127 : i32
      %and3A_1460 = arith.andi %squeeze3A_1458, %and3A_1459 : i32
      %broadcast_in_dim3A_1461 = vector.broadcast %and3A_1460 : i32 to vector<16xi32>
      %slice3A_1462 = vector.extract_strided_slice %get3A_319 {offsets = [9], sizes = [1], strides = [1]} : vector<16xi32> to vector<1xi32>
      %squeeze3A_1463 = vector.extract %slice3A_1462[0] : i32 from vector<1xi32>
      %and3A_1464 = arith.constant 127 : i32
      %and3A_1465 = arith.andi %squeeze3A_1463, %and3A_1464 : i32
      %broadcast_in_dim3A_1466 = vector.broadcast %and3A_1465 : i32 to vector<16xi32>
      %broadcast_in_dim3A_1467 = arith.constant 1 : i32
      %broadcast_in_dim3A_1468 = vector.broadcast %broadcast_in_dim3A_1467 : i32 to vector<16xi32>
      %add3A_1469 = arith.constant 0 : i32
      %add3A_1470 = vector.broadcast %add3A_1469 : i32 to vector<16xi32>
      %add3A_1471 = arith.addi %iota3A_184, %add3A_1470 : vector<16xi32>
      %gather3A_1472 = tpu.vector_load_idx %arg7[%broadcast_in_dim3A_1468, %add3A_1471, %broadcast_in_dim3A_1461] : memref<4x64x128xf32, #tpu.memory_space<vmem>>[vector<16xi32>, vector<16xi32>, vector<16xi32>], vector<16xf32>,
      %gather3A_1473 = tpu.vector_load_idx %arg8[%broadcast_in_dim3A_1468, %add3A_1471, %broadcast_in_dim3A_1466] : memref<4x64x128xf32, #tpu.memory_space<vmem>>[vector<16xi32>, vector<16xi32>, vector<16xi32>], vector<16xf32>,
      %mul3A_1474 = arith.mulf %gather3A_1472, %gather3A_1473 : vector<16xf32>
      %add3A_1475 = arith.constant 16 : i32
      %add3A_1476 = vector.broadcast %add3A_1475 : i32 to vector<16xi32>
      %add3A_1477 = arith.addi %iota3A_184, %add3A_1476 : vector<16xi32>
      %gather3A_1478 = tpu.vector_load_idx %arg7[%broadcast_in_dim3A_1468, %add3A_1477, %broadcast_in_dim3A_1461] : memref<4x64x128xf32, #tpu.memory_space<vmem>>[vector<16xi32>, vector<16xi32>, vector<16xi32>], vector<16xf32>,
      %gather3A_1479 = tpu.vector_load_idx %arg8[%broadcast_in_dim3A_1468, %add3A_1477, %broadcast_in_dim3A_1466] : memref<4x64x128xf32, #tpu.memory_space<vmem>>[vector<16xi32>, vector<16xi32>, vector<16xi32>], vector<16xf32>,
      %mul3A_1480 = arith.mulf %gather3A_1478, %gather3A_1479 : vector<16xf32>
      %add3A_1481 = arith.addf %mul3A_1474, %mul3A_1480 : vector<16xf32>
      %add3A_1482 = arith.constant 32 : i32
      %add3A_1483 = vector.broadcast %add3A_1482 : i32 to vector<16xi32>
      %add3A_1484 = arith.addi %iota3A_184, %add3A_1483 : vector<16xi32>
      %gather3A_1485 = tpu.vector_load_idx %arg7[%broadcast_in_dim3A_1468, %add3A_1484, %broadcast_in_dim3A_1461] : memref<4x64x128xf32, #tpu.memory_space<vmem>>[vector<16xi32>, vector<16xi32>, vector<16xi32>], vector<16xf32>,
      %gather3A_1486 = tpu.vector_load_idx %arg8[%broadcast_in_dim3A_1468, %add3A_1484, %broadcast_in_dim3A_1466] : memref<4x64x128xf32, #tpu.memory_space<vmem>>[vector<16xi32>, vector<16xi32>, vector<16xi32>], vector<16xf32>,
      %mul3A_1487 = arith.mulf %gather3A_1485, %gather3A_1486 : vector<16xf32>
      %add3A_1488 = arith.addf %add3A_1481, %mul3A_1487 : vector<16xf32>
      %add3A_1489 = arith.constant 48 : i32
      %add3A_1490 = vector.broadcast %add3A_1489 : i32 to vector<16xi32>
      %add3A_1491 = arith.addi %iota3A_184, %add3A_1490 : vector<16xi32>
      %gather3A_1492 = tpu.vector_load_idx %arg7[%broadcast_in_dim3A_1468, %add3A_1491, %broadcast_in_dim3A_1461] : memref<4x64x128xf32, #tpu.memory_space<vmem>>[vector<16xi32>, vector<16xi32>, vector<16xi32>], vector<16xf32>,
      %gather3A_1493 = tpu.vector_load_idx %arg8[%broadcast_in_dim3A_1468, %add3A_1491, %broadcast_in_dim3A_1466] : memref<4x64x128xf32, #tpu.memory_space<vmem>>[vector<16xi32>, vector<16xi32>, vector<16xi32>], vector<16xf32>,
      %mul3A_1494 = arith.mulf %gather3A_1492, %gather3A_1493 : vector<16xf32>
      %add3A_1495 = arith.addf %add3A_1488, %mul3A_1494 : vector<16xf32>
      %add3A_1496 = arith.constant 4 : i32
      %add3A_1497 = arith.addi %add3A_1426, %add3A_1496 : i32
      %min3A_1498 = arith.constant 511 : i32
      %min3A_1499 = arith.minsi %add3A_1497, %min3A_1498 : i32
      %get3A_1500 = arith.index_cast %min3A_1499 : i32 to index
      %get3A_1501 = tpu.vector_load %arg6[%get3A_1500] {strides = array<i32>} : memref<1040xi32, #tpu.memory_space<vmem>>, vector<16xi32>,
      %slice3A_1502 = vector.extract_strided_slice %get3A_1501 {offsets = [0], sizes = [1], strides = [1]} : vector<16xi32> to vector<1xi32>
      %squeeze3A_1503 = vector.extract %slice3A_1502[0] : i32 from vector<1xi32>
      %add3A_1504 = arith.constant 512 : i32
      %add3A_1505 = arith.addi %add3A_1504, %min3A_1499 : i32
      %get3A_1506 = arith.index_cast %add3A_1505 : i32 to index
      %get3A_1507 = tpu.vector_load %arg6[%get3A_1506] {strides = array<i32>} : memref<1040xi32, #tpu.memory_space<vmem>>, vector<16xi32>,
      %slice3A_1508 = vector.extract_strided_slice %get3A_1507 {offsets = [0], sizes = [1], strides = [1]} : vector<16xi32> to vector<1xi32>
      %squeeze3A_1509 = vector.extract %slice3A_1508[0] : i32 from vector<1xi32>
      %shift_right_arithmetic3A_1510 = arith.constant 7 : i32
      %shift_right_arithmetic3A_1511 = arith.shrsi %squeeze3A_1503, %shift_right_arithmetic3A_1510 : i32
      %mul3A_1512 = arith.constant 128 : i32
      %mul3A_1513 = arith.muli %shift_right_arithmetic3A_1511, %mul3A_1512 : i32
      %multiple_of3A_1514 = tpu.assume_multiple %mul3A_1513, 128 : i32
      %shift_right_arithmetic3A_1515 = arith.constant 7 : i32
      %shift_right_arithmetic3A_1516 = arith.shrsi %squeeze3A_1509, %shift_right_arithmetic3A_1515 : i32
      %mul3A_1517 = arith.constant 128 : i32
      %mul3A_1518 = arith.muli %shift_right_arithmetic3A_1516, %mul3A_1517 : i32
      %multiple_of3A_1519 = tpu.assume_multiple %mul3A_1518, 128 : i32
      %dma_start3A_1520 = arith.constant 1 : i32
      %dma_start3A_1521 = arith.constant 0 : i32
      %dma_start3A_1522 = arith.constant 0 : i32
      %dma_start3A_1523 = tpu.memref_slice %arg7[%dma_start3A_1520, %dma_start3A_1521, %dma_start3A_1522] : memref<4x64x128xf32, #tpu.memory_space<vmem>> -> memref<1x64x128xf32, #tpu.memory_space<vmem>>
      %dma_start3A_1524 = tpu.memref_squeeze %dma_start3A_1523 : memref<1x64x128xf32, #tpu.memory_space<vmem>> -> memref<64x128xf32, #tpu.memory_space<vmem>>
      %dma_start3A_1525 = arith.constant 0 : i32
      %dma_start3A_1526 = tpu.memref_slice %arg3[%dma_start3A_1525, %multiple_of3A_1514] : memref<64x1000000xf32, #tpu.memory_space<hbm>> -> memref<64x128xf32, #tpu.memory_space<hbm>>
      %dma_start3A_1527 = arith.constant 0 : i32
      %dma_start3A_1528 = arith.constant 0 : i32
      %dma_start3A_1529 = tpu.memref_slice %arg7[%dma_start3A_1520, %dma_start3A_1527, %dma_start3A_1528] : memref<4x64x128xf32, #tpu.memory_space<vmem>> -> memref<1x64x128xf32, #tpu.memory_space<vmem>>
      %dma_start3A_1530 = tpu.memref_squeeze %dma_start3A_1529 : memref<1x64x128xf32, #tpu.memory_space<vmem>> -> memref<64x128xf32, #tpu.memory_space<vmem>>
      %dma_start3A_1531 = arith.constant 0 : i32
      %dma_start3A_1532 = tpu.memref_slice %arg3[%dma_start3A_1531, %multiple_of3A_1514] : memref<64x1000000xf32, #tpu.memory_space<hbm>> -> memref<64x128xf32, #tpu.memory_space<hbm>>
      tpu.enqueue_dma source(%dma_start3A_1532 : memref<64x128xf32, #tpu.memory_space<hbm>>) target(%dma_start3A_1530 : memref<64x128xf32, #tpu.memory_space<vmem>>) target_semaphore(%arg11 : memref<!tpu.dma_semaphore, #tpu.memory_space<semaphore_mem>>)
      %dma_start3A_1533 = arith.constant 1 : i32
      %dma_start3A_1534 = arith.constant 0 : i32
      %dma_start3A_1535 = arith.constant 0 : i32
      %dma_start3A_1536 = tpu.memref_slice %arg8[%dma_start3A_1533, %dma_start3A_1534, %dma_start3A_1535] : memref<4x64x128xf32, #tpu.memory_space<vmem>> -> memref<1x64x128xf32, #tpu.memory_space<vmem>>
      %dma_start3A_1537 = tpu.memref_squeeze %dma_start3A_1536 : memref<1x64x128xf32, #tpu.memory_space<vmem>> -> memref<64x128xf32, #tpu.memory_space<vmem>>
      %dma_start3A_1538 = arith.constant 0 : i32
      %dma_start3A_1539 = tpu.memref_slice %arg4[%dma_start3A_1538, %multiple_of3A_1519] : memref<64x1000000xf32, #tpu.memory_space<hbm>> -> memref<64x128xf32, #tpu.memory_space<hbm>>
      %dma_start3A_1540 = arith.constant 0 : i32
      %dma_start3A_1541 = arith.constant 0 : i32
      %dma_start3A_1542 = tpu.memref_slice %arg8[%dma_start3A_1533, %dma_start3A_1540, %dma_start3A_1541] : memref<4x64x128xf32, #tpu.memory_space<vmem>> -> memref<1x64x128xf32, #tpu.memory_space<vmem>>
      %dma_start3A_1543 = tpu.memref_squeeze %dma_start3A_1542 : memref<1x64x128xf32, #tpu.memory_space<vmem>> -> memref<64x128xf32, #tpu.memory_space<vmem>>
      %dma_start3A_1544 = arith.constant 0 : i32
      %dma_start3A_1545 = tpu.memref_slice %arg4[%dma_start3A_1544, %multiple_of3A_1519] : memref<64x1000000xf32, #tpu.memory_space<hbm>> -> memref<64x128xf32, #tpu.memory_space<hbm>>
      tpu.enqueue_dma source(%dma_start3A_1545 : memref<64x128xf32, #tpu.memory_space<hbm>>) target(%dma_start3A_1543 : memref<64x128xf32, #tpu.memory_space<vmem>>) target_semaphore(%arg11 : memref<!tpu.dma_semaphore, #tpu.memory_space<semaphore_mem>>)
      %mul3A_1546 = arith.constant 16 : i32
      %mul3A_1547 = arith.muli %scan3A_309, %mul3A_1546 : i32
      %add3A_1548 = arith.constant 10 : i32
      %add3A_1549 = arith.addi %mul3A_1547, %add3A_1548 : i32
      %dma_wait3A_1550 = arith.constant 2 : i32
      %dma_wait3A_1551 = arith.constant 0 : i32
      %dma_wait3A_1552 = arith.constant 0 : i32
      %dma_wait3A_1553 = tpu.memref_slice %arg7[%dma_wait3A_1550, %dma_wait3A_1551, %dma_wait3A_1552] : memref<4x64x128xf32, #tpu.memory_space<vmem>> -> memref<1x64x128xf32, #tpu.memory_space<vmem>>
      %dma_wait3A_1554 = tpu.memref_squeeze %dma_wait3A_1553 : memref<1x64x128xf32, #tpu.memory_space<vmem>> -> memref<64x128xf32, #tpu.memory_space<vmem>>
      %dma_wait3A_1555 = arith.constant 0 : i32
      %dma_wait3A_1556 = arith.constant 0 : i32
      %dma_wait3A_1557 = tpu.memref_slice %arg3[%dma_wait3A_1555, %dma_wait3A_1556] : memref<64x1000000xf32, #tpu.memory_space<hbm>> -> memref<64x128xf32, #tpu.memory_space<hbm>>
      %dma_wait3A_1558 = arith.constant 0 : i32
      %dma_wait3A_1559 = arith.constant 0 : i32
      %dma_wait3A_1560 = tpu.memref_slice %arg7[%dma_wait3A_1550, %dma_wait3A_1558, %dma_wait3A_1559] : memref<4x64x128xf32, #tpu.memory_space<vmem>> -> memref<1x64x128xf32, #tpu.memory_space<vmem>>
      %dma_wait3A_1561 = tpu.memref_squeeze %dma_wait3A_1560 : memref<1x64x128xf32, #tpu.memory_space<vmem>> -> memref<64x128xf32, #tpu.memory_space<vmem>>
      %dma_wait3A_1562 = arith.constant 0 : i32
      %dma_wait3A_1563 = arith.constant 0 : i32
      %dma_wait3A_1564 = tpu.memref_slice %arg3[%dma_wait3A_1562, %dma_wait3A_1563] : memref<64x1000000xf32, #tpu.memory_space<hbm>> -> memref<64x128xf32, #tpu.memory_space<hbm>>
      tpu.wait_dma2 semaphore(%arg12 : memref<!tpu.dma_semaphore, #tpu.memory_space<semaphore_mem>>) src(%dma_wait3A_1564 : memref<64x128xf32, #tpu.memory_space<hbm>>) dst(%dma_wait3A_1561 : memref<64x128xf32, #tpu.memory_space<vmem>>)
      %dma_wait3A_1565 = arith.constant 2 : i32
      %dma_wait3A_1566 = arith.constant 0 : i32
      %dma_wait3A_1567 = arith.constant 0 : i32
      %dma_wait3A_1568 = tpu.memref_slice %arg8[%dma_wait3A_1565, %dma_wait3A_1566, %dma_wait3A_1567] : memref<4x64x128xf32, #tpu.memory_space<vmem>> -> memref<1x64x128xf32, #tpu.memory_space<vmem>>
      %dma_wait3A_1569 = tpu.memref_squeeze %dma_wait3A_1568 : memref<1x64x128xf32, #tpu.memory_space<vmem>> -> memref<64x128xf32, #tpu.memory_space<vmem>>
      %dma_wait3A_1570 = arith.constant 0 : i32
      %dma_wait3A_1571 = arith.constant 0 : i32
      %dma_wait3A_1572 = tpu.memref_slice %arg4[%dma_wait3A_1570, %dma_wait3A_1571] : memref<64x1000000xf32, #tpu.memory_space<hbm>> -> memref<64x128xf32, #tpu.memory_space<hbm>>
      %dma_wait3A_1573 = arith.constant 0 : i32
      %dma_wait3A_1574 = arith.constant 0 : i32
      %dma_wait3A_1575 = tpu.memref_slice %arg8[%dma_wait3A_1565, %dma_wait3A_1573, %dma_wait3A_1574] : memref<4x64x128xf32, #tpu.memory_space<vmem>> -> memref<1x64x128xf32, #tpu.memory_space<vmem>>
      %dma_wait3A_1576 = tpu.memref_squeeze %dma_wait3A_1575 : memref<1x64x128xf32, #tpu.memory_space<vmem>> -> memref<64x128xf32, #tpu.memory_space<vmem>>
      %dma_wait3A_1577 = arith.constant 0 : i32
      %dma_wait3A_1578 = arith.constant 0 : i32
      %dma_wait3A_1579 = tpu.memref_slice %arg4[%dma_wait3A_1577, %dma_wait3A_1578] : memref<64x1000000xf32, #tpu.memory_space<hbm>> -> memref<64x128xf32, #tpu.memory_space<hbm>>
      tpu.wait_dma2 semaphore(%arg12 : memref<!tpu.dma_semaphore, #tpu.memory_space<semaphore_mem>>) src(%dma_wait3A_1579 : memref<64x128xf32, #tpu.memory_space<hbm>>) dst(%dma_wait3A_1576 : memref<64x128xf32, #tpu.memory_space<vmem>>)
      %slice3A_1580 = vector.extract_strided_slice %get3A_313 {offsets = [10], sizes = [1], strides = [1]} : vector<16xi32> to vector<1xi32>
      %squeeze3A_1581 = vector.extract %slice3A_1580[0] : i32 from vector<1xi32>
      %and3A_1582 = arith.constant 127 : i32
      %and3A_1583 = arith.andi %squeeze3A_1581, %and3A_1582 : i32
      %broadcast_in_dim3A_1584 = vector.broadcast %and3A_1583 : i32 to vector<16xi32>
      %slice3A_1585 = vector.extract_strided_slice %get3A_319 {offsets = [10], sizes = [1], strides = [1]} : vector<16xi32> to vector<1xi32>
      %squeeze3A_1586 = vector.extract %slice3A_1585[0] : i32 from vector<1xi32>
      %and3A_1587 = arith.constant 127 : i32
      %and3A_1588 = arith.andi %squeeze3A_1586, %and3A_1587 : i32
      %broadcast_in_dim3A_1589 = vector.broadcast %and3A_1588 : i32 to vector<16xi32>
      %broadcast_in_dim3A_1590 = arith.constant 2 : i32
      %broadcast_in_dim3A_1591 = vector.broadcast %broadcast_in_dim3A_1590 : i32 to vector<16xi32>
      %add3A_1592 = arith.constant 0 : i32
      %add3A_1593 = vector.broadcast %add3A_1592 : i32 to vector<16xi32>
      %add3A_1594 = arith.addi %iota3A_184, %add3A_1593 : vector<16xi32>
      %gather3A_1595 = tpu.vector_load_idx %arg7[%broadcast_in_dim3A_1591, %add3A_1594, %broadcast_in_dim3A_1584] : memref<4x64x128xf32, #tpu.memory_space<vmem>>[vector<16xi32>, vector<16xi32>, vector<16xi32>], vector<16xf32>,
      %gather3A_1596 = tpu.vector_load_idx %arg8[%broadcast_in_dim3A_1591, %add3A_1594, %broadcast_in_dim3A_1589] : memref<4x64x128xf32, #tpu.memory_space<vmem>>[vector<16xi32>, vector<16xi32>, vector<16xi32>], vector<16xf32>,
      %mul3A_1597 = arith.mulf %gather3A_1595, %gather3A_1596 : vector<16xf32>
      %add3A_1598 = arith.constant 16 : i32
      %add3A_1599 = vector.broadcast %add3A_1598 : i32 to vector<16xi32>
      %add3A_1600 = arith.addi %iota3A_184, %add3A_1599 : vector<16xi32>
      %gather3A_1601 = tpu.vector_load_idx %arg7[%broadcast_in_dim3A_1591, %add3A_1600, %broadcast_in_dim3A_1584] : memref<4x64x128xf32, #tpu.memory_space<vmem>>[vector<16xi32>, vector<16xi32>, vector<16xi32>], vector<16xf32>,
      %gather3A_1602 = tpu.vector_load_idx %arg8[%broadcast_in_dim3A_1591, %add3A_1600, %broadcast_in_dim3A_1589] : memref<4x64x128xf32, #tpu.memory_space<vmem>>[vector<16xi32>, vector<16xi32>, vector<16xi32>], vector<16xf32>,
      %mul3A_1603 = arith.mulf %gather3A_1601, %gather3A_1602 : vector<16xf32>
      %add3A_1604 = arith.addf %mul3A_1597, %mul3A_1603 : vector<16xf32>
      %add3A_1605 = arith.constant 32 : i32
      %add3A_1606 = vector.broadcast %add3A_1605 : i32 to vector<16xi32>
      %add3A_1607 = arith.addi %iota3A_184, %add3A_1606 : vector<16xi32>
      %gather3A_1608 = tpu.vector_load_idx %arg7[%broadcast_in_dim3A_1591, %add3A_1607, %broadcast_in_dim3A_1584] : memref<4x64x128xf32, #tpu.memory_space<vmem>>[vector<16xi32>, vector<16xi32>, vector<16xi32>], vector<16xf32>,
      %gather3A_1609 = tpu.vector_load_idx %arg8[%broadcast_in_dim3A_1591, %add3A_1607, %broadcast_in_dim3A_1589] : memref<4x64x128xf32, #tpu.memory_space<vmem>>[vector<16xi32>, vector<16xi32>, vector<16xi32>], vector<16xf32>,
      %mul3A_1610 = arith.mulf %gather3A_1608, %gather3A_1609 : vector<16xf32>
      %add3A_1611 = arith.addf %add3A_1604, %mul3A_1610 : vector<16xf32>
      %add3A_1612 = arith.constant 48 : i32
      %add3A_1613 = vector.broadcast %add3A_1612 : i32 to vector<16xi32>
      %add3A_1614 = arith.addi %iota3A_184, %add3A_1613 : vector<16xi32>
      %gather3A_1615 = tpu.vector_load_idx %arg7[%broadcast_in_dim3A_1591, %add3A_1614, %broadcast_in_dim3A_1584] : memref<4x64x128xf32, #tpu.memory_space<vmem>>[vector<16xi32>, vector<16xi32>, vector<16xi32>], vector<16xf32>,
      %gather3A_1616 = tpu.vector_load_idx %arg8[%broadcast_in_dim3A_1591, %add3A_1614, %broadcast_in_dim3A_1589] : memref<4x64x128xf32, #tpu.memory_space<vmem>>[vector<16xi32>, vector<16xi32>, vector<16xi32>], vector<16xf32>,
      %mul3A_1617 = arith.mulf %gather3A_1615, %gather3A_1616 : vector<16xf32>
      %add3A_1618 = arith.addf %add3A_1611, %mul3A_1617 : vector<16xf32>
      %add3A_1619 = arith.constant 4 : i32
      %add3A_1620 = arith.addi %add3A_1549, %add3A_1619 : i32
      %min3A_1621 = arith.constant 511 : i32
      %min3A_1622 = arith.minsi %add3A_1620, %min3A_1621 : i32
      %get3A_1623 = arith.index_cast %min3A_1622 : i32 to index
      %get3A_1624 = tpu.vector_load %arg6[%get3A_1623] {strides = array<i32>} : memref<1040xi32, #tpu.memory_space<vmem>>, vector<16xi32>,
      %slice3A_1625 = vector.extract_strided_slice %get3A_1624 {offsets = [0], sizes = [1], strides = [1]} : vector<16xi32> to vector<1xi32>
      %squeeze3A_1626 = vector.extract %slice3A_1625[0] : i32 from vector<1xi32>
      %add3A_1627 = arith.constant 512 : i32
      %add3A_1628 = arith.addi %add3A_1627, %min3A_1622 : i32
      %get3A_1629 = arith.index_cast %add3A_1628 : i32 to index
      %get3A_1630 = tpu.vector_load %arg6[%get3A_1629] {strides = array<i32>} : memref<1040xi32, #tpu.memory_space<vmem>>, vector<16xi32>,
      %slice3A_1631 = vector.extract_strided_slice %get3A_1630 {offsets = [0], sizes = [1], strides = [1]} : vector<16xi32> to vector<1xi32>
      %squeeze3A_1632 = vector.extract %slice3A_1631[0] : i32 from vector<1xi32>
      %shift_right_arithmetic3A_1633 = arith.constant 7 : i32
      %shift_right_arithmetic3A_1634 = arith.shrsi %squeeze3A_1626, %shift_right_arithmetic3A_1633 : i32
      %mul3A_1635 = arith.constant 128 : i32
      %mul3A_1636 = arith.muli %shift_right_arithmetic3A_1634, %mul3A_1635 : i32
      %multiple_of3A_1637 = tpu.assume_multiple %mul3A_1636, 128 : i32
      %shift_right_arithmetic3A_1638 = arith.constant 7 : i32
      %shift_right_arithmetic3A_1639 = arith.shrsi %squeeze3A_1632, %shift_right_arithmetic3A_1638 : i32
      %mul3A_1640 = arith.constant 128 : i32
      %mul3A_1641 = arith.muli %shift_right_arithmetic3A_1639, %mul3A_1640 : i32
      %multiple_of3A_1642 = tpu.assume_multiple %mul3A_1641, 128 : i32
      %dma_start3A_1643 = arith.constant 2 : i32
      %dma_start3A_1644 = arith.constant 0 : i32
      %dma_start3A_1645 = arith.constant 0 : i32
      %dma_start3A_1646 = tpu.memref_slice %arg7[%dma_start3A_1643, %dma_start3A_1644, %dma_start3A_1645] : memref<4x64x128xf32, #tpu.memory_space<vmem>> -> memref<1x64x128xf32, #tpu.memory_space<vmem>>
      %dma_start3A_1647 = tpu.memref_squeeze %dma_start3A_1646 : memref<1x64x128xf32, #tpu.memory_space<vmem>> -> memref<64x128xf32, #tpu.memory_space<vmem>>
      %dma_start3A_1648 = arith.constant 0 : i32
      %dma_start3A_1649 = tpu.memref_slice %arg3[%dma_start3A_1648, %multiple_of3A_1637] : memref<64x1000000xf32, #tpu.memory_space<hbm>> -> memref<64x128xf32, #tpu.memory_space<hbm>>
      %dma_start3A_1650 = arith.constant 0 : i32
      %dma_start3A_1651 = arith.constant 0 : i32
      %dma_start3A_1652 = tpu.memref_slice %arg7[%dma_start3A_1643, %dma_start3A_1650, %dma_start3A_1651] : memref<4x64x128xf32, #tpu.memory_space<vmem>> -> memref<1x64x128xf32, #tpu.memory_space<vmem>>
      %dma_start3A_1653 = tpu.memref_squeeze %dma_start3A_1652 : memref<1x64x128xf32, #tpu.memory_space<vmem>> -> memref<64x128xf32, #tpu.memory_space<vmem>>
      %dma_start3A_1654 = arith.constant 0 : i32
      %dma_start3A_1655 = tpu.memref_slice %arg3[%dma_start3A_1654, %multiple_of3A_1637] : memref<64x1000000xf32, #tpu.memory_space<hbm>> -> memref<64x128xf32, #tpu.memory_space<hbm>>
      tpu.enqueue_dma source(%dma_start3A_1655 : memref<64x128xf32, #tpu.memory_space<hbm>>) target(%dma_start3A_1653 : memref<64x128xf32, #tpu.memory_space<vmem>>) target_semaphore(%arg12 : memref<!tpu.dma_semaphore, #tpu.memory_space<semaphore_mem>>)
      %dma_start3A_1656 = arith.constant 2 : i32
      %dma_start3A_1657 = arith.constant 0 : i32
      %dma_start3A_1658 = arith.constant 0 : i32
      %dma_start3A_1659 = tpu.memref_slice %arg8[%dma_start3A_1656, %dma_start3A_1657, %dma_start3A_1658] : memref<4x64x128xf32, #tpu.memory_space<vmem>> -> memref<1x64x128xf32, #tpu.memory_space<vmem>>
      %dma_start3A_1660 = tpu.memref_squeeze %dma_start3A_1659 : memref<1x64x128xf32, #tpu.memory_space<vmem>> -> memref<64x128xf32, #tpu.memory_space<vmem>>
      %dma_start3A_1661 = arith.constant 0 : i32
      %dma_start3A_1662 = tpu.memref_slice %arg4[%dma_start3A_1661, %multiple_of3A_1642] : memref<64x1000000xf32, #tpu.memory_space<hbm>> -> memref<64x128xf32, #tpu.memory_space<hbm>>
      %dma_start3A_1663 = arith.constant 0 : i32
      %dma_start3A_1664 = arith.constant 0 : i32
      %dma_start3A_1665 = tpu.memref_slice %arg8[%dma_start3A_1656, %dma_start3A_1663, %dma_start3A_1664] : memref<4x64x128xf32, #tpu.memory_space<vmem>> -> memref<1x64x128xf32, #tpu.memory_space<vmem>>
      %dma_start3A_1666 = tpu.memref_squeeze %dma_start3A_1665 : memref<1x64x128xf32, #tpu.memory_space<vmem>> -> memref<64x128xf32, #tpu.memory_space<vmem>>
      %dma_start3A_1667 = arith.constant 0 : i32
      %dma_start3A_1668 = tpu.memref_slice %arg4[%dma_start3A_1667, %multiple_of3A_1642] : memref<64x1000000xf32, #tpu.memory_space<hbm>> -> memref<64x128xf32, #tpu.memory_space<hbm>>
      tpu.enqueue_dma source(%dma_start3A_1668 : memref<64x128xf32, #tpu.memory_space<hbm>>) target(%dma_start3A_1666 : memref<64x128xf32, #tpu.memory_space<vmem>>) target_semaphore(%arg12 : memref<!tpu.dma_semaphore, #tpu.memory_space<semaphore_mem>>)
      %mul3A_1669 = arith.constant 16 : i32
      %mul3A_1670 = arith.muli %scan3A_309, %mul3A_1669 : i32
      %add3A_1671 = arith.constant 11 : i32
      %add3A_1672 = arith.addi %mul3A_1670, %add3A_1671 : i32
      %dma_wait3A_1673 = arith.constant 3 : i32
      %dma_wait3A_1674 = arith.constant 0 : i32
      %dma_wait3A_1675 = arith.constant 0 : i32
      %dma_wait3A_1676 = tpu.memref_slice %arg7[%dma_wait3A_1673, %dma_wait3A_1674, %dma_wait3A_1675] : memref<4x64x128xf32, #tpu.memory_space<vmem>> -> memref<1x64x128xf32, #tpu.memory_space<vmem>>
      %dma_wait3A_1677 = tpu.memref_squeeze %dma_wait3A_1676 : memref<1x64x128xf32, #tpu.memory_space<vmem>> -> memref<64x128xf32, #tpu.memory_space<vmem>>
      %dma_wait3A_1678 = arith.constant 0 : i32
      %dma_wait3A_1679 = arith.constant 0 : i32
      %dma_wait3A_1680 = tpu.memref_slice %arg3[%dma_wait3A_1678, %dma_wait3A_1679] : memref<64x1000000xf32, #tpu.memory_space<hbm>> -> memref<64x128xf32, #tpu.memory_space<hbm>>
      %dma_wait3A_1681 = arith.constant 0 : i32
      %dma_wait3A_1682 = arith.constant 0 : i32
      %dma_wait3A_1683 = tpu.memref_slice %arg7[%dma_wait3A_1673, %dma_wait3A_1681, %dma_wait3A_1682] : memref<4x64x128xf32, #tpu.memory_space<vmem>> -> memref<1x64x128xf32, #tpu.memory_space<vmem>>
      %dma_wait3A_1684 = tpu.memref_squeeze %dma_wait3A_1683 : memref<1x64x128xf32, #tpu.memory_space<vmem>> -> memref<64x128xf32, #tpu.memory_space<vmem>>
      %dma_wait3A_1685 = arith.constant 0 : i32
      %dma_wait3A_1686 = arith.constant 0 : i32
      %dma_wait3A_1687 = tpu.memref_slice %arg3[%dma_wait3A_1685, %dma_wait3A_1686] : memref<64x1000000xf32, #tpu.memory_space<hbm>> -> memref<64x128xf32, #tpu.memory_space<hbm>>
      tpu.wait_dma2 semaphore(%arg13 : memref<!tpu.dma_semaphore, #tpu.memory_space<semaphore_mem>>) src(%dma_wait3A_1687 : memref<64x128xf32, #tpu.memory_space<hbm>>) dst(%dma_wait3A_1684 : memref<64x128xf32, #tpu.memory_space<vmem>>)
      %dma_wait3A_1688 = arith.constant 3 : i32
      %dma_wait3A_1689 = arith.constant 0 : i32
      %dma_wait3A_1690 = arith.constant 0 : i32
      %dma_wait3A_1691 = tpu.memref_slice %arg8[%dma_wait3A_1688, %dma_wait3A_1689, %dma_wait3A_1690] : memref<4x64x128xf32, #tpu.memory_space<vmem>> -> memref<1x64x128xf32, #tpu.memory_space<vmem>>
      %dma_wait3A_1692 = tpu.memref_squeeze %dma_wait3A_1691 : memref<1x64x128xf32, #tpu.memory_space<vmem>> -> memref<64x128xf32, #tpu.memory_space<vmem>>
      %dma_wait3A_1693 = arith.constant 0 : i32
      %dma_wait3A_1694 = arith.constant 0 : i32
      %dma_wait3A_1695 = tpu.memref_slice %arg4[%dma_wait3A_1693, %dma_wait3A_1694] : memref<64x1000000xf32, #tpu.memory_space<hbm>> -> memref<64x128xf32, #tpu.memory_space<hbm>>
      %dma_wait3A_1696 = arith.constant 0 : i32
      %dma_wait3A_1697 = arith.constant 0 : i32
      %dma_wait3A_1698 = tpu.memref_slice %arg8[%dma_wait3A_1688, %dma_wait3A_1696, %dma_wait3A_1697] : memref<4x64x128xf32, #tpu.memory_space<vmem>> -> memref<1x64x128xf32, #tpu.memory_space<vmem>>
      %dma_wait3A_1699 = tpu.memref_squeeze %dma_wait3A_1698 : memref<1x64x128xf32, #tpu.memory_space<vmem>> -> memref<64x128xf32, #tpu.memory_space<vmem>>
      %dma_wait3A_1700 = arith.constant 0 : i32
      %dma_wait3A_1701 = arith.constant 0 : i32
      %dma_wait3A_1702 = tpu.memref_slice %arg4[%dma_wait3A_1700, %dma_wait3A_1701] : memref<64x1000000xf32, #tpu.memory_space<hbm>> -> memref<64x128xf32, #tpu.memory_space<hbm>>
      tpu.wait_dma2 semaphore(%arg13 : memref<!tpu.dma_semaphore, #tpu.memory_space<semaphore_mem>>) src(%dma_wait3A_1702 : memref<64x128xf32, #tpu.memory_space<hbm>>) dst(%dma_wait3A_1699 : memref<64x128xf32, #tpu.memory_space<vmem>>)
      %slice3A_1703 = vector.extract_strided_slice %get3A_313 {offsets = [11], sizes = [1], strides = [1]} : vector<16xi32> to vector<1xi32>
      %squeeze3A_1704 = vector.extract %slice3A_1703[0] : i32 from vector<1xi32>
      %and3A_1705 = arith.constant 127 : i32
      %and3A_1706 = arith.andi %squeeze3A_1704, %and3A_1705 : i32
      %broadcast_in_dim3A_1707 = vector.broadcast %and3A_1706 : i32 to vector<16xi32>
      %slice3A_1708 = vector.extract_strided_slice %get3A_319 {offsets = [11], sizes = [1], strides = [1]} : vector<16xi32> to vector<1xi32>
      %squeeze3A_1709 = vector.extract %slice3A_1708[0] : i32 from vector<1xi32>
      %and3A_1710 = arith.constant 127 : i32
      %and3A_1711 = arith.andi %squeeze3A_1709, %and3A_1710 : i32
      %broadcast_in_dim3A_1712 = vector.broadcast %and3A_1711 : i32 to vector<16xi32>
      %broadcast_in_dim3A_1713 = arith.constant 3 : i32
      %broadcast_in_dim3A_1714 = vector.broadcast %broadcast_in_dim3A_1713 : i32 to vector<16xi32>
      %add3A_1715 = arith.constant 0 : i32
      %add3A_1716 = vector.broadcast %add3A_1715 : i32 to vector<16xi32>
      %add3A_1717 = arith.addi %iota3A_184, %add3A_1716 : vector<16xi32>
      %gather3A_1718 = tpu.vector_load_idx %arg7[%broadcast_in_dim3A_1714, %add3A_1717, %broadcast_in_dim3A_1707] : memref<4x64x128xf32, #tpu.memory_space<vmem>>[vector<16xi32>, vector<16xi32>, vector<16xi32>], vector<16xf32>,
      %gather3A_1719 = tpu.vector_load_idx %arg8[%broadcast_in_dim3A_1714, %add3A_1717, %broadcast_in_dim3A_1712] : memref<4x64x128xf32, #tpu.memory_space<vmem>>[vector<16xi32>, vector<16xi32>, vector<16xi32>], vector<16xf32>,
      %mul3A_1720 = arith.mulf %gather3A_1718, %gather3A_1719 : vector<16xf32>
      %add3A_1721 = arith.constant 16 : i32
      %add3A_1722 = vector.broadcast %add3A_1721 : i32 to vector<16xi32>
      %add3A_1723 = arith.addi %iota3A_184, %add3A_1722 : vector<16xi32>
      %gather3A_1724 = tpu.vector_load_idx %arg7[%broadcast_in_dim3A_1714, %add3A_1723, %broadcast_in_dim3A_1707] : memref<4x64x128xf32, #tpu.memory_space<vmem>>[vector<16xi32>, vector<16xi32>, vector<16xi32>], vector<16xf32>,
      %gather3A_1725 = tpu.vector_load_idx %arg8[%broadcast_in_dim3A_1714, %add3A_1723, %broadcast_in_dim3A_1712] : memref<4x64x128xf32, #tpu.memory_space<vmem>>[vector<16xi32>, vector<16xi32>, vector<16xi32>], vector<16xf32>,
      %mul3A_1726 = arith.mulf %gather3A_1724, %gather3A_1725 : vector<16xf32>
      %add3A_1727 = arith.addf %mul3A_1720, %mul3A_1726 : vector<16xf32>
      %add3A_1728 = arith.constant 32 : i32
      %add3A_1729 = vector.broadcast %add3A_1728 : i32 to vector<16xi32>
      %add3A_1730 = arith.addi %iota3A_184, %add3A_1729 : vector<16xi32>
      %gather3A_1731 = tpu.vector_load_idx %arg7[%broadcast_in_dim3A_1714, %add3A_1730, %broadcast_in_dim3A_1707] : memref<4x64x128xf32, #tpu.memory_space<vmem>>[vector<16xi32>, vector<16xi32>, vector<16xi32>], vector<16xf32>,
      %gather3A_1732 = tpu.vector_load_idx %arg8[%broadcast_in_dim3A_1714, %add3A_1730, %broadcast_in_dim3A_1712] : memref<4x64x128xf32, #tpu.memory_space<vmem>>[vector<16xi32>, vector<16xi32>, vector<16xi32>], vector<16xf32>,
      %mul3A_1733 = arith.mulf %gather3A_1731, %gather3A_1732 : vector<16xf32>
      %add3A_1734 = arith.addf %add3A_1727, %mul3A_1733 : vector<16xf32>
      %add3A_1735 = arith.constant 48 : i32
      %add3A_1736 = vector.broadcast %add3A_1735 : i32 to vector<16xi32>
      %add3A_1737 = arith.addi %iota3A_184, %add3A_1736 : vector<16xi32>
      %gather3A_1738 = tpu.vector_load_idx %arg7[%broadcast_in_dim3A_1714, %add3A_1737, %broadcast_in_dim3A_1707] : memref<4x64x128xf32, #tpu.memory_space<vmem>>[vector<16xi32>, vector<16xi32>, vector<16xi32>], vector<16xf32>,
      %gather3A_1739 = tpu.vector_load_idx %arg8[%broadcast_in_dim3A_1714, %add3A_1737, %broadcast_in_dim3A_1712] : memref<4x64x128xf32, #tpu.memory_space<vmem>>[vector<16xi32>, vector<16xi32>, vector<16xi32>], vector<16xf32>,
      %mul3A_1740 = arith.mulf %gather3A_1738, %gather3A_1739 : vector<16xf32>
      %add3A_1741 = arith.addf %add3A_1734, %mul3A_1740 : vector<16xf32>
      %add3A_1742 = arith.constant 4 : i32
      %add3A_1743 = arith.addi %add3A_1672, %add3A_1742 : i32
      %min3A_1744 = arith.constant 511 : i32
      %min3A_1745 = arith.minsi %add3A_1743, %min3A_1744 : i32
      %get3A_1746 = arith.index_cast %min3A_1745 : i32 to index
      %get3A_1747 = tpu.vector_load %arg6[%get3A_1746] {strides = array<i32>} : memref<1040xi32, #tpu.memory_space<vmem>>, vector<16xi32>,
      %slice3A_1748 = vector.extract_strided_slice %get3A_1747 {offsets = [0], sizes = [1], strides = [1]} : vector<16xi32> to vector<1xi32>
      %squeeze3A_1749 = vector.extract %slice3A_1748[0] : i32 from vector<1xi32>
      %add3A_1750 = arith.constant 512 : i32
      %add3A_1751 = arith.addi %add3A_1750, %min3A_1745 : i32
      %get3A_1752 = arith.index_cast %add3A_1751 : i32 to index
      %get3A_1753 = tpu.vector_load %arg6[%get3A_1752] {strides = array<i32>} : memref<1040xi32, #tpu.memory_space<vmem>>, vector<16xi32>,
      %slice3A_1754 = vector.extract_strided_slice %get3A_1753 {offsets = [0], sizes = [1], strides = [1]} : vector<16xi32> to vector<1xi32>
      %squeeze3A_1755 = vector.extract %slice3A_1754[0] : i32 from vector<1xi32>
      %shift_right_arithmetic3A_1756 = arith.constant 7 : i32
      %shift_right_arithmetic3A_1757 = arith.shrsi %squeeze3A_1749, %shift_right_arithmetic3A_1756 : i32
      %mul3A_1758 = arith.constant 128 : i32
      %mul3A_1759 = arith.muli %shift_right_arithmetic3A_1757, %mul3A_1758 : i32
      %multiple_of3A_1760 = tpu.assume_multiple %mul3A_1759, 128 : i32
      %shift_right_arithmetic3A_1761 = arith.constant 7 : i32
      %shift_right_arithmetic3A_1762 = arith.shrsi %squeeze3A_1755, %shift_right_arithmetic3A_1761 : i32
      %mul3A_1763 = arith.constant 128 : i32
      %mul3A_1764 = arith.muli %shift_right_arithmetic3A_1762, %mul3A_1763 : i32
      %multiple_of3A_1765 = tpu.assume_multiple %mul3A_1764, 128 : i32
      %dma_start3A_1766 = arith.constant 3 : i32
      %dma_start3A_1767 = arith.constant 0 : i32
      %dma_start3A_1768 = arith.constant 0 : i32
      %dma_start3A_1769 = tpu.memref_slice %arg7[%dma_start3A_1766, %dma_start3A_1767, %dma_start3A_1768] : memref<4x64x128xf32, #tpu.memory_space<vmem>> -> memref<1x64x128xf32, #tpu.memory_space<vmem>>
      %dma_start3A_1770 = tpu.memref_squeeze %dma_start3A_1769 : memref<1x64x128xf32, #tpu.memory_space<vmem>> -> memref<64x128xf32, #tpu.memory_space<vmem>>
      %dma_start3A_1771 = arith.constant 0 : i32
      %dma_start3A_1772 = tpu.memref_slice %arg3[%dma_start3A_1771, %multiple_of3A_1760] : memref<64x1000000xf32, #tpu.memory_space<hbm>> -> memref<64x128xf32, #tpu.memory_space<hbm>>
      %dma_start3A_1773 = arith.constant 0 : i32
      %dma_start3A_1774 = arith.constant 0 : i32
      %dma_start3A_1775 = tpu.memref_slice %arg7[%dma_start3A_1766, %dma_start3A_1773, %dma_start3A_1774] : memref<4x64x128xf32, #tpu.memory_space<vmem>> -> memref<1x64x128xf32, #tpu.memory_space<vmem>>
      %dma_start3A_1776 = tpu.memref_squeeze %dma_start3A_1775 : memref<1x64x128xf32, #tpu.memory_space<vmem>> -> memref<64x128xf32, #tpu.memory_space<vmem>>
      %dma_start3A_1777 = arith.constant 0 : i32
      %dma_start3A_1778 = tpu.memref_slice %arg3[%dma_start3A_1777, %multiple_of3A_1760] : memref<64x1000000xf32, #tpu.memory_space<hbm>> -> memref<64x128xf32, #tpu.memory_space<hbm>>
      tpu.enqueue_dma source(%dma_start3A_1778 : memref<64x128xf32, #tpu.memory_space<hbm>>) target(%dma_start3A_1776 : memref<64x128xf32, #tpu.memory_space<vmem>>) target_semaphore(%arg13 : memref<!tpu.dma_semaphore, #tpu.memory_space<semaphore_mem>>)
      %dma_start3A_1779 = arith.constant 3 : i32
      %dma_start3A_1780 = arith.constant 0 : i32
      %dma_start3A_1781 = arith.constant 0 : i32
      %dma_start3A_1782 = tpu.memref_slice %arg8[%dma_start3A_1779, %dma_start3A_1780, %dma_start3A_1781] : memref<4x64x128xf32, #tpu.memory_space<vmem>> -> memref<1x64x128xf32, #tpu.memory_space<vmem>>
      %dma_start3A_1783 = tpu.memref_squeeze %dma_start3A_1782 : memref<1x64x128xf32, #tpu.memory_space<vmem>> -> memref<64x128xf32, #tpu.memory_space<vmem>>
      %dma_start3A_1784 = arith.constant 0 : i32
      %dma_start3A_1785 = tpu.memref_slice %arg4[%dma_start3A_1784, %multiple_of3A_1765] : memref<64x1000000xf32, #tpu.memory_space<hbm>> -> memref<64x128xf32, #tpu.memory_space<hbm>>
      %dma_start3A_1786 = arith.constant 0 : i32
      %dma_start3A_1787 = arith.constant 0 : i32
      %dma_start3A_1788 = tpu.memref_slice %arg8[%dma_start3A_1779, %dma_start3A_1786, %dma_start3A_1787] : memref<4x64x128xf32, #tpu.memory_space<vmem>> -> memref<1x64x128xf32, #tpu.memory_space<vmem>>
      %dma_start3A_1789 = tpu.memref_squeeze %dma_start3A_1788 : memref<1x64x128xf32, #tpu.memory_space<vmem>> -> memref<64x128xf32, #tpu.memory_space<vmem>>
      %dma_start3A_1790 = arith.constant 0 : i32
      %dma_start3A_1791 = tpu.memref_slice %arg4[%dma_start3A_1790, %multiple_of3A_1765] : memref<64x1000000xf32, #tpu.memory_space<hbm>> -> memref<64x128xf32, #tpu.memory_space<hbm>>
      tpu.enqueue_dma source(%dma_start3A_1791 : memref<64x128xf32, #tpu.memory_space<hbm>>) target(%dma_start3A_1789 : memref<64x128xf32, #tpu.memory_space<vmem>>) target_semaphore(%arg13 : memref<!tpu.dma_semaphore, #tpu.memory_space<semaphore_mem>>)
      %mul3A_1792 = arith.constant 16 : i32
      %mul3A_1793 = arith.muli %scan3A_309, %mul3A_1792 : i32
      %add3A_1794 = arith.constant 12 : i32
      %add3A_1795 = arith.addi %mul3A_1793, %add3A_1794 : i32
      %dma_wait3A_1796 = arith.constant 0 : i32
      %dma_wait3A_1797 = arith.constant 0 : i32
      %dma_wait3A_1798 = arith.constant 0 : i32
      %dma_wait3A_1799 = tpu.memref_slice %arg7[%dma_wait3A_1796, %dma_wait3A_1797, %dma_wait3A_1798] : memref<4x64x128xf32, #tpu.memory_space<vmem>> -> memref<1x64x128xf32, #tpu.memory_space<vmem>>
      %dma_wait3A_1800 = tpu.memref_squeeze %dma_wait3A_1799 : memref<1x64x128xf32, #tpu.memory_space<vmem>> -> memref<64x128xf32, #tpu.memory_space<vmem>>
      %dma_wait3A_1801 = arith.constant 0 : i32
      %dma_wait3A_1802 = arith.constant 0 : i32
      %dma_wait3A_1803 = tpu.memref_slice %arg3[%dma_wait3A_1801, %dma_wait3A_1802] : memref<64x1000000xf32, #tpu.memory_space<hbm>> -> memref<64x128xf32, #tpu.memory_space<hbm>>
      %dma_wait3A_1804 = arith.constant 0 : i32
      %dma_wait3A_1805 = arith.constant 0 : i32
      %dma_wait3A_1806 = tpu.memref_slice %arg7[%dma_wait3A_1796, %dma_wait3A_1804, %dma_wait3A_1805] : memref<4x64x128xf32, #tpu.memory_space<vmem>> -> memref<1x64x128xf32, #tpu.memory_space<vmem>>
      %dma_wait3A_1807 = tpu.memref_squeeze %dma_wait3A_1806 : memref<1x64x128xf32, #tpu.memory_space<vmem>> -> memref<64x128xf32, #tpu.memory_space<vmem>>
      %dma_wait3A_1808 = arith.constant 0 : i32
      %dma_wait3A_1809 = arith.constant 0 : i32
      %dma_wait3A_1810 = tpu.memref_slice %arg3[%dma_wait3A_1808, %dma_wait3A_1809] : memref<64x1000000xf32, #tpu.memory_space<hbm>> -> memref<64x128xf32, #tpu.memory_space<hbm>>
      tpu.wait_dma2 semaphore(%arg10 : memref<!tpu.dma_semaphore, #tpu.memory_space<semaphore_mem>>) src(%dma_wait3A_1810 : memref<64x128xf32, #tpu.memory_space<hbm>>) dst(%dma_wait3A_1807 : memref<64x128xf32, #tpu.memory_space<vmem>>)
      %dma_wait3A_1811 = arith.constant 0 : i32
      %dma_wait3A_1812 = arith.constant 0 : i32
      %dma_wait3A_1813 = arith.constant 0 : i32
      %dma_wait3A_1814 = tpu.memref_slice %arg8[%dma_wait3A_1811, %dma_wait3A_1812, %dma_wait3A_1813] : memref<4x64x128xf32, #tpu.memory_space<vmem>> -> memref<1x64x128xf32, #tpu.memory_space<vmem>>
      %dma_wait3A_1815 = tpu.memref_squeeze %dma_wait3A_1814 : memref<1x64x128xf32, #tpu.memory_space<vmem>> -> memref<64x128xf32, #tpu.memory_space<vmem>>
      %dma_wait3A_1816 = arith.constant 0 : i32
      %dma_wait3A_1817 = arith.constant 0 : i32
      %dma_wait3A_1818 = tpu.memref_slice %arg4[%dma_wait3A_1816, %dma_wait3A_1817] : memref<64x1000000xf32, #tpu.memory_space<hbm>> -> memref<64x128xf32, #tpu.memory_space<hbm>>
      %dma_wait3A_1819 = arith.constant 0 : i32
      %dma_wait3A_1820 = arith.constant 0 : i32
      %dma_wait3A_1821 = tpu.memref_slice %arg8[%dma_wait3A_1811, %dma_wait3A_1819, %dma_wait3A_1820] : memref<4x64x128xf32, #tpu.memory_space<vmem>> -> memref<1x64x128xf32, #tpu.memory_space<vmem>>
      %dma_wait3A_1822 = tpu.memref_squeeze %dma_wait3A_1821 : memref<1x64x128xf32, #tpu.memory_space<vmem>> -> memref<64x128xf32, #tpu.memory_space<vmem>>
      %dma_wait3A_1823 = arith.constant 0 : i32
      %dma_wait3A_1824 = arith.constant 0 : i32
      %dma_wait3A_1825 = tpu.memref_slice %arg4[%dma_wait3A_1823, %dma_wait3A_1824] : memref<64x1000000xf32, #tpu.memory_space<hbm>> -> memref<64x128xf32, #tpu.memory_space<hbm>>
      tpu.wait_dma2 semaphore(%arg10 : memref<!tpu.dma_semaphore, #tpu.memory_space<semaphore_mem>>) src(%dma_wait3A_1825 : memref<64x128xf32, #tpu.memory_space<hbm>>) dst(%dma_wait3A_1822 : memref<64x128xf32, #tpu.memory_space<vmem>>)
      %slice3A_1826 = vector.extract_strided_slice %get3A_313 {offsets = [12], sizes = [1], strides = [1]} : vector<16xi32> to vector<1xi32>
      %squeeze3A_1827 = vector.extract %slice3A_1826[0] : i32 from vector<1xi32>
      %and3A_1828 = arith.constant 127 : i32
      %and3A_1829 = arith.andi %squeeze3A_1827, %and3A_1828 : i32
      %broadcast_in_dim3A_1830 = vector.broadcast %and3A_1829 : i32 to vector<16xi32>
      %slice3A_1831 = vector.extract_strided_slice %get3A_319 {offsets = [12], sizes = [1], strides = [1]} : vector<16xi32> to vector<1xi32>
      %squeeze3A_1832 = vector.extract %slice3A_1831[0] : i32 from vector<1xi32>
      %and3A_1833 = arith.constant 127 : i32
      %and3A_1834 = arith.andi %squeeze3A_1832, %and3A_1833 : i32
      %broadcast_in_dim3A_1835 = vector.broadcast %and3A_1834 : i32 to vector<16xi32>
      %broadcast_in_dim3A_1836 = arith.constant 0 : i32
      %broadcast_in_dim3A_1837 = vector.broadcast %broadcast_in_dim3A_1836 : i32 to vector<16xi32>
      %add3A_1838 = arith.constant 0 : i32
      %add3A_1839 = vector.broadcast %add3A_1838 : i32 to vector<16xi32>
      %add3A_1840 = arith.addi %iota3A_184, %add3A_1839 : vector<16xi32>
      %gather3A_1841 = tpu.vector_load_idx %arg7[%broadcast_in_dim3A_1837, %add3A_1840, %broadcast_in_dim3A_1830] : memref<4x64x128xf32, #tpu.memory_space<vmem>>[vector<16xi32>, vector<16xi32>, vector<16xi32>], vector<16xf32>,
      %gather3A_1842 = tpu.vector_load_idx %arg8[%broadcast_in_dim3A_1837, %add3A_1840, %broadcast_in_dim3A_1835] : memref<4x64x128xf32, #tpu.memory_space<vmem>>[vector<16xi32>, vector<16xi32>, vector<16xi32>], vector<16xf32>,
      %mul3A_1843 = arith.mulf %gather3A_1841, %gather3A_1842 : vector<16xf32>
      %add3A_1844 = arith.constant 16 : i32
      %add3A_1845 = vector.broadcast %add3A_1844 : i32 to vector<16xi32>
      %add3A_1846 = arith.addi %iota3A_184, %add3A_1845 : vector<16xi32>
      %gather3A_1847 = tpu.vector_load_idx %arg7[%broadcast_in_dim3A_1837, %add3A_1846, %broadcast_in_dim3A_1830] : memref<4x64x128xf32, #tpu.memory_space<vmem>>[vector<16xi32>, vector<16xi32>, vector<16xi32>], vector<16xf32>,
      %gather3A_1848 = tpu.vector_load_idx %arg8[%broadcast_in_dim3A_1837, %add3A_1846, %broadcast_in_dim3A_1835] : memref<4x64x128xf32, #tpu.memory_space<vmem>>[vector<16xi32>, vector<16xi32>, vector<16xi32>], vector<16xf32>,
      %mul3A_1849 = arith.mulf %gather3A_1847, %gather3A_1848 : vector<16xf32>
      %add3A_1850 = arith.addf %mul3A_1843, %mul3A_1849 : vector<16xf32>
      %add3A_1851 = arith.constant 32 : i32
      %add3A_1852 = vector.broadcast %add3A_1851 : i32 to vector<16xi32>
      %add3A_1853 = arith.addi %iota3A_184, %add3A_1852 : vector<16xi32>
      %gather3A_1854 = tpu.vector_load_idx %arg7[%broadcast_in_dim3A_1837, %add3A_1853, %broadcast_in_dim3A_1830] : memref<4x64x128xf32, #tpu.memory_space<vmem>>[vector<16xi32>, vector<16xi32>, vector<16xi32>], vector<16xf32>,
      %gather3A_1855 = tpu.vector_load_idx %arg8[%broadcast_in_dim3A_1837, %add3A_1853, %broadcast_in_dim3A_1835] : memref<4x64x128xf32, #tpu.memory_space<vmem>>[vector<16xi32>, vector<16xi32>, vector<16xi32>], vector<16xf32>,
      %mul3A_1856 = arith.mulf %gather3A_1854, %gather3A_1855 : vector<16xf32>
      %add3A_1857 = arith.addf %add3A_1850, %mul3A_1856 : vector<16xf32>
      %add3A_1858 = arith.constant 48 : i32
      %add3A_1859 = vector.broadcast %add3A_1858 : i32 to vector<16xi32>
      %add3A_1860 = arith.addi %iota3A_184, %add3A_1859 : vector<16xi32>
      %gather3A_1861 = tpu.vector_load_idx %arg7[%broadcast_in_dim3A_1837, %add3A_1860, %broadcast_in_dim3A_1830] : memref<4x64x128xf32, #tpu.memory_space<vmem>>[vector<16xi32>, vector<16xi32>, vector<16xi32>], vector<16xf32>,
      %gather3A_1862 = tpu.vector_load_idx %arg8[%broadcast_in_dim3A_1837, %add3A_1860, %broadcast_in_dim3A_1835] : memref<4x64x128xf32, #tpu.memory_space<vmem>>[vector<16xi32>, vector<16xi32>, vector<16xi32>], vector<16xf32>,
      %mul3A_1863 = arith.mulf %gather3A_1861, %gather3A_1862 : vector<16xf32>
      %add3A_1864 = arith.addf %add3A_1857, %mul3A_1863 : vector<16xf32>
      %add3A_1865 = arith.constant 4 : i32
      %add3A_1866 = arith.addi %add3A_1795, %add3A_1865 : i32
      %min3A_1867 = arith.constant 511 : i32
      %min3A_1868 = arith.minsi %add3A_1866, %min3A_1867 : i32
      %get3A_1869 = arith.index_cast %min3A_1868 : i32 to index
      %get3A_1870 = tpu.vector_load %arg6[%get3A_1869] {strides = array<i32>} : memref<1040xi32, #tpu.memory_space<vmem>>, vector<16xi32>,
      %slice3A_1871 = vector.extract_strided_slice %get3A_1870 {offsets = [0], sizes = [1], strides = [1]} : vector<16xi32> to vector<1xi32>
      %squeeze3A_1872 = vector.extract %slice3A_1871[0] : i32 from vector<1xi32>
      %add3A_1873 = arith.constant 512 : i32
      %add3A_1874 = arith.addi %add3A_1873, %min3A_1868 : i32
      %get3A_1875 = arith.index_cast %add3A_1874 : i32 to index
      %get3A_1876 = tpu.vector_load %arg6[%get3A_1875] {strides = array<i32>} : memref<1040xi32, #tpu.memory_space<vmem>>, vector<16xi32>,
      %slice3A_1877 = vector.extract_strided_slice %get3A_1876 {offsets = [0], sizes = [1], strides = [1]} : vector<16xi32> to vector<1xi32>
      %squeeze3A_1878 = vector.extract %slice3A_1877[0] : i32 from vector<1xi32>
      %shift_right_arithmetic3A_1879 = arith.constant 7 : i32
      %shift_right_arithmetic3A_1880 = arith.shrsi %squeeze3A_1872, %shift_right_arithmetic3A_1879 : i32
      %mul3A_1881 = arith.constant 128 : i32
      %mul3A_1882 = arith.muli %shift_right_arithmetic3A_1880, %mul3A_1881 : i32
      %multiple_of3A_1883 = tpu.assume_multiple %mul3A_1882, 128 : i32
      %shift_right_arithmetic3A_1884 = arith.constant 7 : i32
      %shift_right_arithmetic3A_1885 = arith.shrsi %squeeze3A_1878, %shift_right_arithmetic3A_1884 : i32
      %mul3A_1886 = arith.constant 128 : i32
      %mul3A_1887 = arith.muli %shift_right_arithmetic3A_1885, %mul3A_1886 : i32
      %multiple_of3A_1888 = tpu.assume_multiple %mul3A_1887, 128 : i32
      %dma_start3A_1889 = arith.constant 0 : i32
      %dma_start3A_1890 = arith.constant 0 : i32
      %dma_start3A_1891 = arith.constant 0 : i32
      %dma_start3A_1892 = tpu.memref_slice %arg7[%dma_start3A_1889, %dma_start3A_1890, %dma_start3A_1891] : memref<4x64x128xf32, #tpu.memory_space<vmem>> -> memref<1x64x128xf32, #tpu.memory_space<vmem>>
      %dma_start3A_1893 = tpu.memref_squeeze %dma_start3A_1892 : memref<1x64x128xf32, #tpu.memory_space<vmem>> -> memref<64x128xf32, #tpu.memory_space<vmem>>
      %dma_start3A_1894 = arith.constant 0 : i32
      %dma_start3A_1895 = tpu.memref_slice %arg3[%dma_start3A_1894, %multiple_of3A_1883] : memref<64x1000000xf32, #tpu.memory_space<hbm>> -> memref<64x128xf32, #tpu.memory_space<hbm>>
      %dma_start3A_1896 = arith.constant 0 : i32
      %dma_start3A_1897 = arith.constant 0 : i32
      %dma_start3A_1898 = tpu.memref_slice %arg7[%dma_start3A_1889, %dma_start3A_1896, %dma_start3A_1897] : memref<4x64x128xf32, #tpu.memory_space<vmem>> -> memref<1x64x128xf32, #tpu.memory_space<vmem>>
      %dma_start3A_1899 = tpu.memref_squeeze %dma_start3A_1898 : memref<1x64x128xf32, #tpu.memory_space<vmem>> -> memref<64x128xf32, #tpu.memory_space<vmem>>
      %dma_start3A_1900 = arith.constant 0 : i32
      %dma_start3A_1901 = tpu.memref_slice %arg3[%dma_start3A_1900, %multiple_of3A_1883] : memref<64x1000000xf32, #tpu.memory_space<hbm>> -> memref<64x128xf32, #tpu.memory_space<hbm>>
      tpu.enqueue_dma source(%dma_start3A_1901 : memref<64x128xf32, #tpu.memory_space<hbm>>) target(%dma_start3A_1899 : memref<64x128xf32, #tpu.memory_space<vmem>>) target_semaphore(%arg10 : memref<!tpu.dma_semaphore, #tpu.memory_space<semaphore_mem>>)
      %dma_start3A_1902 = arith.constant 0 : i32
      %dma_start3A_1903 = arith.constant 0 : i32
      %dma_start3A_1904 = arith.constant 0 : i32
      %dma_start3A_1905 = tpu.memref_slice %arg8[%dma_start3A_1902, %dma_start3A_1903, %dma_start3A_1904] : memref<4x64x128xf32, #tpu.memory_space<vmem>> -> memref<1x64x128xf32, #tpu.memory_space<vmem>>
      %dma_start3A_1906 = tpu.memref_squeeze %dma_start3A_1905 : memref<1x64x128xf32, #tpu.memory_space<vmem>> -> memref<64x128xf32, #tpu.memory_space<vmem>>
      %dma_start3A_1907 = arith.constant 0 : i32
      %dma_start3A_1908 = tpu.memref_slice %arg4[%dma_start3A_1907, %multiple_of3A_1888] : memref<64x1000000xf32, #tpu.memory_space<hbm>> -> memref<64x128xf32, #tpu.memory_space<hbm>>
      %dma_start3A_1909 = arith.constant 0 : i32
      %dma_start3A_1910 = arith.constant 0 : i32
      %dma_start3A_1911 = tpu.memref_slice %arg8[%dma_start3A_1902, %dma_start3A_1909, %dma_start3A_1910] : memref<4x64x128xf32, #tpu.memory_space<vmem>> -> memref<1x64x128xf32, #tpu.memory_space<vmem>>
      %dma_start3A_1912 = tpu.memref_squeeze %dma_start3A_1911 : memref<1x64x128xf32, #tpu.memory_space<vmem>> -> memref<64x128xf32, #tpu.memory_space<vmem>>
      %dma_start3A_1913 = arith.constant 0 : i32
      %dma_start3A_1914 = tpu.memref_slice %arg4[%dma_start3A_1913, %multiple_of3A_1888] : memref<64x1000000xf32, #tpu.memory_space<hbm>> -> memref<64x128xf32, #tpu.memory_space<hbm>>
      tpu.enqueue_dma source(%dma_start3A_1914 : memref<64x128xf32, #tpu.memory_space<hbm>>) target(%dma_start3A_1912 : memref<64x128xf32, #tpu.memory_space<vmem>>) target_semaphore(%arg10 : memref<!tpu.dma_semaphore, #tpu.memory_space<semaphore_mem>>)
      %mul3A_1915 = arith.constant 16 : i32
      %mul3A_1916 = arith.muli %scan3A_309, %mul3A_1915 : i32
      %add3A_1917 = arith.constant 13 : i32
      %add3A_1918 = arith.addi %mul3A_1916, %add3A_1917 : i32
      %dma_wait3A_1919 = arith.constant 1 : i32
      %dma_wait3A_1920 = arith.constant 0 : i32
      %dma_wait3A_1921 = arith.constant 0 : i32
      %dma_wait3A_1922 = tpu.memref_slice %arg7[%dma_wait3A_1919, %dma_wait3A_1920, %dma_wait3A_1921] : memref<4x64x128xf32, #tpu.memory_space<vmem>> -> memref<1x64x128xf32, #tpu.memory_space<vmem>>
      %dma_wait3A_1923 = tpu.memref_squeeze %dma_wait3A_1922 : memref<1x64x128xf32, #tpu.memory_space<vmem>> -> memref<64x128xf32, #tpu.memory_space<vmem>>
      %dma_wait3A_1924 = arith.constant 0 : i32
      %dma_wait3A_1925 = arith.constant 0 : i32
      %dma_wait3A_1926 = tpu.memref_slice %arg3[%dma_wait3A_1924, %dma_wait3A_1925] : memref<64x1000000xf32, #tpu.memory_space<hbm>> -> memref<64x128xf32, #tpu.memory_space<hbm>>
      %dma_wait3A_1927 = arith.constant 0 : i32
      %dma_wait3A_1928 = arith.constant 0 : i32
      %dma_wait3A_1929 = tpu.memref_slice %arg7[%dma_wait3A_1919, %dma_wait3A_1927, %dma_wait3A_1928] : memref<4x64x128xf32, #tpu.memory_space<vmem>> -> memref<1x64x128xf32, #tpu.memory_space<vmem>>
      %dma_wait3A_1930 = tpu.memref_squeeze %dma_wait3A_1929 : memref<1x64x128xf32, #tpu.memory_space<vmem>> -> memref<64x128xf32, #tpu.memory_space<vmem>>
      %dma_wait3A_1931 = arith.constant 0 : i32
      %dma_wait3A_1932 = arith.constant 0 : i32
      %dma_wait3A_1933 = tpu.memref_slice %arg3[%dma_wait3A_1931, %dma_wait3A_1932] : memref<64x1000000xf32, #tpu.memory_space<hbm>> -> memref<64x128xf32, #tpu.memory_space<hbm>>
      tpu.wait_dma2 semaphore(%arg11 : memref<!tpu.dma_semaphore, #tpu.memory_space<semaphore_mem>>) src(%dma_wait3A_1933 : memref<64x128xf32, #tpu.memory_space<hbm>>) dst(%dma_wait3A_1930 : memref<64x128xf32, #tpu.memory_space<vmem>>)
      %dma_wait3A_1934 = arith.constant 1 : i32
      %dma_wait3A_1935 = arith.constant 0 : i32
      %dma_wait3A_1936 = arith.constant 0 : i32
      %dma_wait3A_1937 = tpu.memref_slice %arg8[%dma_wait3A_1934, %dma_wait3A_1935, %dma_wait3A_1936] : memref<4x64x128xf32, #tpu.memory_space<vmem>> -> memref<1x64x128xf32, #tpu.memory_space<vmem>>
      %dma_wait3A_1938 = tpu.memref_squeeze %dma_wait3A_1937 : memref<1x64x128xf32, #tpu.memory_space<vmem>> -> memref<64x128xf32, #tpu.memory_space<vmem>>
      %dma_wait3A_1939 = arith.constant 0 : i32
      %dma_wait3A_1940 = arith.constant 0 : i32
      %dma_wait3A_1941 = tpu.memref_slice %arg4[%dma_wait3A_1939, %dma_wait3A_1940] : memref<64x1000000xf32, #tpu.memory_space<hbm>> -> memref<64x128xf32, #tpu.memory_space<hbm>>
      %dma_wait3A_1942 = arith.constant 0 : i32
      %dma_wait3A_1943 = arith.constant 0 : i32
      %dma_wait3A_1944 = tpu.memref_slice %arg8[%dma_wait3A_1934, %dma_wait3A_1942, %dma_wait3A_1943] : memref<4x64x128xf32, #tpu.memory_space<vmem>> -> memref<1x64x128xf32, #tpu.memory_space<vmem>>
      %dma_wait3A_1945 = tpu.memref_squeeze %dma_wait3A_1944 : memref<1x64x128xf32, #tpu.memory_space<vmem>> -> memref<64x128xf32, #tpu.memory_space<vmem>>
      %dma_wait3A_1946 = arith.constant 0 : i32
      %dma_wait3A_1947 = arith.constant 0 : i32
      %dma_wait3A_1948 = tpu.memref_slice %arg4[%dma_wait3A_1946, %dma_wait3A_1947] : memref<64x1000000xf32, #tpu.memory_space<hbm>> -> memref<64x128xf32, #tpu.memory_space<hbm>>
      tpu.wait_dma2 semaphore(%arg11 : memref<!tpu.dma_semaphore, #tpu.memory_space<semaphore_mem>>) src(%dma_wait3A_1948 : memref<64x128xf32, #tpu.memory_space<hbm>>) dst(%dma_wait3A_1945 : memref<64x128xf32, #tpu.memory_space<vmem>>)
      %slice3A_1949 = vector.extract_strided_slice %get3A_313 {offsets = [13], sizes = [1], strides = [1]} : vector<16xi32> to vector<1xi32>
      %squeeze3A_1950 = vector.extract %slice3A_1949[0] : i32 from vector<1xi32>
      %and3A_1951 = arith.constant 127 : i32
      %and3A_1952 = arith.andi %squeeze3A_1950, %and3A_1951 : i32
      %broadcast_in_dim3A_1953 = vector.broadcast %and3A_1952 : i32 to vector<16xi32>
      %slice3A_1954 = vector.extract_strided_slice %get3A_319 {offsets = [13], sizes = [1], strides = [1]} : vector<16xi32> to vector<1xi32>
      %squeeze3A_1955 = vector.extract %slice3A_1954[0] : i32 from vector<1xi32>
      %and3A_1956 = arith.constant 127 : i32
      %and3A_1957 = arith.andi %squeeze3A_1955, %and3A_1956 : i32
      %broadcast_in_dim3A_1958 = vector.broadcast %and3A_1957 : i32 to vector<16xi32>
      %broadcast_in_dim3A_1959 = arith.constant 1 : i32
      %broadcast_in_dim3A_1960 = vector.broadcast %broadcast_in_dim3A_1959 : i32 to vector<16xi32>
      %add3A_1961 = arith.constant 0 : i32
      %add3A_1962 = vector.broadcast %add3A_1961 : i32 to vector<16xi32>
      %add3A_1963 = arith.addi %iota3A_184, %add3A_1962 : vector<16xi32>
      %gather3A_1964 = tpu.vector_load_idx %arg7[%broadcast_in_dim3A_1960, %add3A_1963, %broadcast_in_dim3A_1953] : memref<4x64x128xf32, #tpu.memory_space<vmem>>[vector<16xi32>, vector<16xi32>, vector<16xi32>], vector<16xf32>,
      %gather3A_1965 = tpu.vector_load_idx %arg8[%broadcast_in_dim3A_1960, %add3A_1963, %broadcast_in_dim3A_1958] : memref<4x64x128xf32, #tpu.memory_space<vmem>>[vector<16xi32>, vector<16xi32>, vector<16xi32>], vector<16xf32>,
      %mul3A_1966 = arith.mulf %gather3A_1964, %gather3A_1965 : vector<16xf32>
      %add3A_1967 = arith.constant 16 : i32
      %add3A_1968 = vector.broadcast %add3A_1967 : i32 to vector<16xi32>
      %add3A_1969 = arith.addi %iota3A_184, %add3A_1968 : vector<16xi32>
      %gather3A_1970 = tpu.vector_load_idx %arg7[%broadcast_in_dim3A_1960, %add3A_1969, %broadcast_in_dim3A_1953] : memref<4x64x128xf32, #tpu.memory_space<vmem>>[vector<16xi32>, vector<16xi32>, vector<16xi32>], vector<16xf32>,
      %gather3A_1971 = tpu.vector_load_idx %arg8[%broadcast_in_dim3A_1960, %add3A_1969, %broadcast_in_dim3A_1958] : memref<4x64x128xf32, #tpu.memory_space<vmem>>[vector<16xi32>, vector<16xi32>, vector<16xi32>], vector<16xf32>,
      %mul3A_1972 = arith.mulf %gather3A_1970, %gather3A_1971 : vector<16xf32>
      %add3A_1973 = arith.addf %mul3A_1966, %mul3A_1972 : vector<16xf32>
      %add3A_1974 = arith.constant 32 : i32
      %add3A_1975 = vector.broadcast %add3A_1974 : i32 to vector<16xi32>
      %add3A_1976 = arith.addi %iota3A_184, %add3A_1975 : vector<16xi32>
      %gather3A_1977 = tpu.vector_load_idx %arg7[%broadcast_in_dim3A_1960, %add3A_1976, %broadcast_in_dim3A_1953] : memref<4x64x128xf32, #tpu.memory_space<vmem>>[vector<16xi32>, vector<16xi32>, vector<16xi32>], vector<16xf32>,
      %gather3A_1978 = tpu.vector_load_idx %arg8[%broadcast_in_dim3A_1960, %add3A_1976, %broadcast_in_dim3A_1958] : memref<4x64x128xf32, #tpu.memory_space<vmem>>[vector<16xi32>, vector<16xi32>, vector<16xi32>], vector<16xf32>,
      %mul3A_1979 = arith.mulf %gather3A_1977, %gather3A_1978 : vector<16xf32>
      %add3A_1980 = arith.addf %add3A_1973, %mul3A_1979 : vector<16xf32>
      %add3A_1981 = arith.constant 48 : i32
      %add3A_1982 = vector.broadcast %add3A_1981 : i32 to vector<16xi32>
      %add3A_1983 = arith.addi %iota3A_184, %add3A_1982 : vector<16xi32>
      %gather3A_1984 = tpu.vector_load_idx %arg7[%broadcast_in_dim3A_1960, %add3A_1983, %broadcast_in_dim3A_1953] : memref<4x64x128xf32, #tpu.memory_space<vmem>>[vector<16xi32>, vector<16xi32>, vector<16xi32>], vector<16xf32>,
      %gather3A_1985 = tpu.vector_load_idx %arg8[%broadcast_in_dim3A_1960, %add3A_1983, %broadcast_in_dim3A_1958] : memref<4x64x128xf32, #tpu.memory_space<vmem>>[vector<16xi32>, vector<16xi32>, vector<16xi32>], vector<16xf32>,
      %mul3A_1986 = arith.mulf %gather3A_1984, %gather3A_1985 : vector<16xf32>
      %add3A_1987 = arith.addf %add3A_1980, %mul3A_1986 : vector<16xf32>
      %add3A_1988 = arith.constant 4 : i32
      %add3A_1989 = arith.addi %add3A_1918, %add3A_1988 : i32
      %min3A_1990 = arith.constant 511 : i32
      %min3A_1991 = arith.minsi %add3A_1989, %min3A_1990 : i32
      %get3A_1992 = arith.index_cast %min3A_1991 : i32 to index
      %get3A_1993 = tpu.vector_load %arg6[%get3A_1992] {strides = array<i32>} : memref<1040xi32, #tpu.memory_space<vmem>>, vector<16xi32>,
      %slice3A_1994 = vector.extract_strided_slice %get3A_1993 {offsets = [0], sizes = [1], strides = [1]} : vector<16xi32> to vector<1xi32>
      %squeeze3A_1995 = vector.extract %slice3A_1994[0] : i32 from vector<1xi32>
      %add3A_1996 = arith.constant 512 : i32
      %add3A_1997 = arith.addi %add3A_1996, %min3A_1991 : i32
      %get3A_1998 = arith.index_cast %add3A_1997 : i32 to index
      %get3A_1999 = tpu.vector_load %arg6[%get3A_1998] {strides = array<i32>} : memref<1040xi32, #tpu.memory_space<vmem>>, vector<16xi32>,
      %slice3A_2000 = vector.extract_strided_slice %get3A_1999 {offsets = [0], sizes = [1], strides = [1]} : vector<16xi32> to vector<1xi32>
      %squeeze3A_2001 = vector.extract %slice3A_2000[0] : i32 from vector<1xi32>
      %shift_right_arithmetic3A_2002 = arith.constant 7 : i32
      %shift_right_arithmetic3A_2003 = arith.shrsi %squeeze3A_1995, %shift_right_arithmetic3A_2002 : i32
      %mul3A_2004 = arith.constant 128 : i32
      %mul3A_2005 = arith.muli %shift_right_arithmetic3A_2003, %mul3A_2004 : i32
      %multiple_of3A_2006 = tpu.assume_multiple %mul3A_2005, 128 : i32
      %shift_right_arithmetic3A_2007 = arith.constant 7 : i32
      %shift_right_arithmetic3A_2008 = arith.shrsi %squeeze3A_2001, %shift_right_arithmetic3A_2007 : i32
      %mul3A_2009 = arith.constant 128 : i32
      %mul3A_2010 = arith.muli %shift_right_arithmetic3A_2008, %mul3A_2009 : i32
      %multiple_of3A_2011 = tpu.assume_multiple %mul3A_2010, 128 : i32
      %dma_start3A_2012 = arith.constant 1 : i32
      %dma_start3A_2013 = arith.constant 0 : i32
      %dma_start3A_2014 = arith.constant 0 : i32
      %dma_start3A_2015 = tpu.memref_slice %arg7[%dma_start3A_2012, %dma_start3A_2013, %dma_start3A_2014] : memref<4x64x128xf32, #tpu.memory_space<vmem>> -> memref<1x64x128xf32, #tpu.memory_space<vmem>>
      %dma_start3A_2016 = tpu.memref_squeeze %dma_start3A_2015 : memref<1x64x128xf32, #tpu.memory_space<vmem>> -> memref<64x128xf32, #tpu.memory_space<vmem>>
      %dma_start3A_2017 = arith.constant 0 : i32
      %dma_start3A_2018 = tpu.memref_slice %arg3[%dma_start3A_2017, %multiple_of3A_2006] : memref<64x1000000xf32, #tpu.memory_space<hbm>> -> memref<64x128xf32, #tpu.memory_space<hbm>>
      %dma_start3A_2019 = arith.constant 0 : i32
      %dma_start3A_2020 = arith.constant 0 : i32
      %dma_start3A_2021 = tpu.memref_slice %arg7[%dma_start3A_2012, %dma_start3A_2019, %dma_start3A_2020] : memref<4x64x128xf32, #tpu.memory_space<vmem>> -> memref<1x64x128xf32, #tpu.memory_space<vmem>>
      %dma_start3A_2022 = tpu.memref_squeeze %dma_start3A_2021 : memref<1x64x128xf32, #tpu.memory_space<vmem>> -> memref<64x128xf32, #tpu.memory_space<vmem>>
      %dma_start3A_2023 = arith.constant 0 : i32
      %dma_start3A_2024 = tpu.memref_slice %arg3[%dma_start3A_2023, %multiple_of3A_2006] : memref<64x1000000xf32, #tpu.memory_space<hbm>> -> memref<64x128xf32, #tpu.memory_space<hbm>>
      tpu.enqueue_dma source(%dma_start3A_2024 : memref<64x128xf32, #tpu.memory_space<hbm>>) target(%dma_start3A_2022 : memref<64x128xf32, #tpu.memory_space<vmem>>) target_semaphore(%arg11 : memref<!tpu.dma_semaphore, #tpu.memory_space<semaphore_mem>>)
      %dma_start3A_2025 = arith.constant 1 : i32
      %dma_start3A_2026 = arith.constant 0 : i32
      %dma_start3A_2027 = arith.constant 0 : i32
      %dma_start3A_2028 = tpu.memref_slice %arg8[%dma_start3A_2025, %dma_start3A_2026, %dma_start3A_2027] : memref<4x64x128xf32, #tpu.memory_space<vmem>> -> memref<1x64x128xf32, #tpu.memory_space<vmem>>
      %dma_start3A_2029 = tpu.memref_squeeze %dma_start3A_2028 : memref<1x64x128xf32, #tpu.memory_space<vmem>> -> memref<64x128xf32, #tpu.memory_space<vmem>>
      %dma_start3A_2030 = arith.constant 0 : i32
      %dma_start3A_2031 = tpu.memref_slice %arg4[%dma_start3A_2030, %multiple_of3A_2011] : memref<64x1000000xf32, #tpu.memory_space<hbm>> -> memref<64x128xf32, #tpu.memory_space<hbm>>
      %dma_start3A_2032 = arith.constant 0 : i32
      %dma_start3A_2033 = arith.constant 0 : i32
      %dma_start3A_2034 = tpu.memref_slice %arg8[%dma_start3A_2025, %dma_start3A_2032, %dma_start3A_2033] : memref<4x64x128xf32, #tpu.memory_space<vmem>> -> memref<1x64x128xf32, #tpu.memory_space<vmem>>
      %dma_start3A_2035 = tpu.memref_squeeze %dma_start3A_2034 : memref<1x64x128xf32, #tpu.memory_space<vmem>> -> memref<64x128xf32, #tpu.memory_space<vmem>>
      %dma_start3A_2036 = arith.constant 0 : i32
      %dma_start3A_2037 = tpu.memref_slice %arg4[%dma_start3A_2036, %multiple_of3A_2011] : memref<64x1000000xf32, #tpu.memory_space<hbm>> -> memref<64x128xf32, #tpu.memory_space<hbm>>
      tpu.enqueue_dma source(%dma_start3A_2037 : memref<64x128xf32, #tpu.memory_space<hbm>>) target(%dma_start3A_2035 : memref<64x128xf32, #tpu.memory_space<vmem>>) target_semaphore(%arg11 : memref<!tpu.dma_semaphore, #tpu.memory_space<semaphore_mem>>)
      %mul3A_2038 = arith.constant 16 : i32
      %mul3A_2039 = arith.muli %scan3A_309, %mul3A_2038 : i32
      %add3A_2040 = arith.constant 14 : i32
      %add3A_2041 = arith.addi %mul3A_2039, %add3A_2040 : i32
      %dma_wait3A_2042 = arith.constant 2 : i32
      %dma_wait3A_2043 = arith.constant 0 : i32
      %dma_wait3A_2044 = arith.constant 0 : i32
      %dma_wait3A_2045 = tpu.memref_slice %arg7[%dma_wait3A_2042, %dma_wait3A_2043, %dma_wait3A_2044] : memref<4x64x128xf32, #tpu.memory_space<vmem>> -> memref<1x64x128xf32, #tpu.memory_space<vmem>>
      %dma_wait3A_2046 = tpu.memref_squeeze %dma_wait3A_2045 : memref<1x64x128xf32, #tpu.memory_space<vmem>> -> memref<64x128xf32, #tpu.memory_space<vmem>>
      %dma_wait3A_2047 = arith.constant 0 : i32
      %dma_wait3A_2048 = arith.constant 0 : i32
      %dma_wait3A_2049 = tpu.memref_slice %arg3[%dma_wait3A_2047, %dma_wait3A_2048] : memref<64x1000000xf32, #tpu.memory_space<hbm>> -> memref<64x128xf32, #tpu.memory_space<hbm>>
      %dma_wait3A_2050 = arith.constant 0 : i32
      %dma_wait3A_2051 = arith.constant 0 : i32
      %dma_wait3A_2052 = tpu.memref_slice %arg7[%dma_wait3A_2042, %dma_wait3A_2050, %dma_wait3A_2051] : memref<4x64x128xf32, #tpu.memory_space<vmem>> -> memref<1x64x128xf32, #tpu.memory_space<vmem>>
      %dma_wait3A_2053 = tpu.memref_squeeze %dma_wait3A_2052 : memref<1x64x128xf32, #tpu.memory_space<vmem>> -> memref<64x128xf32, #tpu.memory_space<vmem>>
      %dma_wait3A_2054 = arith.constant 0 : i32
      %dma_wait3A_2055 = arith.constant 0 : i32
      %dma_wait3A_2056 = tpu.memref_slice %arg3[%dma_wait3A_2054, %dma_wait3A_2055] : memref<64x1000000xf32, #tpu.memory_space<hbm>> -> memref<64x128xf32, #tpu.memory_space<hbm>>
      tpu.wait_dma2 semaphore(%arg12 : memref<!tpu.dma_semaphore, #tpu.memory_space<semaphore_mem>>) src(%dma_wait3A_2056 : memref<64x128xf32, #tpu.memory_space<hbm>>) dst(%dma_wait3A_2053 : memref<64x128xf32, #tpu.memory_space<vmem>>)
      %dma_wait3A_2057 = arith.constant 2 : i32
      %dma_wait3A_2058 = arith.constant 0 : i32
      %dma_wait3A_2059 = arith.constant 0 : i32
      %dma_wait3A_2060 = tpu.memref_slice %arg8[%dma_wait3A_2057, %dma_wait3A_2058, %dma_wait3A_2059] : memref<4x64x128xf32, #tpu.memory_space<vmem>> -> memref<1x64x128xf32, #tpu.memory_space<vmem>>
      %dma_wait3A_2061 = tpu.memref_squeeze %dma_wait3A_2060 : memref<1x64x128xf32, #tpu.memory_space<vmem>> -> memref<64x128xf32, #tpu.memory_space<vmem>>
      %dma_wait3A_2062 = arith.constant 0 : i32
      %dma_wait3A_2063 = arith.constant 0 : i32
      %dma_wait3A_2064 = tpu.memref_slice %arg4[%dma_wait3A_2062, %dma_wait3A_2063] : memref<64x1000000xf32, #tpu.memory_space<hbm>> -> memref<64x128xf32, #tpu.memory_space<hbm>>
      %dma_wait3A_2065 = arith.constant 0 : i32
      %dma_wait3A_2066 = arith.constant 0 : i32
      %dma_wait3A_2067 = tpu.memref_slice %arg8[%dma_wait3A_2057, %dma_wait3A_2065, %dma_wait3A_2066] : memref<4x64x128xf32, #tpu.memory_space<vmem>> -> memref<1x64x128xf32, #tpu.memory_space<vmem>>
      %dma_wait3A_2068 = tpu.memref_squeeze %dma_wait3A_2067 : memref<1x64x128xf32, #tpu.memory_space<vmem>> -> memref<64x128xf32, #tpu.memory_space<vmem>>
      %dma_wait3A_2069 = arith.constant 0 : i32
      %dma_wait3A_2070 = arith.constant 0 : i32
      %dma_wait3A_2071 = tpu.memref_slice %arg4[%dma_wait3A_2069, %dma_wait3A_2070] : memref<64x1000000xf32, #tpu.memory_space<hbm>> -> memref<64x128xf32, #tpu.memory_space<hbm>>
      tpu.wait_dma2 semaphore(%arg12 : memref<!tpu.dma_semaphore, #tpu.memory_space<semaphore_mem>>) src(%dma_wait3A_2071 : memref<64x128xf32, #tpu.memory_space<hbm>>) dst(%dma_wait3A_2068 : memref<64x128xf32, #tpu.memory_space<vmem>>)
      %slice3A_2072 = vector.extract_strided_slice %get3A_313 {offsets = [14], sizes = [1], strides = [1]} : vector<16xi32> to vector<1xi32>
      %squeeze3A_2073 = vector.extract %slice3A_2072[0] : i32 from vector<1xi32>
      %and3A_2074 = arith.constant 127 : i32
      %and3A_2075 = arith.andi %squeeze3A_2073, %and3A_2074 : i32
      %broadcast_in_dim3A_2076 = vector.broadcast %and3A_2075 : i32 to vector<16xi32>
      %slice3A_2077 = vector.extract_strided_slice %get3A_319 {offsets = [14], sizes = [1], strides = [1]} : vector<16xi32> to vector<1xi32>
      %squeeze3A_2078 = vector.extract %slice3A_2077[0] : i32 from vector<1xi32>
      %and3A_2079 = arith.constant 127 : i32
      %and3A_2080 = arith.andi %squeeze3A_2078, %and3A_2079 : i32
      %broadcast_in_dim3A_2081 = vector.broadcast %and3A_2080 : i32 to vector<16xi32>
      %broadcast_in_dim3A_2082 = arith.constant 2 : i32
      %broadcast_in_dim3A_2083 = vector.broadcast %broadcast_in_dim3A_2082 : i32 to vector<16xi32>
      %add3A_2084 = arith.constant 0 : i32
      %add3A_2085 = vector.broadcast %add3A_2084 : i32 to vector<16xi32>
      %add3A_2086 = arith.addi %iota3A_184, %add3A_2085 : vector<16xi32>
      %gather3A_2087 = tpu.vector_load_idx %arg7[%broadcast_in_dim3A_2083, %add3A_2086, %broadcast_in_dim3A_2076] : memref<4x64x128xf32, #tpu.memory_space<vmem>>[vector<16xi32>, vector<16xi32>, vector<16xi32>], vector<16xf32>,
      %gather3A_2088 = tpu.vector_load_idx %arg8[%broadcast_in_dim3A_2083, %add3A_2086, %broadcast_in_dim3A_2081] : memref<4x64x128xf32, #tpu.memory_space<vmem>>[vector<16xi32>, vector<16xi32>, vector<16xi32>], vector<16xf32>,
      %mul3A_2089 = arith.mulf %gather3A_2087, %gather3A_2088 : vector<16xf32>
      %add3A_2090 = arith.constant 16 : i32
      %add3A_2091 = vector.broadcast %add3A_2090 : i32 to vector<16xi32>
      %add3A_2092 = arith.addi %iota3A_184, %add3A_2091 : vector<16xi32>
      %gather3A_2093 = tpu.vector_load_idx %arg7[%broadcast_in_dim3A_2083, %add3A_2092, %broadcast_in_dim3A_2076] : memref<4x64x128xf32, #tpu.memory_space<vmem>>[vector<16xi32>, vector<16xi32>, vector<16xi32>], vector<16xf32>,
      %gather3A_2094 = tpu.vector_load_idx %arg8[%broadcast_in_dim3A_2083, %add3A_2092, %broadcast_in_dim3A_2081] : memref<4x64x128xf32, #tpu.memory_space<vmem>>[vector<16xi32>, vector<16xi32>, vector<16xi32>], vector<16xf32>,
      %mul3A_2095 = arith.mulf %gather3A_2093, %gather3A_2094 : vector<16xf32>
      %add3A_2096 = arith.addf %mul3A_2089, %mul3A_2095 : vector<16xf32>
      %add3A_2097 = arith.constant 32 : i32
      %add3A_2098 = vector.broadcast %add3A_2097 : i32 to vector<16xi32>
      %add3A_2099 = arith.addi %iota3A_184, %add3A_2098 : vector<16xi32>
      %gather3A_2100 = tpu.vector_load_idx %arg7[%broadcast_in_dim3A_2083, %add3A_2099, %broadcast_in_dim3A_2076] : memref<4x64x128xf32, #tpu.memory_space<vmem>>[vector<16xi32>, vector<16xi32>, vector<16xi32>], vector<16xf32>,
      %gather3A_2101 = tpu.vector_load_idx %arg8[%broadcast_in_dim3A_2083, %add3A_2099, %broadcast_in_dim3A_2081] : memref<4x64x128xf32, #tpu.memory_space<vmem>>[vector<16xi32>, vector<16xi32>, vector<16xi32>], vector<16xf32>,
      %mul3A_2102 = arith.mulf %gather3A_2100, %gather3A_2101 : vector<16xf32>
      %add3A_2103 = arith.addf %add3A_2096, %mul3A_2102 : vector<16xf32>
      %add3A_2104 = arith.constant 48 : i32
      %add3A_2105 = vector.broadcast %add3A_2104 : i32 to vector<16xi32>
      %add3A_2106 = arith.addi %iota3A_184, %add3A_2105 : vector<16xi32>
      %gather3A_2107 = tpu.vector_load_idx %arg7[%broadcast_in_dim3A_2083, %add3A_2106, %broadcast_in_dim3A_2076] : memref<4x64x128xf32, #tpu.memory_space<vmem>>[vector<16xi32>, vector<16xi32>, vector<16xi32>], vector<16xf32>,
      %gather3A_2108 = tpu.vector_load_idx %arg8[%broadcast_in_dim3A_2083, %add3A_2106, %broadcast_in_dim3A_2081] : memref<4x64x128xf32, #tpu.memory_space<vmem>>[vector<16xi32>, vector<16xi32>, vector<16xi32>], vector<16xf32>,
      %mul3A_2109 = arith.mulf %gather3A_2107, %gather3A_2108 : vector<16xf32>
      %add3A_2110 = arith.addf %add3A_2103, %mul3A_2109 : vector<16xf32>
      %add3A_2111 = arith.constant 4 : i32
      %add3A_2112 = arith.addi %add3A_2041, %add3A_2111 : i32
      %min3A_2113 = arith.constant 511 : i32
      %min3A_2114 = arith.minsi %add3A_2112, %min3A_2113 : i32
      %get3A_2115 = arith.index_cast %min3A_2114 : i32 to index
      %get3A_2116 = tpu.vector_load %arg6[%get3A_2115] {strides = array<i32>} : memref<1040xi32, #tpu.memory_space<vmem>>, vector<16xi32>,
      %slice3A_2117 = vector.extract_strided_slice %get3A_2116 {offsets = [0], sizes = [1], strides = [1]} : vector<16xi32> to vector<1xi32>
      %squeeze3A_2118 = vector.extract %slice3A_2117[0] : i32 from vector<1xi32>
      %add3A_2119 = arith.constant 512 : i32
      %add3A_2120 = arith.addi %add3A_2119, %min3A_2114 : i32
      %get3A_2121 = arith.index_cast %add3A_2120 : i32 to index
      %get3A_2122 = tpu.vector_load %arg6[%get3A_2121] {strides = array<i32>} : memref<1040xi32, #tpu.memory_space<vmem>>, vector<16xi32>,
      %slice3A_2123 = vector.extract_strided_slice %get3A_2122 {offsets = [0], sizes = [1], strides = [1]} : vector<16xi32> to vector<1xi32>
      %squeeze3A_2124 = vector.extract %slice3A_2123[0] : i32 from vector<1xi32>
      %shift_right_arithmetic3A_2125 = arith.constant 7 : i32
      %shift_right_arithmetic3A_2126 = arith.shrsi %squeeze3A_2118, %shift_right_arithmetic3A_2125 : i32
      %mul3A_2127 = arith.constant 128 : i32
      %mul3A_2128 = arith.muli %shift_right_arithmetic3A_2126, %mul3A_2127 : i32
      %multiple_of3A_2129 = tpu.assume_multiple %mul3A_2128, 128 : i32
      %shift_right_arithmetic3A_2130 = arith.constant 7 : i32
      %shift_right_arithmetic3A_2131 = arith.shrsi %squeeze3A_2124, %shift_right_arithmetic3A_2130 : i32
      %mul3A_2132 = arith.constant 128 : i32
      %mul3A_2133 = arith.muli %shift_right_arithmetic3A_2131, %mul3A_2132 : i32
      %multiple_of3A_2134 = tpu.assume_multiple %mul3A_2133, 128 : i32
      %dma_start3A_2135 = arith.constant 2 : i32
      %dma_start3A_2136 = arith.constant 0 : i32
      %dma_start3A_2137 = arith.constant 0 : i32
      %dma_start3A_2138 = tpu.memref_slice %arg7[%dma_start3A_2135, %dma_start3A_2136, %dma_start3A_2137] : memref<4x64x128xf32, #tpu.memory_space<vmem>> -> memref<1x64x128xf32, #tpu.memory_space<vmem>>
      %dma_start3A_2139 = tpu.memref_squeeze %dma_start3A_2138 : memref<1x64x128xf32, #tpu.memory_space<vmem>> -> memref<64x128xf32, #tpu.memory_space<vmem>>
      %dma_start3A_2140 = arith.constant 0 : i32
      %dma_start3A_2141 = tpu.memref_slice %arg3[%dma_start3A_2140, %multiple_of3A_2129] : memref<64x1000000xf32, #tpu.memory_space<hbm>> -> memref<64x128xf32, #tpu.memory_space<hbm>>
      %dma_start3A_2142 = arith.constant 0 : i32
      %dma_start3A_2143 = arith.constant 0 : i32
      %dma_start3A_2144 = tpu.memref_slice %arg7[%dma_start3A_2135, %dma_start3A_2142, %dma_start3A_2143] : memref<4x64x128xf32, #tpu.memory_space<vmem>> -> memref<1x64x128xf32, #tpu.memory_space<vmem>>
      %dma_start3A_2145 = tpu.memref_squeeze %dma_start3A_2144 : memref<1x64x128xf32, #tpu.memory_space<vmem>> -> memref<64x128xf32, #tpu.memory_space<vmem>>
      %dma_start3A_2146 = arith.constant 0 : i32
      %dma_start3A_2147 = tpu.memref_slice %arg3[%dma_start3A_2146, %multiple_of3A_2129] : memref<64x1000000xf32, #tpu.memory_space<hbm>> -> memref<64x128xf32, #tpu.memory_space<hbm>>
      tpu.enqueue_dma source(%dma_start3A_2147 : memref<64x128xf32, #tpu.memory_space<hbm>>) target(%dma_start3A_2145 : memref<64x128xf32, #tpu.memory_space<vmem>>) target_semaphore(%arg12 : memref<!tpu.dma_semaphore, #tpu.memory_space<semaphore_mem>>)
      %dma_start3A_2148 = arith.constant 2 : i32
      %dma_start3A_2149 = arith.constant 0 : i32
      %dma_start3A_2150 = arith.constant 0 : i32
      %dma_start3A_2151 = tpu.memref_slice %arg8[%dma_start3A_2148, %dma_start3A_2149, %dma_start3A_2150] : memref<4x64x128xf32, #tpu.memory_space<vmem>> -> memref<1x64x128xf32, #tpu.memory_space<vmem>>
      %dma_start3A_2152 = tpu.memref_squeeze %dma_start3A_2151 : memref<1x64x128xf32, #tpu.memory_space<vmem>> -> memref<64x128xf32, #tpu.memory_space<vmem>>
      %dma_start3A_2153 = arith.constant 0 : i32
      %dma_start3A_2154 = tpu.memref_slice %arg4[%dma_start3A_2153, %multiple_of3A_2134] : memref<64x1000000xf32, #tpu.memory_space<hbm>> -> memref<64x128xf32, #tpu.memory_space<hbm>>
      %dma_start3A_2155 = arith.constant 0 : i32
      %dma_start3A_2156 = arith.constant 0 : i32
      %dma_start3A_2157 = tpu.memref_slice %arg8[%dma_start3A_2148, %dma_start3A_2155, %dma_start3A_2156] : memref<4x64x128xf32, #tpu.memory_space<vmem>> -> memref<1x64x128xf32, #tpu.memory_space<vmem>>
      %dma_start3A_2158 = tpu.memref_squeeze %dma_start3A_2157 : memref<1x64x128xf32, #tpu.memory_space<vmem>> -> memref<64x128xf32, #tpu.memory_space<vmem>>
      %dma_start3A_2159 = arith.constant 0 : i32
      %dma_start3A_2160 = tpu.memref_slice %arg4[%dma_start3A_2159, %multiple_of3A_2134] : memref<64x1000000xf32, #tpu.memory_space<hbm>> -> memref<64x128xf32, #tpu.memory_space<hbm>>
      tpu.enqueue_dma source(%dma_start3A_2160 : memref<64x128xf32, #tpu.memory_space<hbm>>) target(%dma_start3A_2158 : memref<64x128xf32, #tpu.memory_space<vmem>>) target_semaphore(%arg12 : memref<!tpu.dma_semaphore, #tpu.memory_space<semaphore_mem>>)
      %mul3A_2161 = arith.constant 16 : i32
      %mul3A_2162 = arith.muli %scan3A_309, %mul3A_2161 : i32
      %add3A_2163 = arith.constant 15 : i32
      %add3A_2164 = arith.addi %mul3A_2162, %add3A_2163 : i32
      %dma_wait3A_2165 = arith.constant 3 : i32
      %dma_wait3A_2166 = arith.constant 0 : i32
      %dma_wait3A_2167 = arith.constant 0 : i32
      %dma_wait3A_2168 = tpu.memref_slice %arg7[%dma_wait3A_2165, %dma_wait3A_2166, %dma_wait3A_2167] : memref<4x64x128xf32, #tpu.memory_space<vmem>> -> memref<1x64x128xf32, #tpu.memory_space<vmem>>
      %dma_wait3A_2169 = tpu.memref_squeeze %dma_wait3A_2168 : memref<1x64x128xf32, #tpu.memory_space<vmem>> -> memref<64x128xf32, #tpu.memory_space<vmem>>
      %dma_wait3A_2170 = arith.constant 0 : i32
      %dma_wait3A_2171 = arith.constant 0 : i32
      %dma_wait3A_2172 = tpu.memref_slice %arg3[%dma_wait3A_2170, %dma_wait3A_2171] : memref<64x1000000xf32, #tpu.memory_space<hbm>> -> memref<64x128xf32, #tpu.memory_space<hbm>>
      %dma_wait3A_2173 = arith.constant 0 : i32
      %dma_wait3A_2174 = arith.constant 0 : i32
      %dma_wait3A_2175 = tpu.memref_slice %arg7[%dma_wait3A_2165, %dma_wait3A_2173, %dma_wait3A_2174] : memref<4x64x128xf32, #tpu.memory_space<vmem>> -> memref<1x64x128xf32, #tpu.memory_space<vmem>>
      %dma_wait3A_2176 = tpu.memref_squeeze %dma_wait3A_2175 : memref<1x64x128xf32, #tpu.memory_space<vmem>> -> memref<64x128xf32, #tpu.memory_space<vmem>>
      %dma_wait3A_2177 = arith.constant 0 : i32
      %dma_wait3A_2178 = arith.constant 0 : i32
      %dma_wait3A_2179 = tpu.memref_slice %arg3[%dma_wait3A_2177, %dma_wait3A_2178] : memref<64x1000000xf32, #tpu.memory_space<hbm>> -> memref<64x128xf32, #tpu.memory_space<hbm>>
      tpu.wait_dma2 semaphore(%arg13 : memref<!tpu.dma_semaphore, #tpu.memory_space<semaphore_mem>>) src(%dma_wait3A_2179 : memref<64x128xf32, #tpu.memory_space<hbm>>) dst(%dma_wait3A_2176 : memref<64x128xf32, #tpu.memory_space<vmem>>)
      %dma_wait3A_2180 = arith.constant 3 : i32
      %dma_wait3A_2181 = arith.constant 0 : i32
      %dma_wait3A_2182 = arith.constant 0 : i32
      %dma_wait3A_2183 = tpu.memref_slice %arg8[%dma_wait3A_2180, %dma_wait3A_2181, %dma_wait3A_2182] : memref<4x64x128xf32, #tpu.memory_space<vmem>> -> memref<1x64x128xf32, #tpu.memory_space<vmem>>
      %dma_wait3A_2184 = tpu.memref_squeeze %dma_wait3A_2183 : memref<1x64x128xf32, #tpu.memory_space<vmem>> -> memref<64x128xf32, #tpu.memory_space<vmem>>
      %dma_wait3A_2185 = arith.constant 0 : i32
      %dma_wait3A_2186 = arith.constant 0 : i32
      %dma_wait3A_2187 = tpu.memref_slice %arg4[%dma_wait3A_2185, %dma_wait3A_2186] : memref<64x1000000xf32, #tpu.memory_space<hbm>> -> memref<64x128xf32, #tpu.memory_space<hbm>>
      %dma_wait3A_2188 = arith.constant 0 : i32
      %dma_wait3A_2189 = arith.constant 0 : i32
      %dma_wait3A_2190 = tpu.memref_slice %arg8[%dma_wait3A_2180, %dma_wait3A_2188, %dma_wait3A_2189] : memref<4x64x128xf32, #tpu.memory_space<vmem>> -> memref<1x64x128xf32, #tpu.memory_space<vmem>>
      %dma_wait3A_2191 = tpu.memref_squeeze %dma_wait3A_2190 : memref<1x64x128xf32, #tpu.memory_space<vmem>> -> memref<64x128xf32, #tpu.memory_space<vmem>>
      %dma_wait3A_2192 = arith.constant 0 : i32
      %dma_wait3A_2193 = arith.constant 0 : i32
      %dma_wait3A_2194 = tpu.memref_slice %arg4[%dma_wait3A_2192, %dma_wait3A_2193] : memref<64x1000000xf32, #tpu.memory_space<hbm>> -> memref<64x128xf32, #tpu.memory_space<hbm>>
      tpu.wait_dma2 semaphore(%arg13 : memref<!tpu.dma_semaphore, #tpu.memory_space<semaphore_mem>>) src(%dma_wait3A_2194 : memref<64x128xf32, #tpu.memory_space<hbm>>) dst(%dma_wait3A_2191 : memref<64x128xf32, #tpu.memory_space<vmem>>)
      %slice3A_2195 = vector.extract_strided_slice %get3A_313 {offsets = [15], sizes = [1], strides = [1]} : vector<16xi32> to vector<1xi32>
      %squeeze3A_2196 = vector.extract %slice3A_2195[0] : i32 from vector<1xi32>
      %and3A_2197 = arith.constant 127 : i32
      %and3A_2198 = arith.andi %squeeze3A_2196, %and3A_2197 : i32
      %broadcast_in_dim3A_2199 = vector.broadcast %and3A_2198 : i32 to vector<16xi32>
      %slice3A_2200 = vector.extract_strided_slice %get3A_319 {offsets = [15], sizes = [1], strides = [1]} : vector<16xi32> to vector<1xi32>
      %squeeze3A_2201 = vector.extract %slice3A_2200[0] : i32 from vector<1xi32>
      %and3A_2202 = arith.constant 127 : i32
      %and3A_2203 = arith.andi %squeeze3A_2201, %and3A_2202 : i32
      %broadcast_in_dim3A_2204 = vector.broadcast %and3A_2203 : i32 to vector<16xi32>
      %broadcast_in_dim3A_2205 = arith.constant 3 : i32
      %broadcast_in_dim3A_2206 = vector.broadcast %broadcast_in_dim3A_2205 : i32 to vector<16xi32>
      %add3A_2207 = arith.constant 0 : i32
      %add3A_2208 = vector.broadcast %add3A_2207 : i32 to vector<16xi32>
      %add3A_2209 = arith.addi %iota3A_184, %add3A_2208 : vector<16xi32>
      %gather3A_2210 = tpu.vector_load_idx %arg7[%broadcast_in_dim3A_2206, %add3A_2209, %broadcast_in_dim3A_2199] : memref<4x64x128xf32, #tpu.memory_space<vmem>>[vector<16xi32>, vector<16xi32>, vector<16xi32>], vector<16xf32>,
      %gather3A_2211 = tpu.vector_load_idx %arg8[%broadcast_in_dim3A_2206, %add3A_2209, %broadcast_in_dim3A_2204] : memref<4x64x128xf32, #tpu.memory_space<vmem>>[vector<16xi32>, vector<16xi32>, vector<16xi32>], vector<16xf32>,
      %mul3A_2212 = arith.mulf %gather3A_2210, %gather3A_2211 : vector<16xf32>
      %add3A_2213 = arith.constant 16 : i32
      %add3A_2214 = vector.broadcast %add3A_2213 : i32 to vector<16xi32>
      %add3A_2215 = arith.addi %iota3A_184, %add3A_2214 : vector<16xi32>
      %gather3A_2216 = tpu.vector_load_idx %arg7[%broadcast_in_dim3A_2206, %add3A_2215, %broadcast_in_dim3A_2199] : memref<4x64x128xf32, #tpu.memory_space<vmem>>[vector<16xi32>, vector<16xi32>, vector<16xi32>], vector<16xf32>,
      %gather3A_2217 = tpu.vector_load_idx %arg8[%broadcast_in_dim3A_2206, %add3A_2215, %broadcast_in_dim3A_2204] : memref<4x64x128xf32, #tpu.memory_space<vmem>>[vector<16xi32>, vector<16xi32>, vector<16xi32>], vector<16xf32>,
      %mul3A_2218 = arith.mulf %gather3A_2216, %gather3A_2217 : vector<16xf32>
      %add3A_2219 = arith.addf %mul3A_2212, %mul3A_2218 : vector<16xf32>
      %add3A_2220 = arith.constant 32 : i32
      %add3A_2221 = vector.broadcast %add3A_2220 : i32 to vector<16xi32>
      %add3A_2222 = arith.addi %iota3A_184, %add3A_2221 : vector<16xi32>
      %gather3A_2223 = tpu.vector_load_idx %arg7[%broadcast_in_dim3A_2206, %add3A_2222, %broadcast_in_dim3A_2199] : memref<4x64x128xf32, #tpu.memory_space<vmem>>[vector<16xi32>, vector<16xi32>, vector<16xi32>], vector<16xf32>,
      %gather3A_2224 = tpu.vector_load_idx %arg8[%broadcast_in_dim3A_2206, %add3A_2222, %broadcast_in_dim3A_2204] : memref<4x64x128xf32, #tpu.memory_space<vmem>>[vector<16xi32>, vector<16xi32>, vector<16xi32>], vector<16xf32>,
      %mul3A_2225 = arith.mulf %gather3A_2223, %gather3A_2224 : vector<16xf32>
      %add3A_2226 = arith.addf %add3A_2219, %mul3A_2225 : vector<16xf32>
      %add3A_2227 = arith.constant 48 : i32
      %add3A_2228 = vector.broadcast %add3A_2227 : i32 to vector<16xi32>
      %add3A_2229 = arith.addi %iota3A_184, %add3A_2228 : vector<16xi32>
      %gather3A_2230 = tpu.vector_load_idx %arg7[%broadcast_in_dim3A_2206, %add3A_2229, %broadcast_in_dim3A_2199] : memref<4x64x128xf32, #tpu.memory_space<vmem>>[vector<16xi32>, vector<16xi32>, vector<16xi32>], vector<16xf32>,
      %gather3A_2231 = tpu.vector_load_idx %arg8[%broadcast_in_dim3A_2206, %add3A_2229, %broadcast_in_dim3A_2204] : memref<4x64x128xf32, #tpu.memory_space<vmem>>[vector<16xi32>, vector<16xi32>, vector<16xi32>], vector<16xf32>,
      %mul3A_2232 = arith.mulf %gather3A_2230, %gather3A_2231 : vector<16xf32>
      %add3A_2233 = arith.addf %add3A_2226, %mul3A_2232 : vector<16xf32>
      %add3A_2234 = arith.constant 4 : i32
      %add3A_2235 = arith.addi %add3A_2164, %add3A_2234 : i32
      %min3A_2236 = arith.constant 511 : i32
      %min3A_2237 = arith.minsi %add3A_2235, %min3A_2236 : i32
      %get3A_2238 = arith.index_cast %min3A_2237 : i32 to index
      %get3A_2239 = tpu.vector_load %arg6[%get3A_2238] {strides = array<i32>} : memref<1040xi32, #tpu.memory_space<vmem>>, vector<16xi32>,
      %slice3A_2240 = vector.extract_strided_slice %get3A_2239 {offsets = [0], sizes = [1], strides = [1]} : vector<16xi32> to vector<1xi32>
      %squeeze3A_2241 = vector.extract %slice3A_2240[0] : i32 from vector<1xi32>
      %add3A_2242 = arith.constant 512 : i32
      %add3A_2243 = arith.addi %add3A_2242, %min3A_2237 : i32
      %get3A_2244 = arith.index_cast %add3A_2243 : i32 to index
      %get3A_2245 = tpu.vector_load %arg6[%get3A_2244] {strides = array<i32>} : memref<1040xi32, #tpu.memory_space<vmem>>, vector<16xi32>,
      %slice3A_2246 = vector.extract_strided_slice %get3A_2245 {offsets = [0], sizes = [1], strides = [1]} : vector<16xi32> to vector<1xi32>
      %squeeze3A_2247 = vector.extract %slice3A_2246[0] : i32 from vector<1xi32>
      %shift_right_arithmetic3A_2248 = arith.constant 7 : i32
      %shift_right_arithmetic3A_2249 = arith.shrsi %squeeze3A_2241, %shift_right_arithmetic3A_2248 : i32
      %mul3A_2250 = arith.constant 128 : i32
      %mul3A_2251 = arith.muli %shift_right_arithmetic3A_2249, %mul3A_2250 : i32
      %multiple_of3A_2252 = tpu.assume_multiple %mul3A_2251, 128 : i32
      %shift_right_arithmetic3A_2253 = arith.constant 7 : i32
      %shift_right_arithmetic3A_2254 = arith.shrsi %squeeze3A_2247, %shift_right_arithmetic3A_2253 : i32
      %mul3A_2255 = arith.constant 128 : i32
      %mul3A_2256 = arith.muli %shift_right_arithmetic3A_2254, %mul3A_2255 : i32
      %multiple_of3A_2257 = tpu.assume_multiple %mul3A_2256, 128 : i32
      %dma_start3A_2258 = arith.constant 3 : i32
      %dma_start3A_2259 = arith.constant 0 : i32
      %dma_start3A_2260 = arith.constant 0 : i32
      %dma_start3A_2261 = tpu.memref_slice %arg7[%dma_start3A_2258, %dma_start3A_2259, %dma_start3A_2260] : memref<4x64x128xf32, #tpu.memory_space<vmem>> -> memref<1x64x128xf32, #tpu.memory_space<vmem>>
      %dma_start3A_2262 = tpu.memref_squeeze %dma_start3A_2261 : memref<1x64x128xf32, #tpu.memory_space<vmem>> -> memref<64x128xf32, #tpu.memory_space<vmem>>
      %dma_start3A_2263 = arith.constant 0 : i32
      %dma_start3A_2264 = tpu.memref_slice %arg3[%dma_start3A_2263, %multiple_of3A_2252] : memref<64x1000000xf32, #tpu.memory_space<hbm>> -> memref<64x128xf32, #tpu.memory_space<hbm>>
      %dma_start3A_2265 = arith.constant 0 : i32
      %dma_start3A_2266 = arith.constant 0 : i32
      %dma_start3A_2267 = tpu.memref_slice %arg7[%dma_start3A_2258, %dma_start3A_2265, %dma_start3A_2266] : memref<4x64x128xf32, #tpu.memory_space<vmem>> -> memref<1x64x128xf32, #tpu.memory_space<vmem>>
      %dma_start3A_2268 = tpu.memref_squeeze %dma_start3A_2267 : memref<1x64x128xf32, #tpu.memory_space<vmem>> -> memref<64x128xf32, #tpu.memory_space<vmem>>
      %dma_start3A_2269 = arith.constant 0 : i32
      %dma_start3A_2270 = tpu.memref_slice %arg3[%dma_start3A_2269, %multiple_of3A_2252] : memref<64x1000000xf32, #tpu.memory_space<hbm>> -> memref<64x128xf32, #tpu.memory_space<hbm>>
      tpu.enqueue_dma source(%dma_start3A_2270 : memref<64x128xf32, #tpu.memory_space<hbm>>) target(%dma_start3A_2268 : memref<64x128xf32, #tpu.memory_space<vmem>>) target_semaphore(%arg13 : memref<!tpu.dma_semaphore, #tpu.memory_space<semaphore_mem>>)
      %dma_start3A_2271 = arith.constant 3 : i32
      %dma_start3A_2272 = arith.constant 0 : i32
      %dma_start3A_2273 = arith.constant 0 : i32
      %dma_start3A_2274 = tpu.memref_slice %arg8[%dma_start3A_2271, %dma_start3A_2272, %dma_start3A_2273] : memref<4x64x128xf32, #tpu.memory_space<vmem>> -> memref<1x64x128xf32, #tpu.memory_space<vmem>>
      %dma_start3A_2275 = tpu.memref_squeeze %dma_start3A_2274 : memref<1x64x128xf32, #tpu.memory_space<vmem>> -> memref<64x128xf32, #tpu.memory_space<vmem>>
      %dma_start3A_2276 = arith.constant 0 : i32
      %dma_start3A_2277 = tpu.memref_slice %arg4[%dma_start3A_2276, %multiple_of3A_2257] : memref<64x1000000xf32, #tpu.memory_space<hbm>> -> memref<64x128xf32, #tpu.memory_space<hbm>>
      %dma_start3A_2278 = arith.constant 0 : i32
      %dma_start3A_2279 = arith.constant 0 : i32
      %dma_start3A_2280 = tpu.memref_slice %arg8[%dma_start3A_2271, %dma_start3A_2278, %dma_start3A_2279] : memref<4x64x128xf32, #tpu.memory_space<vmem>> -> memref<1x64x128xf32, #tpu.memory_space<vmem>>
      %dma_start3A_2281 = tpu.memref_squeeze %dma_start3A_2280 : memref<1x64x128xf32, #tpu.memory_space<vmem>> -> memref<64x128xf32, #tpu.memory_space<vmem>>
      %dma_start3A_2282 = arith.constant 0 : i32
      %dma_start3A_2283 = tpu.memref_slice %arg4[%dma_start3A_2282, %multiple_of3A_2257] : memref<64x1000000xf32, #tpu.memory_space<hbm>> -> memref<64x128xf32, #tpu.memory_space<hbm>>
      tpu.enqueue_dma source(%dma_start3A_2283 : memref<64x128xf32, #tpu.memory_space<hbm>>) target(%dma_start3A_2281 : memref<64x128xf32, #tpu.memory_space<vmem>>) target_semaphore(%arg13 : memref<!tpu.dma_semaphore, #tpu.memory_space<semaphore_mem>>)
      %lt3A = arith.constant 0 : i32
      %lt3A_2284 = vector.broadcast %lt3A : i32 to vector<16xi32>
      %lt3A_2285 = arith.cmpi slt, %xor3A_174, %lt3A_2284 : vector<16xi32>
      %add3A_2286 = arith.constant 16 : i32
      %add3A_2287 = vector.broadcast %add3A_2286 : i32 to vector<16xi32>
      %add3A_2288 = arith.addi %xor3A_174, %add3A_2287 : vector<16xi32>
      %select_n3A = arith.select %lt3A_2285, %add3A_2288, %xor3A_174 : vector<16xi1>, vector<16xi32>
      %broadcast_in_dim3A_2289 = vector.shape_cast %select_n3A : vector<16xi32> to vector<16x1xi32>
      %gather3A_2290 = vector.shape_cast %broadcast_in_dim3A_2289 : vector<16x1xi32> to vector<16xi32>
      %gather3A_2291 = tpu.dynamic_gather %add3A_389[%gather3A_2290] in [0] : vector<16xf32>, vector<16xi32> -> vector<16xf32>
      %add3A_2292 = arith.addf %add3A_389, %gather3A_2291 : vector<16xf32>
      %lt3A_2293 = arith.constant 0 : i32
      %lt3A_2294 = vector.broadcast %lt3A_2293 : i32 to vector<16xi32>
      %lt3A_2295 = arith.cmpi slt, %xor3A_174, %lt3A_2294 : vector<16xi32>
      %add3A_2296 = arith.constant 16 : i32
      %add3A_2297 = vector.broadcast %add3A_2296 : i32 to vector<16xi32>
      %add3A_2298 = arith.addi %xor3A_174, %add3A_2297 : vector<16xi32>
      %select_n3A_2299 = arith.select %lt3A_2295, %add3A_2298, %xor3A_174 : vector<16xi1>, vector<16xi32>
      %broadcast_in_dim3A_2300 = vector.shape_cast %select_n3A_2299 : vector<16xi32> to vector<16x1xi32>
      %gather3A_2301 = vector.shape_cast %broadcast_in_dim3A_2300 : vector<16x1xi32> to vector<16xi32>
      %gather3A_2302 = tpu.dynamic_gather %add3A_511[%gather3A_2301] in [0] : vector<16xf32>, vector<16xi32> -> vector<16xf32>
      %add3A_2303 = arith.addf %add3A_511, %gather3A_2302 : vector<16xf32>
      %and3A_2304 = arith.constant 1 : i32
      %and3A_2305 = vector.broadcast %and3A_2304 : i32 to vector<16xi32>
      %and3A_2306 = arith.andi %iota3A, %and3A_2305 : vector<16xi32>
      %eq3A = arith.constant 0 : i32
      %eq3A_2307 = vector.broadcast %eq3A : i32 to vector<16xi32>
      %eq3A_2308 = arith.cmpi eq, %and3A_2306, %eq3A_2307 : vector<16xi32>
      %select_n3A_2309 = arith.select %eq3A_2308, %add3A_2292, %add3A_2303 : vector<16xi1>, vector<16xf32>
      %lt3A_2310 = arith.constant 0 : i32
      %lt3A_2311 = vector.broadcast %lt3A_2310 : i32 to vector<16xi32>
      %lt3A_2312 = arith.cmpi slt, %xor3A_174, %lt3A_2311 : vector<16xi32>
      %add3A_2313 = arith.constant 16 : i32
      %add3A_2314 = vector.broadcast %add3A_2313 : i32 to vector<16xi32>
      %add3A_2315 = arith.addi %xor3A_174, %add3A_2314 : vector<16xi32>
      %select_n3A_2316 = arith.select %lt3A_2312, %add3A_2315, %xor3A_174 : vector<16xi1>, vector<16xi32>
      %broadcast_in_dim3A_2317 = vector.shape_cast %select_n3A_2316 : vector<16xi32> to vector<16x1xi32>
      %gather3A_2318 = vector.shape_cast %broadcast_in_dim3A_2317 : vector<16x1xi32> to vector<16xi32>
      %gather3A_2319 = tpu.dynamic_gather %add3A_634[%gather3A_2318] in [0] : vector<16xf32>, vector<16xi32> -> vector<16xf32>
      %add3A_2320 = arith.addf %add3A_634, %gather3A_2319 : vector<16xf32>
      %lt3A_2321 = arith.constant 0 : i32
      %lt3A_2322 = vector.broadcast %lt3A_2321 : i32 to vector<16xi32>
      %lt3A_2323 = arith.cmpi slt, %xor3A_174, %lt3A_2322 : vector<16xi32>
      %add3A_2324 = arith.constant 16 : i32
      %add3A_2325 = vector.broadcast %add3A_2324 : i32 to vector<16xi32>
      %add3A_2326 = arith.addi %xor3A_174, %add3A_2325 : vector<16xi32>
      %select_n3A_2327 = arith.select %lt3A_2323, %add3A_2326, %xor3A_174 : vector<16xi1>, vector<16xi32>
      %broadcast_in_dim3A_2328 = vector.shape_cast %select_n3A_2327 : vector<16xi32> to vector<16x1xi32>
      %gather3A_2329 = vector.shape_cast %broadcast_in_dim3A_2328 : vector<16x1xi32> to vector<16xi32>
      %gather3A_2330 = tpu.dynamic_gather %add3A_757[%gather3A_2329] in [0] : vector<16xf32>, vector<16xi32> -> vector<16xf32>
      %add3A_2331 = arith.addf %add3A_757, %gather3A_2330 : vector<16xf32>
      %and3A_2332 = arith.constant 1 : i32
      %and3A_2333 = vector.broadcast %and3A_2332 : i32 to vector<16xi32>
      %and3A_2334 = arith.andi %iota3A, %and3A_2333 : vector<16xi32>
      %eq3A_2335 = arith.constant 0 : i32
      %eq3A_2336 = vector.broadcast %eq3A_2335 : i32 to vector<16xi32>
      %eq3A_2337 = arith.cmpi eq, %and3A_2334, %eq3A_2336 : vector<16xi32>
      %select_n3A_2338 = arith.select %eq3A_2337, %add3A_2320, %add3A_2331 : vector<16xi1>, vector<16xf32>
      %lt3A_2339 = arith.constant 0 : i32
      %lt3A_2340 = vector.broadcast %lt3A_2339 : i32 to vector<16xi32>
      %lt3A_2341 = arith.cmpi slt, %xor3A_174, %lt3A_2340 : vector<16xi32>
      %add3A_2342 = arith.constant 16 : i32
      %add3A_2343 = vector.broadcast %add3A_2342 : i32 to vector<16xi32>
      %add3A_2344 = arith.addi %xor3A_174, %add3A_2343 : vector<16xi32>
      %select_n3A_2345 = arith.select %lt3A_2341, %add3A_2344, %xor3A_174 : vector<16xi1>, vector<16xi32>
      %broadcast_in_dim3A_2346 = vector.shape_cast %select_n3A_2345 : vector<16xi32> to vector<16x1xi32>
      %gather3A_2347 = vector.shape_cast %broadcast_in_dim3A_2346 : vector<16x1xi32> to vector<16xi32>
      %gather3A_2348 = tpu.dynamic_gather %add3A_880[%gather3A_2347] in [0] : vector<16xf32>, vector<16xi32> -> vector<16xf32>
      %add3A_2349 = arith.addf %add3A_880, %gather3A_2348 : vector<16xf32>
      %lt3A_2350 = arith.constant 0 : i32
      %lt3A_2351 = vector.broadcast %lt3A_2350 : i32 to vector<16xi32>
      %lt3A_2352 = arith.cmpi slt, %xor3A_174, %lt3A_2351 : vector<16xi32>
      %add3A_2353 = arith.constant 16 : i32
      %add3A_2354 = vector.broadcast %add3A_2353 : i32 to vector<16xi32>
      %add3A_2355 = arith.addi %xor3A_174, %add3A_2354 : vector<16xi32>
      %select_n3A_2356 = arith.select %lt3A_2352, %add3A_2355, %xor3A_174 : vector<16xi1>, vector<16xi32>
      %broadcast_in_dim3A_2357 = vector.shape_cast %select_n3A_2356 : vector<16xi32> to vector<16x1xi32>
      %gather3A_2358 = vector.shape_cast %broadcast_in_dim3A_2357 : vector<16x1xi32> to vector<16xi32>
      %gather3A_2359 = tpu.dynamic_gather %add3A_1003[%gather3A_2358] in [0] : vector<16xf32>, vector<16xi32> -> vector<16xf32>
      %add3A_2360 = arith.addf %add3A_1003, %gather3A_2359 : vector<16xf32>
      %and3A_2361 = arith.constant 1 : i32
      %and3A_2362 = vector.broadcast %and3A_2361 : i32 to vector<16xi32>
      %and3A_2363 = arith.andi %iota3A, %and3A_2362 : vector<16xi32>
      %eq3A_2364 = arith.constant 0 : i32
      %eq3A_2365 = vector.broadcast %eq3A_2364 : i32 to vector<16xi32>
      %eq3A_2366 = arith.cmpi eq, %and3A_2363, %eq3A_2365 : vector<16xi32>
      %select_n3A_2367 = arith.select %eq3A_2366, %add3A_2349, %add3A_2360 : vector<16xi1>, vector<16xf32>
      %lt3A_2368 = arith.constant 0 : i32
      %lt3A_2369 = vector.broadcast %lt3A_2368 : i32 to vector<16xi32>
      %lt3A_2370 = arith.cmpi slt, %xor3A_174, %lt3A_2369 : vector<16xi32>
      %add3A_2371 = arith.constant 16 : i32
      %add3A_2372 = vector.broadcast %add3A_2371 : i32 to vector<16xi32>
      %add3A_2373 = arith.addi %xor3A_174, %add3A_2372 : vector<16xi32>
      %select_n3A_2374 = arith.select %lt3A_2370, %add3A_2373, %xor3A_174 : vector<16xi1>, vector<16xi32>
      %broadcast_in_dim3A_2375 = vector.shape_cast %select_n3A_2374 : vector<16xi32> to vector<16x1xi32>
      %gather3A_2376 = vector.shape_cast %broadcast_in_dim3A_2375 : vector<16x1xi32> to vector<16xi32>
      %gather3A_2377 = tpu.dynamic_gather %add3A_1126[%gather3A_2376] in [0] : vector<16xf32>, vector<16xi32> -> vector<16xf32>
      %add3A_2378 = arith.addf %add3A_1126, %gather3A_2377 : vector<16xf32>
      %lt3A_2379 = arith.constant 0 : i32
      %lt3A_2380 = vector.broadcast %lt3A_2379 : i32 to vector<16xi32>
      %lt3A_2381 = arith.cmpi slt, %xor3A_174, %lt3A_2380 : vector<16xi32>
      %add3A_2382 = arith.constant 16 : i32
      %add3A_2383 = vector.broadcast %add3A_2382 : i32 to vector<16xi32>
      %add3A_2384 = arith.addi %xor3A_174, %add3A_2383 : vector<16xi32>
      %select_n3A_2385 = arith.select %lt3A_2381, %add3A_2384, %xor3A_174 : vector<16xi1>, vector<16xi32>
      %broadcast_in_dim3A_2386 = vector.shape_cast %select_n3A_2385 : vector<16xi32> to vector<16x1xi32>
      %gather3A_2387 = vector.shape_cast %broadcast_in_dim3A_2386 : vector<16x1xi32> to vector<16xi32>
      %gather3A_2388 = tpu.dynamic_gather %add3A_1249[%gather3A_2387] in [0] : vector<16xf32>, vector<16xi32> -> vector<16xf32>
      %add3A_2389 = arith.addf %add3A_1249, %gather3A_2388 : vector<16xf32>
      %and3A_2390 = arith.constant 1 : i32
      %and3A_2391 = vector.broadcast %and3A_2390 : i32 to vector<16xi32>
      %and3A_2392 = arith.andi %iota3A, %and3A_2391 : vector<16xi32>
      %eq3A_2393 = arith.constant 0 : i32
      %eq3A_2394 = vector.broadcast %eq3A_2393 : i32 to vector<16xi32>
      %eq3A_2395 = arith.cmpi eq, %and3A_2392, %eq3A_2394 : vector<16xi32>
      %select_n3A_2396 = arith.select %eq3A_2395, %add3A_2378, %add3A_2389 : vector<16xi1>, vector<16xf32>
      %lt3A_2397 = arith.constant 0 : i32
      %lt3A_2398 = vector.broadcast %lt3A_2397 : i32 to vector<16xi32>
      %lt3A_2399 = arith.cmpi slt, %xor3A_174, %lt3A_2398 : vector<16xi32>
      %add3A_2400 = arith.constant 16 : i32
      %add3A_2401 = vector.broadcast %add3A_2400 : i32 to vector<16xi32>
      %add3A_2402 = arith.addi %xor3A_174, %add3A_2401 : vector<16xi32>
      %select_n3A_2403 = arith.select %lt3A_2399, %add3A_2402, %xor3A_174 : vector<16xi1>, vector<16xi32>
      %broadcast_in_dim3A_2404 = vector.shape_cast %select_n3A_2403 : vector<16xi32> to vector<16x1xi32>
      %gather3A_2405 = vector.shape_cast %broadcast_in_dim3A_2404 : vector<16x1xi32> to vector<16xi32>
      %gather3A_2406 = tpu.dynamic_gather %add3A_1372[%gather3A_2405] in [0] : vector<16xf32>, vector<16xi32> -> vector<16xf32>
      %add3A_2407 = arith.addf %add3A_1372, %gather3A_2406 : vector<16xf32>
      %lt3A_2408 = arith.constant 0 : i32
      %lt3A_2409 = vector.broadcast %lt3A_2408 : i32 to vector<16xi32>
      %lt3A_2410 = arith.cmpi slt, %xor3A_174, %lt3A_2409 : vector<16xi32>
      %add3A_2411 = arith.constant 16 : i32
      %add3A_2412 = vector.broadcast %add3A_2411 : i32 to vector<16xi32>
      %add3A_2413 = arith.addi %xor3A_174, %add3A_2412 : vector<16xi32>
      %select_n3A_2414 = arith.select %lt3A_2410, %add3A_2413, %xor3A_174 : vector<16xi1>, vector<16xi32>
      %broadcast_in_dim3A_2415 = vector.shape_cast %select_n3A_2414 : vector<16xi32> to vector<16x1xi32>
      %gather3A_2416 = vector.shape_cast %broadcast_in_dim3A_2415 : vector<16x1xi32> to vector<16xi32>
      %gather3A_2417 = tpu.dynamic_gather %add3A_1495[%gather3A_2416] in [0] : vector<16xf32>, vector<16xi32> -> vector<16xf32>
      %add3A_2418 = arith.addf %add3A_1495, %gather3A_2417 : vector<16xf32>
      %and3A_2419 = arith.constant 1 : i32
      %and3A_2420 = vector.broadcast %and3A_2419 : i32 to vector<16xi32>
      %and3A_2421 = arith.andi %iota3A, %and3A_2420 : vector<16xi32>
      %eq3A_2422 = arith.constant 0 : i32
      %eq3A_2423 = vector.broadcast %eq3A_2422 : i32 to vector<16xi32>
      %eq3A_2424 = arith.cmpi eq, %and3A_2421, %eq3A_2423 : vector<16xi32>
      %select_n3A_2425 = arith.select %eq3A_2424, %add3A_2407, %add3A_2418 : vector<16xi1>, vector<16xf32>
      %lt3A_2426 = arith.constant 0 : i32
      %lt3A_2427 = vector.broadcast %lt3A_2426 : i32 to vector<16xi32>
      %lt3A_2428 = arith.cmpi slt, %xor3A_174, %lt3A_2427 : vector<16xi32>
      %add3A_2429 = arith.constant 16 : i32
      %add3A_2430 = vector.broadcast %add3A_2429 : i32 to vector<16xi32>
      %add3A_2431 = arith.addi %xor3A_174, %add3A_2430 : vector<16xi32>
      %select_n3A_2432 = arith.select %lt3A_2428, %add3A_2431, %xor3A_174 : vector<16xi1>, vector<16xi32>
      %broadcast_in_dim3A_2433 = vector.shape_cast %select_n3A_2432 : vector<16xi32> to vector<16x1xi32>
      %gather3A_2434 = vector.shape_cast %broadcast_in_dim3A_2433 : vector<16x1xi32> to vector<16xi32>
      %gather3A_2435 = tpu.dynamic_gather %add3A_1618[%gather3A_2434] in [0] : vector<16xf32>, vector<16xi32> -> vector<16xf32>
      %add3A_2436 = arith.addf %add3A_1618, %gather3A_2435 : vector<16xf32>
      %lt3A_2437 = arith.constant 0 : i32
      %lt3A_2438 = vector.broadcast %lt3A_2437 : i32 to vector<16xi32>
      %lt3A_2439 = arith.cmpi slt, %xor3A_174, %lt3A_2438 : vector<16xi32>
      %add3A_2440 = arith.constant 16 : i32
      %add3A_2441 = vector.broadcast %add3A_2440 : i32 to vector<16xi32>
      %add3A_2442 = arith.addi %xor3A_174, %add3A_2441 : vector<16xi32>
      %select_n3A_2443 = arith.select %lt3A_2439, %add3A_2442, %xor3A_174 : vector<16xi1>, vector<16xi32>
      %broadcast_in_dim3A_2444 = vector.shape_cast %select_n3A_2443 : vector<16xi32> to vector<16x1xi32>
      %gather3A_2445 = vector.shape_cast %broadcast_in_dim3A_2444 : vector<16x1xi32> to vector<16xi32>
      %gather3A_2446 = tpu.dynamic_gather %add3A_1741[%gather3A_2445] in [0] : vector<16xf32>, vector<16xi32> -> vector<16xf32>
      %add3A_2447 = arith.addf %add3A_1741, %gather3A_2446 : vector<16xf32>
      %and3A_2448 = arith.constant 1 : i32
      %and3A_2449 = vector.broadcast %and3A_2448 : i32 to vector<16xi32>
      %and3A_2450 = arith.andi %iota3A, %and3A_2449 : vector<16xi32>
      %eq3A_2451 = arith.constant 0 : i32
      %eq3A_2452 = vector.broadcast %eq3A_2451 : i32 to vector<16xi32>
      %eq3A_2453 = arith.cmpi eq, %and3A_2450, %eq3A_2452 : vector<16xi32>
      %select_n3A_2454 = arith.select %eq3A_2453, %add3A_2436, %add3A_2447 : vector<16xi1>, vector<16xf32>
      %lt3A_2455 = arith.constant 0 : i32
      %lt3A_2456 = vector.broadcast %lt3A_2455 : i32 to vector<16xi32>
      %lt3A_2457 = arith.cmpi slt, %xor3A_174, %lt3A_2456 : vector<16xi32>
      %add3A_2458 = arith.constant 16 : i32
      %add3A_2459 = vector.broadcast %add3A_2458 : i32 to vector<16xi32>
      %add3A_2460 = arith.addi %xor3A_174, %add3A_2459 : vector<16xi32>
      %select_n3A_2461 = arith.select %lt3A_2457, %add3A_2460, %xor3A_174 : vector<16xi1>, vector<16xi32>
      %broadcast_in_dim3A_2462 = vector.shape_cast %select_n3A_2461 : vector<16xi32> to vector<16x1xi32>
      %gather3A_2463 = vector.shape_cast %broadcast_in_dim3A_2462 : vector<16x1xi32> to vector<16xi32>
      %gather3A_2464 = tpu.dynamic_gather %add3A_1864[%gather3A_2463] in [0] : vector<16xf32>, vector<16xi32> -> vector<16xf32>
      %add3A_2465 = arith.addf %add3A_1864, %gather3A_2464 : vector<16xf32>
      %lt3A_2466 = arith.constant 0 : i32
      %lt3A_2467 = vector.broadcast %lt3A_2466 : i32 to vector<16xi32>
      %lt3A_2468 = arith.cmpi slt, %xor3A_174, %lt3A_2467 : vector<16xi32>
      %add3A_2469 = arith.constant 16 : i32
      %add3A_2470 = vector.broadcast %add3A_2469 : i32 to vector<16xi32>
      %add3A_2471 = arith.addi %xor3A_174, %add3A_2470 : vector<16xi32>
      %select_n3A_2472 = arith.select %lt3A_2468, %add3A_2471, %xor3A_174 : vector<16xi1>, vector<16xi32>
      %broadcast_in_dim3A_2473 = vector.shape_cast %select_n3A_2472 : vector<16xi32> to vector<16x1xi32>
      %gather3A_2474 = vector.shape_cast %broadcast_in_dim3A_2473 : vector<16x1xi32> to vector<16xi32>
      %gather3A_2475 = tpu.dynamic_gather %add3A_1987[%gather3A_2474] in [0] : vector<16xf32>, vector<16xi32> -> vector<16xf32>
      %add3A_2476 = arith.addf %add3A_1987, %gather3A_2475 : vector<16xf32>
      %and3A_2477 = arith.constant 1 : i32
      %and3A_2478 = vector.broadcast %and3A_2477 : i32 to vector<16xi32>
      %and3A_2479 = arith.andi %iota3A, %and3A_2478 : vector<16xi32>
      %eq3A_2480 = arith.constant 0 : i32
      %eq3A_2481 = vector.broadcast %eq3A_2480 : i32 to vector<16xi32>
      %eq3A_2482 = arith.cmpi eq, %and3A_2479, %eq3A_2481 : vector<16xi32>
      %select_n3A_2483 = arith.select %eq3A_2482, %add3A_2465, %add3A_2476 : vector<16xi1>, vector<16xf32>
      %lt3A_2484 = arith.constant 0 : i32
      %lt3A_2485 = vector.broadcast %lt3A_2484 : i32 to vector<16xi32>
      %lt3A_2486 = arith.cmpi slt, %xor3A_174, %lt3A_2485 : vector<16xi32>
      %add3A_2487 = arith.constant 16 : i32
      %add3A_2488 = vector.broadcast %add3A_2487 : i32 to vector<16xi32>
      %add3A_2489 = arith.addi %xor3A_174, %add3A_2488 : vector<16xi32>
      %select_n3A_2490 = arith.select %lt3A_2486, %add3A_2489, %xor3A_174 : vector<16xi1>, vector<16xi32>
      %broadcast_in_dim3A_2491 = vector.shape_cast %select_n3A_2490 : vector<16xi32> to vector<16x1xi32>
      %gather3A_2492 = vector.shape_cast %broadcast_in_dim3A_2491 : vector<16x1xi32> to vector<16xi32>
      %gather3A_2493 = tpu.dynamic_gather %add3A_2110[%gather3A_2492] in [0] : vector<16xf32>, vector<16xi32> -> vector<16xf32>
      %add3A_2494 = arith.addf %add3A_2110, %gather3A_2493 : vector<16xf32>
      %lt3A_2495 = arith.constant 0 : i32
      %lt3A_2496 = vector.broadcast %lt3A_2495 : i32 to vector<16xi32>
      %lt3A_2497 = arith.cmpi slt, %xor3A_174, %lt3A_2496 : vector<16xi32>
      %add3A_2498 = arith.constant 16 : i32
      %add3A_2499 = vector.broadcast %add3A_2498 : i32 to vector<16xi32>
      %add3A_2500 = arith.addi %xor3A_174, %add3A_2499 : vector<16xi32>
      %select_n3A_2501 = arith.select %lt3A_2497, %add3A_2500, %xor3A_174 : vector<16xi1>, vector<16xi32>
      %broadcast_in_dim3A_2502 = vector.shape_cast %select_n3A_2501 : vector<16xi32> to vector<16x1xi32>
      %gather3A_2503 = vector.shape_cast %broadcast_in_dim3A_2502 : vector<16x1xi32> to vector<16xi32>
      %gather3A_2504 = tpu.dynamic_gather %add3A_2233[%gather3A_2503] in [0] : vector<16xf32>, vector<16xi32> -> vector<16xf32>
      %add3A_2505 = arith.addf %add3A_2233, %gather3A_2504 : vector<16xf32>
      %and3A_2506 = arith.constant 1 : i32
      %and3A_2507 = vector.broadcast %and3A_2506 : i32 to vector<16xi32>
      %and3A_2508 = arith.andi %iota3A, %and3A_2507 : vector<16xi32>
      %eq3A_2509 = arith.constant 0 : i32
      %eq3A_2510 = vector.broadcast %eq3A_2509 : i32 to vector<16xi32>
      %eq3A_2511 = arith.cmpi eq, %and3A_2508, %eq3A_2510 : vector<16xi32>
      %select_n3A_2512 = arith.select %eq3A_2511, %add3A_2494, %add3A_2505 : vector<16xi1>, vector<16xf32>
      %lt3A_2513 = arith.constant 0 : i32
      %lt3A_2514 = vector.broadcast %lt3A_2513 : i32 to vector<16xi32>
      %lt3A_2515 = arith.cmpi slt, %xor3A_177, %lt3A_2514 : vector<16xi32>
      %add3A_2516 = arith.constant 16 : i32
      %add3A_2517 = vector.broadcast %add3A_2516 : i32 to vector<16xi32>
      %add3A_2518 = arith.addi %xor3A_177, %add3A_2517 : vector<16xi32>
      %select_n3A_2519 = arith.select %lt3A_2515, %add3A_2518, %xor3A_177 : vector<16xi1>, vector<16xi32>
      %broadcast_in_dim3A_2520 = vector.shape_cast %select_n3A_2519 : vector<16xi32> to vector<16x1xi32>
      %gather3A_2521 = vector.shape_cast %broadcast_in_dim3A_2520 : vector<16x1xi32> to vector<16xi32>
      %gather3A_2522 = tpu.dynamic_gather %select_n3A_2309[%gather3A_2521] in [0] : vector<16xf32>, vector<16xi32> -> vector<16xf32>
      %add3A_2523 = arith.addf %select_n3A_2309, %gather3A_2522 : vector<16xf32>
      %lt3A_2524 = arith.constant 0 : i32
      %lt3A_2525 = vector.broadcast %lt3A_2524 : i32 to vector<16xi32>
      %lt3A_2526 = arith.cmpi slt, %xor3A_177, %lt3A_2525 : vector<16xi32>
      %add3A_2527 = arith.constant 16 : i32
      %add3A_2528 = vector.broadcast %add3A_2527 : i32 to vector<16xi32>
      %add3A_2529 = arith.addi %xor3A_177, %add3A_2528 : vector<16xi32>
      %select_n3A_2530 = arith.select %lt3A_2526, %add3A_2529, %xor3A_177 : vector<16xi1>, vector<16xi32>
      %broadcast_in_dim3A_2531 = vector.shape_cast %select_n3A_2530 : vector<16xi32> to vector<16x1xi32>
      %gather3A_2532 = vector.shape_cast %broadcast_in_dim3A_2531 : vector<16x1xi32> to vector<16xi32>
      %gather3A_2533 = tpu.dynamic_gather %select_n3A_2338[%gather3A_2532] in [0] : vector<16xf32>, vector<16xi32> -> vector<16xf32>
      %add3A_2534 = arith.addf %select_n3A_2338, %gather3A_2533 : vector<16xf32>
      %and3A_2535 = arith.constant 2 : i32
      %and3A_2536 = vector.broadcast %and3A_2535 : i32 to vector<16xi32>
      %and3A_2537 = arith.andi %iota3A, %and3A_2536 : vector<16xi32>
      %eq3A_2538 = arith.constant 0 : i32
      %eq3A_2539 = vector.broadcast %eq3A_2538 : i32 to vector<16xi32>
      %eq3A_2540 = arith.cmpi eq, %and3A_2537, %eq3A_2539 : vector<16xi32>
      %select_n3A_2541 = arith.select %eq3A_2540, %add3A_2523, %add3A_2534 : vector<16xi1>, vector<16xf32>
      %lt3A_2542 = arith.constant 0 : i32
      %lt3A_2543 = vector.broadcast %lt3A_2542 : i32 to vector<16xi32>
      %lt3A_2544 = arith.cmpi slt, %xor3A_177, %lt3A_2543 : vector<16xi32>
      %add3A_2545 = arith.constant 16 : i32
      %add3A_2546 = vector.broadcast %add3A_2545 : i32 to vector<16xi32>
      %add3A_2547 = arith.addi %xor3A_177, %add3A_2546 : vector<16xi32>
      %select_n3A_2548 = arith.select %lt3A_2544, %add3A_2547, %xor3A_177 : vector<16xi1>, vector<16xi32>
      %broadcast_in_dim3A_2549 = vector.shape_cast %select_n3A_2548 : vector<16xi32> to vector<16x1xi32>
      %gather3A_2550 = vector.shape_cast %broadcast_in_dim3A_2549 : vector<16x1xi32> to vector<16xi32>
      %gather3A_2551 = tpu.dynamic_gather %select_n3A_2367[%gather3A_2550] in [0] : vector<16xf32>, vector<16xi32> -> vector<16xf32>
      %add3A_2552 = arith.addf %select_n3A_2367, %gather3A_2551 : vector<16xf32>
      %lt3A_2553 = arith.constant 0 : i32
      %lt3A_2554 = vector.broadcast %lt3A_2553 : i32 to vector<16xi32>
      %lt3A_2555 = arith.cmpi slt, %xor3A_177, %lt3A_2554 : vector<16xi32>
      %add3A_2556 = arith.constant 16 : i32
      %add3A_2557 = vector.broadcast %add3A_2556 : i32 to vector<16xi32>
      %add3A_2558 = arith.addi %xor3A_177, %add3A_2557 : vector<16xi32>
      %select_n3A_2559 = arith.select %lt3A_2555, %add3A_2558, %xor3A_177 : vector<16xi1>, vector<16xi32>
      %broadcast_in_dim3A_2560 = vector.shape_cast %select_n3A_2559 : vector<16xi32> to vector<16x1xi32>
      %gather3A_2561 = vector.shape_cast %broadcast_in_dim3A_2560 : vector<16x1xi32> to vector<16xi32>
      %gather3A_2562 = tpu.dynamic_gather %select_n3A_2396[%gather3A_2561] in [0] : vector<16xf32>, vector<16xi32> -> vector<16xf32>
      %add3A_2563 = arith.addf %select_n3A_2396, %gather3A_2562 : vector<16xf32>
      %and3A_2564 = arith.constant 2 : i32
      %and3A_2565 = vector.broadcast %and3A_2564 : i32 to vector<16xi32>
      %and3A_2566 = arith.andi %iota3A, %and3A_2565 : vector<16xi32>
      %eq3A_2567 = arith.constant 0 : i32
      %eq3A_2568 = vector.broadcast %eq3A_2567 : i32 to vector<16xi32>
      %eq3A_2569 = arith.cmpi eq, %and3A_2566, %eq3A_2568 : vector<16xi32>
      %select_n3A_2570 = arith.select %eq3A_2569, %add3A_2552, %add3A_2563 : vector<16xi1>, vector<16xf32>
      %lt3A_2571 = arith.constant 0 : i32
      %lt3A_2572 = vector.broadcast %lt3A_2571 : i32 to vector<16xi32>
      %lt3A_2573 = arith.cmpi slt, %xor3A_177, %lt3A_2572 : vector<16xi32>
      %add3A_2574 = arith.constant 16 : i32
      %add3A_2575 = vector.broadcast %add3A_2574 : i32 to vector<16xi32>
      %add3A_2576 = arith.addi %xor3A_177, %add3A_2575 : vector<16xi32>
      %select_n3A_2577 = arith.select %lt3A_2573, %add3A_2576, %xor3A_177 : vector<16xi1>, vector<16xi32>
      %broadcast_in_dim3A_2578 = vector.shape_cast %select_n3A_2577 : vector<16xi32> to vector<16x1xi32>
      %gather3A_2579 = vector.shape_cast %broadcast_in_dim3A_2578 : vector<16x1xi32> to vector<16xi32>
      %gather3A_2580 = tpu.dynamic_gather %select_n3A_2425[%gather3A_2579] in [0] : vector<16xf32>, vector<16xi32> -> vector<16xf32>
      %add3A_2581 = arith.addf %select_n3A_2425, %gather3A_2580 : vector<16xf32>
      %lt3A_2582 = arith.constant 0 : i32
      %lt3A_2583 = vector.broadcast %lt3A_2582 : i32 to vector<16xi32>
      %lt3A_2584 = arith.cmpi slt, %xor3A_177, %lt3A_2583 : vector<16xi32>
      %add3A_2585 = arith.constant 16 : i32
      %add3A_2586 = vector.broadcast %add3A_2585 : i32 to vector<16xi32>
      %add3A_2587 = arith.addi %xor3A_177, %add3A_2586 : vector<16xi32>
      %select_n3A_2588 = arith.select %lt3A_2584, %add3A_2587, %xor3A_177 : vector<16xi1>, vector<16xi32>
      %broadcast_in_dim3A_2589 = vector.shape_cast %select_n3A_2588 : vector<16xi32> to vector<16x1xi32>
      %gather3A_2590 = vector.shape_cast %broadcast_in_dim3A_2589 : vector<16x1xi32> to vector<16xi32>
      %gather3A_2591 = tpu.dynamic_gather %select_n3A_2454[%gather3A_2590] in [0] : vector<16xf32>, vector<16xi32> -> vector<16xf32>
      %add3A_2592 = arith.addf %select_n3A_2454, %gather3A_2591 : vector<16xf32>
      %and3A_2593 = arith.constant 2 : i32
      %and3A_2594 = vector.broadcast %and3A_2593 : i32 to vector<16xi32>
      %and3A_2595 = arith.andi %iota3A, %and3A_2594 : vector<16xi32>
      %eq3A_2596 = arith.constant 0 : i32
      %eq3A_2597 = vector.broadcast %eq3A_2596 : i32 to vector<16xi32>
      %eq3A_2598 = arith.cmpi eq, %and3A_2595, %eq3A_2597 : vector<16xi32>
      %select_n3A_2599 = arith.select %eq3A_2598, %add3A_2581, %add3A_2592 : vector<16xi1>, vector<16xf32>
      %lt3A_2600 = arith.constant 0 : i32
      %lt3A_2601 = vector.broadcast %lt3A_2600 : i32 to vector<16xi32>
      %lt3A_2602 = arith.cmpi slt, %xor3A_177, %lt3A_2601 : vector<16xi32>
      %add3A_2603 = arith.constant 16 : i32
      %add3A_2604 = vector.broadcast %add3A_2603 : i32 to vector<16xi32>
      %add3A_2605 = arith.addi %xor3A_177, %add3A_2604 : vector<16xi32>
      %select_n3A_2606 = arith.select %lt3A_2602, %add3A_2605, %xor3A_177 : vector<16xi1>, vector<16xi32>
      %broadcast_in_dim3A_2607 = vector.shape_cast %select_n3A_2606 : vector<16xi32> to vector<16x1xi32>
      %gather3A_2608 = vector.shape_cast %broadcast_in_dim3A_2607 : vector<16x1xi32> to vector<16xi32>
      %gather3A_2609 = tpu.dynamic_gather %select_n3A_2483[%gather3A_2608] in [0] : vector<16xf32>, vector<16xi32> -> vector<16xf32>
      %add3A_2610 = arith.addf %select_n3A_2483, %gather3A_2609 : vector<16xf32>
      %lt3A_2611 = arith.constant 0 : i32
      %lt3A_2612 = vector.broadcast %lt3A_2611 : i32 to vector<16xi32>
      %lt3A_2613 = arith.cmpi slt, %xor3A_177, %lt3A_2612 : vector<16xi32>
      %add3A_2614 = arith.constant 16 : i32
      %add3A_2615 = vector.broadcast %add3A_2614 : i32 to vector<16xi32>
      %add3A_2616 = arith.addi %xor3A_177, %add3A_2615 : vector<16xi32>
      %select_n3A_2617 = arith.select %lt3A_2613, %add3A_2616, %xor3A_177 : vector<16xi1>, vector<16xi32>
      %broadcast_in_dim3A_2618 = vector.shape_cast %select_n3A_2617 : vector<16xi32> to vector<16x1xi32>
      %gather3A_2619 = vector.shape_cast %broadcast_in_dim3A_2618 : vector<16x1xi32> to vector<16xi32>
      %gather3A_2620 = tpu.dynamic_gather %select_n3A_2512[%gather3A_2619] in [0] : vector<16xf32>, vector<16xi32> -> vector<16xf32>
      %add3A_2621 = arith.addf %select_n3A_2512, %gather3A_2620 : vector<16xf32>
      %and3A_2622 = arith.constant 2 : i32
      %and3A_2623 = vector.broadcast %and3A_2622 : i32 to vector<16xi32>
      %and3A_2624 = arith.andi %iota3A, %and3A_2623 : vector<16xi32>
      %eq3A_2625 = arith.constant 0 : i32
      %eq3A_2626 = vector.broadcast %eq3A_2625 : i32 to vector<16xi32>
      %eq3A_2627 = arith.cmpi eq, %and3A_2624, %eq3A_2626 : vector<16xi32>
      %select_n3A_2628 = arith.select %eq3A_2627, %add3A_2610, %add3A_2621 : vector<16xi1>, vector<16xf32>
      %lt3A_2629 = arith.constant 0 : i32
      %lt3A_2630 = vector.broadcast %lt3A_2629 : i32 to vector<16xi32>
      %lt3A_2631 = arith.cmpi slt, %xor3A_180, %lt3A_2630 : vector<16xi32>
      %add3A_2632 = arith.constant 16 : i32
      %add3A_2633 = vector.broadcast %add3A_2632 : i32 to vector<16xi32>
      %add3A_2634 = arith.addi %xor3A_180, %add3A_2633 : vector<16xi32>
      %select_n3A_2635 = arith.select %lt3A_2631, %add3A_2634, %xor3A_180 : vector<16xi1>, vector<16xi32>
      %broadcast_in_dim3A_2636 = vector.shape_cast %select_n3A_2635 : vector<16xi32> to vector<16x1xi32>
      %gather3A_2637 = vector.shape_cast %broadcast_in_dim3A_2636 : vector<16x1xi32> to vector<16xi32>
      %gather3A_2638 = tpu.dynamic_gather %select_n3A_2541[%gather3A_2637] in [0] : vector<16xf32>, vector<16xi32> -> vector<16xf32>
      %add3A_2639 = arith.addf %select_n3A_2541, %gather3A_2638 : vector<16xf32>
      %lt3A_2640 = arith.constant 0 : i32
      %lt3A_2641 = vector.broadcast %lt3A_2640 : i32 to vector<16xi32>
      %lt3A_2642 = arith.cmpi slt, %xor3A_180, %lt3A_2641 : vector<16xi32>
      %add3A_2643 = arith.constant 16 : i32
      %add3A_2644 = vector.broadcast %add3A_2643 : i32 to vector<16xi32>
      %add3A_2645 = arith.addi %xor3A_180, %add3A_2644 : vector<16xi32>
      %select_n3A_2646 = arith.select %lt3A_2642, %add3A_2645, %xor3A_180 : vector<16xi1>, vector<16xi32>
      %broadcast_in_dim3A_2647 = vector.shape_cast %select_n3A_2646 : vector<16xi32> to vector<16x1xi32>
      %gather3A_2648 = vector.shape_cast %broadcast_in_dim3A_2647 : vector<16x1xi32> to vector<16xi32>
      %gather3A_2649 = tpu.dynamic_gather %select_n3A_2570[%gather3A_2648] in [0] : vector<16xf32>, vector<16xi32> -> vector<16xf32>
      %add3A_2650 = arith.addf %select_n3A_2570, %gather3A_2649 : vector<16xf32>
      %and3A_2651 = arith.constant 4 : i32
      %and3A_2652 = vector.broadcast %and3A_2651 : i32 to vector<16xi32>
      %and3A_2653 = arith.andi %iota3A, %and3A_2652 : vector<16xi32>
      %eq3A_2654 = arith.constant 0 : i32
      %eq3A_2655 = vector.broadcast %eq3A_2654 : i32 to vector<16xi32>
      %eq3A_2656 = arith.cmpi eq, %and3A_2653, %eq3A_2655 : vector<16xi32>
      %select_n3A_2657 = arith.select %eq3A_2656, %add3A_2639, %add3A_2650 : vector<16xi1>, vector<16xf32>
      %lt3A_2658 = arith.constant 0 : i32
      %lt3A_2659 = vector.broadcast %lt3A_2658 : i32 to vector<16xi32>
      %lt3A_2660 = arith.cmpi slt, %xor3A_180, %lt3A_2659 : vector<16xi32>
      %add3A_2661 = arith.constant 16 : i32
      %add3A_2662 = vector.broadcast %add3A_2661 : i32 to vector<16xi32>
      %add3A_2663 = arith.addi %xor3A_180, %add3A_2662 : vector<16xi32>
      %select_n3A_2664 = arith.select %lt3A_2660, %add3A_2663, %xor3A_180 : vector<16xi1>, vector<16xi32>
      %broadcast_in_dim3A_2665 = vector.shape_cast %select_n3A_2664 : vector<16xi32> to vector<16x1xi32>
      %gather3A_2666 = vector.shape_cast %broadcast_in_dim3A_2665 : vector<16x1xi32> to vector<16xi32>
      %gather3A_2667 = tpu.dynamic_gather %select_n3A_2599[%gather3A_2666] in [0] : vector<16xf32>, vector<16xi32> -> vector<16xf32>
      %add3A_2668 = arith.addf %select_n3A_2599, %gather3A_2667 : vector<16xf32>
      %lt3A_2669 = arith.constant 0 : i32
      %lt3A_2670 = vector.broadcast %lt3A_2669 : i32 to vector<16xi32>
      %lt3A_2671 = arith.cmpi slt, %xor3A_180, %lt3A_2670 : vector<16xi32>
      %add3A_2672 = arith.constant 16 : i32
      %add3A_2673 = vector.broadcast %add3A_2672 : i32 to vector<16xi32>
      %add3A_2674 = arith.addi %xor3A_180, %add3A_2673 : vector<16xi32>
      %select_n3A_2675 = arith.select %lt3A_2671, %add3A_2674, %xor3A_180 : vector<16xi1>, vector<16xi32>
      %broadcast_in_dim3A_2676 = vector.shape_cast %select_n3A_2675 : vector<16xi32> to vector<16x1xi32>
      %gather3A_2677 = vector.shape_cast %broadcast_in_dim3A_2676 : vector<16x1xi32> to vector<16xi32>
      %gather3A_2678 = tpu.dynamic_gather %select_n3A_2628[%gather3A_2677] in [0] : vector<16xf32>, vector<16xi32> -> vector<16xf32>
      %add3A_2679 = arith.addf %select_n3A_2628, %gather3A_2678 : vector<16xf32>
      %and3A_2680 = arith.constant 4 : i32
      %and3A_2681 = vector.broadcast %and3A_2680 : i32 to vector<16xi32>
      %and3A_2682 = arith.andi %iota3A, %and3A_2681 : vector<16xi32>
      %eq3A_2683 = arith.constant 0 : i32
      %eq3A_2684 = vector.broadcast %eq3A_2683 : i32 to vector<16xi32>
      %eq3A_2685 = arith.cmpi eq, %and3A_2682, %eq3A_2684 : vector<16xi32>
      %select_n3A_2686 = arith.select %eq3A_2685, %add3A_2668, %add3A_2679 : vector<16xi1>, vector<16xf32>
      %lt3A_2687 = arith.constant 0 : i32
      %lt3A_2688 = vector.broadcast %lt3A_2687 : i32 to vector<16xi32>
      %lt3A_2689 = arith.cmpi slt, %xor3A_183, %lt3A_2688 : vector<16xi32>
      %add3A_2690 = arith.constant 16 : i32
      %add3A_2691 = vector.broadcast %add3A_2690 : i32 to vector<16xi32>
      %add3A_2692 = arith.addi %xor3A_183, %add3A_2691 : vector<16xi32>
      %select_n3A_2693 = arith.select %lt3A_2689, %add3A_2692, %xor3A_183 : vector<16xi1>, vector<16xi32>
      %broadcast_in_dim3A_2694 = vector.shape_cast %select_n3A_2693 : vector<16xi32> to vector<16x1xi32>
      %gather3A_2695 = vector.shape_cast %broadcast_in_dim3A_2694 : vector<16x1xi32> to vector<16xi32>
      %gather3A_2696 = tpu.dynamic_gather %select_n3A_2657[%gather3A_2695] in [0] : vector<16xf32>, vector<16xi32> -> vector<16xf32>
      %add3A_2697 = arith.addf %select_n3A_2657, %gather3A_2696 : vector<16xf32>
      %lt3A_2698 = arith.constant 0 : i32
      %lt3A_2699 = vector.broadcast %lt3A_2698 : i32 to vector<16xi32>
      %lt3A_2700 = arith.cmpi slt, %xor3A_183, %lt3A_2699 : vector<16xi32>
      %add3A_2701 = arith.constant 16 : i32
      %add3A_2702 = vector.broadcast %add3A_2701 : i32 to vector<16xi32>
      %add3A_2703 = arith.addi %xor3A_183, %add3A_2702 : vector<16xi32>
      %select_n3A_2704 = arith.select %lt3A_2700, %add3A_2703, %xor3A_183 : vector<16xi1>, vector<16xi32>
      %broadcast_in_dim3A_2705 = vector.shape_cast %select_n3A_2704 : vector<16xi32> to vector<16x1xi32>
      %gather3A_2706 = vector.shape_cast %broadcast_in_dim3A_2705 : vector<16x1xi32> to vector<16xi32>
      %gather3A_2707 = tpu.dynamic_gather %select_n3A_2686[%gather3A_2706] in [0] : vector<16xf32>, vector<16xi32> -> vector<16xf32>
      %add3A_2708 = arith.addf %select_n3A_2686, %gather3A_2707 : vector<16xf32>
      %and3A_2709 = arith.constant 8 : i32
      %and3A_2710 = vector.broadcast %and3A_2709 : i32 to vector<16xi32>
      %and3A_2711 = arith.andi %iota3A, %and3A_2710 : vector<16xi32>
      %eq3A_2712 = arith.constant 0 : i32
      %eq3A_2713 = vector.broadcast %eq3A_2712 : i32 to vector<16xi32>
      %eq3A_2714 = arith.cmpi eq, %and3A_2711, %eq3A_2713 : vector<16xi32>
      %select_n3A_2715 = arith.select %eq3A_2714, %add3A_2697, %add3A_2708 : vector<16xi1>, vector<16xf32>
      %mul3A_2716 = arith.constant 16 : i32
      %mul3A_2717 = arith.muli %scan3A_309, %mul3A_2716 : i32
      %swap3A = arith.index_cast %mul3A_2717 : i32 to index
      %swap3A_2718 = tpu.vector_load %arg9[%swap3A] {strides = array<i32>} : memref<512xf32, #tpu.memory_space<vmem>>, vector<16xf32>,
      tpu.vector_store %arg9[%swap3A], %select_n3A_2715 {strides = array<i32>} : memref<512xf32, #tpu.memory_space<vmem>>, vector<16xf32>,
    }
    %scan3A_189 = arith.constant 32 : i32
    %dma_wait3A = arith.constant 0 : i32
    %dma_wait3A_190 = arith.constant 0 : i32
    %dma_wait3A_191 = arith.constant 0 : i32
    %dma_wait3A_192 = tpu.memref_slice %arg7[%dma_wait3A, %dma_wait3A_190, %dma_wait3A_191] : memref<4x64x128xf32, #tpu.memory_space<vmem>> -> memref<1x64x128xf32, #tpu.memory_space<vmem>>
    %dma_wait3A_193 = tpu.memref_squeeze %dma_wait3A_192 : memref<1x64x128xf32, #tpu.memory_space<vmem>> -> memref<64x128xf32, #tpu.memory_space<vmem>>
    %dma_wait3A_194 = arith.constant 0 : i32
    %dma_wait3A_195 = arith.constant 0 : i32
    %dma_wait3A_196 = tpu.memref_slice %arg3[%dma_wait3A_194, %dma_wait3A_195] : memref<64x1000000xf32, #tpu.memory_space<hbm>> -> memref<64x128xf32, #tpu.memory_space<hbm>>
    %dma_wait3A_197 = arith.constant 0 : i32
    %dma_wait3A_198 = arith.constant 0 : i32
    %dma_wait3A_199 = tpu.memref_slice %arg7[%dma_wait3A, %dma_wait3A_197, %dma_wait3A_198] : memref<4x64x128xf32, #tpu.memory_space<vmem>> -> memref<1x64x128xf32, #tpu.memory_space<vmem>>
    %dma_wait3A_200 = tpu.memref_squeeze %dma_wait3A_199 : memref<1x64x128xf32, #tpu.memory_space<vmem>> -> memref<64x128xf32, #tpu.memory_space<vmem>>
    %dma_wait3A_201 = arith.constant 0 : i32
    %dma_wait3A_202 = arith.constant 0 : i32
    %dma_wait3A_203 = tpu.memref_slice %arg3[%dma_wait3A_201, %dma_wait3A_202] : memref<64x1000000xf32, #tpu.memory_space<hbm>> -> memref<64x128xf32, #tpu.memory_space<hbm>>
    tpu.wait_dma2 semaphore(%arg10 : memref<!tpu.dma_semaphore, #tpu.memory_space<semaphore_mem>>) src(%dma_wait3A_203 : memref<64x128xf32, #tpu.memory_space<hbm>>) dst(%dma_wait3A_200 : memref<64x128xf32, #tpu.memory_space<vmem>>)
    %dma_wait3A_204 = arith.constant 0 : i32
    %dma_wait3A_205 = arith.constant 0 : i32
    %dma_wait3A_206 = arith.constant 0 : i32
    %dma_wait3A_207 = tpu.memref_slice %arg8[%dma_wait3A_204, %dma_wait3A_205, %dma_wait3A_206] : memref<4x64x128xf32, #tpu.memory_space<vmem>> -> memref<1x64x128xf32, #tpu.memory_space<vmem>>
    %dma_wait3A_208 = tpu.memref_squeeze %dma_wait3A_207 : memref<1x64x128xf32, #tpu.memory_space<vmem>> -> memref<64x128xf32, #tpu.memory_space<vmem>>
    %dma_wait3A_209 = arith.constant 0 : i32
    %dma_wait3A_210 = arith.constant 0 : i32
    %dma_wait3A_211 = tpu.memref_slice %arg4[%dma_wait3A_209, %dma_wait3A_210] : memref<64x1000000xf32, #tpu.memory_space<hbm>> -> memref<64x128xf32, #tpu.memory_space<hbm>>
    %dma_wait3A_212 = arith.constant 0 : i32
    %dma_wait3A_213 = arith.constant 0 : i32
    %dma_wait3A_214 = tpu.memref_slice %arg8[%dma_wait3A_204, %dma_wait3A_212, %dma_wait3A_213] : memref<4x64x128xf32, #tpu.memory_space<vmem>> -> memref<1x64x128xf32, #tpu.memory_space<vmem>>
    %dma_wait3A_215 = tpu.memref_squeeze %dma_wait3A_214 : memref<1x64x128xf32, #tpu.memory_space<vmem>> -> memref<64x128xf32, #tpu.memory_space<vmem>>
    %dma_wait3A_216 = arith.constant 0 : i32
    %dma_wait3A_217 = arith.constant 0 : i32
    %dma_wait3A_218 = tpu.memref_slice %arg4[%dma_wait3A_216, %dma_wait3A_217] : memref<64x1000000xf32, #tpu.memory_space<hbm>> -> memref<64x128xf32, #tpu.memory_space<hbm>>
    tpu.wait_dma2 semaphore(%arg10 : memref<!tpu.dma_semaphore, #tpu.memory_space<semaphore_mem>>) src(%dma_wait3A_218 : memref<64x128xf32, #tpu.memory_space<hbm>>) dst(%dma_wait3A_215 : memref<64x128xf32, #tpu.memory_space<vmem>>)
    %dma_wait3A_219 = arith.constant 1 : i32
    %dma_wait3A_220 = arith.constant 0 : i32
    %dma_wait3A_221 = arith.constant 0 : i32
    %dma_wait3A_222 = tpu.memref_slice %arg7[%dma_wait3A_219, %dma_wait3A_220, %dma_wait3A_221] : memref<4x64x128xf32, #tpu.memory_space<vmem>> -> memref<1x64x128xf32, #tpu.memory_space<vmem>>
    %dma_wait3A_223 = tpu.memref_squeeze %dma_wait3A_222 : memref<1x64x128xf32, #tpu.memory_space<vmem>> -> memref<64x128xf32, #tpu.memory_space<vmem>>
    %dma_wait3A_224 = arith.constant 0 : i32
    %dma_wait3A_225 = arith.constant 0 : i32
    %dma_wait3A_226 = tpu.memref_slice %arg3[%dma_wait3A_224, %dma_wait3A_225] : memref<64x1000000xf32, #tpu.memory_space<hbm>> -> memref<64x128xf32, #tpu.memory_space<hbm>>
    %dma_wait3A_227 = arith.constant 0 : i32
    %dma_wait3A_228 = arith.constant 0 : i32
    %dma_wait3A_229 = tpu.memref_slice %arg7[%dma_wait3A_219, %dma_wait3A_227, %dma_wait3A_228] : memref<4x64x128xf32, #tpu.memory_space<vmem>> -> memref<1x64x128xf32, #tpu.memory_space<vmem>>
    %dma_wait3A_230 = tpu.memref_squeeze %dma_wait3A_229 : memref<1x64x128xf32, #tpu.memory_space<vmem>> -> memref<64x128xf32, #tpu.memory_space<vmem>>
    %dma_wait3A_231 = arith.constant 0 : i32
    %dma_wait3A_232 = arith.constant 0 : i32
    %dma_wait3A_233 = tpu.memref_slice %arg3[%dma_wait3A_231, %dma_wait3A_232] : memref<64x1000000xf32, #tpu.memory_space<hbm>> -> memref<64x128xf32, #tpu.memory_space<hbm>>
    tpu.wait_dma2 semaphore(%arg11 : memref<!tpu.dma_semaphore, #tpu.memory_space<semaphore_mem>>) src(%dma_wait3A_233 : memref<64x128xf32, #tpu.memory_space<hbm>>) dst(%dma_wait3A_230 : memref<64x128xf32, #tpu.memory_space<vmem>>)
    %dma_wait3A_234 = arith.constant 1 : i32
    %dma_wait3A_235 = arith.constant 0 : i32
    %dma_wait3A_236 = arith.constant 0 : i32
    %dma_wait3A_237 = tpu.memref_slice %arg8[%dma_wait3A_234, %dma_wait3A_235, %dma_wait3A_236] : memref<4x64x128xf32, #tpu.memory_space<vmem>> -> memref<1x64x128xf32, #tpu.memory_space<vmem>>
    %dma_wait3A_238 = tpu.memref_squeeze %dma_wait3A_237 : memref<1x64x128xf32, #tpu.memory_space<vmem>> -> memref<64x128xf32, #tpu.memory_space<vmem>>
    %dma_wait3A_239 = arith.constant 0 : i32
    %dma_wait3A_240 = arith.constant 0 : i32
    %dma_wait3A_241 = tpu.memref_slice %arg4[%dma_wait3A_239, %dma_wait3A_240] : memref<64x1000000xf32, #tpu.memory_space<hbm>> -> memref<64x128xf32, #tpu.memory_space<hbm>>
    %dma_wait3A_242 = arith.constant 0 : i32
    %dma_wait3A_243 = arith.constant 0 : i32
    %dma_wait3A_244 = tpu.memref_slice %arg8[%dma_wait3A_234, %dma_wait3A_242, %dma_wait3A_243] : memref<4x64x128xf32, #tpu.memory_space<vmem>> -> memref<1x64x128xf32, #tpu.memory_space<vmem>>
    %dma_wait3A_245 = tpu.memref_squeeze %dma_wait3A_244 : memref<1x64x128xf32, #tpu.memory_space<vmem>> -> memref<64x128xf32, #tpu.memory_space<vmem>>
    %dma_wait3A_246 = arith.constant 0 : i32
    %dma_wait3A_247 = arith.constant 0 : i32
    %dma_wait3A_248 = tpu.memref_slice %arg4[%dma_wait3A_246, %dma_wait3A_247] : memref<64x1000000xf32, #tpu.memory_space<hbm>> -> memref<64x128xf32, #tpu.memory_space<hbm>>
    tpu.wait_dma2 semaphore(%arg11 : memref<!tpu.dma_semaphore, #tpu.memory_space<semaphore_mem>>) src(%dma_wait3A_248 : memref<64x128xf32, #tpu.memory_space<hbm>>) dst(%dma_wait3A_245 : memref<64x128xf32, #tpu.memory_space<vmem>>)
    %dma_wait3A_249 = arith.constant 2 : i32
    %dma_wait3A_250 = arith.constant 0 : i32
    %dma_wait3A_251 = arith.constant 0 : i32
    %dma_wait3A_252 = tpu.memref_slice %arg7[%dma_wait3A_249, %dma_wait3A_250, %dma_wait3A_251] : memref<4x64x128xf32, #tpu.memory_space<vmem>> -> memref<1x64x128xf32, #tpu.memory_space<vmem>>
    %dma_wait3A_253 = tpu.memref_squeeze %dma_wait3A_252 : memref<1x64x128xf32, #tpu.memory_space<vmem>> -> memref<64x128xf32, #tpu.memory_space<vmem>>
    %dma_wait3A_254 = arith.constant 0 : i32
    %dma_wait3A_255 = arith.constant 0 : i32
    %dma_wait3A_256 = tpu.memref_slice %arg3[%dma_wait3A_254, %dma_wait3A_255] : memref<64x1000000xf32, #tpu.memory_space<hbm>> -> memref<64x128xf32, #tpu.memory_space<hbm>>
    %dma_wait3A_257 = arith.constant 0 : i32
    %dma_wait3A_258 = arith.constant 0 : i32
    %dma_wait3A_259 = tpu.memref_slice %arg7[%dma_wait3A_249, %dma_wait3A_257, %dma_wait3A_258] : memref<4x64x128xf32, #tpu.memory_space<vmem>> -> memref<1x64x128xf32, #tpu.memory_space<vmem>>
    %dma_wait3A_260 = tpu.memref_squeeze %dma_wait3A_259 : memref<1x64x128xf32, #tpu.memory_space<vmem>> -> memref<64x128xf32, #tpu.memory_space<vmem>>
    %dma_wait3A_261 = arith.constant 0 : i32
    %dma_wait3A_262 = arith.constant 0 : i32
    %dma_wait3A_263 = tpu.memref_slice %arg3[%dma_wait3A_261, %dma_wait3A_262] : memref<64x1000000xf32, #tpu.memory_space<hbm>> -> memref<64x128xf32, #tpu.memory_space<hbm>>
    tpu.wait_dma2 semaphore(%arg12 : memref<!tpu.dma_semaphore, #tpu.memory_space<semaphore_mem>>) src(%dma_wait3A_263 : memref<64x128xf32, #tpu.memory_space<hbm>>) dst(%dma_wait3A_260 : memref<64x128xf32, #tpu.memory_space<vmem>>)
    %dma_wait3A_264 = arith.constant 2 : i32
    %dma_wait3A_265 = arith.constant 0 : i32
    %dma_wait3A_266 = arith.constant 0 : i32
    %dma_wait3A_267 = tpu.memref_slice %arg8[%dma_wait3A_264, %dma_wait3A_265, %dma_wait3A_266] : memref<4x64x128xf32, #tpu.memory_space<vmem>> -> memref<1x64x128xf32, #tpu.memory_space<vmem>>
    %dma_wait3A_268 = tpu.memref_squeeze %dma_wait3A_267 : memref<1x64x128xf32, #tpu.memory_space<vmem>> -> memref<64x128xf32, #tpu.memory_space<vmem>>
    %dma_wait3A_269 = arith.constant 0 : i32
    %dma_wait3A_270 = arith.constant 0 : i32
    %dma_wait3A_271 = tpu.memref_slice %arg4[%dma_wait3A_269, %dma_wait3A_270] : memref<64x1000000xf32, #tpu.memory_space<hbm>> -> memref<64x128xf32, #tpu.memory_space<hbm>>
    %dma_wait3A_272 = arith.constant 0 : i32
    %dma_wait3A_273 = arith.constant 0 : i32
    %dma_wait3A_274 = tpu.memref_slice %arg8[%dma_wait3A_264, %dma_wait3A_272, %dma_wait3A_273] : memref<4x64x128xf32, #tpu.memory_space<vmem>> -> memref<1x64x128xf32, #tpu.memory_space<vmem>>
    %dma_wait3A_275 = tpu.memref_squeeze %dma_wait3A_274 : memref<1x64x128xf32, #tpu.memory_space<vmem>> -> memref<64x128xf32, #tpu.memory_space<vmem>>
    %dma_wait3A_276 = arith.constant 0 : i32
    %dma_wait3A_277 = arith.constant 0 : i32
    %dma_wait3A_278 = tpu.memref_slice %arg4[%dma_wait3A_276, %dma_wait3A_277] : memref<64x1000000xf32, #tpu.memory_space<hbm>> -> memref<64x128xf32, #tpu.memory_space<hbm>>
    tpu.wait_dma2 semaphore(%arg12 : memref<!tpu.dma_semaphore, #tpu.memory_space<semaphore_mem>>) src(%dma_wait3A_278 : memref<64x128xf32, #tpu.memory_space<hbm>>) dst(%dma_wait3A_275 : memref<64x128xf32, #tpu.memory_space<vmem>>)
    %dma_wait3A_279 = arith.constant 3 : i32
    %dma_wait3A_280 = arith.constant 0 : i32
    %dma_wait3A_281 = arith.constant 0 : i32
    %dma_wait3A_282 = tpu.memref_slice %arg7[%dma_wait3A_279, %dma_wait3A_280, %dma_wait3A_281] : memref<4x64x128xf32, #tpu.memory_space<vmem>> -> memref<1x64x128xf32, #tpu.memory_space<vmem>>
    %dma_wait3A_283 = tpu.memref_squeeze %dma_wait3A_282 : memref<1x64x128xf32, #tpu.memory_space<vmem>> -> memref<64x128xf32, #tpu.memory_space<vmem>>
    %dma_wait3A_284 = arith.constant 0 : i32
    %dma_wait3A_285 = arith.constant 0 : i32
    %dma_wait3A_286 = tpu.memref_slice %arg3[%dma_wait3A_284, %dma_wait3A_285] : memref<64x1000000xf32, #tpu.memory_space<hbm>> -> memref<64x128xf32, #tpu.memory_space<hbm>>
    %dma_wait3A_287 = arith.constant 0 : i32
    %dma_wait3A_288 = arith.constant 0 : i32
    %dma_wait3A_289 = tpu.memref_slice %arg7[%dma_wait3A_279, %dma_wait3A_287, %dma_wait3A_288] : memref<4x64x128xf32, #tpu.memory_space<vmem>> -> memref<1x64x128xf32, #tpu.memory_space<vmem>>
    %dma_wait3A_290 = tpu.memref_squeeze %dma_wait3A_289 : memref<1x64x128xf32, #tpu.memory_space<vmem>> -> memref<64x128xf32, #tpu.memory_space<vmem>>
    %dma_wait3A_291 = arith.constant 0 : i32
    %dma_wait3A_292 = arith.constant 0 : i32
    %dma_wait3A_293 = tpu.memref_slice %arg3[%dma_wait3A_291, %dma_wait3A_292] : memref<64x1000000xf32, #tpu.memory_space<hbm>> -> memref<64x128xf32, #tpu.memory_space<hbm>>
    tpu.wait_dma2 semaphore(%arg13 : memref<!tpu.dma_semaphore, #tpu.memory_space<semaphore_mem>>) src(%dma_wait3A_293 : memref<64x128xf32, #tpu.memory_space<hbm>>) dst(%dma_wait3A_290 : memref<64x128xf32, #tpu.memory_space<vmem>>)
    %dma_wait3A_294 = arith.constant 3 : i32
    %dma_wait3A_295 = arith.constant 0 : i32
    %dma_wait3A_296 = arith.constant 0 : i32
    %dma_wait3A_297 = tpu.memref_slice %arg8[%dma_wait3A_294, %dma_wait3A_295, %dma_wait3A_296] : memref<4x64x128xf32, #tpu.memory_space<vmem>> -> memref<1x64x128xf32, #tpu.memory_space<vmem>>
    %dma_wait3A_298 = tpu.memref_squeeze %dma_wait3A_297 : memref<1x64x128xf32, #tpu.memory_space<vmem>> -> memref<64x128xf32, #tpu.memory_space<vmem>>
    %dma_wait3A_299 = arith.constant 0 : i32
    %dma_wait3A_300 = arith.constant 0 : i32
    %dma_wait3A_301 = tpu.memref_slice %arg4[%dma_wait3A_299, %dma_wait3A_300] : memref<64x1000000xf32, #tpu.memory_space<hbm>> -> memref<64x128xf32, #tpu.memory_space<hbm>>
    %dma_wait3A_302 = arith.constant 0 : i32
    %dma_wait3A_303 = arith.constant 0 : i32
    %dma_wait3A_304 = tpu.memref_slice %arg8[%dma_wait3A_294, %dma_wait3A_302, %dma_wait3A_303] : memref<4x64x128xf32, #tpu.memory_space<vmem>> -> memref<1x64x128xf32, #tpu.memory_space<vmem>>
    %dma_wait3A_305 = tpu.memref_squeeze %dma_wait3A_304 : memref<1x64x128xf32, #tpu.memory_space<vmem>> -> memref<64x128xf32, #tpu.memory_space<vmem>>
    %dma_wait3A_306 = arith.constant 0 : i32
    %dma_wait3A_307 = arith.constant 0 : i32
    %dma_wait3A_308 = tpu.memref_slice %arg4[%dma_wait3A_306, %dma_wait3A_307] : memref<64x1000000xf32, #tpu.memory_space<hbm>> -> memref<64x128xf32, #tpu.memory_space<hbm>>
    tpu.wait_dma2 semaphore(%arg13 : memref<!tpu.dma_semaphore, #tpu.memory_space<semaphore_mem>>) src(%dma_wait3A_308 : memref<64x128xf32, #tpu.memory_space<hbm>>) dst(%dma_wait3A_305 : memref<64x128xf32, #tpu.memory_space<vmem>>)
    "tpu.region"() ({
      %run_scoped3A = tpu.sem_alloc : memref<!tpu.dma_semaphore, #tpu.memory_space<semaphore_mem>>
      %dma_start3A_309 = tpu.memref_slice %arg5[%mul3A_2] : memref<16384xf32, #tpu.memory_space<hbm>> -> memref<512xf32, #tpu.memory_space<hbm>>
      %dma_start3A_310 = tpu.memref_slice %arg5[%mul3A_2] : memref<16384xf32, #tpu.memory_space<hbm>> -> memref<512xf32, #tpu.memory_space<hbm>>
      tpu.enqueue_dma source(%arg9 : memref<512xf32, #tpu.memory_space<vmem>>) target(%dma_start3A_310 : memref<512xf32, #tpu.memory_space<hbm>>) target_semaphore(%run_scoped3A : memref<!tpu.dma_semaphore, #tpu.memory_space<semaphore_mem>>)
      %dma_wait3A_311 = tpu.memref_slice %arg5[%mul3A_2] : memref<16384xf32, #tpu.memory_space<hbm>> -> memref<512xf32, #tpu.memory_space<hbm>>
      %dma_wait3A_312 = tpu.memref_slice %arg5[%mul3A_2] : memref<16384xf32, #tpu.memory_space<hbm>> -> memref<512xf32, #tpu.memory_space<hbm>>
      tpu.wait_dma2 semaphore(%run_scoped3A : memref<!tpu.dma_semaphore, #tpu.memory_space<semaphore_mem>>) src(%arg9 : memref<512xf32, #tpu.memory_space<vmem>>) dst(%dma_wait3A_312 : memref<512xf32, #tpu.memory_space<hbm>>)
      tpu.yield
    }) : () -> ()
    return
  }
}

</mosaic_0001>

<sc_bundles>
// kernel: kernel.3.cloned.1.call-start
scs
__scs_entry_jumppad:
0x0: {  	(pc) =	sbr.rel $0x88, $3  }
0x1: {  	(tag) =	ssettag $0x0;
	lr =	simm.s32 $0x1  }
0x2: {  	[smem:$0x3F9D] =	sst lr;
	_ =	strace $0xD0000000  }
0x3: {  	_ = 	snop  }
0x4: {  	_ = 	snop  }
0x5: {  	_ = 	snop  }
0x6: {  	_ = 	snop  }
0x7: {  	_ = 	snop  }
__scs_overlays_trampoline_lowered:
0x8: {  	[smem:$0x3FAC] =	sst s0  }
0x9: {  	[smem:$0x3FAD] =	sst s1  }
0xa: {  	[smem:$0x3FAE] =	sst s2  }
0xb: {  	[smem:$0x3FAF] =	sst s3  }
0xc: {  	[smem:$0x3FB0] =	sst s4  }
0xd: {  	[smem:$0x3FB1] =	sst s5  }
0xe: {  	[smem:$0x3FB2] =	sst s6  }
0xf: {  	[smem:$0x3FB3] =	sst s7  }
0x10: {  	[smem:$0x3FB4] =	sst s8  }
0x11: {  	[smem:$0x3FB5] =	sst s9;
	s0 =	simm.s32 @!p0 $0x0  }
0x12: {  	s1 =	sld [smem:$0x3F9B];
	s0 =	simm.s32 @p0 $0x1  }
0x13: {  	[smem:$0x3FB6] =	sst s0;
	s0 =	simm.s32 @!p1 $0x0  }
0x14: {  	s2 =	sld [smem:$0x3F9A];
	s0 =	simm.s32 @p1 $0x1  }
0x15: {  	[smem:$0x3FB7] =	sst s0;
	s0 =	simm.s32 @!p2 $0x0  }
0x16: {  	s3 =	sld [smem:$0x3FDB];
	s0 =	simm.s32 @p2 $0x1  }
0x17: {  	s4 =	simm.s32 $0x1BF5;
	[smem:$0x3FB9] =	sst s0  }
0x18: {  	s0 =	sld [smem:$0x3F9C];
	_ =	swait.ge [sflag:s4], $0x0  }
0x19: {  	s7 =	sld [smem:$0x3F9D]  }
0x1a: {  	s8 =	sadd.s32 $0xFFFFE003, lr  }
0x1b: {  	s9 =	sadd.s32 $0xFFFFFEF7, lr;
	s5 =	simm.s32 $0xFFFFFFFF;
	p2 =	slt.u32 s8, $0xFFFFF086  }
0x1c: {  	p1 =	slt.u32 s9, $0xF7A;
	s5 =	simm.s32 @!p2 $0x0  }
0x1d: {  	s5 =	simm.s32 @p1 $0x1;
	p0 =	seq.s32 s7, s2  }
0x1e: {  	s7 =	smul.u32 @!p0 $0xF7A, s2;
	p2 =	seq.s32 @!p0 s5, $0x0  }
0x1f: {  	s9 =	smul.u32 $0xF7A, s1;
	s8 =	simm.s32 @!p0 $0x1BF5;
	p2 =	por !p2, p0  }
0x20: {  	[sflag:s8] =	ssyncset.s32 @!p0 $0xFFFFF086;
	s6 =	sadd.s32 @!p0 s3, s7;
	s7 =	simm.s32 @!p0 $0x108  }
0x21: {  	s3 =	sadd.s32 s3, s9;
	s6 =	sadd.s32 @!p0 $0x88, s6;
	s7 =	simm.s32 @p2 $0x1082  }
0x22: {  	[simem:s7], [sflag:s8] =	dma.local @!p0 [hbm:s6], $0xF7A  }
0x23: {  	s9 =	sor.u32 $0xD0000000, s2;
	s6 =	simm.s32 $0x108;
	_ =	swait.ge @!p0 [sflag:s8], $0x0  }
0x24: {  	s3 =	sadd.s32 $0x88, s3;
	s6 =	simm.s32 @!p1 $0x1082;
	[sflag:s4] =	ssyncset.s32 $0xFFFFF086  }
0x25: {  	[simem:s6], [sflag:s4] =	dma.local [hbm:s3], $0xF7A  }
0x26: {  	[smem:$0x3F9D] =	sst s1;
	(tag) =	ssettag s2;
	_ =	strace s9  }
0x27: {  	s1 =	sld [smem:$0x3FAD]  }
0x28: {  	s2 =	sld [smem:$0x3FAE]  }
0x29: {  	s4 =	sld [smem:$0x3FB0]  }
0x2a: {  	p0 =	seq.s32 s5, $0x0;
	s5 =	sld [smem:$0x3FB1]  }
0x2b: {  	s6 =	sld [smem:$0x3FB2]  }
0x2c: {  	s7 =	sld [smem:$0x3FB3]  }
0x2d: {  	s3 =	simm.s32 $0x108;
	s8 =	sld [smem:$0x3FB4]  }
0x2e: {  	s3 =	simm.s32 @!p0 $0x1082;
	s9 =	sld [smem:$0x3FB5]  }
0x2f: {  	lr =	sadd.s32 s0, s3;
	s0 =	sld [smem:$0x3FAC]  }
0x30: {  	s3 =	sld [smem:$0x3FAF]  }
0x31: {  	[smem:$0x3FB8] =	sst s10  }
0x32: {  	s10 =	sld [smem:$0x3FB6];
	_ =	sdelay $0x3  }
0x33: {  	p0 =	seq.s32 s10, $0x1;
	s10 =	sld [smem:$0x3FB8];
	_ =	sdelay $0x3  }
0x34: {  	[smem:$0x3FB8] =	sst s10  }
0x35: {  	s10 =	sld [smem:$0x3FB7];
	_ =	sdelay $0x3  }
0x36: {  	p1 =	seq.s32 s10, $0x1;
	s10 =	sld [smem:$0x3FB8];
	_ =	sdelay $0x3  }
0x37: {  	[smem:$0x3FB8] =	sst s10  }
0x38: {  	s10 =	sld [smem:$0x3FB9]  }
0x39: {  	_ = 	snop;
	(pc) =	sbr.ind lr, $3  }
0x3a: {  	_ = 	snop  }
0x3b: {  	_ = 	snop  }
0x3c: {  	p2 =	seq.s32 s10, $0x1;
	s10 =	sld [smem:$0x3FB8]  }
0x3d: {  	_ =	shalt  }
0x3e: {  	_ =	shalt  }
0x3f: {  	_ =	shalt  }
0x40: {  	_ =	shalt  }
0x41: {  	_ =	shalt  }
0x42: {  	_ =	shalt  }
0x43: {  	_ =	shalt  }
0x44: {  	_ =	shalt  }
0x45: {  	_ =	shalt  }
0x46: {  	_ =	shalt  }
0x47: {  	_ =	shalt  }
0x48: {  	_ =	shalt  }
0x49: {  	_ =	shalt  }
0x4a: {  	_ =	shalt  }
0x4b: {  	_ =	shalt  }
0x4c: {  	_ =	shalt  }
0x4d: {  	_ =	shalt  }
0x4e: {  	_ =	shalt  }
0x4f: {  	_ =	shalt  }
0x50: {  	_ =	shalt  }
0x51: {  	_ =	shalt  }
0x52: {  	_ =	shalt  }
0x53: {  	_ =	shalt  }
0x54: {  	_ =	shalt  }
0x55: {  	_ =	shalt  }
0x56: {  	_ =	shalt  }
0x57: {  	_ =	shalt  }
0x58: {  	_ =	shalt  }
0x59: {  	_ =	shalt  }
0x5a: {  	_ =	shalt  }
0x5b: {  	_ =	shalt  }
0x5c: {  	_ =	shalt  }
0x5d: {  	_ =	shalt  }
0x5e: {  	_ =	shalt  }
0x5f: {  	_ =	shalt  }
0x60: {  	_ =	shalt  }
0x61: {  	_ =	shalt  }
0x62: {  	_ =	shalt  }
0x63: {  	_ =	shalt  }
0x64: {  	_ =	shalt  }
0x65: {  	_ =	shalt  }
0x66: {  	_ =	shalt  }
0x67: {  	_ =	shalt  }
0x68: {  	_ =	shalt  }
0x69: {  	_ =	shalt  }
0x6a: {  	_ =	shalt  }
0x6b: {  	_ =	shalt  }
0x6c: {  	_ =	shalt  }
0x6d: {  	_ =	shalt  }
0x6e: {  	_ =	shalt  }
0x6f: {  	_ =	shalt  }
0x70: {  	_ =	shalt  }
0x71: {  	_ =	shalt  }
0x72: {  	_ =	shalt  }
0x73: {  	_ =	shalt  }
0x74: {  	_ =	shalt  }
0x75: {  	_ =	shalt  }
0x76: {  	_ =	shalt  }
0x77: {  	_ =	shalt  }
0x78: {  	_ =	shalt  }
0x79: {  	_ =	shalt  }
0x7a: {  	_ =	shalt  }
0x7b: {  	_ =	shalt  }
0x7c: {  	_ =	shalt  }
0x7d: {  	_ =	shalt  }
0x7e: {  	_ =	shalt  }
0x7f: {  	_ =	shalt  }
0x80: {  	_ =	shalt  }
0x81: {  	_ =	shalt  }
0x82: {  	_ =	shalt  }
0x83: {  	_ =	shalt  }
0x84: {  	_ =	shalt  }
0x85: {  	_ =	shalt  }
0x86: {  	_ =	shalt  }
0x87: {  	_ =	shalt  }
.Lfunc_end0:
.L_simem_size_0:
called_computation_lowered:
.L_overlay_start_0:
0x88: {  	s2 =	sld [smem:$0x3FD9]  }
0x89: {  	s3 =	sld [smem:$0x3FFE];
	_ =	sdelay $0x1  }
0x8a: {  	s1 =	srdreg.scid  }
0x8b: {  	s0 =	sand.u32 $0x1, s1  }
0x8c: {  	s17 =	sshll.u32 s0, $0xA;
	s2 =	sadd.s32 s3, s2  }
0x8d: {  	s2 =	sadd.s32 s2, s17  }
0x8e: {  	[smem:$0x3FC4] =	sst s2  }
0x8f: {  	_ = 	snop  }
0x90: {  	s2 =	sld [smem:$0x3FC7]  }
0x91: {  	s18 =	sld [smem:$0x3FC6]  }
0x92: {  	s4 =	sld [smem:$0x3FD0];
	(tm) =	ssettm $0x1  }
0x93: {  	s5 =	sld [smem:$0x3FFB];
	_ =	sdelay $0x3  }
0x94: {  	_ =	strace s5  }
0x95: {  	s5 =	sld [smem:$0x3FFC];
	_ =	sdelay $0x3  }
0x96: {  	_ =	strace s5  }
0x97: {  	s5 =	sld [smem:$0x3FFD];
	_ =	sdelay $0x3  }
0x98: {  	_ =	strace s5  }
0x99: {  	_ =	strace $0x8FFFFFFF  }
0x9a: {  	s19 =	sld [smem:$0x3FDB];
	_ =	sdelay $0x1  }
0x9b: {  	s6 =	simm.s32 $_scs_section_size  }
0x9c: {  	s7 =	simm.s32 $_size__tile_overlayer_lowered;
	s8 =	simm.s32 $_tile_overlayer_lowered  }
0x9d: {  	s22 =	simm.s32 $0x1BFF;
	s21 =	sshll.u32 s8, $0x1;
	s5 =	sadd.s32 s6, s19  }
0x9e: {  	s9 =	simm.s32 $0x0;
	s20 =	sshll.u32 s7, $0x1;
	s7 =	sadd.s32 s21, s5  }
0x9f: {  	[timem:s9], [sflag:s22] =	dma.local [hbm:s7], s20  }
0xa0: {  	_ =	swait.ge [sflag:s22], s20  }
0xa1: {  	s6 =	ssub.s32 $0x0, s20;
	[sflag:s22] =	ssyncset.done $0x0  }
0xa2: {  	[sflag:s22] =	ssyncadd.s32 s6;
	_ =	sdelay $0x1  }
0xa3: {  	s23 =	simm.s32 $0x1B8B  }
0xa4: {  	_ =	swait.ge [sflag:s23], $0x1  }
0xa5: {  	[sflag:s23] =	ssyncset.done $0x0  }
0xa6: {  	s25 =	simm.s32 $0x1B8E;
	s24 =	sld [smem:$0x3FFE];
	[sflag:s23] =	ssyncadd.s32 $0xFFFFFFFF  }
0xa7: {  	s26 =	simm.s32 $execute0_lowered;
	[smem:$0x3FD2] =	sst s25  }
0xa8: {  	s7 =	sshll.u32 s26, $0x1;
	_ =	strace $0x80000046;
	[dreg:$0x1] =	wrdreg $0xFFFFFFFF  }
0xa9: {  	s28 =	simm.s32 $_size_execute0_lowered;
	s5 =	sadd.s32 s5, s7;
	[dreg:$0x0] =	wrdreg $0x0  }
0xaa: {  	s7 =	sshll.u32 s28, $0x1;
	[dreg:$0x2] =	wrdreg s5  }
0xab: {  	[dreg:$0x3] =	wrdreg s7  }
0xac: {  	[dreg:$0x4] =	wrdreg $0xC0  }
0xad: {  	_ =	task [dreg:s9], $0x5FFFF  }
0xae: {  	[dreg:$0x1] =	wrdreg $0xFFFFFFFF  }
0xaf: {  	[dreg:$0x0] =	wrdreg $0x60  }
0xb0: {  	[dreg:$0x2] =	wrdreg s24  }
0xb1: {  	[dreg:$0x3] =	wrdreg s2  }
0xb2: {  	[dreg:$0x4] =	wrdreg s18  }
0xb3: {  	[dreg:$0x5] =	wrdreg s4  }
0xb4: {  	[dreg:$0x6] =	wrdreg $0x9  }
0xb5: {  	_ =	task.clear_ibuf [dreg:s9], $0x7FFFF;
	_ =	strace $0x90000046  }
0xb6: {  	s29 =	simm.s32 $0x9;
	_ =	strace $0x80000048  }
0xb7: {  	_ =	swait.ge [sflag:s29], $0x1  }
0xb8: {  	[sflag:s29] =	ssyncadd.s32 $0xFFFFFFFF  }
0xb9: {  	_ =	strace $0x90000048  }
0xba: {  	_ =	sfence  }
0xbb: {  	s30 =	sld [smem:$0x0];
	_ =	sdelay $0x2  }
0xbc: {  	s31 =	sshll.u32 s1, $0xD;
	s1 =	sshrl.u32 s1, $0x2  }
0xbd: {  	s3 =	sand.u32 $0x4000, s31;
	s1 =	sadd.s32 s1, s30  }
0xbe: {  	s0 =	sor.u32 s3, s0;
	s1 =	sshll.u32 s1, $0x11  }
0xbf: {  	s0 =	sor.u32 s1, s0  }
0xc0: {  	s0 =	sadd.s32 $0x8F2B, s0  }
0xc1: {  	[sflag:s0] =	ssyncadd.remote.s32 $0x1  }
0xc2: {  	_ =	sfence.sel $0xFFFF  }
0xc3: {  	[dreg:$0x0] =	wrdreg $0xFFFFFFFF;
	(pc) =	sbr.abs _section_cstart, $3  }
0xc4: {  	[dreg:$0x1] =	wrdreg $0xFFFFFFFF  }
0xc5: {  	_ =	task.clear_ibuf [dreg:s9], $0x2FFFF;
	_ =	strace $0x9FFFFFFF  }
0xc6: {  	(tm) =	ssettm $0x7FFFFFFF  }
0xc7: {  	_ =	shalt  }
tec
execute0_lowered:
.L_overlay_start_1:
0x0: {  	(tag) =	ssettag $0x1  }
0x1: {  	v0 =	vlaneseq.u32;
	v1 =	vimm.s32 $0xEFCDAB89;
	v14 =	vimm.s32 $0x67452301  }
0x2: {  	vm0 =	vcmask $0xB08;
	vm1 =	vcmask $0x300;
	v16 =	vimm.s32 $0x54761032  }
0x3: {  	vm2 =	vcmask $0x1710;
	vm3 =	vcmask $0x700;
	v17 =	vimm.s32 $0xBA98FEDC  }
0x4: {  	v18 =	vimm.s32 $0x32107654;
	v0 =	vmul.u32 $0x80, v0;
	v1 =	vunpack.c.l.s4.s8 v1  }
0x5: {  	v14 =	vunpack.c.l.s4.s8 v14;
	vm0 =	vmor vm1, vm0;
	vm1 =	vcmask $0x1310  }
0x6: {  	v16 =	vunpack.c.l.s4.s8 v16;
	vm2 =	vmor vm3, vm2;
	vm3 =	vcmask $0x2720  }
0x7: {  	v17 =	vunpack.c.l.s4.s8 v17;
	v18 =	vunpack.c.l.s4.s8 v18;
	vm0 =	vmor vm0, vm1  }
0x8: {  	vm1 =	vcmask $0x1B18;
	v2 =	vor.u32 $0x800, v0;
	v3 =	vor.u32 $0x1000, v0  }
0x9: {  	s5 =	rddreg [dreg:$0x0];
	v4 =	vor.u32 $0x1800, v0;
	v5 =	vor.u32 $0x2000, v0;
	v6 =	vor.u32 $0x2800, v0  }
0xa: {  	s0 =	rddreg [dreg:$0x1];
	v7 =	vor.u32 $0x3000, v0;
	v8 =	vor.u32 $0x3800, v0;
	v9 =	vor.u32 $0x4000, v0  }
0xb: {  	s1 =	rddreg [dreg:$0x2];
	v10 =	vor.u32 $0x4800, v0;
	v1 =	vunpack.c.0.s8.s32 v1;
	v15 =	vunpack.c.0.s8.s32 v14  }
0xc: {  	s6 =	rddreg [dreg:$0x3];
	v11 =	vor.u32 $0x5000, v0;
	v12 =	vor.u32 $0x5800, v0;
	v13 =	vor.u32 $0x6000, v0  }
0xd: {  	s4 =	simm.s32 $0x0;
	s3 =	stileid.u32;
	s7 =	srdreg.scid;
	v59 =	vor.u32 $0x6800, v0;
	v1 =	vcombine.low v15, v1;
	v15 =	vimm.s32 $0xDCFE98BA  }
0xe: {  	s11 =	simm.s32 $0x7A1400;
	s12 =	simm.s32 $0x480;
	s13 =	simm.s32 $0x8480;
	vm0 =	vmor vm0, vm1;
	vm1 =	vcmask $0x2320;
	v15 =	vunpack.c.l.s4.s8 v15  }
0xf: {  	s14 =	simm.s32 $0x2480;
	s15 =	simm.s32 $0xA480;
	s16 =	simm.s32 $0x4480;
	v16 =	vunpack.c.0.s8.s32 v16;
	vm0 =	vmor vm0, vm1;
	vm1 =	vcmask $0x2B28  }
0x10: {  	s17 =	simm.s32 $0xC480;
	s18 =	simm.s32 $0x6480;
	s19 =	simm.s32 $0xE480;
	vm0 =	vmor vm0, vm1;
	vm1 =	vcmask $0x3330;
	v15 =	vunpack.c.0.s8.s32 v15  }
0x11: {  	s20 =	simm.s32 $0x1;
	s21 =	simm.s32 $0x2;
	s22 =	simm.s32 $0x3;
	v57 =	vor.u32 $0x7000, v0;
	vm0 =	vmor vm0, vm1;
	vm1 =	vcmask $0x3B38  }
0x12: {  	s23 =	simm.s32 $0x4;
	s24 =	simm.s32 $0x10480;
	s25 =	simm.s32 $0x0;
	v14 =	vor.u32 $0x7800, v0;
	vm0 =	vmor vm0, vm1;
	v19 =	vcombine.low v16, v15  }
0x13: {  	[smem:$0x7FF] =	sst s4;
	s7 =	sand.u32 $0x1, s7;
	s8 =	sshll.u32 s3, $0x1;
	v15 =	vunpack.c.0.s8.s32 v17;
	v16 =	vunpack.c.0.s8.s32 v18;
	v17 =	vimm.s32 $0xFEDCBA98  }
0x14: {  	s9 =	sshll.u32 s3, $0x8;
	_ =	strace $0x80000047;
	s8 =	sor.u32 s7, s8;
	vm1 =	vmor vm2, vm3;
	v18 =	vimm.s32 $0x76543210;
	v17 =	vunpack.c.l.s4.s8 v17  }
0x15: {  	s9 =	sand.u32 $0xC00, s9;
	s7 =	ssub.s32 $0x2, s7;
	s10 =	sshll.u32 s8, $0x4;
	vm2 =	vcmask $0x3730;
	v20 =	vcombine.low v16, v15;
	v16 =	vunpack.c.l.s4.s8 v18  }
0x16: {  	s5 =	sadd.s32 s9, s5;
	s31 =	sshrl.u32 s7, $0x1;
	s8 =	sshll.u32 s8, $0x6;
	vm3 =	vcmask $0xF00;
	vm1 =	vmor vm1, vm2;
	v18 =	vunpack.c.0.s8.s32 v17  }
0x17: {  	s9 =	simm.s32 $0x400;
	s10 =	sand.u32 $0x70, s10;
	s7 =	ssub.s32 s7, s31;
	vm2 =	vcmask $0x2F20;
	v22 =	vand.u32 $0xF, v19;
	v21 =	vunpack.c.0.s8.s32 v16  }
0x18: {  	s6 =	sadd.s32 s6, s8;
	s8 =	simm.s32 $0x80;
	s5 =	sadd.s32 s10, s5;
	[tilespmem:$0x1FFE0] =	vst v22;
	v16 =	vand.u32 $0xF, v1;
	v19 =	vand.u32 $0xF, v20;
	v1 =	vand.u32 $0xF, v18  }
0x19: {  	s7 =	smax.u32 s7, $0x1;
	s10 =	simm.s32 $0x5;
	s5 =	sadd.s32 $0x400, s5;
	vm2 =	vmor vm3, vm2;
	vm3 =	vmmov $0xff;
	[tilespmem:$0x1FFF0] =	vst v19;
	v17 =	vcombine.low v1, v21  }
.LBB2_1:
0x1a: {  	[tilespmem:s4], [sflag:$0x5] =	stream.strided.gather [hbm4b:s5+s8], $0x400, s9, s8, $0x38;
	[tilespmem:$0x10680] =	vst v63  }
0x1b: {  	_ =	swait.ge [sflag:s10], $0x400  }
0x1c: {  	[sflag:s10] =	ssyncset.done $0x0  }
0x1d: {  	[sflag:s10] =	ssyncadd.s32 $0xFFFFFC00  }
0x1e: {  	v1 =	vld [tilespmem:$0x0];
	_ =	sdelay $0x1  }
0x1f: {  	v18 =	vld [tilespmem:$0x200];
	_ =	sdelay $0x2  }
0x20: {  	(v2sf) =	vpush v1, $0x0;
	_ =	sdelay $0x1  }
0x21: {  	(v2sf) =	vpush v18, $0x0;
	_ =	sdelay $0xc  }
0x22: {  	s26 =	spop (v2sf)  }
0x23: {  	s26 =	sand.u32 $0xFFFFF80, s26  }
0x24: {  	s31 =	spop (v2sf);
	s26 =	sadd.s32 s0, s26  }
0x25: {  	[tilespmem:s12], [sflag:$0x1] =	stream.strided.gather [hbm4b:s26+s9], $0x2000, s11, s9, $0x38;
	[tilespmem:$0x10680] =	vst v63  }
0x26: {  	s26 =	sand.u32 $0xFFFFF80, s31  }
0x27: {  	s26 =	sadd.s32 s1, s26  }
0x28: {  	[tilespmem:s13], [sflag:$0x1] =	stream.strided.gather [hbm4b:s26+s9], $0x2000, s11, s9, $0x38;
	[tilespmem:$0x10680] =	vst v63  }
0x29: {  	v1 =	vld [tilespmem:$0x1];
	_ =	sdelay $0x1  }
0x2a: {  	v18 =	vld [tilespmem:$0x201];
	_ =	sdelay $0x2  }
0x2b: {  	(v2sf) =	vpush v1, $0x0;
	_ =	sdelay $0x1  }
0x2c: {  	(v2sf) =	vpush v18, $0x0;
	_ =	sdelay $0xc  }
0x2d: {  	s2 =	spop (v2sf)  }
0x2e: {  	s26 =	sand.u32 $0xFFFFF80, s2  }
0x2f: {  	s30 =	spop (v2sf);
	s26 =	sadd.s32 s0, s26  }
0x30: {  	[tilespmem:s14], [sflag:$0x2] =	stream.strided.gather [hbm4b:s26+s9], $0x2000, s11, s9, $0x38;
	[tilespmem:$0x10680] =	vst v63  }
0x31: {  	s26 =	sand.u32 $0xFFFFF80, s30  }
0x32: {  	s26 =	sadd.s32 s1, s26  }
0x33: {  	[tilespmem:s15], [sflag:$0x2] =	stream.strided.gather [hbm4b:s26+s9], $0x2000, s11, s9, $0x38;
	[tilespmem:$0x10680] =	vst v63  }
0x34: {  	v1 =	vld [tilespmem:$0x2];
	_ =	sdelay $0x1  }
0x35: {  	v18 =	vld [tilespmem:$0x202];
	_ =	sdelay $0x2  }
0x36: {  	(v2sf) =	vpush v1, $0x0;
	_ =	sdelay $0x1  }
0x37: {  	(v2sf) =	vpush v18, $0x0;
	_ =	sdelay $0xc  }
0x38: {  	s31 =	spop (v2sf)  }
0x39: {  	s26 =	sand.u32 $0xFFFFF80, s31  }
0x3a: {  	s2 =	spop (v2sf);
	s26 =	sadd.s32 s0, s26  }
0x3b: {  	[tilespmem:s16], [sflag:$0x3] =	stream.strided.gather [hbm4b:s26+s9], $0x2000, s11, s9, $0x38;
	[tilespmem:$0x10680] =	vst v63  }
0x3c: {  	s26 =	sand.u32 $0xFFFFF80, s2  }
0x3d: {  	s26 =	sadd.s32 s1, s26  }
0x3e: {  	[tilespmem:s17], [sflag:$0x3] =	stream.strided.gather [hbm4b:s26+s9], $0x2000, s11, s9, $0x38;
	[tilespmem:$0x10680] =	vst v63  }
0x3f: {  	v1 =	vld [tilespmem:$0x3];
	_ =	sdelay $0x1  }
0x40: {  	v18 =	vld [tilespmem:$0x203];
	_ =	sdelay $0x2  }
0x41: {  	(v2sf) =	vpush v1, $0x0;
	_ =	sdelay $0x1  }
0x42: {  	(v2sf) =	vpush v18, $0x0;
	_ =	sdelay $0xc  }
0x43: {  	s30 =	spop (v2sf)  }
0x44: {  	s26 =	sand.u32 $0xFFFFF80, s30  }
0x45: {  	s31 =	spop (v2sf);
	s26 =	sadd.s32 s0, s26  }
0x46: {  	[tilespmem:s18], [sflag:$0x4] =	stream.strided.gather [hbm4b:s26+s9], $0x2000, s11, s9, $0x38;
	[tilespmem:$0x10680] =	vst v63  }
0x47: {  	s26 =	sand.u32 $0xFFFFF80, s31  }
0x48: {  	s26 =	sadd.s32 s1, s26  }
0x49: {  	[tilespmem:s19], [sflag:$0x4] =	stream.strided.gather [hbm4b:s26+s9], $0x2000, s11, s9, $0x38;
	[tilespmem:$0x10680] =	vst v63  }
0x4a: {  	s28 =	simm.s32 $0x10480;
	s29 =	simm.s32 $0x0;
	s26 =	simm.s32 $0x8  }
.LBB2_2:
0x4b: {  	s30 =	sand.u32 $0x180, s29  }
0x4c: {  	s31 =	sand.u32 $0x70, s29;
	s30 =	sor.u32 $0x200, s30  }
0x4d: {  	v21 =	vld [tilespmem:s26+$0xFFFFFFF8];
	s31 =	sor.u32 s31, s30  }
0x4e: {  	v20 =	vld [tilespmem:s31+$0x0];
	_ =	swait.ge [sflag:s20], $0x2000  }
0x4f: {  	[sflag:s20] =	ssyncset.done $0x0  }
0x50: {  	[sflag:s20] =	ssyncadd.s32 $0xFFFFE000  }
0x51: {  	_ =	swait.ge [sflag:s20], $0x2000  }
0x52: {  	(v2sf) =	vpush v21, $0x0  }
0x53: {  	(v2sf) =	vpush v20, $0x0;
	_ =	sdelay $0x3  }
0x54: {  	[sflag:s20] =	ssyncset.done $0x0  }
0x55: {  	[sflag:s20] =	ssyncadd.s32 $0xFFFFE000  }
0x56: {  	v1 =	vld [tilespmem:s26+$0xFFFFFFFC]  }
0x57: {  	s2 =	sadd.s32 $0x4, s29  }
0x58: {  	s31 =	sand.u32 $0x74, s2  }
0x59: {  	s31 =	sor.u32 s31, s30  }
0x5a: {  	v18 =	vld [tilespmem:s31+$0x0]  }
0x5b: {  	(v2sf) =	vpush v1, $0x0;
	_ =	sdelay $0x2  }
0x5c: {  	s2 =	spop (v2sf)  }
0x5d: {  	s31 =	sand.u32 $0x7F, s2;
	s2 =	spop (v2sf);
	(v2sf) =	vpush v18, $0x0;
	_ =	sdelay $0x1  }
0x5e: {  	v1 =	vor.u32 s31, v0  }
0x5f: {  	s2 =	sand.u32 $0x7F, s2;
	v19 =	vor.u32 s31, v2  }
0x60: {  	v18 =	vor.u32 s2, v0  }
0x61: {  	v23 =	vor.u32 s31, v3  }
0x62: {  	v22 =	vor.u32 s2, v2  }
0x63: {  	v27 =	vld.idx.msk [tilespmem:v1+s12+$0x0], $0xffff;
	v1 =	vor.u32 s2, v3  }
0x64: {  	v58 =	vld.idx.msk [tilespmem:v19+s12+$0x0], $0xffff;
	v19 =	vor.u32 s2, v4  }
0x65: {  	v29 =	vld.idx.msk [tilespmem:v18+s13+$0x0], $0xffff;
	v18 =	vor.u32 s31, v4  }
0x66: {  	v30 =	vld.idx.msk [tilespmem:v23+s12+$0x0], $0xffff  }
0x67: {  	v61 =	vld.idx.msk [tilespmem:v22+s13+$0x0], $0xffff;
	s31 =	spop (v2sf)  }
0x68: {  	s2 =	sand.u32 $0xFFFFF80, s31;
	v60 =	vld.idx.msk [tilespmem:v1+s13+$0x0], $0xffff  }
0x69: {  	s2 =	sadd.s32 s0, s2;
	v28 =	vld.idx.msk [tilespmem:v19+s13+$0x0], $0xffff  }
0x6a: {  	v15 =	vld.idx.msk [tilespmem:v18+s12+$0x0], $0xffff;
	[tilespmem:s12], [sflag:$0x1] =	stream.strided.gather [hbm4b:s2+s9], $0x2000, s11, s9, $0x38  }
0x6b: {  	s31 =	spop (v2sf)  }
0x6c: {  	s2 =	sand.u32 $0xFFFFF80, s31  }
0x6d: {  	s2 =	sadd.s32 s1, s2  }
0x6e: {  	[tilespmem:s13], [sflag:$0x1] =	stream.strided.gather [hbm4b:s2+s9], $0x2000, s11, s9, $0x38;
	[tilespmem:$0x10680] =	vst v63  }
0x6f: {  	_ =	swait.ge [sflag:s21], $0x2000  }
0x70: {  	[sflag:s21] =	ssyncset.done $0x0  }
0x71: {  	[sflag:s21] =	ssyncadd.s32 $0xFFFFE000  }
0x72: {  	_ =	swait.ge [sflag:s21], $0x2000  }
0x73: {  	(v2sf) =	vpush v21, $0x1;
	_ =	sdelay $0x1  }
0x74: {  	(v2sf) =	vpush v20, $0x1;
	_ =	sdelay $0x7  }
0x75: {  	[sflag:s21] =	ssyncset.done $0x0  }
0x76: {  	s31 =	sadd.s32 $0x5, s29;
	[sflag:s21] =	ssyncadd.s32 $0xFFFFE000  }
0x77: {  	s2 =	sand.u32 $0x75, s31;
	v1 =	vld [tilespmem:s26+$0xFFFFFFFD]  }
0x78: {  	s2 =	sor.u32 s2, s30  }
0x79: {  	v18 =	vld [tilespmem:s2+$0x0]  }
0x7a: {  	s31 =	spop (v2sf)  }
0x7b: {  	s2 =	sand.u32 $0x7F, s31  }
0x7c: {  	(v2sf) =	vpush v1, $0x0;
	s31 =	spop (v2sf);
	v1 =	vor.u32 s2, v5  }
0x7d: {  	s31 =	sand.u32 $0x7F, s31;
	v19 =	vor.u32 s2, v6  }
0x7e: {  	(v2sf) =	vpush v18, $0x0;
	v18 =	vor.u32 s31, v5  }
0x7f: {  	v62 =	vor.u32 s31, v6  }
0x80: {  	v63 =	vor.u32 s2, v7  }
0x81: {  	v1 =	vld.idx.msk [tilespmem:v1+s12+$0x0], $0xffff  }
0x82: {  	v19 =	vld.idx.msk [tilespmem:v19+s12+$0x0], $0xffff  }
0x83: {  	v18 =	vld.idx.msk [tilespmem:v18+s13+$0x0], $0xffff  }
0x84: {  	v22 =	vld.idx.msk [tilespmem:v62+s13+$0x0], $0xffff  }
0x85: {  	v24 =	vld.idx.msk [tilespmem:v63+s12+$0x0], $0xffff  }
0x86: {  	[tilespmem:$0x1FAF0] =	vst v1  }
0x87: {  	v1 =	vor.u32 s31, v7;
	[tilespmem:$0x1FB10] =	vst v19  }
0x88: {  	v19 =	vor.u32 s31, v8;
	[tilespmem:$0x1FB00] =	vst v18  }
0x89: {  	v18 =	vor.u32 s2, v8;
	[tilespmem:$0x1FB20] =	vst v22  }
0x8a: {  	[tilespmem:$0x1FB30] =	vst v24  }
0x8b: {  	s31 =	spop (v2sf)  }
0x8c: {  	s2 =	sand.u32 $0xFFFFF80, s31;
	v1 =	vld.idx.msk [tilespmem:v1+s13+$0x0], $0xffff  }
0x8d: {  	s2 =	sadd.s32 s0, s2;
	s31 =	spop (v2sf);
	v63 =	vld.idx.msk [tilespmem:v19+s13+$0x0], $0xffff  }
0x8e: {  	v62 =	vld.idx.msk [tilespmem:v18+s12+$0x0], $0xffff;
	[tilespmem:s14], [sflag:$0x2] =	stream.strided.gather [hbm4b:s2+s9], $0x2000, s11, s9, $0x38  }
0x8f: {  	s2 =	sand.u32 $0xFFFFF80, s31  }
0x90: {  	s2 =	sadd.s32 s1, s2  }
0x91: {  	[tilespmem:s15], [sflag:$0x2] =	stream.strided.gather [hbm4b:s2+s9], $0x2000, s11, s9, $0x38;
	[tilespmem:$0x10680] =	vst v63  }
0x92: {  	[tilespmem:$0x1FB40] =	vst v1  }
0x93: {  	_ =	swait.ge [sflag:s22], $0x2000  }
0x94: {  	[sflag:s22] =	ssyncset.done $0x0  }
0x95: {  	[sflag:s22] =	ssyncadd.s32 $0xFFFFE000  }
0x96: {  	_ =	swait.ge [sflag:s22], $0x2000  }
0x97: {  	(v2sf) =	vpush v21, $0x2;
	_ =	sdelay $0x4  }
0x98: {  	(v2sf) =	vpush v20, $0x2;
	_ =	sdelay $0x4  }
0x99: {  	[sflag:s22] =	ssyncset.done $0x0  }
0x9a: {  	[sflag:s22] =	ssyncadd.s32 $0xFFFFE000  }
0x9b: {  	v1 =	vld [tilespmem:s26+$0xFFFFFFFE]  }
0x9c: {  	s31 =	sadd.s32 $0x6, s29  }
0x9d: {  	s2 =	sand.u32 $0x76, s31  }
0x9e: {  	s2 =	sor.u32 s2, s30;
	s31 =	spop (v2sf)  }
0x9f: {  	v18 =	vld [tilespmem:s2+$0x0];
	s2 =	sand.u32 $0x7F, s31  }
0xa0: {  	(v2sf) =	vpush v1, $0x0;
	v1 =	vor.u32 s2, v9;
	_ =	sdelay $0x2  }
0xa1: {  	s31 =	spop (v2sf)  }
0xa2: {  	s31 =	sand.u32 $0x7F, s31  }
0xa3: {  	(v2sf) =	vpush v18, $0x0;
	v18 =	vor.u32 s31, v9;
	v1 =	vld.idx.msk [tilespmem:v1+s12+$0x0], $0xffff;
	_ =	sdelay $0x3  }
0xa4: {  	v19 =	vor.u32 s2, v10  }
0xa5: {  	v18 =	vld.idx.msk [tilespmem:v18+s13+$0x0], $0xffff;
	[tilespmem:$0x1FB50] =	vst v1;
	v1 =	vor.u32 s31, v11;
	_ =	sdelay $0x3  }
0xa6: {  	v19 =	vld.idx.msk [tilespmem:v19+s12+$0x0], $0xffff  }
0xa7: {  	[tilespmem:$0x1FB60] =	vst v18;
	v18 =	vor.u32 s2, v12;
	v1 =	vld.idx.msk [tilespmem:v1+s13+$0x0], $0xffff;
	_ =	sdelay $0x1  }
0xa8: {  	v26 =	vor.u32 s2, v11  }
0xa9: {  	v25 =	vor.u32 s31, v10  }
0xaa: {  	[tilespmem:$0x1FB70] =	vst v19  }
0xab: {  	v19 =	vor.u32 s31, v12;
	[tilespmem:$0x1FBA0] =	vst v1;
	v1 =	vld.idx.msk [tilespmem:v18+s12+$0x0], $0xffff;
	_ =	sdelay $0x1  }
0xac: {  	v31 =	vld.idx.msk [tilespmem:v26+s12+$0x0], $0xffff  }
0xad: {  	v22 =	vld.idx.msk [tilespmem:v25+s13+$0x0], $0xffff;
	s31 =	spop (v2sf)  }
0xae: {  	s2 =	sand.u32 $0xFFFFF80, s31  }
0xaf: {  	s2 =	sadd.s32 s0, s2;
	s31 =	spop (v2sf);
	[tilespmem:$0x1FC30] =	vst v1;
	v1 =	vld.idx.msk [tilespmem:v19+s13+$0x0], $0xffff  }
0xb0: {  	[tilespmem:s16], [sflag:$0x3] =	stream.strided.gather [hbm4b:s2+s9], $0x2000, s11, s9, $0x38;
	[tilespmem:$0x10680] =	vst v63  }
0xb1: {  	[tilespmem:$0x1FB90] =	vst v31;
	s2 =	sand.u32 $0xFFFFF80, s31  }
0xb2: {  	[tilespmem:$0x1FB80] =	vst v22;
	s2 =	sadd.s32 s1, s2  }
0xb3: {  	[tilespmem:s17], [sflag:$0x3] =	stream.strided.gather [hbm4b:s2+s9], $0x2000, s11, s9, $0x38;
	[tilespmem:$0x10680] =	vst v63  }
0xb4: {  	[tilespmem:$0x1FC40] =	vst v1  }
0xb5: {  	_ =	swait.ge [sflag:s23], $0x2000  }
0xb6: {  	[sflag:s23] =	ssyncset.done $0x0  }
0xb7: {  	[sflag:s23] =	ssyncadd.s32 $0xFFFFE000  }
0xb8: {  	_ =	swait.ge [sflag:s23], $0x2000  }
0xb9: {  	(v2sf) =	vpush v21, $0x3;
	_ =	sdelay $0x4  }
0xba: {  	(v2sf) =	vpush v20, $0x3;
	_ =	sdelay $0x4  }
0xbb: {  	[sflag:s23] =	ssyncset.done $0x0  }
0xbc: {  	[sflag:s23] =	ssyncadd.s32 $0xFFFFE000  }
0xbd: {  	v1 =	vld [tilespmem:s26+$0xFFFFFFFF]  }
0xbe: {  	s31 =	sadd.s32 $0x7, s29  }
0xbf: {  	s2 =	sand.u32 $0x77, s31  }
0xc0: {  	s2 =	sor.u32 s2, s30;
	s31 =	spop (v2sf)  }
0xc1: {  	v18 =	vld [tilespmem:s2+$0x0];
	s2 =	sand.u32 $0x7F, s31  }
0xc2: {  	(v2sf) =	vpush v1, $0x0;
	v1 =	vor.u32 s2, v13;
	_ =	sdelay $0x2  }
0xc3: {  	s31 =	spop (v2sf)  }
0xc4: {  	s31 =	sand.u32 $0x7F, s31  }
0xc5: {  	(v2sf) =	vpush v18, $0x0;
	v18 =	vor.u32 s31, v13;
	v1 =	vld.idx.msk [tilespmem:v1+s12+$0x0], $0xffff;
	_ =	sdelay $0x3  }
0xc6: {  	v19 =	vor.u32 s2, v59  }
0xc7: {  	v18 =	vld.idx.msk [tilespmem:v18+s13+$0x0], $0xffff;
	[tilespmem:$0x1FBB0] =	vst v1;
	v1 =	vor.u32 s31, v57;
	_ =	sdelay $0x3  }
0xc8: {  	v19 =	vld.idx.msk [tilespmem:v19+s12+$0x0], $0xffff  }
0xc9: {  	[tilespmem:$0x1FBC0] =	vst v18;
	v18 =	vor.u32 s2, v14;
	v1 =	vld.idx.msk [tilespmem:v1+s13+$0x0], $0xffff;
	_ =	sdelay $0x1  }
0xca: {  	v33 =	vor.u32 s2, v57  }
0xcb: {  	v32 =	vor.u32 s31, v59  }
0xcc: {  	[tilespmem:$0x1FBD0] =	vst v19  }
0xcd: {  	v19 =	vor.u32 s31, v14;
	[tilespmem:$0x1FC60] =	vst v1;
	v1 =	vld.idx.msk [tilespmem:v18+s12+$0x0], $0xffff;
	_ =	sdelay $0x1  }
0xce: {  	v34 =	vld.idx.msk [tilespmem:v33+s12+$0x0], $0xffff  }
0xcf: {  	v22 =	vld.idx.msk [tilespmem:v32+s13+$0x0], $0xffff;
	s31 =	spop (v2sf)  }
0xd0: {  	s2 =	sand.u32 $0xFFFFF80, s31  }
0xd1: {  	s2 =	sadd.s32 s0, s2;
	s31 =	spop (v2sf);
	[tilespmem:$0x1FCD0] =	vst v1;
	v1 =	vld.idx.msk [tilespmem:v19+s13+$0x0], $0xffff  }
0xd2: {  	[tilespmem:s18], [sflag:$0x4] =	stream.strided.gather [hbm4b:s2+s9], $0x2000, s11, s9, $0x38;
	[tilespmem:$0x10680] =	vst v63  }
0xd3: {  	[tilespmem:$0x1FC50] =	vst v34;
	s2 =	sand.u32 $0xFFFFF80, s31  }
0xd4: {  	[tilespmem:$0x1FBE0] =	vst v22;
	s2 =	sadd.s32 s1, s2  }
0xd5: {  	[tilespmem:s19], [sflag:$0x4] =	stream.strided.gather [hbm4b:s2+s9], $0x2000, s11, s9, $0x38;
	[tilespmem:$0x10680] =	vst v63  }
0xd6: {  	[tilespmem:$0x1FCE0] =	vst v1  }
0xd7: {  	_ =	swait.ge [sflag:s20], $0x2000  }
0xd8: {  	[sflag:s20] =	ssyncset.done $0x0  }
0xd9: {  	[sflag:s20] =	ssyncadd.s32 $0xFFFFE000  }
0xda: {  	_ =	swait.ge [sflag:s20], $0x2000  }
0xdb: {  	(v2sf) =	vpush v21, $0x4;
	_ =	sdelay $0x4  }
0xdc: {  	(v2sf) =	vpush v20, $0x4;
	_ =	sdelay $0x4  }
0xdd: {  	[sflag:s20] =	ssyncset.done $0x0  }
0xde: {  	[sflag:s20] =	ssyncadd.s32 $0xFFFFE000  }
0xdf: {  	v1 =	vld [tilespmem:s26+$0x0]  }
0xe0: {  	s31 =	sadd.s32 $0x8, s29  }
0xe1: {  	s2 =	sand.u32 $0x78, s31  }
0xe2: {  	s2 =	sor.u32 s2, s30;
	s31 =	spop (v2sf)  }
0xe3: {  	v18 =	vld [tilespmem:s2+$0x0];
	s2 =	sand.u32 $0x7F, s31  }
0xe4: {  	(v2sf) =	vpush v1, $0x0;
	v1 =	vor.u32 s2, v0;
	_ =	sdelay $0x2  }
0xe5: {  	s31 =	spop (v2sf)  }
0xe6: {  	s31 =	sand.u32 $0x7F, s31  }
0xe7: {  	(v2sf) =	vpush v18, $0x0;
	v18 =	vor.u32 s31, v0;
	v1 =	vld.idx.msk [tilespmem:v1+s12+$0x0], $0xffff;
	_ =	sdelay $0x3  }
0xe8: {  	v19 =	vor.u32 s2, v2  }
0xe9: {  	v18 =	vld.idx.msk [tilespmem:v18+s13+$0x0], $0xffff;
	[tilespmem:$0x1FBF0] =	vst v1;
	v1 =	vor.u32 s31, v3;
	_ =	sdelay $0x3  }
0xea: {  	v19 =	vld.idx.msk [tilespmem:v19+s12+$0x0], $0xffff  }
0xeb: {  	[tilespmem:$0x1FC00] =	vst v18;
	v18 =	vor.u32 s2, v4;
	v1 =	vld.idx.msk [tilespmem:v1+s13+$0x0], $0xffff;
	_ =	sdelay $0x1  }
0xec: {  	v36 =	vor.u32 s2, v3  }
0xed: {  	v35 =	vor.u32 s31, v2  }
0xee: {  	[tilespmem:$0x1FC10] =	vst v19  }
0xef: {  	v19 =	vor.u32 s31, v4;
	[tilespmem:$0x1FC80] =	vst v1;
	v1 =	vld.idx.msk [tilespmem:v18+s12+$0x0], $0xffff;
	_ =	sdelay $0x1  }
0xf0: {  	v37 =	vld.idx.msk [tilespmem:v36+s12+$0x0], $0xffff  }
0xf1: {  	v22 =	vld.idx.msk [tilespmem:v35+s13+$0x0], $0xffff;
	s31 =	spop (v2sf)  }
0xf2: {  	s2 =	sand.u32 $0xFFFFF80, s31  }
0xf3: {  	s2 =	sadd.s32 s0, s2;
	s31 =	spop (v2sf);
	[tilespmem:$0x1FCF0] =	vst v1;
	v1 =	vld.idx.msk [tilespmem:v19+s13+$0x0], $0xffff  }
0xf4: {  	[tilespmem:s12], [sflag:$0x1] =	stream.strided.gather [hbm4b:s2+s9], $0x2000, s11, s9, $0x38;
	[tilespmem:$0x10680] =	vst v63  }
0xf5: {  	[tilespmem:$0x1FC70] =	vst v37;
	s2 =	sand.u32 $0xFFFFF80, s31  }
0xf6: {  	[tilespmem:$0x1FC20] =	vst v22;
	s2 =	sadd.s32 s1, s2  }
0xf7: {  	[tilespmem:s13], [sflag:$0x1] =	stream.strided.gather [hbm4b:s2+s9], $0x2000, s11, s9, $0x38;
	[tilespmem:$0x10680] =	vst v63  }
0xf8: {  	[tilespmem:$0x1FD00] =	vst v1  }
0xf9: {  	_ =	swait.ge [sflag:s21], $0x2000  }
0xfa: {  	[sflag:s21] =	ssyncset.done $0x0  }
0xfb: {  	[sflag:s21] =	ssyncadd.s32 $0xFFFFE000  }
0xfc: {  	_ =	swait.ge [sflag:s21], $0x2000  }
0xfd: {  	(v2sf) =	vpush v21, $0x5;
	_ =	sdelay $0x4  }
0xfe: {  	(v2sf) =	vpush v20, $0x5;
	_ =	sdelay $0x4  }
0xff: {  	[sflag:s21] =	ssyncset.done $0x0  }
0x100: {  	[sflag:s21] =	ssyncadd.s32 $0xFFFFE000  }
0x101: {  	v1 =	vld [tilespmem:s26+$0x1]  }
0x102: {  	s31 =	sadd.s32 $0x9, s29  }
0x103: {  	s2 =	sand.u32 $0x79, s31  }
0x104: {  	s2 =	sor.u32 s2, s30;
	s31 =	spop (v2sf)  }
0x105: {  	v18 =	vld [tilespmem:s2+$0x0];
	s2 =	sand.u32 $0x7F, s31  }
0x106: {  	(v2sf) =	vpush v1, $0x0;
	v1 =	vor.u32 s2, v5;
	_ =	sdelay $0x2  }
0x107: {  	s31 =	spop (v2sf)  }
0x108: {  	s31 =	sand.u32 $0x7F, s31  }
0x109: {  	(v2sf) =	vpush v18, $0x0;
	v18 =	vor.u32 s31, v5;
	v1 =	vld.idx.msk [tilespmem:v1+s12+$0x0], $0xffff;
	_ =	sdelay $0x3  }
0x10a: {  	v19 =	vor.u32 s2, v6  }
0x10b: {  	v18 =	vld.idx.msk [tilespmem:v18+s13+$0x0], $0xffff;
	[tilespmem:$0x1FC90] =	vst v1;
	v1 =	vor.u32 s31, v7;
	_ =	sdelay $0x3  }
0x10c: {  	v19 =	vld.idx.msk [tilespmem:v19+s12+$0x0], $0xffff  }
0x10d: {  	[tilespmem:$0x1FCA0] =	vst v18;
	v18 =	vor.u32 s2, v8;
	v1 =	vld.idx.msk [tilespmem:v1+s13+$0x0], $0xffff;
	_ =	sdelay $0x1  }
0x10e: {  	v39 =	vor.u32 s2, v7  }
0x10f: {  	v38 =	vor.u32 s31, v6  }
0x110: {  	[tilespmem:$0x1FCB0] =	vst v19  }
0x111: {  	v19 =	vor.u32 s31, v8;
	[tilespmem:$0x1FD20] =	vst v1;
	v1 =	vld.idx.msk [tilespmem:v18+s12+$0x0], $0xffff;
	_ =	sdelay $0x1  }
0x112: {  	v40 =	vld.idx.msk [tilespmem:v39+s12+$0x0], $0xffff  }
0x113: {  	v22 =	vld.idx.msk [tilespmem:v38+s13+$0x0], $0xffff;
	s31 =	spop (v2sf)  }
0x114: {  	s2 =	sand.u32 $0xFFFFF80, s31  }
0x115: {  	s2 =	sadd.s32 s0, s2;
	s31 =	spop (v2sf);
	[tilespmem:$0x1FD70] =	vst v1;
	v1 =	vld.idx.msk [tilespmem:v19+s13+$0x0], $0xffff  }
0x116: {  	[tilespmem:s14], [sflag:$0x2] =	stream.strided.gather [hbm4b:s2+s9], $0x2000, s11, s9, $0x38;
	[tilespmem:$0x10680] =	vst v63  }
0x117: {  	[tilespmem:$0x1FD10] =	vst v40;
	s2 =	sand.u32 $0xFFFFF80, s31  }
0x118: {  	[tilespmem:$0x1FCC0] =	vst v22;
	s2 =	sadd.s32 s1, s2  }
0x119: {  	[tilespmem:s15], [sflag:$0x2] =	stream.strided.gather [hbm4b:s2+s9], $0x2000, s11, s9, $0x38;
	[tilespmem:$0x10680] =	vst v63  }
0x11a: {  	[tilespmem:$0x1FD80] =	vst v1  }
0x11b: {  	_ =	swait.ge [sflag:s22], $0x2000  }
0x11c: {  	[sflag:s22] =	ssyncset.done $0x0  }
0x11d: {  	[sflag:s22] =	ssyncadd.s32 $0xFFFFE000  }
0x11e: {  	_ =	swait.ge [sflag:s22], $0x2000  }
0x11f: {  	(v2sf) =	vpush v21, $0x6;
	_ =	sdelay $0x4  }
0x120: {  	(v2sf) =	vpush v20, $0x6;
	_ =	sdelay $0x4  }
0x121: {  	[sflag:s22] =	ssyncset.done $0x0  }
0x122: {  	[sflag:s22] =	ssyncadd.s32 $0xFFFFE000  }
0x123: {  	v1 =	vld [tilespmem:s26+$0x2]  }
0x124: {  	s31 =	sadd.s32 $0xA, s29  }
0x125: {  	s2 =	sand.u32 $0x7A, s31  }
0x126: {  	s2 =	sor.u32 s2, s30;
	s31 =	spop (v2sf)  }
0x127: {  	v18 =	vld [tilespmem:s2+$0x0];
	s2 =	sand.u32 $0x7F, s31  }
0x128: {  	(v2sf) =	vpush v1, $0x0;
	v1 =	vor.u32 s2, v9;
	_ =	sdelay $0x2  }
0x129: {  	s31 =	spop (v2sf)  }
0x12a: {  	s31 =	sand.u32 $0x7F, s31  }
0x12b: {  	(v2sf) =	vpush v18, $0x0;
	v18 =	vor.u32 s31, v9;
	v1 =	vld.idx.msk [tilespmem:v1+s12+$0x0], $0xffff;
	_ =	sdelay $0x3  }
0x12c: {  	v19 =	vor.u32 s2, v10  }
0x12d: {  	v18 =	vld.idx.msk [tilespmem:v18+s13+$0x0], $0xffff;
	[tilespmem:$0x1FD30] =	vst v1;
	v1 =	vor.u32 s31, v11;
	_ =	sdelay $0x3  }
0x12e: {  	v19 =	vld.idx.msk [tilespmem:v19+s12+$0x0], $0xffff  }
0x12f: {  	[tilespmem:$0x1FD40] =	vst v18;
	v18 =	vor.u32 s2, v12;
	v1 =	vld.idx.msk [tilespmem:v1+s13+$0x0], $0xffff;
	_ =	sdelay $0x1  }
0x130: {  	v42 =	vor.u32 s2, v11  }
0x131: {  	v41 =	vor.u32 s31, v10  }
0x132: {  	[tilespmem:$0x1FD50] =	vst v19  }
0x133: {  	v19 =	vor.u32 s31, v12;
	[tilespmem:$0x1FDA0] =	vst v1;
	v1 =	vld.idx.msk [tilespmem:v18+s12+$0x0], $0xffff;
	_ =	sdelay $0x1  }
0x134: {  	v43 =	vld.idx.msk [tilespmem:v42+s12+$0x0], $0xffff  }
0x135: {  	v22 =	vld.idx.msk [tilespmem:v41+s13+$0x0], $0xffff;
	s31 =	spop (v2sf)  }
0x136: {  	s2 =	sand.u32 $0xFFFFF80, s31  }
0x137: {  	s2 =	sadd.s32 s0, s2;
	s31 =	spop (v2sf);
	[tilespmem:$0x1FE90] =	vst v1;
	v1 =	vld.idx.msk [tilespmem:v19+s13+$0x0], $0xffff  }
0x138: {  	[tilespmem:s16], [sflag:$0x3] =	stream.strided.gather [hbm4b:s2+s9], $0x2000, s11, s9, $0x38;
	[tilespmem:$0x10680] =	vst v63  }
0x139: {  	[tilespmem:$0x1FD90] =	vst v43;
	s2 =	sand.u32 $0xFFFFF80, s31  }
0x13a: {  	[tilespmem:$0x1FD60] =	vst v22;
	s2 =	sadd.s32 s1, s2  }
0x13b: {  	[tilespmem:s17], [sflag:$0x3] =	stream.strided.gather [hbm4b:s2+s9], $0x2000, s11, s9, $0x38;
	[tilespmem:$0x10680] =	vst v63  }
0x13c: {  	[tilespmem:$0x1FEA0] =	vst v1  }
0x13d: {  	_ =	swait.ge [sflag:s23], $0x2000  }
0x13e: {  	[sflag:s23] =	ssyncset.done $0x0  }
0x13f: {  	[sflag:s23] =	ssyncadd.s32 $0xFFFFE000  }
0x140: {  	_ =	swait.ge [sflag:s23], $0x2000  }
0x141: {  	(v2sf) =	vpush v21, $0x7;
	_ =	sdelay $0x4  }
0x142: {  	(v2sf) =	vpush v20, $0x7;
	_ =	sdelay $0x4  }
0x143: {  	[sflag:s23] =	ssyncset.done $0x0  }
0x144: {  	[sflag:s23] =	ssyncadd.s32 $0xFFFFE000  }
0x145: {  	v1 =	vld [tilespmem:s26+$0x3]  }
0x146: {  	s31 =	sadd.s32 $0xB, s29  }
0x147: {  	s2 =	sand.u32 $0x7B, s31  }
0x148: {  	s2 =	sor.u32 s2, s30;
	s31 =	spop (v2sf)  }
0x149: {  	v18 =	vld [tilespmem:s2+$0x0];
	s2 =	sand.u32 $0x7F, s31  }
0x14a: {  	(v2sf) =	vpush v1, $0x0;
	v1 =	vor.u32 s2, v13;
	_ =	sdelay $0x2  }
0x14b: {  	s31 =	spop (v2sf)  }
0x14c: {  	s31 =	sand.u32 $0x7F, s31  }
0x14d: {  	(v2sf) =	vpush v18, $0x0;
	v18 =	vor.u32 s31, v13;
	v1 =	vld.idx.msk [tilespmem:v1+s12+$0x0], $0xffff;
	_ =	sdelay $0x3  }
0x14e: {  	v19 =	vor.u32 s2, v59  }
0x14f: {  	v18 =	vld.idx.msk [tilespmem:v18+s13+$0x0], $0xffff;
	[tilespmem:$0x1FDB0] =	vst v1;
	v1 =	vor.u32 s31, v57;
	_ =	sdelay $0x3  }
0x150: {  	v19 =	vld.idx.msk [tilespmem:v19+s12+$0x0], $0xffff  }
0x151: {  	[tilespmem:$0x1FDC0] =	vst v18;
	v18 =	vor.u32 s2, v14;
	v1 =	vld.idx.msk [tilespmem:v1+s13+$0x0], $0xffff;
	_ =	sdelay $0x1  }
0x152: {  	v45 =	vor.u32 s2, v57  }
0x153: {  	v44 =	vor.u32 s31, v59  }
0x154: {  	[tilespmem:$0x1FDD0] =	vst v19  }
0x155: {  	v19 =	vor.u32 s31, v14;
	[tilespmem:$0x1FE00] =	vst v1;
	v1 =	vld.idx.msk [tilespmem:v18+s12+$0x0], $0xffff;
	_ =	sdelay $0x1  }
0x156: {  	v46 =	vld.idx.msk [tilespmem:v45+s12+$0x0], $0xffff  }
0x157: {  	v22 =	vld.idx.msk [tilespmem:v44+s13+$0x0], $0xffff;
	s31 =	spop (v2sf)  }
0x158: {  	s2 =	sand.u32 $0xFFFFF80, s31  }
0x159: {  	s2 =	sadd.s32 s0, s2;
	s31 =	spop (v2sf);
	[tilespmem:$0x1FEF0] =	vst v1;
	v1 =	vld.idx.msk [tilespmem:v19+s13+$0x0], $0xffff  }
0x15a: {  	[tilespmem:s18], [sflag:$0x4] =	stream.strided.gather [hbm4b:s2+s9], $0x2000, s11, s9, $0x38;
	[tilespmem:$0x10680] =	vst v63  }
0x15b: {  	[tilespmem:$0x1FDF0] =	vst v46;
	s2 =	sand.u32 $0xFFFFF80, s31  }
0x15c: {  	[tilespmem:$0x1FDE0] =	vst v22;
	s2 =	sadd.s32 s1, s2  }
0x15d: {  	[tilespmem:s19], [sflag:$0x4] =	stream.strided.gather [hbm4b:s2+s9], $0x2000, s11, s9, $0x38;
	[tilespmem:$0x10680] =	vst v63  }
0x15e: {  	[tilespmem:$0x1FF00] =	vst v1  }
0x15f: {  	_ =	swait.ge [sflag:s20], $0x2000  }
0x160: {  	[sflag:s20] =	ssyncset.done $0x0  }
0x161: {  	[sflag:s20] =	ssyncadd.s32 $0xFFFFE000  }
0x162: {  	_ =	swait.ge [sflag:s20], $0x2000  }
0x163: {  	(v2sf) =	vpush v21, $0x8;
	_ =	sdelay $0x4  }
0x164: {  	(v2sf) =	vpush v20, $0x8;
	_ =	sdelay $0x4  }
0x165: {  	[sflag:s20] =	ssyncset.done $0x0  }
0x166: {  	[sflag:s20] =	ssyncadd.s32 $0xFFFFE000  }
0x167: {  	v1 =	vld [tilespmem:s26+$0x4]  }
0x168: {  	s31 =	sadd.s32 $0xC, s29  }
0x169: {  	s2 =	sand.u32 $0x7C, s31  }
0x16a: {  	s2 =	sor.u32 s2, s30;
	s31 =	spop (v2sf)  }
0x16b: {  	v18 =	vld [tilespmem:s2+$0x0];
	s2 =	sand.u32 $0x7F, s31  }
0x16c: {  	(v2sf) =	vpush v1, $0x0;
	v1 =	vor.u32 s2, v0;
	_ =	sdelay $0x2  }
0x16d: {  	s31 =	spop (v2sf)  }
0x16e: {  	s31 =	sand.u32 $0x7F, s31  }
0x16f: {  	(v2sf) =	vpush v18, $0x0;
	v18 =	vor.u32 s31, v0;
	v1 =	vld.idx.msk [tilespmem:v1+s12+$0x0], $0xffff;
	_ =	sdelay $0x3  }
0x170: {  	v19 =	vor.u32 s2, v2  }
0x171: {  	v18 =	vld.idx.msk [tilespmem:v18+s13+$0x0], $0xffff;
	[tilespmem:$0x1FE10] =	vst v1;
	v1 =	vor.u32 s31, v3;
	_ =	sdelay $0x3  }
0x172: {  	v19 =	vld.idx.msk [tilespmem:v19+s12+$0x0], $0xffff  }
0x173: {  	[tilespmem:$0x1FE20] =	vst v18;
	v18 =	vor.u32 s2, v4;
	v1 =	vld.idx.msk [tilespmem:v1+s13+$0x0], $0xffff;
	_ =	sdelay $0x1  }
0x174: {  	v48 =	vor.u32 s2, v3  }
0x175: {  	v47 =	vor.u32 s31, v2  }
0x176: {  	[tilespmem:$0x1FE30] =	vst v19  }
0x177: {  	v19 =	vor.u32 s31, v4;
	[tilespmem:$0x1FEC0] =	vst v1;
	v1 =	vld.idx.msk [tilespmem:v18+s12+$0x0], $0xffff;
	_ =	sdelay $0x1  }
0x178: {  	v49 =	vld.idx.msk [tilespmem:v48+s12+$0x0], $0xffff  }
0x179: {  	v22 =	vld.idx.msk [tilespmem:v47+s13+$0x0], $0xffff;
	s31 =	spop (v2sf)  }
0x17a: {  	s2 =	sand.u32 $0xFFFFF80, s31  }
0x17b: {  	s2 =	sadd.s32 s0, s2;
	s31 =	spop (v2sf);
	[tilespmem:$0x1FF10] =	vst v1;
	v1 =	vld.idx.msk [tilespmem:v19+s13+$0x0], $0xffff  }
0x17c: {  	[tilespmem:s12], [sflag:$0x1] =	stream.strided.gather [hbm4b:s2+s9], $0x2000, s11, s9, $0x38;
	[tilespmem:$0x10680] =	vst v63  }
0x17d: {  	[tilespmem:$0x1FEB0] =	vst v49;
	s2 =	sand.u32 $0xFFFFF80, s31  }
0x17e: {  	[tilespmem:$0x1FE40] =	vst v22;
	s2 =	sadd.s32 s1, s2  }
0x17f: {  	[tilespmem:s13], [sflag:$0x1] =	stream.strided.gather [hbm4b:s2+s9], $0x2000, s11, s9, $0x38;
	[tilespmem:$0x10680] =	vst v63  }
0x180: {  	[tilespmem:$0x1FF20] =	vst v1  }
0x181: {  	_ =	swait.ge [sflag:s21], $0x2000  }
0x182: {  	[sflag:s21] =	ssyncset.done $0x0  }
0x183: {  	[sflag:s21] =	ssyncadd.s32 $0xFFFFE000  }
0x184: {  	_ =	swait.ge [sflag:s21], $0x2000  }
0x185: {  	(v2sf) =	vpush v21, $0x9;
	_ =	sdelay $0x4  }
0x186: {  	(v2sf) =	vpush v20, $0x9;
	_ =	sdelay $0x4  }
0x187: {  	[sflag:s21] =	ssyncset.done $0x0  }
0x188: {  	[sflag:s21] =	ssyncadd.s32 $0xFFFFE000  }
0x189: {  	v1 =	vld [tilespmem:s26+$0x5]  }
0x18a: {  	s31 =	sadd.s32 $0xD, s29  }
0x18b: {  	s2 =	sand.u32 $0x7D, s31  }
0x18c: {  	s2 =	sor.u32 s2, s30;
	s31 =	spop (v2sf)  }
0x18d: {  	v18 =	vld [tilespmem:s2+$0x0];
	s2 =	sand.u32 $0x7F, s31  }
0x18e: {  	(v2sf) =	vpush v1, $0x0;
	v1 =	vor.u32 s2, v5;
	_ =	sdelay $0x2  }
0x18f: {  	s31 =	spop (v2sf)  }
0x190: {  	s31 =	sand.u32 $0x7F, s31  }
0x191: {  	(v2sf) =	vpush v18, $0x0;
	v18 =	vor.u32 s31, v5;
	v1 =	vld.idx.msk [tilespmem:v1+s12+$0x0], $0xffff;
	_ =	sdelay $0x3  }
0x192: {  	v19 =	vor.u32 s2, v6  }
0x193: {  	v18 =	vld.idx.msk [tilespmem:v18+s13+$0x0], $0xffff;
	[tilespmem:$0x1FE50] =	vst v1;
	v1 =	vor.u32 s31, v7;
	_ =	sdelay $0x3  }
0x194: {  	v19 =	vld.idx.msk [tilespmem:v19+s12+$0x0], $0xffff  }
0x195: {  	[tilespmem:$0x1FE60] =	vst v18;
	v18 =	vor.u32 s2, v8;
	v1 =	vld.idx.msk [tilespmem:v1+s13+$0x0], $0xffff;
	_ =	sdelay $0x1  }
0x196: {  	v51 =	vor.u32 s2, v7  }
0x197: {  	v50 =	vor.u32 s31, v6  }
0x198: {  	[tilespmem:$0x1FE70] =	vst v19  }
0x199: {  	v19 =	vor.u32 s31, v8;
	[tilespmem:$0x1FEE0] =	vst v1;
	v1 =	vld.idx.msk [tilespmem:v18+s12+$0x0], $0xffff;
	_ =	sdelay $0x1  }
0x19a: {  	v52 =	vld.idx.msk [tilespmem:v51+s12+$0x0], $0xffff  }
0x19b: {  	v22 =	vld.idx.msk [tilespmem:v50+s13+$0x0], $0xffff;
	s31 =	spop (v2sf)  }
0x19c: {  	s2 =	sand.u32 $0xFFFFF80, s31  }
0x19d: {  	s2 =	sadd.s32 s0, s2;
	s31 =	spop (v2sf);
	[tilespmem:$0x1FF30] =	vst v1;
	v1 =	vld.idx.msk [tilespmem:v19+s13+$0x0], $0xffff  }
0x19e: {  	[tilespmem:s14], [sflag:$0x2] =	stream.strided.gather [hbm4b:s2+s9], $0x2000, s11, s9, $0x38;
	[tilespmem:$0x10680] =	vst v63  }
0x19f: {  	[tilespmem:$0x1FED0] =	vst v52;
	s2 =	sand.u32 $0xFFFFF80, s31  }
0x1a0: {  	[tilespmem:$0x1FE80] =	vst v22;
	s2 =	sadd.s32 s1, s2  }
0x1a1: {  	[tilespmem:s15], [sflag:$0x2] =	stream.strided.gather [hbm4b:s2+s9], $0x2000, s11, s9, $0x38;
	[tilespmem:$0x10680] =	vst v63  }
0x1a2: {  	[tilespmem:$0x1FF40] =	vst v1  }
0x1a3: {  	_ =	swait.ge [sflag:s22], $0x2000  }
0x1a4: {  	[sflag:s22] =	ssyncset.done $0x0  }
0x1a5: {  	[sflag:s22] =	ssyncadd.s32 $0xFFFFE000  }
0x1a6: {  	_ =	swait.ge [sflag:s22], $0x2000  }
0x1a7: {  	(v2sf) =	vpush v21, $0xA;
	_ =	sdelay $0x9  }
0x1a8: {  	[sflag:s22] =	ssyncset.done $0x0;
	(v2sf) =	vpush v20, $0xA  }
0x1a9: {  	[sflag:s22] =	ssyncadd.s32 $0xFFFFE000  }
0x1aa: {  	v1 =	vld [tilespmem:s26+$0x6]  }
0x1ab: {  	s31 =	sadd.s32 $0xE, s29  }
0x1ac: {  	s2 =	sand.u32 $0x7E, s31  }
0x1ad: {  	s2 =	sor.u32 s2, s30;
	s31 =	spop (v2sf)  }
0x1ae: {  	v18 =	vld [tilespmem:s2+$0x0];
	s2 =	sand.u32 $0x7F, s31  }
0x1af: {  	(v2sf) =	vpush v1, $0x0;
	v1 =	vor.u32 s2, v9;
	_ =	sdelay $0x4  }
0x1b0: {  	v1 =	vld.idx.msk [tilespmem:v1+s12+$0x0], $0xffff;
	_ =	sdelay $0x2  }
0x1b1: {  	s31 =	spop (v2sf)  }
0x1b2: {  	s31 =	sand.u32 $0x7F, s31  }
0x1b3: {  	(v2sf) =	vpush v18, $0x0;
	[tilespmem:$0x1FF50] =	vst v1;
	v1 =	vor.u32 s31, v11;
	_ =	sdelay $0x4  }
0x1b4: {  	v26 =	vor.u32 s2, v12;
	v1 =	vld.idx.msk [tilespmem:v1+s13+$0x0], $0xffff;
	_ =	sdelay $0x1  }
0x1b5: {  	v19 =	vor.u32 s2, v10  }
0x1b6: {  	v25 =	vor.u32 s2, v11  }
0x1b7: {  	v18 =	vor.u32 s31, v9  }
0x1b8: {  	v32 =	vor.u32 s31, v12;
	[tilespmem:$0x1FF70] =	vst v1;
	v1 =	vld.idx.msk [tilespmem:v26+s12+$0x0], $0xffff  }
0x1b9: {  	v24 =	vor.u32 s31, v10  }
0x1ba: {  	v19 =	vld.idx.msk [tilespmem:v19+s12+$0x0], $0xffff  }
0x1bb: {  	v53 =	vld.idx.msk [tilespmem:v25+s12+$0x0], $0xffff;
	s31 =	spop (v2sf)  }
0x1bc: {  	v22 =	vld.idx.msk [tilespmem:v18+s13+$0x0], $0xffff;
	s2 =	sand.u32 $0xFFFFF80, s31  }
0x1bd: {  	s2 =	sadd.s32 s0, s2;
	s31 =	spop (v2sf);
	[tilespmem:$0x1FF90] =	vst v1;
	v1 =	vld.idx.msk [tilespmem:v32+s13+$0x0], $0xffff  }
0x1be: {  	v18 =	vld.idx.msk [tilespmem:v24+s13+$0x0], $0xffff;
	[tilespmem:s16], [sflag:$0x3] =	stream.strided.gather [hbm4b:s2+s9], $0x2000, s11, s9, $0x38  }
0x1bf: {  	s2 =	sand.u32 $0xFFFFF80, s31  }
0x1c0: {  	[tilespmem:$0x1FF60] =	vst v53;
	s2 =	sadd.s32 s1, s2  }
0x1c1: {  	[tilespmem:s17], [sflag:$0x3] =	stream.strided.gather [hbm4b:s2+s9], $0x2000, s11, s9, $0x38;
	[tilespmem:$0x10680] =	vst v63  }
0x1c2: {  	[tilespmem:$0x1FFA0] =	vst v1  }
0x1c3: {  	_ =	swait.ge [sflag:s23], $0x2000  }
0x1c4: {  	[sflag:s23] =	ssyncset.done $0x0  }
0x1c5: {  	[sflag:s23] =	ssyncadd.s32 $0xFFFFE000  }
0x1c6: {  	_ =	swait.ge [sflag:s23], $0x2000  }
0x1c7: {  	(v2sf) =	vpush v21, $0xB;
	_ =	sdelay $0x3  }
0x1c8: {  	[sflag:s23] =	ssyncset.done $0x0;
	(v2sf) =	vpush v20, $0xB  }
0x1c9: {  	[sflag:s23] =	ssyncadd.s32 $0xFFFFE000  }
0x1ca: {  	v1 =	vld [tilespmem:s26+$0x7]  }
0x1cb: {  	s31 =	sadd.s32 $0xF, s29  }
0x1cc: {  	s2 =	sand.u32 $0x7F, s31  }
0x1cd: {  	s2 =	sor.u32 s2, s30  }
0x1ce: {  	v54 =	vld [tilespmem:s2+$0x0]  }
0x1cf: {  	(v2sf) =	vpush v1, $0x0;
	_ =	sdelay $0x3  }
0x1d0: {  	s30 =	spop (v2sf);
	(v2sf) =	vpush v54, $0x0  }
0x1d1: {  	s2 =	sand.u32 $0x7F, s30  }
0x1d2: {  	v1 =	vor.u32 s2, v13  }
0x1d3: {  	v33 =	vor.u32 s2, v59  }
0x1d4: {  	s31 =	spop (v2sf);
	v35 =	vor.u32 s2, v57  }
0x1d5: {  	s30 =	sand.u32 $0x7F, s31;
	v56 =	vor.u32 s2, v14  }
0x1d6: {  	v55 =	vor.u32 s30, v13  }
0x1d7: {  	v36 =	vor.u32 s30, v14;
	v26 =	vld.idx.msk [tilespmem:v1+s12+$0x0], $0xffff  }
0x1d8: {  	v34 =	vor.u32 s30, v59;
	v25 =	vld.idx.msk [tilespmem:v33+s12+$0x0], $0xffff  }
0x1d9: {  	v1 =	vor.u32 s30, v57;
	v31 =	vld.idx.msk [tilespmem:v35+s12+$0x0], $0xffff  }
0x1da: {  	v37 =	vld.idx.msk [tilespmem:v56+s12+$0x0], $0xffff  }
0x1db: {  	s31 =	spop (v2sf);
	v23 =	vld.idx.msk [tilespmem:v55+s13+$0x0], $0xffff  }
0x1dc: {  	s2 =	sand.u32 $0xFFFFF80, s31;
	v38 =	vld.idx.msk [tilespmem:v36+s13+$0x0], $0xffff  }
0x1dd: {  	v24 =	vld.idx.msk [tilespmem:v34+s13+$0x0], $0xffff;
	s2 =	sadd.s32 s0, s2  }
0x1de: {  	v1 =	vld.idx.msk [tilespmem:v1+s13+$0x0], $0xffff;
	[tilespmem:s18], [sflag:$0x4] =	stream.strided.gather [hbm4b:s2+s9], $0x2000, s11, s9, $0x38  }
0x1df: {  	[tilespmem:$0x1FF80] =	vst v31;
	s30 =	spop (v2sf)  }
0x1e0: {  	[tilespmem:$0x1FFB0] =	vst v37;
	s2 =	sand.u32 $0xFFFFF80, s30  }
0x1e1: {  	[tilespmem:$0x1FFC0] =	vst v38;
	s2 =	sadd.s32 s1, s2  }
0x1e2: {  	[tilespmem:s19], [sflag:$0x4] =	stream.strided.gather [hbm4b:s2+s9], $0x2000, s11, s9, $0x38;
	[tilespmem:$0x10680] =	vst v63  }
0x1e3: {  	_ =	swait.ge [sflag:s20], $0x2000  }
0x1e4: {  	[sflag:s20] =	ssyncset.done $0x0  }
0x1e5: {  	[sflag:s20] =	ssyncadd.s32 $0xFFFFE000  }
0x1e6: {  	_ =	swait.ge [sflag:s20], $0x2000  }
0x1e7: {  	(v2sf) =	vpush v21, $0xC;
	_ =	sdelay $0x3  }
0x1e8: {  	[sflag:s20] =	ssyncset.done $0x0;
	(v2sf) =	vpush v20, $0xC  }
0x1e9: {  	s31 =	smin.u32 s29, $0x1EF;
	[sflag:s20] =	ssyncadd.s32 $0xFFFFE000  }
0x1ea: {  	v39 =	vld [tilespmem:s31+$0x10];
	_ =	sdelay $0x3  }
0x1eb: {  	v40 =	vld [tilespmem:s31+$0x210]  }
0x1ec: {  	(v2sf) =	vpush v39, $0x0;
	_ =	sdelay $0x3  }
0x1ed: {  	s30 =	spop (v2sf);
	(v2sf) =	vpush v40, $0x0  }
0x1ee: {  	s2 =	sand.u32 $0x7F, s30  }
0x1ef: {  	v41 =	vor.u32 s2, v0  }
0x1f0: {  	v43 =	vor.u32 s2, v2  }
0x1f1: {  	s31 =	spop (v2sf);
	v36 =	vor.u32 s2, v3  }
0x1f2: {  	s30 =	sand.u32 $0x7F, s31;
	v37 =	vor.u32 s2, v4  }
0x1f3: {  	v42 =	vor.u32 s30, v0  }
0x1f4: {  	v44 =	vor.u32 s30, v2;
	v56 =	vld.idx.msk [tilespmem:v41+s12+$0x0], $0xffff  }
0x1f5: {  	v45 =	vor.u32 s30, v3;
	v55 =	vld.idx.msk [tilespmem:v43+s12+$0x0], $0xffff  }
0x1f6: {  	v38 =	vor.u32 s30, v4;
	v35 =	vld.idx.msk [tilespmem:v36+s12+$0x0], $0xffff  }
0x1f7: {  	v46 =	vld.idx.msk [tilespmem:v37+s12+$0x0], $0xffff  }
0x1f8: {  	s31 =	spop (v2sf);
	v33 =	vld.idx.msk [tilespmem:v42+s13+$0x0], $0xffff  }
0x1f9: {  	v34 =	vld.idx.msk [tilespmem:v44+s13+$0x0], $0xffff;
	s2 =	sand.u32 $0xFFFFF80, s31  }
0x1fa: {  	v32 =	vld.idx.msk [tilespmem:v45+s13+$0x0], $0xffff;
	s2 =	sadd.s32 s0, s2  }
0x1fb: {  	v54 =	vld.idx.msk [tilespmem:v38+s13+$0x0], $0xffff;
	[tilespmem:s12], [sflag:$0x1] =	stream.strided.gather [hbm4b:s2+s9], $0x2000, s11, s9, $0x38  }
0x1fc: {  	s30 =	spop (v2sf)  }
0x1fd: {  	s2 =	sand.u32 $0xFFFFF80, s30  }
0x1fe: {  	[tilespmem:$0x1FFD0] =	vst v46;
	s2 =	sadd.s32 s1, s2  }
0x1ff: {  	[tilespmem:s13], [sflag:$0x1] =	stream.strided.gather [hbm4b:s2+s9], $0x2000, s11, s9, $0x38;
	[tilespmem:$0x10680] =	vst v63  }
0x200: {  	_ =	swait.ge [sflag:s21], $0x2000  }
0x201: {  	[sflag:s21] =	ssyncset.done $0x0  }
0x202: {  	[sflag:s21] =	ssyncadd.s32 $0xFFFFE000  }
0x203: {  	_ =	swait.ge [sflag:s21], $0x2000  }
0x204: {  	(v2sf) =	vpush v21, $0xD;
	_ =	sdelay $0x3  }
0x205: {  	[sflag:s21] =	ssyncset.done $0x0;
	(v2sf) =	vpush v20, $0xD  }
0x206: {  	s31 =	smin.u32 s29, $0x1EE;
	[sflag:s21] =	ssyncadd.s32 $0xFFFFE000  }
0x207: {  	v47 =	vld [tilespmem:s31+$0x11];
	_ =	sdelay $0x3  }
0x208: {  	v48 =	vld [tilespmem:s31+$0x211]  }
0x209: {  	(v2sf) =	vpush v47, $0x0;
	_ =	sdelay $0x3  }
0x20a: {  	s30 =	spop (v2sf);
	(v2sf) =	vpush v48, $0x0  }
0x20b: {  	s2 =	sand.u32 $0x7F, s30  }
0x20c: {  	v49 =	vor.u32 s2, v5  }
0x20d: {  	v41 =	vor.u32 s2, v6  }
0x20e: {  	s31 =	spop (v2sf);
	v45 =	vor.u32 s2, v7  }
0x20f: {  	s30 =	sand.u32 $0x7F, s31;
	v52 =	vor.u32 s2, v8  }
0x210: {  	v50 =	vor.u32 s30, v5  }
0x211: {  	v43 =	vor.u32 s30, v6;
	v39 =	vld.idx.msk [tilespmem:v49+s12+$0x0], $0xffff  }
0x212: {  	v51 =	vor.u32 s30, v7;
	v42 =	vld.idx.msk [tilespmem:v41+s12+$0x0], $0xffff  }
0x213: {  	v46 =	vor.u32 s30, v8;
	v41 =	vld.idx.msk [tilespmem:v45+s12+$0x0], $0xffff  }
0x214: {  	v37 =	vld.idx.msk [tilespmem:v52+s12+$0x0], $0xffff  }
0x215: {  	s30 =	spop (v2sf);
	v40 =	vld.idx.msk [tilespmem:v50+s13+$0x0], $0xffff  }
0x216: {  	v44 =	vld.idx.msk [tilespmem:v43+s13+$0x0], $0xffff;
	s2 =	sand.u32 $0xFFFFF80, s30  }
0x217: {  	v43 =	vld.idx.msk [tilespmem:v51+s13+$0x0], $0xffff;
	s2 =	sadd.s32 s0, s2  }
0x218: {  	v38 =	vld.idx.msk [tilespmem:v46+s13+$0x0], $0xffff;
	[tilespmem:s14], [sflag:$0x2] =	stream.strided.gather [hbm4b:s2+s9], $0x2000, s11, s9, $0x38  }
0x219: {  	s31 =	spop (v2sf)  }
0x21a: {  	s2 =	sand.u32 $0xFFFFF80, s31  }
0x21b: {  	s2 =	sadd.s32 s1, s2  }
0x21c: {  	[tilespmem:s15], [sflag:$0x2] =	stream.strided.gather [hbm4b:s2+s9], $0x2000, s11, s9, $0x38;
	[tilespmem:$0x10680] =	vst v63  }
0x21d: {  	_ =	swait.ge [sflag:s22], $0x2000  }
0x21e: {  	[sflag:s22] =	ssyncset.done $0x0  }
0x21f: {  	[sflag:s22] =	ssyncadd.s32 $0xFFFFE000  }
0x220: {  	_ =	swait.ge [sflag:s22], $0x2000  }
0x221: {  	(v2sf) =	vpush v21, $0xE;
	_ =	sdelay $0x2  }
0x222: {  	(v2sf) =	vpush v20, $0xE;
	_ =	sdelay $0x1  }
0x223: {  	[sflag:s22] =	ssyncset.done $0x0  }
0x224: {  	s30 =	smin.u32 s29, $0x1ED;
	[sflag:s22] =	ssyncadd.s32 $0xFFFFE000  }
0x225: {  	v53 =	vld [tilespmem:s30+$0x12];
	_ =	sdelay $0x3  }
0x226: {  	v31 =	vld [tilespmem:s30+$0x212]  }
0x227: {  	(v2sf) =	vpush v53, $0x0;
	_ =	sdelay $0x2  }
0x228: {  	s2 =	spop (v2sf)  }
0x229: {  	(v2sf) =	vpush v31, $0x0;
	s2 =	sand.u32 $0x7F, s2  }
0x22a: {  	v36 =	vor.u32 s2, v9  }
0x22b: {  	s31 =	spop (v2sf);
	v47 =	vor.u32 s2, v10  }
0x22c: {  	s30 =	sand.u32 $0x7F, s31;
	v53 =	vor.u32 s2, v11  }
0x22d: {  	v48 =	vor.u32 s30, v10  }
0x22e: {  	v58 =	vmul.f32 v61, v58;
	v61 =	vld [tilespmem:$0x1FAF0];
	v45 =	vor.u32 s30, v11  }
0x22f: {  	v46 =	vor.u32 s2, v12;
	v49 =	vld.idx.msk [tilespmem:v36+s12+$0x0], $0xffff  }
0x230: {  	v51 =	vld.idx.msk [tilespmem:v47+s12+$0x0], $0xffff;
	v36 =	vor.u32 s30, v12  }
0x231: {  	v31 =	vor.u32 s30, v9;
	v47 =	vld.idx.msk [tilespmem:v53+s12+$0x0], $0xffff  }
0x232: {  	v52 =	vld.idx.msk [tilespmem:v48+s13+$0x0], $0xffff  }
0x233: {  	v48 =	vld.idx.msk [tilespmem:v45+s13+$0x0], $0xffff  }
0x234: {  	s30 =	spop (v2sf);
	v45 =	vld.idx.msk [tilespmem:v46+s12+$0x0], $0xffff  }
0x235: {  	s2 =	sand.u32 $0xFFFFF80, s30;
	v46 =	vld.idx.msk [tilespmem:v36+s13+$0x0], $0xffff;
	v36 =	vmul.f32 v29, v27  }
0x236: {  	v50 =	vld.idx.msk [tilespmem:v31+s13+$0x0], $0xffff;
	s2 =	sadd.s32 s0, s2  }
0x237: {  	[tilespmem:s16], [sflag:$0x3] =	stream.strided.gather [hbm4b:s2+s9], $0x2000, s11, s9, $0x38;
	v31 =	vadd.f32 v58, v36;
	v36 =	vld [tilespmem:$0x1FB00]  }
0x238: {  	s31 =	spop (v2sf)  }
0x239: {  	s2 =	sand.u32 $0xFFFFF80, s31  }
0x23a: {  	s2 =	sadd.s32 s1, s2  }
0x23b: {  	v53 =	vmul.f32 v60, v30;
	v60 =	vld [tilespmem:$0x1FB10];
	[tilespmem:s17], [sflag:$0x3] =	stream.strided.gather [hbm4b:s2+s9], $0x2000, s11, s9, $0x38  }
0x23c: {  	v58 =	vmul.f32 v36, v61;
	v61 =	vld [tilespmem:$0x1FB20];
	_ =	swait.ge [sflag:s23], $0x2000  }
0x23d: {  	v31 =	vadd.f32 v53, v31;
	v53 =	vmul.f32 v28, v15;
	v15 =	vld [tilespmem:$0x1FB30]  }
0x23e: {  	v30 =	vld [tilespmem:$0x1FB40];
	_ =	sdelay $0x3  }
0x23f: {  	v29 =	vmul.f32 v61, v60  }
0x240: {  	v36 =	vmul.f32 v30, v15;
	v15 =	vld [tilespmem:$0x1FB50]  }
0x241: {  	v29 =	vadd.f32 v29, v58;
	v58 =	vld [tilespmem:$0x1FB60];
	_ =	sdelay $0x3  }
0x242: {  	v61 =	vld [tilespmem:$0x1FB80]  }
0x243: {  	v60 =	vmul.f32 v58, v15;
	v15 =	vld [tilespmem:$0x1FB70]  }
0x244: {  	[sflag:s23] =	ssyncset.done $0x0  }
0x245: {  	[sflag:s23] =	ssyncadd.s32 $0xFFFFE000  }
0x246: {  	_ =	swait.ge [sflag:s23], $0x2000  }
0x247: {  	v62 =	vmul.f32 v63, v62;
	v63 =	vld [tilespmem:$0x1FBA0]  }
0x248: {  	v27 =	vmul.f32 v61, v15;
	v15 =	vld [tilespmem:$0x1FB90];
	_ =	sdelay $0x3  }
0x249: {  	v29 =	vadd.f32 v36, v29;
	v36 =	vld [tilespmem:$0x1FBC0]  }
0x24a: {  	v28 =	vmul.f32 v63, v15;
	v15 =	vld [tilespmem:$0x1FBB0];
	_ =	sdelay $0x3  }
0x24b: {  	v58 =	vld [tilespmem:$0x1FBE0]  }
0x24c: {  	(v2sf) =	vpush v21, $0xF;
	v21 =	vmul.f32 v36, v15;
	v15 =	vld [tilespmem:$0x1FBD0];
	_ =	sdelay $0x3  }
0x24d: {  	v27 =	vadd.f32 v27, v60;
	v60 =	vld [tilespmem:$0x1FC00]  }
0x24e: {  	v53 =	vadd.f32 v53, v31;
	v31 =	vmul.f32 v58, v15;
	v15 =	vld [tilespmem:$0x1FBF0];
	_ =	sdelay $0x3  }
0x24f: {  	v61 =	vld [tilespmem:$0x1FC20]  }
0x250: {  	(v2sf) =	vpush v20, $0xF;
	v20 =	vadd.f32 v62, v29;
	v29 =	vmul.f32 v60, v15;
	v15 =	vld [tilespmem:$0x1FC10];
	_ =	sdelay $0x3  }
0x251: {  	v62 =	vld [tilespmem:$0x1FC40]  }
0x252: {  	v30 =	vmul.f32 v61, v15;
	v15 =	vld [tilespmem:$0x1FC30];
	_ =	sdelay $0x3  }
0x253: {  	v63 =	vld [tilespmem:$0x1FC60]  }
0x254: {  	v27 =	vadd.f32 v28, v27;
	v28 =	vmul.f32 v62, v15;
	v15 =	vld [tilespmem:$0x1FC50];
	_ =	sdelay $0x3  }
0x255: {  	v36 =	vld [tilespmem:$0x1FC80]  }
0x256: {  	v21 =	vadd.f32 v31, v21;
	v31 =	vmul.f32 v63, v15;
	v15 =	vld [tilespmem:$0x1FC70];
	_ =	sdelay $0x3  }
0x257: {  	v58 =	vld [tilespmem:$0x1FCA0]  }
0x258: {  	v29 =	vadd.f32 v30, v29;
	v30 =	vmul.f32 v36, v15;
	v15 =	vld [tilespmem:$0x1FC90];
	_ =	sdelay $0x3  }
0x259: {  	v63 =	vmov v9;
	v9 =	vmov v2;
	v2 =	vld [tilespmem:$0x1FCB0]  }
0x25a: {  	v27 =	vadd.f32 v28, v27;
	v28 =	vmul.f32 v58, v15;
	v15 =	vld [tilespmem:$0x1FCC0];
	_ =	sdelay $0x3  }
0x25b: {  	v60 =	vld [tilespmem:$0x1FCE0]  }
0x25c: {  	v2 =	vmul.f32 v15, v2;
	v15 =	vld [tilespmem:$0x1FCD0];
	_ =	sdelay $0x3  }
0x25d: {  	v61 =	vld [tilespmem:$0x1FD00]  }
0x25e: {  	v21 =	vadd.f32 v31, v21;
	v31 =	vmul.f32 v60, v15;
	v15 =	vld [tilespmem:$0x1FCF0];
	_ =	sdelay $0x3  }
0x25f: {  	v62 =	vld [tilespmem:$0x1FD20]  }
0x260: {  	v29 =	vadd.f32 v30, v29;
	v30 =	vmul.f32 v61, v15;
	v15 =	vld [tilespmem:$0x1FD10];
	_ =	sdelay $0x3  }
0x261: {  	v36 =	vld [tilespmem:$0x1FD40]  }
0x262: {  	v2 =	vadd.f32 v2, v28;
	v28 =	vmul.f32 v62, v15;
	v15 =	vld [tilespmem:$0x1FD30];
	_ =	sdelay $0x4  }
0x263: {  	v21 =	vadd.f32 v31, v21;
	v31 =	vmul.f32 v36, v15;
	v15 =	vmov v0;
	v0 =	vld [tilespmem:$0x1FD50]  }
0x264: {  	v36 =	vmov v8;
	v8 =	vld [tilespmem:$0x1FD60];
	_ =	sdelay $0x3  }
0x265: {  	v58 =	vld [tilespmem:$0x1FD80]  }
0x266: {  	v0 =	vmul.f32 v8, v0;
	v8 =	vld [tilespmem:$0x1FD70];
	_ =	sdelay $0x3  }
0x267: {  	v60 =	vld [tilespmem:$0x1FDA0]  }
0x268: {  	v2 =	vadd.f32 v28, v2;
	v28 =	vmul.f32 v58, v8;
	v8 =	vld [tilespmem:$0x1FD90];
	_ =	sdelay $0x3  }
0x269: {  	v61 =	vld [tilespmem:$0x1FDC0]  }
0x26a: {  	v29 =	vadd.f32 v30, v29;
	v30 =	vmul.f32 v60, v8;
	v8 =	vld [tilespmem:$0x1FDB0];
	_ =	sdelay $0x3  }
0x26b: {  	v62 =	vld [tilespmem:$0x1FDE0]  }
0x26c: {  	v0 =	vadd.f32 v0, v31;
	v31 =	vmul.f32 v61, v8;
	v8 =	vld [tilespmem:$0x1FDD0];
	_ =	sdelay $0x4  }
0x26d: {  	v2 =	vadd.f32 v28, v2;
	v28 =	vmul.f32 v62, v8;
	v62 =	vmovc v10;
	v10 =	vmov v3;
	v3 =	vld [tilespmem:$0x1FDF0]  }
0x26e: {  	v8 =	vld [tilespmem:$0x1FE00];
	_ =	sdelay $0x3  }
0x26f: {  	v58 =	vld [tilespmem:$0x1FE20]  }
0x270: {  	v3 =	vmul.f32 v8, v3;
	v8 =	vld [tilespmem:$0x1FE10];
	_ =	sdelay $0x3  }
0x271: {  	v61 =	vmov v11;
	v11 =	vmov v4;
	v4 =	vld [tilespmem:$0x1FE30]  }
0x272: {  	v0 =	vadd.f32 v30, v0;
	v30 =	vmul.f32 v58, v8;
	v8 =	vld [tilespmem:$0x1FE40];
	_ =	sdelay $0x3  }
0x273: {  	v60 =	vld [tilespmem:$0x1FE60]  }
0x274: {  	v4 =	vmul.f32 v8, v4;
	v8 =	vld [tilespmem:$0x1FE50];
	_ =	sdelay $0x4  }
0x275: {  	v28 =	vadd.f32 v28, v31;
	v31 =	vmul.f32 v60, v8;
	v60 =	vmovc v12;
	v12 =	vmov v5;
	v5 =	vld [tilespmem:$0x1FE70]  }
0x276: {  	v8 =	vld [tilespmem:$0x1FE80];
	_ =	sdelay $0x3  }
0x277: {  	v58 =	vld [tilespmem:$0x1FEA0]  }
0x278: {  	v5 =	vmul.f32 v8, v5;
	v8 =	vmov v17;
	v17 =	vmov v6;
	v6 =	vld [tilespmem:$0x1FE90];
	_ =	sdelay $0x3  }
0x279: {  	v4 =	vadd.f32 v4, v30;
	v30 =	vld [tilespmem:$0x1FEB0]  }
0x27a: {  	v6 =	vmul.f32 v58, v6;
	v58 =	vld [tilespmem:$0x1FEC0];
	_ =	sdelay $0x3  }
0x27b: {  	v3 =	vadd.f32 v3, v28;
	v28 =	vld [tilespmem:$0x1FED0]  }
0x27c: {  	v30 =	vmul.f32 v58, v30;
	v58 =	vld [tilespmem:$0x1FEE0];
	_ =	sdelay $0x3  }
0x27d: {  	v5 =	vadd.f32 v5, v31;
	v31 =	vld [tilespmem:$0x1FEF0]  }
0x27e: {  	v28 =	vmul.f32 v58, v28;
	v58 =	vld [tilespmem:$0x1FF00];
	_ =	sdelay $0x3  }
0x27f: {  	v4 =	vadd.f32 v30, v4;
	v30 =	vld [tilespmem:$0x1FF10]  }
0x280: {  	v31 =	vmul.f32 v58, v31;
	v58 =	vld [tilespmem:$0x1FF20];
	_ =	sdelay $0x4  }
0x281: {  	v30 =	vmul.f32 v58, v30;
	_ =	sdelay $0x1  }
0x282: {  	v4 =	vadd.f32 v30, v4;
	v30 =	vld [tilespmem:$0x1FF50];
	_ =	sdelay $0x3  }
0x283: {  	v23 =	vmul.f32 v23, v26;
	v5 =	vadd.f32 v28, v5;
	v28 =	vld [tilespmem:$0x1FF30]  }
0x284: {  	s30 =	spop (v2sf);
	v58 =	vld [tilespmem:$0x1FF40];
	v22 =	vmul.f32 v22, v30;
	v30 =	vmul.f32 v24, v25  }
0x285: {  	s31 =	spop (v2sf)  }
0x286: {  	s2 =	sand.u32 $0x7F, s30;
	s30 =	sand.u32 $0x7F, s31;
	v23 =	vadd.f32 v30, v23;
	v30 =	vld [tilespmem:$0x1FF80]  }
0x287: {  	v18 =	vmul.f32 v18, v19;
	v26 =	vld [tilespmem:$0x1FFA0];
	v19 =	vor.u32 s30, v59  }
0x288: {  	v0 =	vadd.f32 v6, v0;
	v6 =	vor.u32 s30, v13;
	v24 =	vld [tilespmem:$0x1FF70]  }
0x289: {  	v28 =	vmul.f32 v58, v28;
	v58 =	vmovc v7;
	v7 =	vor.u32 s2, v13;
	v18 =	vadd.f32 v18, v22;
	v22 =	vld [tilespmem:$0x1FF60]  }
0x28a: {  	v39 =	vmul.f32 v40, v39;
	v40 =	vmul.f32 v44, v42;
	[sflag:s23] =	ssyncset.done $0x0;
	v42 =	vld [tilespmem:$0x1FFD0]  }
0x28b: {  	[sflag:s23] =	ssyncadd.s32 $0xFFFFE000;
	v5 =	vadd.f32 v28, v5;
	v28 =	vor.u32 s2, v59;
	v25 =	vmul.f32 v1, v30;
	v1 =	vld [tilespmem:$0x1FF90]  }
0x28c: {  	v19 =	vld.idx.msk [tilespmem:v19+s13+$0x0], $0xffff  }
0x28d: {  	v6 =	vld.idx.msk [tilespmem:v6+s13+$0x0], $0xffff;
	v3 =	vadd.f32 v31, v3;
	v31 =	vor.u32 s2, v57  }
0x28e: {  	v7 =	vld.idx.msk [tilespmem:v7+s12+$0x0], $0xffff;
	v22 =	vmul.f32 v24, v22;
	v24 =	vor.u32 s30, v57  }
0x28f: {  	v30 =	vor.u32 s2, v14;
	v23 =	vadd.f32 v25, v23;
	v25 =	vld [tilespmem:$0x1FFC0]  }
0x290: {  	v18 =	vadd.f32 v22, v18;
	v22 =	vmul.f32 v26, v1;
	v26 =	vld.idx.msk [tilespmem:v28+s12+$0x0], $0xffff;
	v28 =	vor.u32 s30, v14  }
0x291: {  	v1 =	vld [tilespmem:$0x1FFB0]  }
0x292: {  	v55 =	vmul.f32 v34, v55;
	v44 =	vmul.f32 v43, v41;
	v31 =	vld.idx.msk [tilespmem:v31+s12+$0x0], $0xffff  }
0x293: {  	v38 =	vmul.f32 v38, v37;
	v50 =	vmul.f32 v50, v49;
	v24 =	vld.idx.msk [tilespmem:v24+s13+$0x0], $0xffff;
	v18 =	vadd.f32 v22, v18  }
0x294: {  	v52 =	vmul.f32 v52, v51;
	v43 =	vperm.xlane v29, v16;
	v30 =	vld.idx.msk [tilespmem:v30+s12+$0x0], $0xffff  }
0x295: {  	s31 =	smin.u32 s29, $0x1EC;
	v6 =	vmul.f32 v6, v7;
	v49 =	vperm.xlane v18, v16;
	v28 =	vld.idx.msk [tilespmem:v28+s13+$0x0], $0xffff  }
0x296: {  	v1 =	vmul.f32 v25, v1;
	v7 =	vmul.f32 v19, v26;
	v19 =	vld [tilespmem:s31+$0x13]  }
0x297: {  	v25 =	vmul.f32 v33, v56;
	v56 =	vmul.f32 v32, v35;
	v18 =	vadd.f32 v49, v18  }
0x298: {  	v1 =	vadd.f32 v1, v23;
	v6 =	vadd.f32 v7, v6;
	v7 =	vmul.f32 v24, v31  }
0x299: {  	v22 =	vadd.f32 v55, v25;
	v25 =	vmul.f32 v54, v42;
	v23 =	vadd.f32 v40, v39  }
0x29a: {  	v54 =	vadd.f32 v52, v50;
	v6 =	vadd.f32 v7, v6;
	v7 =	vmul.f32 v28, v30  }
0x29b: {  	v55 =	vmul.f32 v48, v47;
	v40 =	vmul.f32 v46, v45;
	(v2sf) =	vpush v19, $0x0  }
0x29c: {  	v19 =	vperm.xlane v53, v16;
	v6 =	vadd.f32 v7, v6;
	v7 =	vperm.xlane v20, v16  }
0x29d: {  	v42 =	vperm.xlane v21, v16;
	v46 =	vperm.xlane v0, v16;
	v23 =	vadd.f32 v44, v23  }
0x29e: {  	v44 =	vperm.xlane v2, v16;
	v19 =	vadd.f32 v19, v53;
	v7 =	vadd.f32 v7, v20  }
0x29f: {  	v47 =	vperm.xlane v3, v16;
	v22 =	vadd.f32 v56, v22;
	v39 =	vadd.f32 v55, v54  }
0x2a0: {  	v2 =	vadd.f32 v44, v2;
	v7 =	vsel vm0, v19, v7;
	v19 =	vadd.f32 v43, v29  }
0x2a1: {  	v48 =	vperm.xlane v5, v16;
	v21 =	vadd.f32 v42, v21;
	v0 =	vadd.f32 v46, v0  }
0x2a2: {  	v3 =	vadd.f32 v47, v3;
	v2 =	vsel vm0, v19, v2;
	v19 =	vperm.xlane v4, v16  }
0x2a3: {  	v41 =	vperm.xlane v27, v16;
	v5 =	vadd.f32 v48, v5;
	v22 =	vadd.f32 v25, v22  }
0x2a4: {  	v24 =	vadd.f32 v40, v39;
	v53 =	vld [tilespmem:$0x1FFE0];
	v4 =	vadd.f32 v19, v4;
	v19 =	vperm.xlane v1, v16  }
0x2a5: {  	v23 =	vadd.f32 v38, v23;
	v25 =	vadd.f32 v41, v27;
	v0 =	vsel vm0, v0, v3  }
0x2a6: {  	v50 =	vperm.xlane v22, v16;
	v1 =	vadd.f32 v19, v1;
	v19 =	vperm.xlane v24, v16  }
0x2a7: {  	v45 =	vsel vm0, v25, v21;
	v51 =	vperm.xlane v23, v16;
	v52 =	vperm.xlane v6, v16  }
0x2a8: {  	v3 =	vadd.f32 v50, v22;
	v4 =	vsel vm0, v4, v5;
	v5 =	vadd.f32 v19, v24  }
0x2a9: {  	v56 =	vld [tilespmem:s31+$0x213];
	v1 =	vsel vm0, v18, v1;
	v18 =	vperm.xlane v7, v53;
	v19 =	vperm.xlane v45, v53  }
0x2aa: {  	v54 =	vadd.f32 v51, v23;
	v6 =	vadd.f32 v52, v6  }
0x2ab: {  	v7 =	vadd.f32 v18, v7;
	v18 =	vadd.f32 v19, v45;
	v19 =	vperm.xlane v0, v53  }
0x2ac: {  	v3 =	vsel vm0, v3, v54;
	v5 =	vsel vm0, v5, v6  }
0x2ad: {  	v6 =	vperm.xlane v2, v53;
	v0 =	vadd.f32 v19, v0;
	v19 =	vperm.xlane v3, v53  }
0x2ae: {  	(v2sf) =	vpush v56, $0x0;
	v55 =	vperm.xlane v1, v53  }
0x2af: {  	v2 =	vadd.f32 v6, v2;
	v6 =	vperm.xlane v4, v53;
	v3 =	vadd.f32 v19, v3;
	v19 =	vld [tilespmem:$0x1FFF0]  }
0x2b0: {  	v56 =	vperm.xlane v5, v53  }
0x2b1: {  	v1 =	vadd.f32 v55, v1;
	v4 =	vadd.f32 v6, v4  }
0x2b2: {  	v5 =	vadd.f32 v56, v5  }
0x2b3: {  	v6 =	vsel vm1, v7, v18;
	v0 =	vsel vm1, v2, v0;
	v1 =	vsel vm1, v4, v1  }
0x2b4: {  	v2 =	vsel vm1, v3, v5;
	v3 =	vperm.xlane v6, v19;
	v4 =	vperm.xlane v0, v19  }
0x2b5: {  	v5 =	vperm.xlane v1, v19;
	v7 =	vperm.xlane v2, v19  }
0x2b6: {  	v3 =	vadd.f32 v3, v6;
	v0 =	vadd.f32 v4, v0  }
0x2b7: {  	v1 =	vadd.f32 v5, v1;
	v2 =	vadd.f32 v7, v2;
	_ =	sdelay $0x1  }
0x2b8: {  	s30 =	spop (v2sf);
	v0 =	vsel vm2, v3, v0;
	v1 =	vsel vm2, v1, v2  }
0x2b9: {  	s2 =	sand.u32 $0xFFFFF80, s30;
	v2 =	vperm.xlane v0, v8;
	v3 =	vperm.xlane v1, v8  }
0x2ba: {  	p0 =	sne.s32 s29, $0x1F0;
	s2 =	sadd.s32 s0, s2  }
0x2bb: {  	[tilespmem:s18], [sflag:$0x4] =	stream.strided.gather [hbm4b:s2+s9], $0x2000, s11, s9, $0x38;
	v0 =	vadd.f32 v2, v0;
	v1 =	vadd.f32 v3, v1;
	[tilespmem:$0x10680] =	vst v63  }
.Ltmp0:
0x2bc: {  	s31 =	spop (v2sf);
	(pc) =	sbr.rel @p0 .LBB2_2-.Ltmp0, $4  }
0x2bd: {  	s2 =	sand.u32 $0xFFFFF80, s31;
	v0 =	vsel vm3, v0, v1  }
0x2be: {  	s2 =	sadd.s32 s1, s2;
	v6 =	vmov v17;
	v17 =	vmov v8;
	v4 =	vmov v11  }
0x2bf: {  	[tilespmem:s19], [sflag:$0x4] =	stream.strided.gather [hbm4b:s2+s9], $0x2000, s11, s9, $0x38;
	v11 =	vmovc v61;
	v5 =	vmovc v12;
	v12 =	vmov v60;
	v7 =	vmov v58;
	v8 =	vmov v36;
	[tilespmem:$0x10680] =	vst v63  }
0x2c0: {  	s26 =	sadd.s32 $0x10, s26;
	s29 =	sadd.s32 $0x10, s29;
	v2 =	vmovc v9;
	v9 =	vmovc v63;
	v3 =	vmov v10;
	v10 =	vmov v62;
	[tilespmem:s28+$0x0] =	vst v0;
	s28 =	sadd.s32 $0x10, s28;
	v0 =	vmov v15  }
0x2c1: {  	_ =	swait.ge [sflag:s20], $0x2000  }
0x2c2: {  	[sflag:s20] =	ssyncset.done $0x0  }
0x2c3: {  	[sflag:s20] =	ssyncadd.s32 $0xFFFFE000  }
0x2c4: {  	_ =	swait.ge [sflag:s20], $0x2000  }
0x2c5: {  	[sflag:s20] =	ssyncset.done $0x0  }
0x2c6: {  	[sflag:s20] =	ssyncadd.s32 $0xFFFFE000  }
0x2c7: {  	_ =	swait.ge [sflag:s21], $0x2000  }
0x2c8: {  	[sflag:s21] =	ssyncset.done $0x0  }
0x2c9: {  	[sflag:s21] =	ssyncadd.s32 $0xFFFFE000  }
0x2ca: {  	_ =	swait.ge [sflag:s21], $0x2000  }
0x2cb: {  	[sflag:s21] =	ssyncset.done $0x0  }
0x2cc: {  	[sflag:s21] =	ssyncadd.s32 $0xFFFFE000  }
0x2cd: {  	_ =	swait.ge [sflag:s22], $0x2000  }
0x2ce: {  	[sflag:s22] =	ssyncset.done $0x0  }
0x2cf: {  	[sflag:s22] =	ssyncadd.s32 $0xFFFFE000  }
0x2d0: {  	_ =	swait.ge [sflag:s22], $0x2000  }
0x2d1: {  	[sflag:s22] =	ssyncset.done $0x0  }
0x2d2: {  	[sflag:s22] =	ssyncadd.s32 $0xFFFFE000  }
0x2d3: {  	_ =	swait.ge [sflag:s23], $0x2000  }
0x2d4: {  	[sflag:s23] =	ssyncset.done $0x0  }
0x2d5: {  	[sflag:s23] =	ssyncadd.s32 $0xFFFFE000  }
0x2d6: {  	s25 =	sadd.s32 $0x1, s25;
	_ =	swait.ge [sflag:s23], $0x2000  }
0x2d7: {  	p0 =	sne.s32 s25, s7;
	[sflag:s23] =	ssyncset.done $0x0  }
.Ltmp1:
0x2d8: {  	[sflag:s23] =	ssyncadd.s32 $0xFFFFE000;
	(pc) =	sbr.rel @p0 .LBB2_1-.Ltmp1, $4  }
0x2d9: {  	[hbm4b:s6+s4] =	stream.linear.scatter [tilespmem:s24], [sflag:$0x5], $0x200, $0x38;
	[tilespmem:$0x10680] =	vst v63  }
0x2da: {  	_ =	swait.ge [sflag:s10], $0x200  }
0x2db: {  	[sflag:s10] =	ssyncset.done $0x0  }
0x2dc: {  	[sflag:s10] =	ssyncadd.s32 $0xFFFFFE00  }
0x2dd: {  	_ =	sfence.sel $0x180000  }
0x2de: {  	[bflag:$0x0] =	sbarrier.arrive $0xFFFF  }
0x2df: {  	_ =	strace $0x90000047  }
0x2e0: {  	[bflag:$0x2] =	sbarrier.arrive $0xFFFF  }
0x2e1: {  	p0 =	sne.s32 s3, $0x0;
	s0 =	rddreg [dreg:$0x4]  }
0x2e2: {  	s0 =	sadd.s32 @!p0 $0x100000, s0  }
0x2e3: {  	[sflag:s0] =	ssyncadd.tile.s32 @!p0 $0x1;
	_ =	shalt  }
.Lfunc_end2:
_tile_overlayer_lowered:
.L_overlay_start_2:
0x2e4: {  	(tag) =	ssettag $0x2  }
0x2e5: {  	s0 =	rddreg [dreg:$0x0];
	s2 =	stileid.u32  }
0x2e6: {  	s1 =	rddreg [dreg:$0x1];
	p0 =	sne.s32 s2, $0x0  }
0x2e7: {  	s3 =	rddreg [dreg:$0x2];
	[bflag:$0x3] =	sbarrier.arrive $0xFFFF;
	s2 =	simm.s32 @!p0 $0x1C05  }
0x2e8: {  	[timem:s3], [sflag:s2] =	dma.local @!p0 [hbm:s0], s1  }
0x2e9: {  	s0 =	simm.s32 @!p0 $0x5  }
0x2ea: {  	_ =	swait.ge @!p0 [sflag:s0], s1  }
0x2eb: {  	s1 =	ssub.s32 @!p0 $0x0, s1;
	[sflag:s0] =	ssyncset.done @!p0 $0x0  }
0x2ec: {  	[sflag:s0] =	ssyncadd.s32 @!p0 s1  }
0x2ed: {  	[bflag:$0x3] =	sbarrier.arrive $0xFFFF  }
0x2ee: {  	_ =	shalt  }

</sc_bundles>
